<compile_context>
chip_gen: v7x
topology: tpu7x:2x2x1
jax: 0.10.2.dev20260603
libtpu: 0.0.44.dev20260713+nightly
codegen_flags: <defaults>
</compile_context>

<pallas_src>
import functools

import jax
import jax.numpy as jnp
from jax import lax
from jax.experimental import pallas as pl
from jax.experimental.pallas import tpu as pltpu
from jax.experimental.pallas import tpu_sc as plsc

N = 10000
NP = 10240
H = 128
E = 320000
B = 512
T = 4

NC = 2
NS = 16
NW = NC * NS
C = 128
PCH = 40
NPASS = 2
EWP = NPASS * PCH * C
EP = NW * EWP
RT = NP // NS
ZC = RT // C
BW = B // NW

_sc_mesh = plsc.VectorSubcoreMesh(
    core_axis_name="c", subcore_axis_name="s", num_cores=NC, num_subcores=NS)


@functools.partial(
    pl.kernel,
    out_type=jax.ShapeDtypeStruct((NC, NP, H), jnp.float32),
    mesh=_sc_mesh,
    scratch_types=[
        pltpu.VMEM((PCH, C), jnp.int32),
        pltpu.VMEM((PCH, C), jnp.int32),
        pltpu.VMEM((C, H), jnp.float32),
        pltpu.VMEM((C, H), jnp.float32),
        pltpu.VMEM_SHARED((NP, H), jnp.float32),
        pltpu.SemaphoreType.DMA,
        pltpu.SemaphoreType.DMA,
    ],
)
def _sc_segsum(mw_hbm, src_hbm, dst_hbm, zero_hbm, out_hbm,
               sidx, didx, rows0, rows1, acc, sem0, sem1):
    cid = lax.axis_index("c")
    sid = lax.axis_index("s")
    wid = sid * NC + cid
    pltpu.sync_copy(zero_hbm, rows0)
    for k in range(ZC):
        pltpu.sync_copy(rows0, acc.at[pl.ds(sid * RT + k * C, C)])
    plsc.subcore_barrier()

    for p in range(NPASS):
        pltpu.sync_copy(src_hbm.at[wid, p], sidx)
        pltpu.sync_copy(dst_hbm.at[wid, p], didx)
        pltpu.async_copy(mw_hbm.at[sidx.at[0]], rows0, sem0)

        @pl.loop(0, PCH - 2, step=2)
        def _chunk(j):
            pltpu.async_copy(mw_hbm.at[sidx.at[j + 1]], rows1, sem1)
            pltpu.make_async_copy(mw_hbm.at[sidx.at[j]], rows0, sem0).wait()
            pltpu.sync_copy(rows0, acc.at[didx.at[j]], add=True)
            pltpu.async_copy(mw_hbm.at[sidx.at[j + 2]], rows0, sem0)
            pltpu.make_async_copy(
                mw_hbm.at[sidx.at[j + 1]], rows1, sem1).wait()
            pltpu.sync_copy(rows1, acc.at[didx.at[j + 1]], add=True)

        pltpu.async_copy(mw_hbm.at[sidx.at[PCH - 1]], rows1, sem1)
        pltpu.make_async_copy(
            mw_hbm.at[sidx.at[PCH - 2]], rows0, sem0).wait()
        pltpu.sync_copy(rows0, acc.at[didx.at[PCH - 2]], add=True)
        pltpu.make_async_copy(
            mw_hbm.at[sidx.at[PCH - 1]], rows1, sem1).wait()
        pltpu.sync_copy(rows1, acc.at[didx.at[PCH - 1]], add=True)

    plsc.subcore_barrier()
    for k in range(ZC):
        pltpu.sync_copy(acc.at[pl.ds(sid * RT + k * C, C)], rows0)
        pltpu.sync_copy(rows0, out_hbm.at[cid, pl.ds(sid * RT + k * C, C)])


@functools.partial(
    pl.kernel,
    out_type=jax.ShapeDtypeStruct((B, H), jnp.float32),
    mesh=_sc_mesh,
    scratch_types=[
        pltpu.VMEM((BW,), jnp.int32),
        pltpu.VMEM((BW, H), jnp.float32),
        pltpu.SemaphoreType.DMA,
    ],
)
def _sc_gather(z_hbm, idx_hbm, out_hbm, idx_v, rows_v, sem):
    wid = lax.axis_index("s") * NC + lax.axis_index("c")
    base = wid * BW
    pltpu.sync_copy(idx_hbm.at[pl.ds(base, BW)], idx_v)
    pltpu.async_copy(z_hbm.at[idx_v], rows_v, sem).wait()
    pltpu.sync_copy(rows_v, out_hbm.at[pl.ds(base, BW)])


def _bf(x):
    return x.astype(jnp.bfloat16)


def _gru_math(p_ref, h_ref, Wi, Wh, bi, bh):
    h = h_ref[...]
    agg = p_ref[0] + p_ref[1]
    gi = jnp.dot(_bf(agg), Wi[...],
                 preferred_element_type=jnp.float32) + bi[...]
    gh = jnp.dot(_bf(h), Wh[...],
                 preferred_element_type=jnp.float32) + bh[...]
    r = jax.nn.sigmoid(gi[:, :H] + gh[:, :H])
    z = jax.nn.sigmoid(gi[:, H:2 * H] + gh[:, H:2 * H])
    n = jnp.tanh(gi[:, 2 * H:] + r * gh[:, 2 * H:])
    return (1.0 - z) * n + z * h


def _gru_body(p_ref, h_ref, We, Wi, Wh, bi, bh, h_out, mw_out):
    h_new = _gru_math(p_ref, h_ref, Wi, Wh, bi, bh)
    h_out[...] = h_new
    mw_out[...] = jnp.dot(_bf(h_new), We[...],
                          preferred_element_type=jnp.float32)


def _gru_final_body(p_ref, h_ref, Wi, Wh, bi, bh, Wf, bf_, out_ref):
    h_new = _gru_math(p_ref, h_ref, Wi, Wh, bi, bh)
    out_ref[...] = jnp.dot(_bf(h_new), Wf[...],
                           preferred_element_type=jnp.float32) + bf_[...]


def _mw0_body(h_ref, We, mw_out):
    mw_out[...] = jnp.dot(_bf(h_ref[...]), We[...],
                          preferred_element_type=jnp.float32)


_gru_call = pl.pallas_call(
    _gru_body,
    out_shape=(jax.ShapeDtypeStruct((NP, H), jnp.float32),
               jax.ShapeDtypeStruct((NP, H), jnp.float32)))
_gru_final_call = pl.pallas_call(
    _gru_final_body, out_shape=jax.ShapeDtypeStruct((NP, H), jnp.float32))
_mw0_call = pl.pallas_call(
    _mw0_body, out_shape=jax.ShapeDtypeStruct((NP, H), jnp.float32))


def kernel(node_features, edge_index, final_molecule_indcs,
           W_edge, W_i, W_h, b_i, b_h, W_final, b_final):
    hp = jnp.zeros((NP, H), jnp.float32).at[:N].set(node_features)
    pad = EP - E
    pad_dst = N + (jnp.arange(pad, dtype=jnp.int32) % (NP - N))
    pad_src = jnp.arange(pad, dtype=jnp.int32) % N
    src_p = jnp.concatenate([edge_index[0], pad_src])
    dst_p = jnp.concatenate([edge_index[1], pad_dst])
    src4 = src_p.reshape(NW, NPASS, PCH, C)
    dst4 = dst_p.reshape(NW, NPASS, PCH, C)
    zero = jnp.zeros((C, H), jnp.float32)
    bi = b_i.reshape(1, 3 * H)
    bh = b_h.reshape(1, 3 * H)
    bf_ = b_final.reshape(1, H)
    We_b = _bf(W_edge)
    Wi_b = _bf(W_i)
    Wh_b = _bf(W_h)
    Wf_b = _bf(W_final)

    h = hp
    mw = _mw0_call(hp, We_b)
    for t in range(T):
        parts = _sc_segsum(mw, src4, dst4, zero)
        if t < T - 1:
            h, mw = _gru_call(parts, h, We_b, Wi_b, Wh_b, bi, bh)
        else:
            zfin = _gru_final_call(parts, h, Wi_b, Wh_b, bi, bh, Wf_b, bf_)
    return _sc_gather(zfin, final_molecule_indcs)

# --- scband reference (transcript-rebuilt; emitter-appended) ---
"""Pipeline reference for scband-dagembedder-41884521070640 (READ-ONLY COPY).

The authoritative reference and input builder live on the scoring server;
editing this copy changes nothing except your own understanding.
"""

import jax, jax.numpy as jnp
import numpy as np

N = 10000
E = 320000
H = 128
FINAL = 128
B = 512
T = 4  # GGNN propagation steps


def setup_inputs(seed: int = 0) -> dict:
    key = jax.random.key(seed)
    ks = jax.random.split(key, 11)
    node_features = jax.random.normal(ks[0], (N, H), dtype=jnp.float32)
    edge_index = jax.random.randint(ks[1], (2, E), 0, N, dtype=jnp.int32)
    final_molecule_indcs = jax.random.randint(ks[2], (B,), 0, N, dtype=jnp.int32)
    s = 1.0 / np.sqrt(H)
    W_edge = jax.random.normal(ks[3], (H, H), dtype=jnp.float32) * s
    W_i = jax.random.normal(ks[4], (H, 3 * H), dtype=jnp.float32) * s
    W_h = jax.random.normal(ks[5], (H, 3 * H), dtype=jnp.float32) * s
    b_i = jnp.zeros((3 * H,), dtype=jnp.float32)
    b_h = jnp.zeros((3 * H,), dtype=jnp.float32)
    W_final = jax.random.normal(ks[6], (H, FINAL), dtype=jnp.float32) * s
    b_final = jnp.zeros((FINAL,), dtype=jnp.float32)
    return {
        'node_features': node_features,
        'edge_index': edge_index,
        'final_molecule_indcs': final_molecule_indcs,
        'W_edge': W_edge,
        'W_i': W_i,
        'W_h': W_h,
        'b_i': b_i,
        'b_h': b_h,
        'W_final': W_final,
        'b_final': b_final,
    }


def _gru_cell(m, h, W_i, W_h, b_i, b_h):
    gi = m @ W_i + b_i
    gh = h @ W_h + b_h
    i_r, i_z, i_n = jnp.split(gi, 3, axis=-1)
    h_r, h_z, h_n = jnp.split(gh, 3, axis=-1)
    r = jax.nn.sigmoid(i_r + h_r)
    z = jax.nn.sigmoid(i_z + h_z)
    n = jnp.tanh(i_n + r * h_n)
    return (1.0 - z) * n + z * h


def reference(node_features, edge_index, final_molecule_indcs, W_edge, W_i, W_h, b_i, b_h, W_final, b_final):
    # GGNNSparse: T rounds of sparse message passing + GRU node update
    src = edge_index[0]
    dst = edge_index[1]
    h = node_features
    for _ in range(T):
        msg = jnp.take(h, src, axis=0) @ W_edge          # gather + edge transform
        agg = jnp.zeros((N, H), dtype=h.dtype).at[dst].add(msg)  # scatter-add
        h = _gru_cell(agg, h, W_i, W_h, b_i, b_h)
    # AggrType.FINAL_NODE: select final molecule node per DAG
    out_feats = jnp.take(h, final_molecule_indcs, axis=0)
    # final_mlp with no hidden layers == single linear layer
    out_feats = out_feats @ W_final + b_final
    return out_feats

if __name__ == "__main__":
    import jax
    _d = setup_inputs()
    print(jax.jit(kernel)(*tuple(_d.values())))

</pallas_src>

<mosaic_0001>
#map = affine_map<(d0, d1) -> (0, 0)>
#map1 = affine_map<(d0, d1) -> (0, 0, 0, 0)>
#map2 = affine_map<(d0, d1) -> (0, 0, 0)>
module attributes {stable_mosaic.version = 14 : i64} {
  func.func @_sc_segsum(%arg0: i32, %arg1: i32, %arg2: memref<10240x128xf32, #tpu.memory_space<hbm>>, %arg3: memref<32x2x40x128xi32, #tpu.memory_space<hbm>>, %arg4: memref<32x2x40x128xi32, #tpu.memory_space<hbm>>, %arg5: memref<128x128xf32, #tpu.memory_space<hbm>>, %arg6: memref<2x10240x128xf32, #tpu.memory_space<hbm>>, %arg7: memref<40x128xi32, #tpu.memory_space<vmem>>, %arg8: memref<40x128xi32, #tpu.memory_space<vmem>>, %arg9: memref<128x128xf32, #tpu.memory_space<vmem>>, %arg10: memref<128x128xf32, #tpu.memory_space<vmem>>, %arg11: memref<10240x128xf32, #tpu.memory_space<vmem_shared>>, %arg12: memref<!tpu.dma_semaphore, #tpu.memory_space<semaphore_mem>>, %arg13: memref<!tpu.dma_semaphore, #tpu.memory_space<semaphore_mem>>) attributes {dimension_semantics = [#tpu.dimension_semantics<core_parallel>, #tpu.dimension_semantics<subcore_parallel>], iteration_bounds = array<i64: 2, 16>, scalar_prefetch = 0 : i64, scratch_operands = 7 : i64, tpu.core_type = #tpu.core_type<sc_vector_subcore>, window_params = [{transform_indices = #map}, {transform_indices = #map1}, {transform_indices = #map1}, {transform_indices = #map}, {transform_indices = #map2}]} {
    %mul3A = arith.constant 2 : i32
    %mul3A_0 = arith.muli %arg1, %mul3A : i32
    %add3A = arith.addi %mul3A_0, %arg0 : i32
    "tpu.region"() ({
      %run_scoped3A_132 = tpu.sem_alloc : memref<!tpu.dma_semaphore, #tpu.memory_space<semaphore_mem>>
      tpu.enqueue_dma source(%arg5 : memref<128x128xf32, #tpu.memory_space<hbm>>) target(%arg9 : memref<128x128xf32, #tpu.memory_space<vmem>>) target_semaphore(%run_scoped3A_132 : memref<!tpu.dma_semaphore, #tpu.memory_space<semaphore_mem>>)
      tpu.wait_dma2 semaphore(%run_scoped3A_132 : memref<!tpu.dma_semaphore, #tpu.memory_space<semaphore_mem>>) src(%arg5 : memref<128x128xf32, #tpu.memory_space<hbm>>) dst(%arg9 : memref<128x128xf32, #tpu.memory_space<vmem>>)
      tpu.yield
    }) : () -> ()
    %mul3A_1 = arith.constant 640 : i32
    %mul3A_2 = arith.muli %arg1, %mul3A_1 : i32
    %add3A_3 = arith.constant 0 : i32
    %add3A_4 = arith.addi %mul3A_2, %add3A_3 : i32
    "tpu.region"() ({
      %run_scoped3A_132 = tpu.sem_alloc : memref<!tpu.dma_semaphore, #tpu.memory_space<semaphore_mem>>
      %dma_start3A_133 = arith.constant 0 : i32
      %dma_start3A_134 = tpu.memref_slice %arg11[%add3A_4, %dma_start3A_133] : memref<10240x128xf32, #tpu.memory_space<vmem_shared>> -> memref<128x128xf32, #tpu.memory_space<vmem_shared>>
      %dma_start3A_135 = arith.constant 0 : i32
      %dma_start3A_136 = tpu.memref_slice %arg11[%add3A_4, %dma_start3A_135] : memref<10240x128xf32, #tpu.memory_space<vmem_shared>> -> memref<128x128xf32, #tpu.memory_space<vmem_shared>>
      tpu.enqueue_dma source(%arg9 : memref<128x128xf32, #tpu.memory_space<vmem>>) target(%dma_start3A_136 : memref<128x128xf32, #tpu.memory_space<vmem_shared>>) target_semaphore(%run_scoped3A_132 : memref<!tpu.dma_semaphore, #tpu.memory_space<semaphore_mem>>)
      %dma_wait3A_137 = arith.constant 0 : i32
      %dma_wait3A_138 = tpu.memref_slice %arg11[%add3A_4, %dma_wait3A_137] : memref<10240x128xf32, #tpu.memory_space<vmem_shared>> -> memref<128x128xf32, #tpu.memory_space<vmem_shared>>
      %dma_wait3A_139 = arith.constant 0 : i32
      %dma_wait3A_140 = tpu.memref_slice %arg11[%add3A_4, %dma_wait3A_139] : memref<10240x128xf32, #tpu.memory_space<vmem_shared>> -> memref<128x128xf32, #tpu.memory_space<vmem_shared>>
      tpu.wait_dma2 semaphore(%run_scoped3A_132 : memref<!tpu.dma_semaphore, #tpu.memory_space<semaphore_mem>>) src(%arg9 : memref<128x128xf32, #tpu.memory_space<vmem>>) dst(%dma_wait3A_140 : memref<128x128xf32, #tpu.memory_space<vmem_shared>>)
      tpu.yield
    }) : () -> ()
    %mul3A_5 = arith.constant 640 : i32
    %mul3A_6 = arith.muli %arg1, %mul3A_5 : i32
    %add3A_7 = arith.constant 128 : i32
    %add3A_8 = arith.addi %mul3A_6, %add3A_7 : i32
    "tpu.region"() ({
      %run_scoped3A_132 = tpu.sem_alloc : memref<!tpu.dma_semaphore, #tpu.memory_space<semaphore_mem>>
      %dma_start3A_133 = arith.constant 0 : i32
      %dma_start3A_134 = tpu.memref_slice %arg11[%add3A_8, %dma_start3A_133] : memref<10240x128xf32, #tpu.memory_space<vmem_shared>> -> memref<128x128xf32, #tpu.memory_space<vmem_shared>>
      %dma_start3A_135 = arith.constant 0 : i32
      %dma_start3A_136 = tpu.memref_slice %arg11[%add3A_8, %dma_start3A_135] : memref<10240x128xf32, #tpu.memory_space<vmem_shared>> -> memref<128x128xf32, #tpu.memory_space<vmem_shared>>
      tpu.enqueue_dma source(%arg9 : memref<128x128xf32, #tpu.memory_space<vmem>>) target(%dma_start3A_136 : memref<128x128xf32, #tpu.memory_space<vmem_shared>>) target_semaphore(%run_scoped3A_132 : memref<!tpu.dma_semaphore, #tpu.memory_space<semaphore_mem>>)
      %dma_wait3A_137 = arith.constant 0 : i32
      %dma_wait3A_138 = tpu.memref_slice %arg11[%add3A_8, %dma_wait3A_137] : memref<10240x128xf32, #tpu.memory_space<vmem_shared>> -> memref<128x128xf32, #tpu.memory_space<vmem_shared>>
      %dma_wait3A_139 = arith.constant 0 : i32
      %dma_wait3A_140 = tpu.memref_slice %arg11[%add3A_8, %dma_wait3A_139] : memref<10240x128xf32, #tpu.memory_space<vmem_shared>> -> memref<128x128xf32, #tpu.memory_space<vmem_shared>>
      tpu.wait_dma2 semaphore(%run_scoped3A_132 : memref<!tpu.dma_semaphore, #tpu.memory_space<semaphore_mem>>) src(%arg9 : memref<128x128xf32, #tpu.memory_space<vmem>>) dst(%dma_wait3A_140 : memref<128x128xf32, #tpu.memory_space<vmem_shared>>)
      tpu.yield
    }) : () -> ()
    %mul3A_9 = arith.constant 640 : i32
    %mul3A_10 = arith.muli %arg1, %mul3A_9 : i32
    %add3A_11 = arith.constant 256 : i32
    %add3A_12 = arith.addi %mul3A_10, %add3A_11 : i32
    "tpu.region"() ({
      %run_scoped3A_132 = tpu.sem_alloc : memref<!tpu.dma_semaphore, #tpu.memory_space<semaphore_mem>>
      %dma_start3A_133 = arith.constant 0 : i32
      %dma_start3A_134 = tpu.memref_slice %arg11[%add3A_12, %dma_start3A_133] : memref<10240x128xf32, #tpu.memory_space<vmem_shared>> -> memref<128x128xf32, #tpu.memory_space<vmem_shared>>
      %dma_start3A_135 = arith.constant 0 : i32
      %dma_start3A_136 = tpu.memref_slice %arg11[%add3A_12, %dma_start3A_135] : memref<10240x128xf32, #tpu.memory_space<vmem_shared>> -> memref<128x128xf32, #tpu.memory_space<vmem_shared>>
      tpu.enqueue_dma source(%arg9 : memref<128x128xf32, #tpu.memory_space<vmem>>) target(%dma_start3A_136 : memref<128x128xf32, #tpu.memory_space<vmem_shared>>) target_semaphore(%run_scoped3A_132 : memref<!tpu.dma_semaphore, #tpu.memory_space<semaphore_mem>>)
      %dma_wait3A_137 = arith.constant 0 : i32
      %dma_wait3A_138 = tpu.memref_slice %arg11[%add3A_12, %dma_wait3A_137] : memref<10240x128xf32, #tpu.memory_space<vmem_shared>> -> memref<128x128xf32, #tpu.memory_space<vmem_shared>>
      %dma_wait3A_139 = arith.constant 0 : i32
      %dma_wait3A_140 = tpu.memref_slice %arg11[%add3A_12, %dma_wait3A_139] : memref<10240x128xf32, #tpu.memory_space<vmem_shared>> -> memref<128x128xf32, #tpu.memory_space<vmem_shared>>
      tpu.wait_dma2 semaphore(%run_scoped3A_132 : memref<!tpu.dma_semaphore, #tpu.memory_space<semaphore_mem>>) src(%arg9 : memref<128x128xf32, #tpu.memory_space<vmem>>) dst(%dma_wait3A_140 : memref<128x128xf32, #tpu.memory_space<vmem_shared>>)
      tpu.yield
    }) : () -> ()
    %mul3A_13 = arith.constant 640 : i32
    %mul3A_14 = arith.muli %arg1, %mul3A_13 : i32
    %add3A_15 = arith.constant 384 : i32
    %add3A_16 = arith.addi %mul3A_14, %add3A_15 : i32
    "tpu.region"() ({
      %run_scoped3A_132 = tpu.sem_alloc : memref<!tpu.dma_semaphore, #tpu.memory_space<semaphore_mem>>
      %dma_start3A_133 = arith.constant 0 : i32
      %dma_start3A_134 = tpu.memref_slice %arg11[%add3A_16, %dma_start3A_133] : memref<10240x128xf32, #tpu.memory_space<vmem_shared>> -> memref<128x128xf32, #tpu.memory_space<vmem_shared>>
      %dma_start3A_135 = arith.constant 0 : i32
      %dma_start3A_136 = tpu.memref_slice %arg11[%add3A_16, %dma_start3A_135] : memref<10240x128xf32, #tpu.memory_space<vmem_shared>> -> memref<128x128xf32, #tpu.memory_space<vmem_shared>>
      tpu.enqueue_dma source(%arg9 : memref<128x128xf32, #tpu.memory_space<vmem>>) target(%dma_start3A_136 : memref<128x128xf32, #tpu.memory_space<vmem_shared>>) target_semaphore(%run_scoped3A_132 : memref<!tpu.dma_semaphore, #tpu.memory_space<semaphore_mem>>)
      %dma_wait3A_137 = arith.constant 0 : i32
      %dma_wait3A_138 = tpu.memref_slice %arg11[%add3A_16, %dma_wait3A_137] : memref<10240x128xf32, #tpu.memory_space<vmem_shared>> -> memref<128x128xf32, #tpu.memory_space<vmem_shared>>
      %dma_wait3A_139 = arith.constant 0 : i32
      %dma_wait3A_140 = tpu.memref_slice %arg11[%add3A_16, %dma_wait3A_139] : memref<10240x128xf32, #tpu.memory_space<vmem_shared>> -> memref<128x128xf32, #tpu.memory_space<vmem_shared>>
      tpu.wait_dma2 semaphore(%run_scoped3A_132 : memref<!tpu.dma_semaphore, #tpu.memory_space<semaphore_mem>>) src(%arg9 : memref<128x128xf32, #tpu.memory_space<vmem>>) dst(%dma_wait3A_140 : memref<128x128xf32, #tpu.memory_space<vmem_shared>>)
      tpu.yield
    }) : () -> ()
    %mul3A_17 = arith.constant 640 : i32
    %mul3A_18 = arith.muli %arg1, %mul3A_17 : i32
    %add3A_19 = arith.constant 512 : i32
    %add3A_20 = arith.addi %mul3A_18, %add3A_19 : i32
    "tpu.region"() ({
      %run_scoped3A_132 = tpu.sem_alloc : memref<!tpu.dma_semaphore, #tpu.memory_space<semaphore_mem>>
      %dma_start3A_133 = arith.constant 0 : i32
      %dma_start3A_134 = tpu.memref_slice %arg11[%add3A_20, %dma_start3A_133] : memref<10240x128xf32, #tpu.memory_space<vmem_shared>> -> memref<128x128xf32, #tpu.memory_space<vmem_shared>>
      %dma_start3A_135 = arith.constant 0 : i32
      %dma_start3A_136 = tpu.memref_slice %arg11[%add3A_20, %dma_start3A_135] : memref<10240x128xf32, #tpu.memory_space<vmem_shared>> -> memref<128x128xf32, #tpu.memory_space<vmem_shared>>
      tpu.enqueue_dma source(%arg9 : memref<128x128xf32, #tpu.memory_space<vmem>>) target(%dma_start3A_136 : memref<128x128xf32, #tpu.memory_space<vmem_shared>>) target_semaphore(%run_scoped3A_132 : memref<!tpu.dma_semaphore, #tpu.memory_space<semaphore_mem>>)
      %dma_wait3A_137 = arith.constant 0 : i32
      %dma_wait3A_138 = tpu.memref_slice %arg11[%add3A_20, %dma_wait3A_137] : memref<10240x128xf32, #tpu.memory_space<vmem_shared>> -> memref<128x128xf32, #tpu.memory_space<vmem_shared>>
      %dma_wait3A_139 = arith.constant 0 : i32
      %dma_wait3A_140 = tpu.memref_slice %arg11[%add3A_20, %dma_wait3A_139] : memref<10240x128xf32, #tpu.memory_space<vmem_shared>> -> memref<128x128xf32, #tpu.memory_space<vmem_shared>>
      tpu.wait_dma2 semaphore(%run_scoped3A_132 : memref<!tpu.dma_semaphore, #tpu.memory_space<semaphore_mem>>) src(%arg9 : memref<128x128xf32, #tpu.memory_space<vmem>>) dst(%dma_wait3A_140 : memref<128x128xf32, #tpu.memory_space<vmem_shared>>)
      tpu.yield
    }) : () -> ()
    %barrier3A = arith.constant 0 : index
    tpu.barrier barrier_id(%barrier3A)
    %run_scoped3A = arith.constant 0 : i32
    "tpu.region"() ({
      %run_scoped3A_132 = tpu.sem_alloc : memref<!tpu.dma_semaphore, #tpu.memory_space<semaphore_mem>>
      %dma_start3A_133 = arith.constant 0 : i32
      %dma_start3A_134 = arith.constant 0 : i32
      %dma_start3A_135 = tpu.memref_slice %arg3[%add3A, %run_scoped3A, %dma_start3A_133, %dma_start3A_134] : memref<32x2x40x128xi32, #tpu.memory_space<hbm>> -> memref<1x1x40x128xi32, #tpu.memory_space<hbm>>
      %dma_start3A_136 = tpu.memref_squeeze %dma_start3A_135 : memref<1x1x40x128xi32, #tpu.memory_space<hbm>> -> memref<40x128xi32, #tpu.memory_space<hbm>>
      %dma_start3A_137 = arith.constant 0 : i32
      %dma_start3A_138 = arith.constant 0 : i32
      %dma_start3A_139 = tpu.memref_slice %arg3[%add3A, %run_scoped3A, %dma_start3A_137, %dma_start3A_138] : memref<32x2x40x128xi32, #tpu.memory_space<hbm>> -> memref<1x1x40x128xi32, #tpu.memory_space<hbm>>
      %dma_start3A_140 = tpu.memref_squeeze %dma_start3A_139 : memref<1x1x40x128xi32, #tpu.memory_space<hbm>> -> memref<40x128xi32, #tpu.memory_space<hbm>>
      tpu.enqueue_dma source(%dma_start3A_140 : memref<40x128xi32, #tpu.memory_space<hbm>>) target(%arg7 : memref<40x128xi32, #tpu.memory_space<vmem>>) target_semaphore(%run_scoped3A_132 : memref<!tpu.dma_semaphore, #tpu.memory_space<semaphore_mem>>)
      %dma_wait3A_141 = arith.constant 0 : i32
      %dma_wait3A_142 = arith.constant 0 : i32
      %dma_wait3A_143 = tpu.memref_slice %arg3[%add3A, %run_scoped3A, %dma_wait3A_141, %dma_wait3A_142] : memref<32x2x40x128xi32, #tpu.memory_space<hbm>> -> memref<1x1x40x128xi32, #tpu.memory_space<hbm>>
      %dma_wait3A_144 = tpu.memref_squeeze %dma_wait3A_143 : memref<1x1x40x128xi32, #tpu.memory_space<hbm>> -> memref<40x128xi32, #tpu.memory_space<hbm>>
      %dma_wait3A_145 = arith.constant 0 : i32
      %dma_wait3A_146 = arith.constant 0 : i32
      %dma_wait3A_147 = tpu.memref_slice %arg3[%add3A, %run_scoped3A, %dma_wait3A_145, %dma_wait3A_146] : memref<32x2x40x128xi32, #tpu.memory_space<hbm>> -> memref<1x1x40x128xi32, #tpu.memory_space<hbm>>
      %dma_wait3A_148 = tpu.memref_squeeze %dma_wait3A_147 : memref<1x1x40x128xi32, #tpu.memory_space<hbm>> -> memref<40x128xi32, #tpu.memory_space<hbm>>
      tpu.wait_dma2 semaphore(%run_scoped3A_132 : memref<!tpu.dma_semaphore, #tpu.memory_space<semaphore_mem>>) src(%dma_wait3A_148 : memref<40x128xi32, #tpu.memory_space<hbm>>) dst(%arg7 : memref<40x128xi32, #tpu.memory_space<vmem>>)
      tpu.yield
    }) : () -> ()
    %run_scoped3A_21 = arith.constant 0 : i32
    "tpu.region"() ({
      %run_scoped3A_132 = tpu.sem_alloc : memref<!tpu.dma_semaphore, #tpu.memory_space<semaphore_mem>>
      %dma_start3A_133 = arith.constant 0 : i32
      %dma_start3A_134 = arith.constant 0 : i32
      %dma_start3A_135 = tpu.memref_slice %arg4[%add3A, %run_scoped3A_21, %dma_start3A_133, %dma_start3A_134] : memref<32x2x40x128xi32, #tpu.memory_space<hbm>> -> memref<1x1x40x128xi32, #tpu.memory_space<hbm>>
      %dma_start3A_136 = tpu.memref_squeeze %dma_start3A_135 : memref<1x1x40x128xi32, #tpu.memory_space<hbm>> -> memref<40x128xi32, #tpu.memory_space<hbm>>
      %dma_start3A_137 = arith.constant 0 : i32
      %dma_start3A_138 = arith.constant 0 : i32
      %dma_start3A_139 = tpu.memref_slice %arg4[%add3A, %run_scoped3A_21, %dma_start3A_137, %dma_start3A_138] : memref<32x2x40x128xi32, #tpu.memory_space<hbm>> -> memref<1x1x40x128xi32, #tpu.memory_space<hbm>>
      %dma_start3A_140 = tpu.memref_squeeze %dma_start3A_139 : memref<1x1x40x128xi32, #tpu.memory_space<hbm>> -> memref<40x128xi32, #tpu.memory_space<hbm>>
      tpu.enqueue_dma source(%dma_start3A_140 : memref<40x128xi32, #tpu.memory_space<hbm>>) target(%arg8 : memref<40x128xi32, #tpu.memory_space<vmem>>) target_semaphore(%run_scoped3A_132 : memref<!tpu.dma_semaphore, #tpu.memory_space<semaphore_mem>>)
      %dma_wait3A_141 = arith.constant 0 : i32
      %dma_wait3A_142 = arith.constant 0 : i32
      %dma_wait3A_143 = tpu.memref_slice %arg4[%add3A, %run_scoped3A_21, %dma_wait3A_141, %dma_wait3A_142] : memref<32x2x40x128xi32, #tpu.memory_space<hbm>> -> memref<1x1x40x128xi32, #tpu.memory_space<hbm>>
      %dma_wait3A_144 = tpu.memref_squeeze %dma_wait3A_143 : memref<1x1x40x128xi32, #tpu.memory_space<hbm>> -> memref<40x128xi32, #tpu.memory_space<hbm>>
      %dma_wait3A_145 = arith.constant 0 : i32
      %dma_wait3A_146 = arith.constant 0 : i32
      %dma_wait3A_147 = tpu.memref_slice %arg4[%add3A, %run_scoped3A_21, %dma_wait3A_145, %dma_wait3A_146] : memref<32x2x40x128xi32, #tpu.memory_space<hbm>> -> memref<1x1x40x128xi32, #tpu.memory_space<hbm>>
      %dma_wait3A_148 = tpu.memref_squeeze %dma_wait3A_147 : memref<1x1x40x128xi32, #tpu.memory_space<hbm>> -> memref<40x128xi32, #tpu.memory_space<hbm>>
      tpu.wait_dma2 semaphore(%run_scoped3A_132 : memref<!tpu.dma_semaphore, #tpu.memory_space<semaphore_mem>>) src(%dma_wait3A_148 : memref<40x128xi32, #tpu.memory_space<hbm>>) dst(%arg8 : memref<40x128xi32, #tpu.memory_space<vmem>>)
      tpu.yield
    }) : () -> ()
    %dma_start3A = arith.constant 0 : i32
    %dma_start3A_22 = arith.constant 0 : i32
    %dma_start3A_23 = tpu.memref_slice %arg7[%dma_start3A, %dma_start3A_22] : memref<40x128xi32, #tpu.memory_space<vmem>> -> memref<1x128xi32, #tpu.memory_space<vmem>>
    %dma_start3A_24 = tpu.memref_squeeze %dma_start3A_23 : memref<1x128xi32, #tpu.memory_space<vmem>> -> memref<128xi32, #tpu.memory_space<vmem>>
    %dma_start3A_25 = arith.constant 0 : i32
    %dma_start3A_26 = arith.constant 0 : i32
    %dma_start3A_27 = tpu.memref_slice %arg2[%dma_start3A_25, %dma_start3A_26] : memref<10240x128xf32, #tpu.memory_space<hbm>> -> memref<10240x128xf32, #tpu.memory_space<hbm>>
    tpu.enqueue_indirect_dma source(%dma_start3A_27 : memref<10240x128xf32, #tpu.memory_space<hbm>>) target(%arg9 : memref<128x128xf32, #tpu.memory_space<vmem>>) offsets(%dma_start3A_24 : memref<128xi32, #tpu.memory_space<vmem>>) semaphore(%arg12 : memref<!tpu.dma_semaphore, #tpu.memory_space<semaphore_mem>>)
    %scan3A = arith.constant 0 : i32
    %scan3A_28 = arith.constant 19 : i32
    %scan3A_29 = arith.addi %scan3A, %scan3A_28 : i32
    %scan3A_30 = arith.constant 1 : i32
    scf.for %scan3A_132 = %scan3A to %scan3A_29 step %scan3A_30  : i32 {
      %mul3A_133 = arith.constant 2 : i32
      %mul3A_134 = arith.muli %scan3A_132, %mul3A_133 : i32
      %add3A_135 = arith.constant 0 : i32
      %add3A_136 = arith.addi %add3A_135, %mul3A_134 : i32
      %add3A_137 = arith.constant 1 : i32
      %add3A_138 = arith.addi %add3A_136, %add3A_137 : i32
      %dma_start3A_139 = arith.constant 0 : i32
      %dma_start3A_140 = tpu.memref_slice %arg7[%add3A_138, %dma_start3A_139] : memref<40x128xi32, #tpu.memory_space<vmem>> -> memref<1x128xi32, #tpu.memory_space<vmem>>
      %dma_start3A_141 = tpu.memref_squeeze %dma_start3A_140 : memref<1x128xi32, #tpu.memory_space<vmem>> -> memref<128xi32, #tpu.memory_space<vmem>>
      %dma_start3A_142 = arith.constant 0 : i32
      %dma_start3A_143 = arith.constant 0 : i32
      %dma_start3A_144 = tpu.memref_slice %arg2[%dma_start3A_142, %dma_start3A_143] : memref<10240x128xf32, #tpu.memory_space<hbm>> -> memref<10240x128xf32, #tpu.memory_space<hbm>>
      tpu.enqueue_indirect_dma source(%dma_start3A_144 : memref<10240x128xf32, #tpu.memory_space<hbm>>) target(%arg10 : memref<128x128xf32, #tpu.memory_space<vmem>>) offsets(%dma_start3A_141 : memref<128xi32, #tpu.memory_space<vmem>>) semaphore(%arg13 : memref<!tpu.dma_semaphore, #tpu.memory_space<semaphore_mem>>)
      %dma_wait3A_145 = arith.constant 0 : i32
      %dma_wait3A_146 = tpu.memref_slice %arg7[%add3A_136, %dma_wait3A_145] : memref<40x128xi32, #tpu.memory_space<vmem>> -> memref<1x128xi32, #tpu.memory_space<vmem>>
      %dma_wait3A_147 = tpu.memref_squeeze %dma_wait3A_146 : memref<1x128xi32, #tpu.memory_space<vmem>> -> memref<128xi32, #tpu.memory_space<vmem>>
      %dma_wait3A_148 = arith.constant 0 : i32
      %dma_wait3A_149 = arith.constant 0 : i32
      %dma_wait3A_150 = tpu.memref_slice %arg2[%dma_wait3A_148, %dma_wait3A_149] : memref<10240x128xf32, #tpu.memory_space<hbm>> -> memref<10240x128xf32, #tpu.memory_space<hbm>>
      tpu.wait_indirect_dma semaphore(%arg12 : memref<!tpu.dma_semaphore, #tpu.memory_space<semaphore_mem>>) src(%dma_wait3A_150 : memref<10240x128xf32, #tpu.memory_space<hbm>>) dst(%arg9 : memref<128x128xf32, #tpu.memory_space<vmem>>)
      "tpu.region"() ({
        %run_scoped3A_169 = tpu.sem_alloc : memref<!tpu.dma_semaphore, #tpu.memory_space<semaphore_mem>>
        %dma_start3A_170 = arith.constant 0 : i32
        %dma_start3A_171 = tpu.memref_slice %arg8[%add3A_136, %dma_start3A_170] : memref<40x128xi32, #tpu.memory_space<vmem>> -> memref<1x128xi32, #tpu.memory_space<vmem>>
        %dma_start3A_172 = tpu.memref_squeeze %dma_start3A_171 : memref<1x128xi32, #tpu.memory_space<vmem>> -> memref<128xi32, #tpu.memory_space<vmem>>
        %dma_start3A_173 = arith.constant 0 : i32
        %dma_start3A_174 = arith.constant 0 : i32
        %dma_start3A_175 = tpu.memref_slice %arg11[%dma_start3A_173, %dma_start3A_174] : memref<10240x128xf32, #tpu.memory_space<vmem_shared>> -> memref<10240x128xf32, #tpu.memory_space<vmem_shared>>
        tpu.enqueue_indirect_dma source(%arg9 : memref<128x128xf32, #tpu.memory_space<vmem>>) target(%dma_start3A_175 : memref<10240x128xf32, #tpu.memory_space<vmem_shared>>) offsets(%dma_start3A_172 : memref<128xi32, #tpu.memory_space<vmem>>) semaphore(%run_scoped3A_169 : memref<!tpu.dma_semaphore, #tpu.memory_space<semaphore_mem>>) {add = true}
        %dma_wait3A_176 = arith.constant 0 : i32
        %dma_wait3A_177 = tpu.memref_slice %arg8[%add3A_136, %dma_wait3A_176] : memref<40x128xi32, #tpu.memory_space<vmem>> -> memref<1x128xi32, #tpu.memory_space<vmem>>
        %dma_wait3A_178 = tpu.memref_squeeze %dma_wait3A_177 : memref<1x128xi32, #tpu.memory_space<vmem>> -> memref<128xi32, #tpu.memory_space<vmem>>
        %dma_wait3A_179 = arith.constant 0 : i32
        %dma_wait3A_180 = arith.constant 0 : i32
        %dma_wait3A_181 = tpu.memref_slice %arg11[%dma_wait3A_179, %dma_wait3A_180] : memref<10240x128xf32, #tpu.memory_space<vmem_shared>> -> memref<10240x128xf32, #tpu.memory_space<vmem_shared>>
        tpu.wait_indirect_dma semaphore(%run_scoped3A_169 : memref<!tpu.dma_semaphore, #tpu.memory_space<semaphore_mem>>) src(%arg9 : memref<128x128xf32, #tpu.memory_space<vmem>>) dst(%dma_wait3A_181 : memref<10240x128xf32, #tpu.memory_space<vmem_shared>>)
        tpu.yield
      }) : () -> ()
      %add3A_151 = arith.constant 2 : i32
      %add3A_152 = arith.addi %add3A_136, %add3A_151 : i32
      %dma_start3A_153 = arith.constant 0 : i32
      %dma_start3A_154 = tpu.memref_slice %arg7[%add3A_152, %dma_start3A_153] : memref<40x128xi32, #tpu.memory_space<vmem>> -> memref<1x128xi32, #tpu.memory_space<vmem>>
      %dma_start3A_155 = tpu.memref_squeeze %dma_start3A_154 : memref<1x128xi32, #tpu.memory_space<vmem>> -> memref<128xi32, #tpu.memory_space<vmem>>
      %dma_start3A_156 = arith.constant 0 : i32
      %dma_start3A_157 = arith.constant 0 : i32
      %dma_start3A_158 = tpu.memref_slice %arg2[%dma_start3A_156, %dma_start3A_157] : memref<10240x128xf32, #tpu.memory_space<hbm>> -> memref<10240x128xf32, #tpu.memory_space<hbm>>
      tpu.enqueue_indirect_dma source(%dma_start3A_158 : memref<10240x128xf32, #tpu.memory_space<hbm>>) target(%arg9 : memref<128x128xf32, #tpu.memory_space<vmem>>) offsets(%dma_start3A_155 : memref<128xi32, #tpu.memory_space<vmem>>) semaphore(%arg12 : memref<!tpu.dma_semaphore, #tpu.memory_space<semaphore_mem>>)
      %add3A_159 = arith.constant 1 : i32
      %add3A_160 = arith.addi %add3A_136, %add3A_159 : i32
      %dma_wait3A_161 = arith.constant 0 : i32
      %dma_wait3A_162 = tpu.memref_slice %arg7[%add3A_160, %dma_wait3A_161] : memref<40x128xi32, #tpu.memory_space<vmem>> -> memref<1x128xi32, #tpu.memory_space<vmem>>
      %dma_wait3A_163 = tpu.memref_squeeze %dma_wait3A_162 : memref<1x128xi32, #tpu.memory_space<vmem>> -> memref<128xi32, #tpu.memory_space<vmem>>
      %dma_wait3A_164 = arith.constant 0 : i32
      %dma_wait3A_165 = arith.constant 0 : i32
      %dma_wait3A_166 = tpu.memref_slice %arg2[%dma_wait3A_164, %dma_wait3A_165] : memref<10240x128xf32, #tpu.memory_space<hbm>> -> memref<10240x128xf32, #tpu.memory_space<hbm>>
      tpu.wait_indirect_dma semaphore(%arg13 : memref<!tpu.dma_semaphore, #tpu.memory_space<semaphore_mem>>) src(%dma_wait3A_166 : memref<10240x128xf32, #tpu.memory_space<hbm>>) dst(%arg10 : memref<128x128xf32, #tpu.memory_space<vmem>>)
      %add3A_167 = arith.constant 1 : i32
      %add3A_168 = arith.addi %add3A_136, %add3A_167 : i32
      "tpu.region"() ({
        %run_scoped3A_169 = tpu.sem_alloc : memref<!tpu.dma_semaphore, #tpu.memory_space<semaphore_mem>>
        %dma_start3A_170 = arith.constant 0 : i32
        %dma_start3A_171 = tpu.memref_slice %arg8[%add3A_168, %dma_start3A_170] : memref<40x128xi32, #tpu.memory_space<vmem>> -> memref<1x128xi32, #tpu.memory_space<vmem>>
        %dma_start3A_172 = tpu.memref_squeeze %dma_start3A_171 : memref<1x128xi32, #tpu.memory_space<vmem>> -> memref<128xi32, #tpu.memory_space<vmem>>
        %dma_start3A_173 = arith.constant 0 : i32
        %dma_start3A_174 = arith.constant 0 : i32
        %dma_start3A_175 = tpu.memref_slice %arg11[%dma_start3A_173, %dma_start3A_174] : memref<10240x128xf32, #tpu.memory_space<vmem_shared>> -> memref<10240x128xf32, #tpu.memory_space<vmem_shared>>
        tpu.enqueue_indirect_dma source(%arg10 : memref<128x128xf32, #tpu.memory_space<vmem>>) target(%dma_start3A_175 : memref<10240x128xf32, #tpu.memory_space<vmem_shared>>) offsets(%dma_start3A_172 : memref<128xi32, #tpu.memory_space<vmem>>) semaphore(%run_scoped3A_169 : memref<!tpu.dma_semaphore, #tpu.memory_space<semaphore_mem>>) {add = true}
        %dma_wait3A_176 = arith.constant 0 : i32
        %dma_wait3A_177 = tpu.memref_slice %arg8[%add3A_168, %dma_wait3A_176] : memref<40x128xi32, #tpu.memory_space<vmem>> -> memref<1x128xi32, #tpu.memory_space<vmem>>
        %dma_wait3A_178 = tpu.memref_squeeze %dma_wait3A_177 : memref<1x128xi32, #tpu.memory_space<vmem>> -> memref<128xi32, #tpu.memory_space<vmem>>
        %dma_wait3A_179 = arith.constant 0 : i32
        %dma_wait3A_180 = arith.constant 0 : i32
        %dma_wait3A_181 = tpu.memref_slice %arg11[%dma_wait3A_179, %dma_wait3A_180] : memref<10240x128xf32, #tpu.memory_space<vmem_shared>> -> memref<10240x128xf32, #tpu.memory_space<vmem_shared>>
        tpu.wait_indirect_dma semaphore(%run_scoped3A_169 : memref<!tpu.dma_semaphore, #tpu.memory_space<semaphore_mem>>) src(%arg10 : memref<128x128xf32, #tpu.memory_space<vmem>>) dst(%dma_wait3A_181 : memref<10240x128xf32, #tpu.memory_space<vmem_shared>>)
        tpu.yield
      }) : () -> ()
    }
    %scan3A_31 = arith.constant 19 : i32
    %dma_start3A_32 = arith.constant 39 : i32
    %dma_start3A_33 = arith.constant 0 : i32
    %dma_start3A_34 = tpu.memref_slice %arg7[%dma_start3A_32, %dma_start3A_33] : memref<40x128xi32, #tpu.memory_space<vmem>> -> memref<1x128xi32, #tpu.memory_space<vmem>>
    %dma_start3A_35 = tpu.memref_squeeze %dma_start3A_34 : memref<1x128xi32, #tpu.memory_space<vmem>> -> memref<128xi32, #tpu.memory_space<vmem>>
    %dma_start3A_36 = arith.constant 0 : i32
    %dma_start3A_37 = arith.constant 0 : i32
    %dma_start3A_38 = tpu.memref_slice %arg2[%dma_start3A_36, %dma_start3A_37] : memref<10240x128xf32, #tpu.memory_space<hbm>> -> memref<10240x128xf32, #tpu.memory_space<hbm>>
    tpu.enqueue_indirect_dma source(%dma_start3A_38 : memref<10240x128xf32, #tpu.memory_space<hbm>>) target(%arg10 : memref<128x128xf32, #tpu.memory_space<vmem>>) offsets(%dma_start3A_35 : memref<128xi32, #tpu.memory_space<vmem>>) semaphore(%arg13 : memref<!tpu.dma_semaphore, #tpu.memory_space<semaphore_mem>>)
    %dma_wait3A = arith.constant 38 : i32
    %dma_wait3A_39 = arith.constant 0 : i32
    %dma_wait3A_40 = tpu.memref_slice %arg7[%dma_wait3A, %dma_wait3A_39] : memref<40x128xi32, #tpu.memory_space<vmem>> -> memref<1x128xi32, #tpu.memory_space<vmem>>
    %dma_wait3A_41 = tpu.memref_squeeze %dma_wait3A_40 : memref<1x128xi32, #tpu.memory_space<vmem>> -> memref<128xi32, #tpu.memory_space<vmem>>
    %dma_wait3A_42 = arith.constant 0 : i32
    %dma_wait3A_43 = arith.constant 0 : i32
    %dma_wait3A_44 = tpu.memref_slice %arg2[%dma_wait3A_42, %dma_wait3A_43] : memref<10240x128xf32, #tpu.memory_space<hbm>> -> memref<10240x128xf32, #tpu.memory_space<hbm>>
    tpu.wait_indirect_dma semaphore(%arg12 : memref<!tpu.dma_semaphore, #tpu.memory_space<semaphore_mem>>) src(%dma_wait3A_44 : memref<10240x128xf32, #tpu.memory_space<hbm>>) dst(%arg9 : memref<128x128xf32, #tpu.memory_space<vmem>>)
    %run_scoped3A_45 = arith.constant 38 : i32
    "tpu.region"() ({
      %run_scoped3A_132 = tpu.sem_alloc : memref<!tpu.dma_semaphore, #tpu.memory_space<semaphore_mem>>
      %dma_start3A_133 = arith.constant 0 : i32
      %dma_start3A_134 = tpu.memref_slice %arg8[%run_scoped3A_45, %dma_start3A_133] : memref<40x128xi32, #tpu.memory_space<vmem>> -> memref<1x128xi32, #tpu.memory_space<vmem>>
      %dma_start3A_135 = tpu.memref_squeeze %dma_start3A_134 : memref<1x128xi32, #tpu.memory_space<vmem>> -> memref<128xi32, #tpu.memory_space<vmem>>
      %dma_start3A_136 = arith.constant 0 : i32
      %dma_start3A_137 = arith.constant 0 : i32
      %dma_start3A_138 = tpu.memref_slice %arg11[%dma_start3A_136, %dma_start3A_137] : memref<10240x128xf32, #tpu.memory_space<vmem_shared>> -> memref<10240x128xf32, #tpu.memory_space<vmem_shared>>
      tpu.enqueue_indirect_dma source(%arg9 : memref<128x128xf32, #tpu.memory_space<vmem>>) target(%dma_start3A_138 : memref<10240x128xf32, #tpu.memory_space<vmem_shared>>) offsets(%dma_start3A_135 : memref<128xi32, #tpu.memory_space<vmem>>) semaphore(%run_scoped3A_132 : memref<!tpu.dma_semaphore, #tpu.memory_space<semaphore_mem>>) {add = true}
      %dma_wait3A_139 = arith.constant 0 : i32
      %dma_wait3A_140 = tpu.memref_slice %arg8[%run_scoped3A_45, %dma_wait3A_139] : memref<40x128xi32, #tpu.memory_space<vmem>> -> memref<1x128xi32, #tpu.memory_space<vmem>>
      %dma_wait3A_141 = tpu.memref_squeeze %dma_wait3A_140 : memref<1x128xi32, #tpu.memory_space<vmem>> -> memref<128xi32, #tpu.memory_space<vmem>>
      %dma_wait3A_142 = arith.constant 0 : i32
      %dma_wait3A_143 = arith.constant 0 : i32
      %dma_wait3A_144 = tpu.memref_slice %arg11[%dma_wait3A_142, %dma_wait3A_143] : memref<10240x128xf32, #tpu.memory_space<vmem_shared>> -> memref<10240x128xf32, #tpu.memory_space<vmem_shared>>
      tpu.wait_indirect_dma semaphore(%run_scoped3A_132 : memref<!tpu.dma_semaphore, #tpu.memory_space<semaphore_mem>>) src(%arg9 : memref<128x128xf32, #tpu.memory_space<vmem>>) dst(%dma_wait3A_144 : memref<10240x128xf32, #tpu.memory_space<vmem_shared>>)
      tpu.yield
    }) : () -> ()
    %dma_wait3A_46 = arith.constant 39 : i32
    %dma_wait3A_47 = arith.constant 0 : i32
    %dma_wait3A_48 = tpu.memref_slice %arg7[%dma_wait3A_46, %dma_wait3A_47] : memref<40x128xi32, #tpu.memory_space<vmem>> -> memref<1x128xi32, #tpu.memory_space<vmem>>
    %dma_wait3A_49 = tpu.memref_squeeze %dma_wait3A_48 : memref<1x128xi32, #tpu.memory_space<vmem>> -> memref<128xi32, #tpu.memory_space<vmem>>
    %dma_wait3A_50 = arith.constant 0 : i32
    %dma_wait3A_51 = arith.constant 0 : i32
    %dma_wait3A_52 = tpu.memref_slice %arg2[%dma_wait3A_50, %dma_wait3A_51] : memref<10240x128xf32, #tpu.memory_space<hbm>> -> memref<10240x128xf32, #tpu.memory_space<hbm>>
    tpu.wait_indirect_dma semaphore(%arg13 : memref<!tpu.dma_semaphore, #tpu.memory_space<semaphore_mem>>) src(%dma_wait3A_52 : memref<10240x128xf32, #tpu.memory_space<hbm>>) dst(%arg10 : memref<128x128xf32, #tpu.memory_space<vmem>>)
    %run_scoped3A_53 = arith.constant 39 : i32
    "tpu.region"() ({
      %run_scoped3A_132 = tpu.sem_alloc : memref<!tpu.dma_semaphore, #tpu.memory_space<semaphore_mem>>
      %dma_start3A_133 = arith.constant 0 : i32
      %dma_start3A_134 = tpu.memref_slice %arg8[%run_scoped3A_53, %dma_start3A_133] : memref<40x128xi32, #tpu.memory_space<vmem>> -> memref<1x128xi32, #tpu.memory_space<vmem>>
      %dma_start3A_135 = tpu.memref_squeeze %dma_start3A_134 : memref<1x128xi32, #tpu.memory_space<vmem>> -> memref<128xi32, #tpu.memory_space<vmem>>
      %dma_start3A_136 = arith.constant 0 : i32
      %dma_start3A_137 = arith.constant 0 : i32
      %dma_start3A_138 = tpu.memref_slice %arg11[%dma_start3A_136, %dma_start3A_137] : memref<10240x128xf32, #tpu.memory_space<vmem_shared>> -> memref<10240x128xf32, #tpu.memory_space<vmem_shared>>
      tpu.enqueue_indirect_dma source(%arg10 : memref<128x128xf32, #tpu.memory_space<vmem>>) target(%dma_start3A_138 : memref<10240x128xf32, #tpu.memory_space<vmem_shared>>) offsets(%dma_start3A_135 : memref<128xi32, #tpu.memory_space<vmem>>) semaphore(%run_scoped3A_132 : memref<!tpu.dma_semaphore, #tpu.memory_space<semaphore_mem>>) {add = true}
      %dma_wait3A_139 = arith.constant 0 : i32
      %dma_wait3A_140 = tpu.memref_slice %arg8[%run_scoped3A_53, %dma_wait3A_139] : memref<40x128xi32, #tpu.memory_space<vmem>> -> memref<1x128xi32, #tpu.memory_space<vmem>>
      %dma_wait3A_141 = tpu.memref_squeeze %dma_wait3A_140 : memref<1x128xi32, #tpu.memory_space<vmem>> -> memref<128xi32, #tpu.memory_space<vmem>>
      %dma_wait3A_142 = arith.constant 0 : i32
      %dma_wait3A_143 = arith.constant 0 : i32
      %dma_wait3A_144 = tpu.memref_slice %arg11[%dma_wait3A_142, %dma_wait3A_143] : memref<10240x128xf32, #tpu.memory_space<vmem_shared>> -> memref<10240x128xf32, #tpu.memory_space<vmem_shared>>
      tpu.wait_indirect_dma semaphore(%run_scoped3A_132 : memref<!tpu.dma_semaphore, #tpu.memory_space<semaphore_mem>>) src(%arg10 : memref<128x128xf32, #tpu.memory_space<vmem>>) dst(%dma_wait3A_144 : memref<10240x128xf32, #tpu.memory_space<vmem_shared>>)
      tpu.yield
    }) : () -> ()
    %run_scoped3A_54 = arith.constant 1 : i32
    "tpu.region"() ({
      %run_scoped3A_132 = tpu.sem_alloc : memref<!tpu.dma_semaphore, #tpu.memory_space<semaphore_mem>>
      %dma_start3A_133 = arith.constant 0 : i32
      %dma_start3A_134 = arith.constant 0 : i32
      %dma_start3A_135 = tpu.memref_slice %arg3[%add3A, %run_scoped3A_54, %dma_start3A_133, %dma_start3A_134] : memref<32x2x40x128xi32, #tpu.memory_space<hbm>> -> memref<1x1x40x128xi32, #tpu.memory_space<hbm>>
      %dma_start3A_136 = tpu.memref_squeeze %dma_start3A_135 : memref<1x1x40x128xi32, #tpu.memory_space<hbm>> -> memref<40x128xi32, #tpu.memory_space<hbm>>
      %dma_start3A_137 = arith.constant 0 : i32
      %dma_start3A_138 = arith.constant 0 : i32
      %dma_start3A_139 = tpu.memref_slice %arg3[%add3A, %run_scoped3A_54, %dma_start3A_137, %dma_start3A_138] : memref<32x2x40x128xi32, #tpu.memory_space<hbm>> -> memref<1x1x40x128xi32, #tpu.memory_space<hbm>>
      %dma_start3A_140 = tpu.memref_squeeze %dma_start3A_139 : memref<1x1x40x128xi32, #tpu.memory_space<hbm>> -> memref<40x128xi32, #tpu.memory_space<hbm>>
      tpu.enqueue_dma source(%dma_start3A_140 : memref<40x128xi32, #tpu.memory_space<hbm>>) target(%arg7 : memref<40x128xi32, #tpu.memory_space<vmem>>) target_semaphore(%run_scoped3A_132 : memref<!tpu.dma_semaphore, #tpu.memory_space<semaphore_mem>>)
      %dma_wait3A_141 = arith.constant 0 : i32
      %dma_wait3A_142 = arith.constant 0 : i32
      %dma_wait3A_143 = tpu.memref_slice %arg3[%add3A, %run_scoped3A_54, %dma_wait3A_141, %dma_wait3A_142] : memref<32x2x40x128xi32, #tpu.memory_space<hbm>> -> memref<1x1x40x128xi32, #tpu.memory_space<hbm>>
      %dma_wait3A_144 = tpu.memref_squeeze %dma_wait3A_143 : memref<1x1x40x128xi32, #tpu.memory_space<hbm>> -> memref<40x128xi32, #tpu.memory_space<hbm>>
      %dma_wait3A_145 = arith.constant 0 : i32
      %dma_wait3A_146 = arith.constant 0 : i32
      %dma_wait3A_147 = tpu.memref_slice %arg3[%add3A, %run_scoped3A_54, %dma_wait3A_145, %dma_wait3A_146] : memref<32x2x40x128xi32, #tpu.memory_space<hbm>> -> memref<1x1x40x128xi32, #tpu.memory_space<hbm>>
      %dma_wait3A_148 = tpu.memref_squeeze %dma_wait3A_147 : memref<1x1x40x128xi32, #tpu.memory_space<hbm>> -> memref<40x128xi32, #tpu.memory_space<hbm>>
      tpu.wait_dma2 semaphore(%run_scoped3A_132 : memref<!tpu.dma_semaphore, #tpu.memory_space<semaphore_mem>>) src(%dma_wait3A_148 : memref<40x128xi32, #tpu.memory_space<hbm>>) dst(%arg7 : memref<40x128xi32, #tpu.memory_space<vmem>>)
      tpu.yield
    }) : () -> ()
    %run_scoped3A_55 = arith.constant 1 : i32
    "tpu.region"() ({
      %run_scoped3A_132 = tpu.sem_alloc : memref<!tpu.dma_semaphore, #tpu.memory_space<semaphore_mem>>
      %dma_start3A_133 = arith.constant 0 : i32
      %dma_start3A_134 = arith.constant 0 : i32
      %dma_start3A_135 = tpu.memref_slice %arg4[%add3A, %run_scoped3A_55, %dma_start3A_133, %dma_start3A_134] : memref<32x2x40x128xi32, #tpu.memory_space<hbm>> -> memref<1x1x40x128xi32, #tpu.memory_space<hbm>>
      %dma_start3A_136 = tpu.memref_squeeze %dma_start3A_135 : memref<1x1x40x128xi32, #tpu.memory_space<hbm>> -> memref<40x128xi32, #tpu.memory_space<hbm>>
      %dma_start3A_137 = arith.constant 0 : i32
      %dma_start3A_138 = arith.constant 0 : i32
      %dma_start3A_139 = tpu.memref_slice %arg4[%add3A, %run_scoped3A_55, %dma_start3A_137, %dma_start3A_138] : memref<32x2x40x128xi32, #tpu.memory_space<hbm>> -> memref<1x1x40x128xi32, #tpu.memory_space<hbm>>
      %dma_start3A_140 = tpu.memref_squeeze %dma_start3A_139 : memref<1x1x40x128xi32, #tpu.memory_space<hbm>> -> memref<40x128xi32, #tpu.memory_space<hbm>>
      tpu.enqueue_dma source(%dma_start3A_140 : memref<40x128xi32, #tpu.memory_space<hbm>>) target(%arg8 : memref<40x128xi32, #tpu.memory_space<vmem>>) target_semaphore(%run_scoped3A_132 : memref<!tpu.dma_semaphore, #tpu.memory_space<semaphore_mem>>)
      %dma_wait3A_141 = arith.constant 0 : i32
      %dma_wait3A_142 = arith.constant 0 : i32
      %dma_wait3A_143 = tpu.memref_slice %arg4[%add3A, %run_scoped3A_55, %dma_wait3A_141, %dma_wait3A_142] : memref<32x2x40x128xi32, #tpu.memory_space<hbm>> -> memref<1x1x40x128xi32, #tpu.memory_space<hbm>>
      %dma_wait3A_144 = tpu.memref_squeeze %dma_wait3A_143 : memref<1x1x40x128xi32, #tpu.memory_space<hbm>> -> memref<40x128xi32, #tpu.memory_space<hbm>>
      %dma_wait3A_145 = arith.constant 0 : i32
      %dma_wait3A_146 = arith.constant 0 : i32
      %dma_wait3A_147 = tpu.memref_slice %arg4[%add3A, %run_scoped3A_55, %dma_wait3A_145, %dma_wait3A_146] : memref<32x2x40x128xi32, #tpu.memory_space<hbm>> -> memref<1x1x40x128xi32, #tpu.memory_space<hbm>>
      %dma_wait3A_148 = tpu.memref_squeeze %dma_wait3A_147 : memref<1x1x40x128xi32, #tpu.memory_space<hbm>> -> memref<40x128xi32, #tpu.memory_space<hbm>>
      tpu.wait_dma2 semaphore(%run_scoped3A_132 : memref<!tpu.dma_semaphore, #tpu.memory_space<semaphore_mem>>) src(%dma_wait3A_148 : memref<40x128xi32, #tpu.memory_space<hbm>>) dst(%arg8 : memref<40x128xi32, #tpu.memory_space<vmem>>)
      tpu.yield
    }) : () -> ()
    %dma_start3A_56 = arith.constant 0 : i32
    %dma_start3A_57 = arith.constant 0 : i32
    %dma_start3A_58 = tpu.memref_slice %arg7[%dma_start3A_56, %dma_start3A_57] : memref<40x128xi32, #tpu.memory_space<vmem>> -> memref<1x128xi32, #tpu.memory_space<vmem>>
    %dma_start3A_59 = tpu.memref_squeeze %dma_start3A_58 : memref<1x128xi32, #tpu.memory_space<vmem>> -> memref<128xi32, #tpu.memory_space<vmem>>
    %dma_start3A_60 = arith.constant 0 : i32
    %dma_start3A_61 = arith.constant 0 : i32
    %dma_start3A_62 = tpu.memref_slice %arg2[%dma_start3A_60, %dma_start3A_61] : memref<10240x128xf32, #tpu.memory_space<hbm>> -> memref<10240x128xf32, #tpu.memory_space<hbm>>
    tpu.enqueue_indirect_dma source(%dma_start3A_62 : memref<10240x128xf32, #tpu.memory_space<hbm>>) target(%arg9 : memref<128x128xf32, #tpu.memory_space<vmem>>) offsets(%dma_start3A_59 : memref<128xi32, #tpu.memory_space<vmem>>) semaphore(%arg12 : memref<!tpu.dma_semaphore, #tpu.memory_space<semaphore_mem>>)
    %scan3A_63 = arith.constant 0 : i32
    %scan3A_64 = arith.constant 19 : i32
    %scan3A_65 = arith.addi %scan3A_63, %scan3A_64 : i32
    %scan3A_66 = arith.constant 1 : i32
    scf.for %scan3A_132 = %scan3A_63 to %scan3A_65 step %scan3A_66  : i32 {
      %mul3A_133 = arith.constant 2 : i32
      %mul3A_134 = arith.muli %scan3A_132, %mul3A_133 : i32
      %add3A_135 = arith.constant 0 : i32
      %add3A_136 = arith.addi %add3A_135, %mul3A_134 : i32
      %add3A_137 = arith.constant 1 : i32
      %add3A_138 = arith.addi %add3A_136, %add3A_137 : i32
      %dma_start3A_139 = arith.constant 0 : i32
      %dma_start3A_140 = tpu.memref_slice %arg7[%add3A_138, %dma_start3A_139] : memref<40x128xi32, #tpu.memory_space<vmem>> -> memref<1x128xi32, #tpu.memory_space<vmem>>
      %dma_start3A_141 = tpu.memref_squeeze %dma_start3A_140 : memref<1x128xi32, #tpu.memory_space<vmem>> -> memref<128xi32, #tpu.memory_space<vmem>>
      %dma_start3A_142 = arith.constant 0 : i32
      %dma_start3A_143 = arith.constant 0 : i32
      %dma_start3A_144 = tpu.memref_slice %arg2[%dma_start3A_142, %dma_start3A_143] : memref<10240x128xf32, #tpu.memory_space<hbm>> -> memref<10240x128xf32, #tpu.memory_space<hbm>>
      tpu.enqueue_indirect_dma source(%dma_start3A_144 : memref<10240x128xf32, #tpu.memory_space<hbm>>) target(%arg10 : memref<128x128xf32, #tpu.memory_space<vmem>>) offsets(%dma_start3A_141 : memref<128xi32, #tpu.memory_space<vmem>>) semaphore(%arg13 : memref<!tpu.dma_semaphore, #tpu.memory_space<semaphore_mem>>)
      %dma_wait3A_145 = arith.constant 0 : i32
      %dma_wait3A_146 = tpu.memref_slice %arg7[%add3A_136, %dma_wait3A_145] : memref<40x128xi32, #tpu.memory_space<vmem>> -> memref<1x128xi32, #tpu.memory_space<vmem>>
      %dma_wait3A_147 = tpu.memref_squeeze %dma_wait3A_146 : memref<1x128xi32, #tpu.memory_space<vmem>> -> memref<128xi32, #tpu.memory_space<vmem>>
      %dma_wait3A_148 = arith.constant 0 : i32
      %dma_wait3A_149 = arith.constant 0 : i32
      %dma_wait3A_150 = tpu.memref_slice %arg2[%dma_wait3A_148, %dma_wait3A_149] : memref<10240x128xf32, #tpu.memory_space<hbm>> -> memref<10240x128xf32, #tpu.memory_space<hbm>>
      tpu.wait_indirect_dma semaphore(%arg12 : memref<!tpu.dma_semaphore, #tpu.memory_space<semaphore_mem>>) src(%dma_wait3A_150 : memref<10240x128xf32, #tpu.memory_space<hbm>>) dst(%arg9 : memref<128x128xf32, #tpu.memory_space<vmem>>)
      "tpu.region"() ({
        %run_scoped3A_169 = tpu.sem_alloc : memref<!tpu.dma_semaphore, #tpu.memory_space<semaphore_mem>>
        %dma_start3A_170 = arith.constant 0 : i32
        %dma_start3A_171 = tpu.memref_slice %arg8[%add3A_136, %dma_start3A_170] : memref<40x128xi32, #tpu.memory_space<vmem>> -> memref<1x128xi32, #tpu.memory_space<vmem>>
        %dma_start3A_172 = tpu.memref_squeeze %dma_start3A_171 : memref<1x128xi32, #tpu.memory_space<vmem>> -> memref<128xi32, #tpu.memory_space<vmem>>
        %dma_start3A_173 = arith.constant 0 : i32
        %dma_start3A_174 = arith.constant 0 : i32
        %dma_start3A_175 = tpu.memref_slice %arg11[%dma_start3A_173, %dma_start3A_174] : memref<10240x128xf32, #tpu.memory_space<vmem_shared>> -> memref<10240x128xf32, #tpu.memory_space<vmem_shared>>
        tpu.enqueue_indirect_dma source(%arg9 : memref<128x128xf32, #tpu.memory_space<vmem>>) target(%dma_start3A_175 : memref<10240x128xf32, #tpu.memory_space<vmem_shared>>) offsets(%dma_start3A_172 : memref<128xi32, #tpu.memory_space<vmem>>) semaphore(%run_scoped3A_169 : memref<!tpu.dma_semaphore, #tpu.memory_space<semaphore_mem>>) {add = true}
        %dma_wait3A_176 = arith.constant 0 : i32
        %dma_wait3A_177 = tpu.memref_slice %arg8[%add3A_136, %dma_wait3A_176] : memref<40x128xi32, #tpu.memory_space<vmem>> -> memref<1x128xi32, #tpu.memory_space<vmem>>
        %dma_wait3A_178 = tpu.memref_squeeze %dma_wait3A_177 : memref<1x128xi32, #tpu.memory_space<vmem>> -> memref<128xi32, #tpu.memory_space<vmem>>
        %dma_wait3A_179 = arith.constant 0 : i32
        %dma_wait3A_180 = arith.constant 0 : i32
        %dma_wait3A_181 = tpu.memref_slice %arg11[%dma_wait3A_179, %dma_wait3A_180] : memref<10240x128xf32, #tpu.memory_space<vmem_shared>> -> memref<10240x128xf32, #tpu.memory_space<vmem_shared>>
        tpu.wait_indirect_dma semaphore(%run_scoped3A_169 : memref<!tpu.dma_semaphore, #tpu.memory_space<semaphore_mem>>) src(%arg9 : memref<128x128xf32, #tpu.memory_space<vmem>>) dst(%dma_wait3A_181 : memref<10240x128xf32, #tpu.memory_space<vmem_shared>>)
        tpu.yield
      }) : () -> ()
      %add3A_151 = arith.constant 2 : i32
      %add3A_152 = arith.addi %add3A_136, %add3A_151 : i32
      %dma_start3A_153 = arith.constant 0 : i32
      %dma_start3A_154 = tpu.memref_slice %arg7[%add3A_152, %dma_start3A_153] : memref<40x128xi32, #tpu.memory_space<vmem>> -> memref<1x128xi32, #tpu.memory_space<vmem>>
      %dma_start3A_155 = tpu.memref_squeeze %dma_start3A_154 : memref<1x128xi32, #tpu.memory_space<vmem>> -> memref<128xi32, #tpu.memory_space<vmem>>
      %dma_start3A_156 = arith.constant 0 : i32
      %dma_start3A_157 = arith.constant 0 : i32
      %dma_start3A_158 = tpu.memref_slice %arg2[%dma_start3A_156, %dma_start3A_157] : memref<10240x128xf32, #tpu.memory_space<hbm>> -> memref<10240x128xf32, #tpu.memory_space<hbm>>
      tpu.enqueue_indirect_dma source(%dma_start3A_158 : memref<10240x128xf32, #tpu.memory_space<hbm>>) target(%arg9 : memref<128x128xf32, #tpu.memory_space<vmem>>) offsets(%dma_start3A_155 : memref<128xi32, #tpu.memory_space<vmem>>) semaphore(%arg12 : memref<!tpu.dma_semaphore, #tpu.memory_space<semaphore_mem>>)
      %add3A_159 = arith.constant 1 : i32
      %add3A_160 = arith.addi %add3A_136, %add3A_159 : i32
      %dma_wait3A_161 = arith.constant 0 : i32
      %dma_wait3A_162 = tpu.memref_slice %arg7[%add3A_160, %dma_wait3A_161] : memref<40x128xi32, #tpu.memory_space<vmem>> -> memref<1x128xi32, #tpu.memory_space<vmem>>
      %dma_wait3A_163 = tpu.memref_squeeze %dma_wait3A_162 : memref<1x128xi32, #tpu.memory_space<vmem>> -> memref<128xi32, #tpu.memory_space<vmem>>
      %dma_wait3A_164 = arith.constant 0 : i32
      %dma_wait3A_165 = arith.constant 0 : i32
      %dma_wait3A_166 = tpu.memref_slice %arg2[%dma_wait3A_164, %dma_wait3A_165] : memref<10240x128xf32, #tpu.memory_space<hbm>> -> memref<10240x128xf32, #tpu.memory_space<hbm>>
      tpu.wait_indirect_dma semaphore(%arg13 : memref<!tpu.dma_semaphore, #tpu.memory_space<semaphore_mem>>) src(%dma_wait3A_166 : memref<10240x128xf32, #tpu.memory_space<hbm>>) dst(%arg10 : memref<128x128xf32, #tpu.memory_space<vmem>>)
      %add3A_167 = arith.constant 1 : i32
      %add3A_168 = arith.addi %add3A_136, %add3A_167 : i32
      "tpu.region"() ({
        %run_scoped3A_169 = tpu.sem_alloc : memref<!tpu.dma_semaphore, #tpu.memory_space<semaphore_mem>>
        %dma_start3A_170 = arith.constant 0 : i32
        %dma_start3A_171 = tpu.memref_slice %arg8[%add3A_168, %dma_start3A_170] : memref<40x128xi32, #tpu.memory_space<vmem>> -> memref<1x128xi32, #tpu.memory_space<vmem>>
        %dma_start3A_172 = tpu.memref_squeeze %dma_start3A_171 : memref<1x128xi32, #tpu.memory_space<vmem>> -> memref<128xi32, #tpu.memory_space<vmem>>
        %dma_start3A_173 = arith.constant 0 : i32
        %dma_start3A_174 = arith.constant 0 : i32
        %dma_start3A_175 = tpu.memref_slice %arg11[%dma_start3A_173, %dma_start3A_174] : memref<10240x128xf32, #tpu.memory_space<vmem_shared>> -> memref<10240x128xf32, #tpu.memory_space<vmem_shared>>
        tpu.enqueue_indirect_dma source(%arg10 : memref<128x128xf32, #tpu.memory_space<vmem>>) target(%dma_start3A_175 : memref<10240x128xf32, #tpu.memory_space<vmem_shared>>) offsets(%dma_start3A_172 : memref<128xi32, #tpu.memory_space<vmem>>) semaphore(%run_scoped3A_169 : memref<!tpu.dma_semaphore, #tpu.memory_space<semaphore_mem>>) {add = true}
        %dma_wait3A_176 = arith.constant 0 : i32
        %dma_wait3A_177 = tpu.memref_slice %arg8[%add3A_168, %dma_wait3A_176] : memref<40x128xi32, #tpu.memory_space<vmem>> -> memref<1x128xi32, #tpu.memory_space<vmem>>
        %dma_wait3A_178 = tpu.memref_squeeze %dma_wait3A_177 : memref<1x128xi32, #tpu.memory_space<vmem>> -> memref<128xi32, #tpu.memory_space<vmem>>
        %dma_wait3A_179 = arith.constant 0 : i32
        %dma_wait3A_180 = arith.constant 0 : i32
        %dma_wait3A_181 = tpu.memref_slice %arg11[%dma_wait3A_179, %dma_wait3A_180] : memref<10240x128xf32, #tpu.memory_space<vmem_shared>> -> memref<10240x128xf32, #tpu.memory_space<vmem_shared>>
        tpu.wait_indirect_dma semaphore(%run_scoped3A_169 : memref<!tpu.dma_semaphore, #tpu.memory_space<semaphore_mem>>) src(%arg10 : memref<128x128xf32, #tpu.memory_space<vmem>>) dst(%dma_wait3A_181 : memref<10240x128xf32, #tpu.memory_space<vmem_shared>>)
        tpu.yield
      }) : () -> ()
    }
    %scan3A_67 = arith.constant 19 : i32
    %dma_start3A_68 = arith.constant 39 : i32
    %dma_start3A_69 = arith.constant 0 : i32
    %dma_start3A_70 = tpu.memref_slice %arg7[%dma_start3A_68, %dma_start3A_69] : memref<40x128xi32, #tpu.memory_space<vmem>> -> memref<1x128xi32, #tpu.memory_space<vmem>>
    %dma_start3A_71 = tpu.memref_squeeze %dma_start3A_70 : memref<1x128xi32, #tpu.memory_space<vmem>> -> memref<128xi32, #tpu.memory_space<vmem>>
    %dma_start3A_72 = arith.constant 0 : i32
    %dma_start3A_73 = arith.constant 0 : i32
    %dma_start3A_74 = tpu.memref_slice %arg2[%dma_start3A_72, %dma_start3A_73] : memref<10240x128xf32, #tpu.memory_space<hbm>> -> memref<10240x128xf32, #tpu.memory_space<hbm>>
    tpu.enqueue_indirect_dma source(%dma_start3A_74 : memref<10240x128xf32, #tpu.memory_space<hbm>>) target(%arg10 : memref<128x128xf32, #tpu.memory_space<vmem>>) offsets(%dma_start3A_71 : memref<128xi32, #tpu.memory_space<vmem>>) semaphore(%arg13 : memref<!tpu.dma_semaphore, #tpu.memory_space<semaphore_mem>>)
    %dma_wait3A_75 = arith.constant 38 : i32
    %dma_wait3A_76 = arith.constant 0 : i32
    %dma_wait3A_77 = tpu.memref_slice %arg7[%dma_wait3A_75, %dma_wait3A_76] : memref<40x128xi32, #tpu.memory_space<vmem>> -> memref<1x128xi32, #tpu.memory_space<vmem>>
    %dma_wait3A_78 = tpu.memref_squeeze %dma_wait3A_77 : memref<1x128xi32, #tpu.memory_space<vmem>> -> memref<128xi32, #tpu.memory_space<vmem>>
    %dma_wait3A_79 = arith.constant 0 : i32
    %dma_wait3A_80 = arith.constant 0 : i32
    %dma_wait3A_81 = tpu.memref_slice %arg2[%dma_wait3A_79, %dma_wait3A_80] : memref<10240x128xf32, #tpu.memory_space<hbm>> -> memref<10240x128xf32, #tpu.memory_space<hbm>>
    tpu.wait_indirect_dma semaphore(%arg12 : memref<!tpu.dma_semaphore, #tpu.memory_space<semaphore_mem>>) src(%dma_wait3A_81 : memref<10240x128xf32, #tpu.memory_space<hbm>>) dst(%arg9 : memref<128x128xf32, #tpu.memory_space<vmem>>)
    %run_scoped3A_82 = arith.constant 38 : i32
    "tpu.region"() ({
      %run_scoped3A_132 = tpu.sem_alloc : memref<!tpu.dma_semaphore, #tpu.memory_space<semaphore_mem>>
      %dma_start3A_133 = arith.constant 0 : i32
      %dma_start3A_134 = tpu.memref_slice %arg8[%run_scoped3A_82, %dma_start3A_133] : memref<40x128xi32, #tpu.memory_space<vmem>> -> memref<1x128xi32, #tpu.memory_space<vmem>>
      %dma_start3A_135 = tpu.memref_squeeze %dma_start3A_134 : memref<1x128xi32, #tpu.memory_space<vmem>> -> memref<128xi32, #tpu.memory_space<vmem>>
      %dma_start3A_136 = arith.constant 0 : i32
      %dma_start3A_137 = arith.constant 0 : i32
      %dma_start3A_138 = tpu.memref_slice %arg11[%dma_start3A_136, %dma_start3A_137] : memref<10240x128xf32, #tpu.memory_space<vmem_shared>> -> memref<10240x128xf32, #tpu.memory_space<vmem_shared>>
      tpu.enqueue_indirect_dma source(%arg9 : memref<128x128xf32, #tpu.memory_space<vmem>>) target(%dma_start3A_138 : memref<10240x128xf32, #tpu.memory_space<vmem_shared>>) offsets(%dma_start3A_135 : memref<128xi32, #tpu.memory_space<vmem>>) semaphore(%run_scoped3A_132 : memref<!tpu.dma_semaphore, #tpu.memory_space<semaphore_mem>>) {add = true}
      %dma_wait3A_139 = arith.constant 0 : i32
      %dma_wait3A_140 = tpu.memref_slice %arg8[%run_scoped3A_82, %dma_wait3A_139] : memref<40x128xi32, #tpu.memory_space<vmem>> -> memref<1x128xi32, #tpu.memory_space<vmem>>
      %dma_wait3A_141 = tpu.memref_squeeze %dma_wait3A_140 : memref<1x128xi32, #tpu.memory_space<vmem>> -> memref<128xi32, #tpu.memory_space<vmem>>
      %dma_wait3A_142 = arith.constant 0 : i32
      %dma_wait3A_143 = arith.constant 0 : i32
      %dma_wait3A_144 = tpu.memref_slice %arg11[%dma_wait3A_142, %dma_wait3A_143] : memref<10240x128xf32, #tpu.memory_space<vmem_shared>> -> memref<10240x128xf32, #tpu.memory_space<vmem_shared>>
      tpu.wait_indirect_dma semaphore(%run_scoped3A_132 : memref<!tpu.dma_semaphore, #tpu.memory_space<semaphore_mem>>) src(%arg9 : memref<128x128xf32, #tpu.memory_space<vmem>>) dst(%dma_wait3A_144 : memref<10240x128xf32, #tpu.memory_space<vmem_shared>>)
      tpu.yield
    }) : () -> ()
    %dma_wait3A_83 = arith.constant 39 : i32
    %dma_wait3A_84 = arith.constant 0 : i32
    %dma_wait3A_85 = tpu.memref_slice %arg7[%dma_wait3A_83, %dma_wait3A_84] : memref<40x128xi32, #tpu.memory_space<vmem>> -> memref<1x128xi32, #tpu.memory_space<vmem>>
    %dma_wait3A_86 = tpu.memref_squeeze %dma_wait3A_85 : memref<1x128xi32, #tpu.memory_space<vmem>> -> memref<128xi32, #tpu.memory_space<vmem>>
    %dma_wait3A_87 = arith.constant 0 : i32
    %dma_wait3A_88 = arith.constant 0 : i32
    %dma_wait3A_89 = tpu.memref_slice %arg2[%dma_wait3A_87, %dma_wait3A_88] : memref<10240x128xf32, #tpu.memory_space<hbm>> -> memref<10240x128xf32, #tpu.memory_space<hbm>>
    tpu.wait_indirect_dma semaphore(%arg13 : memref<!tpu.dma_semaphore, #tpu.memory_space<semaphore_mem>>) src(%dma_wait3A_89 : memref<10240x128xf32, #tpu.memory_space<hbm>>) dst(%arg10 : memref<128x128xf32, #tpu.memory_space<vmem>>)
    %run_scoped3A_90 = arith.constant 39 : i32
    "tpu.region"() ({
      %run_scoped3A_132 = tpu.sem_alloc : memref<!tpu.dma_semaphore, #tpu.memory_space<semaphore_mem>>
      %dma_start3A_133 = arith.constant 0 : i32
      %dma_start3A_134 = tpu.memref_slice %arg8[%run_scoped3A_90, %dma_start3A_133] : memref<40x128xi32, #tpu.memory_space<vmem>> -> memref<1x128xi32, #tpu.memory_space<vmem>>
      %dma_start3A_135 = tpu.memref_squeeze %dma_start3A_134 : memref<1x128xi32, #tpu.memory_space<vmem>> -> memref<128xi32, #tpu.memory_space<vmem>>
      %dma_start3A_136 = arith.constant 0 : i32
      %dma_start3A_137 = arith.constant 0 : i32
      %dma_start3A_138 = tpu.memref_slice %arg11[%dma_start3A_136, %dma_start3A_137] : memref<10240x128xf32, #tpu.memory_space<vmem_shared>> -> memref<10240x128xf32, #tpu.memory_space<vmem_shared>>
      tpu.enqueue_indirect_dma source(%arg10 : memref<128x128xf32, #tpu.memory_space<vmem>>) target(%dma_start3A_138 : memref<10240x128xf32, #tpu.memory_space<vmem_shared>>) offsets(%dma_start3A_135 : memref<128xi32, #tpu.memory_space<vmem>>) semaphore(%run_scoped3A_132 : memref<!tpu.dma_semaphore, #tpu.memory_space<semaphore_mem>>) {add = true}
      %dma_wait3A_139 = arith.constant 0 : i32
      %dma_wait3A_140 = tpu.memref_slice %arg8[%run_scoped3A_90, %dma_wait3A_139] : memref<40x128xi32, #tpu.memory_space<vmem>> -> memref<1x128xi32, #tpu.memory_space<vmem>>
      %dma_wait3A_141 = tpu.memref_squeeze %dma_wait3A_140 : memref<1x128xi32, #tpu.memory_space<vmem>> -> memref<128xi32, #tpu.memory_space<vmem>>
      %dma_wait3A_142 = arith.constant 0 : i32
      %dma_wait3A_143 = arith.constant 0 : i32
      %dma_wait3A_144 = tpu.memref_slice %arg11[%dma_wait3A_142, %dma_wait3A_143] : memref<10240x128xf32, #tpu.memory_space<vmem_shared>> -> memref<10240x128xf32, #tpu.memory_space<vmem_shared>>
      tpu.wait_indirect_dma semaphore(%run_scoped3A_132 : memref<!tpu.dma_semaphore, #tpu.memory_space<semaphore_mem>>) src(%arg10 : memref<128x128xf32, #tpu.memory_space<vmem>>) dst(%dma_wait3A_144 : memref<10240x128xf32, #tpu.memory_space<vmem_shared>>)
      tpu.yield
    }) : () -> ()
    %barrier3A_91 = arith.constant 0 : index
    tpu.barrier barrier_id(%barrier3A_91)
    %mul3A_92 = arith.constant 640 : i32
    %mul3A_93 = arith.muli %arg1, %mul3A_92 : i32
    %add3A_94 = arith.constant 0 : i32
    %add3A_95 = arith.addi %mul3A_93, %add3A_94 : i32
    "tpu.region"() ({
      %run_scoped3A_132 = tpu.sem_alloc : memref<!tpu.dma_semaphore, #tpu.memory_space<semaphore_mem>>
      %dma_start3A_133 = arith.constant 0 : i32
      %dma_start3A_134 = tpu.memref_slice %arg11[%add3A_95, %dma_start3A_133] : memref<10240x128xf32, #tpu.memory_space<vmem_shared>> -> memref<128x128xf32, #tpu.memory_space<vmem_shared>>
      %dma_start3A_135 = arith.constant 0 : i32
      %dma_start3A_136 = tpu.memref_slice %arg11[%add3A_95, %dma_start3A_135] : memref<10240x128xf32, #tpu.memory_space<vmem_shared>> -> memref<128x128xf32, #tpu.memory_space<vmem_shared>>
      tpu.enqueue_dma source(%dma_start3A_136 : memref<128x128xf32, #tpu.memory_space<vmem_shared>>) target(%arg9 : memref<128x128xf32, #tpu.memory_space<vmem>>) target_semaphore(%run_scoped3A_132 : memref<!tpu.dma_semaphore, #tpu.memory_space<semaphore_mem>>)
      %dma_wait3A_137 = arith.constant 0 : i32
      %dma_wait3A_138 = tpu.memref_slice %arg11[%add3A_95, %dma_wait3A_137] : memref<10240x128xf32, #tpu.memory_space<vmem_shared>> -> memref<128x128xf32, #tpu.memory_space<vmem_shared>>
      %dma_wait3A_139 = arith.constant 0 : i32
      %dma_wait3A_140 = tpu.memref_slice %arg11[%add3A_95, %dma_wait3A_139] : memref<10240x128xf32, #tpu.memory_space<vmem_shared>> -> memref<128x128xf32, #tpu.memory_space<vmem_shared>>
      tpu.wait_dma2 semaphore(%run_scoped3A_132 : memref<!tpu.dma_semaphore, #tpu.memory_space<semaphore_mem>>) src(%dma_wait3A_140 : memref<128x128xf32, #tpu.memory_space<vmem_shared>>) dst(%arg9 : memref<128x128xf32, #tpu.memory_space<vmem>>)
      tpu.yield
    }) : () -> ()
    %mul3A_96 = arith.constant 640 : i32
    %mul3A_97 = arith.muli %arg1, %mul3A_96 : i32
    %add3A_98 = arith.constant 0 : i32
    %add3A_99 = arith.addi %mul3A_97, %add3A_98 : i32
    "tpu.region"() ({
      %run_scoped3A_132 = tpu.sem_alloc : memref<!tpu.dma_semaphore, #tpu.memory_space<semaphore_mem>>
      %dma_start3A_133 = arith.constant 0 : i32
      %dma_start3A_134 = tpu.memref_slice %arg6[%arg0, %add3A_99, %dma_start3A_133] : memref<2x10240x128xf32, #tpu.memory_space<hbm>> -> memref<1x128x128xf32, #tpu.memory_space<hbm>>
      %dma_start3A_135 = tpu.memref_squeeze %dma_start3A_134 : memref<1x128x128xf32, #tpu.memory_space<hbm>> -> memref<128x128xf32, #tpu.memory_space<hbm>>
      %dma_start3A_136 = arith.constant 0 : i32
      %dma_start3A_137 = tpu.memref_slice %arg6[%arg0, %add3A_99, %dma_start3A_136] : memref<2x10240x128xf32, #tpu.memory_space<hbm>> -> memref<1x128x128xf32, #tpu.memory_space<hbm>>
      %dma_start3A_138 = tpu.memref_squeeze %dma_start3A_137 : memref<1x128x128xf32, #tpu.memory_space<hbm>> -> memref<128x128xf32, #tpu.memory_space<hbm>>
      tpu.enqueue_dma source(%arg9 : memref<128x128xf32, #tpu.memory_space<vmem>>) target(%dma_start3A_138 : memref<128x128xf32, #tpu.memory_space<hbm>>) target_semaphore(%run_scoped3A_132 : memref<!tpu.dma_semaphore, #tpu.memory_space<semaphore_mem>>)
      %dma_wait3A_139 = arith.constant 0 : i32
      %dma_wait3A_140 = tpu.memref_slice %arg6[%arg0, %add3A_99, %dma_wait3A_139] : memref<2x10240x128xf32, #tpu.memory_space<hbm>> -> memref<1x128x128xf32, #tpu.memory_space<hbm>>
      %dma_wait3A_141 = tpu.memref_squeeze %dma_wait3A_140 : memref<1x128x128xf32, #tpu.memory_space<hbm>> -> memref<128x128xf32, #tpu.memory_space<hbm>>
      %dma_wait3A_142 = arith.constant 0 : i32
      %dma_wait3A_143 = tpu.memref_slice %arg6[%arg0, %add3A_99, %dma_wait3A_142] : memref<2x10240x128xf32, #tpu.memory_space<hbm>> -> memref<1x128x128xf32, #tpu.memory_space<hbm>>
      %dma_wait3A_144 = tpu.memref_squeeze %dma_wait3A_143 : memref<1x128x128xf32, #tpu.memory_space<hbm>> -> memref<128x128xf32, #tpu.memory_space<hbm>>
      tpu.wait_dma2 semaphore(%run_scoped3A_132 : memref<!tpu.dma_semaphore, #tpu.memory_space<semaphore_mem>>) src(%arg9 : memref<128x128xf32, #tpu.memory_space<vmem>>) dst(%dma_wait3A_144 : memref<128x128xf32, #tpu.memory_space<hbm>>)
      tpu.yield
    }) : () -> ()
    %mul3A_100 = arith.constant 640 : i32
    %mul3A_101 = arith.muli %arg1, %mul3A_100 : i32
    %add3A_102 = arith.constant 128 : i32
    %add3A_103 = arith.addi %mul3A_101, %add3A_102 : i32
    "tpu.region"() ({
      %run_scoped3A_132 = tpu.sem_alloc : memref<!tpu.dma_semaphore, #tpu.memory_space<semaphore_mem>>
      %dma_start3A_133 = arith.constant 0 : i32
      %dma_start3A_134 = tpu.memref_slice %arg11[%add3A_103, %dma_start3A_133] : memref<10240x128xf32, #tpu.memory_space<vmem_shared>> -> memref<128x128xf32, #tpu.memory_space<vmem_shared>>
      %dma_start3A_135 = arith.constant 0 : i32
      %dma_start3A_136 = tpu.memref_slice %arg11[%add3A_103, %dma_start3A_135] : memref<10240x128xf32, #tpu.memory_space<vmem_shared>> -> memref<128x128xf32, #tpu.memory_space<vmem_shared>>
      tpu.enqueue_dma source(%dma_start3A_136 : memref<128x128xf32, #tpu.memory_space<vmem_shared>>) target(%arg9 : memref<128x128xf32, #tpu.memory_space<vmem>>) target_semaphore(%run_scoped3A_132 : memref<!tpu.dma_semaphore, #tpu.memory_space<semaphore_mem>>)
      %dma_wait3A_137 = arith.constant 0 : i32
      %dma_wait3A_138 = tpu.memref_slice %arg11[%add3A_103, %dma_wait3A_137] : memref<10240x128xf32, #tpu.memory_space<vmem_shared>> -> memref<128x128xf32, #tpu.memory_space<vmem_shared>>
      %dma_wait3A_139 = arith.constant 0 : i32
      %dma_wait3A_140 = tpu.memref_slice %arg11[%add3A_103, %dma_wait3A_139] : memref<10240x128xf32, #tpu.memory_space<vmem_shared>> -> memref<128x128xf32, #tpu.memory_space<vmem_shared>>
      tpu.wait_dma2 semaphore(%run_scoped3A_132 : memref<!tpu.dma_semaphore, #tpu.memory_space<semaphore_mem>>) src(%dma_wait3A_140 : memref<128x128xf32, #tpu.memory_space<vmem_shared>>) dst(%arg9 : memref<128x128xf32, #tpu.memory_space<vmem>>)
      tpu.yield
    }) : () -> ()
    %mul3A_104 = arith.constant 640 : i32
    %mul3A_105 = arith.muli %arg1, %mul3A_104 : i32
    %add3A_106 = arith.constant 128 : i32
    %add3A_107 = arith.addi %mul3A_105, %add3A_106 : i32
    "tpu.region"() ({
      %run_scoped3A_132 = tpu.sem_alloc : memref<!tpu.dma_semaphore, #tpu.memory_space<semaphore_mem>>
      %dma_start3A_133 = arith.constant 0 : i32
      %dma_start3A_134 = tpu.memref_slice %arg6[%arg0, %add3A_107, %dma_start3A_133] : memref<2x10240x128xf32, #tpu.memory_space<hbm>> -> memref<1x128x128xf32, #tpu.memory_space<hbm>>
      %dma_start3A_135 = tpu.memref_squeeze %dma_start3A_134 : memref<1x128x128xf32, #tpu.memory_space<hbm>> -> memref<128x128xf32, #tpu.memory_space<hbm>>
      %dma_start3A_136 = arith.constant 0 : i32
      %dma_start3A_137 = tpu.memref_slice %arg6[%arg0, %add3A_107, %dma_start3A_136] : memref<2x10240x128xf32, #tpu.memory_space<hbm>> -> memref<1x128x128xf32, #tpu.memory_space<hbm>>
      %dma_start3A_138 = tpu.memref_squeeze %dma_start3A_137 : memref<1x128x128xf32, #tpu.memory_space<hbm>> -> memref<128x128xf32, #tpu.memory_space<hbm>>
      tpu.enqueue_dma source(%arg9 : memref<128x128xf32, #tpu.memory_space<vmem>>) target(%dma_start3A_138 : memref<128x128xf32, #tpu.memory_space<hbm>>) target_semaphore(%run_scoped3A_132 : memref<!tpu.dma_semaphore, #tpu.memory_space<semaphore_mem>>)
      %dma_wait3A_139 = arith.constant 0 : i32
      %dma_wait3A_140 = tpu.memref_slice %arg6[%arg0, %add3A_107, %dma_wait3A_139] : memref<2x10240x128xf32, #tpu.memory_space<hbm>> -> memref<1x128x128xf32, #tpu.memory_space<hbm>>
      %dma_wait3A_141 = tpu.memref_squeeze %dma_wait3A_140 : memref<1x128x128xf32, #tpu.memory_space<hbm>> -> memref<128x128xf32, #tpu.memory_space<hbm>>
      %dma_wait3A_142 = arith.constant 0 : i32
      %dma_wait3A_143 = tpu.memref_slice %arg6[%arg0, %add3A_107, %dma_wait3A_142] : memref<2x10240x128xf32, #tpu.memory_space<hbm>> -> memref<1x128x128xf32, #tpu.memory_space<hbm>>
      %dma_wait3A_144 = tpu.memref_squeeze %dma_wait3A_143 : memref<1x128x128xf32, #tpu.memory_space<hbm>> -> memref<128x128xf32, #tpu.memory_space<hbm>>
      tpu.wait_dma2 semaphore(%run_scoped3A_132 : memref<!tpu.dma_semaphore, #tpu.memory_space<semaphore_mem>>) src(%arg9 : memref<128x128xf32, #tpu.memory_space<vmem>>) dst(%dma_wait3A_144 : memref<128x128xf32, #tpu.memory_space<hbm>>)
      tpu.yield
    }) : () -> ()
    %mul3A_108 = arith.constant 640 : i32
    %mul3A_109 = arith.muli %arg1, %mul3A_108 : i32
    %add3A_110 = arith.constant 256 : i32
    %add3A_111 = arith.addi %mul3A_109, %add3A_110 : i32
    "tpu.region"() ({
      %run_scoped3A_132 = tpu.sem_alloc : memref<!tpu.dma_semaphore, #tpu.memory_space<semaphore_mem>>
      %dma_start3A_133 = arith.constant 0 : i32
      %dma_start3A_134 = tpu.memref_slice %arg11[%add3A_111, %dma_start3A_133] : memref<10240x128xf32, #tpu.memory_space<vmem_shared>> -> memref<128x128xf32, #tpu.memory_space<vmem_shared>>
      %dma_start3A_135 = arith.constant 0 : i32
      %dma_start3A_136 = tpu.memref_slice %arg11[%add3A_111, %dma_start3A_135] : memref<10240x128xf32, #tpu.memory_space<vmem_shared>> -> memref<128x128xf32, #tpu.memory_space<vmem_shared>>
      tpu.enqueue_dma source(%dma_start3A_136 : memref<128x128xf32, #tpu.memory_space<vmem_shared>>) target(%arg9 : memref<128x128xf32, #tpu.memory_space<vmem>>) target_semaphore(%run_scoped3A_132 : memref<!tpu.dma_semaphore, #tpu.memory_space<semaphore_mem>>)
      %dma_wait3A_137 = arith.constant 0 : i32
      %dma_wait3A_138 = tpu.memref_slice %arg11[%add3A_111, %dma_wait3A_137] : memref<10240x128xf32, #tpu.memory_space<vmem_shared>> -> memref<128x128xf32, #tpu.memory_space<vmem_shared>>
      %dma_wait3A_139 = arith.constant 0 : i32
      %dma_wait3A_140 = tpu.memref_slice %arg11[%add3A_111, %dma_wait3A_139] : memref<10240x128xf32, #tpu.memory_space<vmem_shared>> -> memref<128x128xf32, #tpu.memory_space<vmem_shared>>
      tpu.wait_dma2 semaphore(%run_scoped3A_132 : memref<!tpu.dma_semaphore, #tpu.memory_space<semaphore_mem>>) src(%dma_wait3A_140 : memref<128x128xf32, #tpu.memory_space<vmem_shared>>) dst(%arg9 : memref<128x128xf32, #tpu.memory_space<vmem>>)
      tpu.yield
    }) : () -> ()
    %mul3A_112 = arith.constant 640 : i32
    %mul3A_113 = arith.muli %arg1, %mul3A_112 : i32
    %add3A_114 = arith.constant 256 : i32
    %add3A_115 = arith.addi %mul3A_113, %add3A_114 : i32
    "tpu.region"() ({
      %run_scoped3A_132 = tpu.sem_alloc : memref<!tpu.dma_semaphore, #tpu.memory_space<semaphore_mem>>
      %dma_start3A_133 = arith.constant 0 : i32
      %dma_start3A_134 = tpu.memref_slice %arg6[%arg0, %add3A_115, %dma_start3A_133] : memref<2x10240x128xf32, #tpu.memory_space<hbm>> -> memref<1x128x128xf32, #tpu.memory_space<hbm>>
      %dma_start3A_135 = tpu.memref_squeeze %dma_start3A_134 : memref<1x128x128xf32, #tpu.memory_space<hbm>> -> memref<128x128xf32, #tpu.memory_space<hbm>>
      %dma_start3A_136 = arith.constant 0 : i32
      %dma_start3A_137 = tpu.memref_slice %arg6[%arg0, %add3A_115, %dma_start3A_136] : memref<2x10240x128xf32, #tpu.memory_space<hbm>> -> memref<1x128x128xf32, #tpu.memory_space<hbm>>
      %dma_start3A_138 = tpu.memref_squeeze %dma_start3A_137 : memref<1x128x128xf32, #tpu.memory_space<hbm>> -> memref<128x128xf32, #tpu.memory_space<hbm>>
      tpu.enqueue_dma source(%arg9 : memref<128x128xf32, #tpu.memory_space<vmem>>) target(%dma_start3A_138 : memref<128x128xf32, #tpu.memory_space<hbm>>) target_semaphore(%run_scoped3A_132 : memref<!tpu.dma_semaphore, #tpu.memory_space<semaphore_mem>>)
      %dma_wait3A_139 = arith.constant 0 : i32
      %dma_wait3A_140 = tpu.memref_slice %arg6[%arg0, %add3A_115, %dma_wait3A_139] : memref<2x10240x128xf32, #tpu.memory_space<hbm>> -> memref<1x128x128xf32, #tpu.memory_space<hbm>>
      %dma_wait3A_141 = tpu.memref_squeeze %dma_wait3A_140 : memref<1x128x128xf32, #tpu.memory_space<hbm>> -> memref<128x128xf32, #tpu.memory_space<hbm>>
      %dma_wait3A_142 = arith.constant 0 : i32
      %dma_wait3A_143 = tpu.memref_slice %arg6[%arg0, %add3A_115, %dma_wait3A_142] : memref<2x10240x128xf32, #tpu.memory_space<hbm>> -> memref<1x128x128xf32, #tpu.memory_space<hbm>>
      %dma_wait3A_144 = tpu.memref_squeeze %dma_wait3A_143 : memref<1x128x128xf32, #tpu.memory_space<hbm>> -> memref<128x128xf32, #tpu.memory_space<hbm>>
      tpu.wait_dma2 semaphore(%run_scoped3A_132 : memref<!tpu.dma_semaphore, #tpu.memory_space<semaphore_mem>>) src(%arg9 : memref<128x128xf32, #tpu.memory_space<vmem>>) dst(%dma_wait3A_144 : memref<128x128xf32, #tpu.memory_space<hbm>>)
      tpu.yield
    }) : () -> ()
    %mul3A_116 = arith.constant 640 : i32
    %mul3A_117 = arith.muli %arg1, %mul3A_116 : i32
    %add3A_118 = arith.constant 384 : i32
    %add3A_119 = arith.addi %mul3A_117, %add3A_118 : i32
    "tpu.region"() ({
      %run_scoped3A_132 = tpu.sem_alloc : memref<!tpu.dma_semaphore, #tpu.memory_space<semaphore_mem>>
      %dma_start3A_133 = arith.constant 0 : i32
      %dma_start3A_134 = tpu.memref_slice %arg11[%add3A_119, %dma_start3A_133] : memref<10240x128xf32, #tpu.memory_space<vmem_shared>> -> memref<128x128xf32, #tpu.memory_space<vmem_shared>>
      %dma_start3A_135 = arith.constant 0 : i32
      %dma_start3A_136 = tpu.memref_slice %arg11[%add3A_119, %dma_start3A_135] : memref<10240x128xf32, #tpu.memory_space<vmem_shared>> -> memref<128x128xf32, #tpu.memory_space<vmem_shared>>
      tpu.enqueue_dma source(%dma_start3A_136 : memref<128x128xf32, #tpu.memory_space<vmem_shared>>) target(%arg9 : memref<128x128xf32, #tpu.memory_space<vmem>>) target_semaphore(%run_scoped3A_132 : memref<!tpu.dma_semaphore, #tpu.memory_space<semaphore_mem>>)
      %dma_wait3A_137 = arith.constant 0 : i32
      %dma_wait3A_138 = tpu.memref_slice %arg11[%add3A_119, %dma_wait3A_137] : memref<10240x128xf32, #tpu.memory_space<vmem_shared>> -> memref<128x128xf32, #tpu.memory_space<vmem_shared>>
      %dma_wait3A_139 = arith.constant 0 : i32
      %dma_wait3A_140 = tpu.memref_slice %arg11[%add3A_119, %dma_wait3A_139] : memref<10240x128xf32, #tpu.memory_space<vmem_shared>> -> memref<128x128xf32, #tpu.memory_space<vmem_shared>>
      tpu.wait_dma2 semaphore(%run_scoped3A_132 : memref<!tpu.dma_semaphore, #tpu.memory_space<semaphore_mem>>) src(%dma_wait3A_140 : memref<128x128xf32, #tpu.memory_space<vmem_shared>>) dst(%arg9 : memref<128x128xf32, #tpu.memory_space<vmem>>)
      tpu.yield
    }) : () -> ()
    %mul3A_120 = arith.constant 640 : i32
    %mul3A_121 = arith.muli %arg1, %mul3A_120 : i32
    %add3A_122 = arith.constant 384 : i32
    %add3A_123 = arith.addi %mul3A_121, %add3A_122 : i32
    "tpu.region"() ({
      %run_scoped3A_132 = tpu.sem_alloc : memref<!tpu.dma_semaphore, #tpu.memory_space<semaphore_mem>>
      %dma_start3A_133 = arith.constant 0 : i32
      %dma_start3A_134 = tpu.memref_slice %arg6[%arg0, %add3A_123, %dma_start3A_133] : memref<2x10240x128xf32, #tpu.memory_space<hbm>> -> memref<1x128x128xf32, #tpu.memory_space<hbm>>
      %dma_start3A_135 = tpu.memref_squeeze %dma_start3A_134 : memref<1x128x128xf32, #tpu.memory_space<hbm>> -> memref<128x128xf32, #tpu.memory_space<hbm>>
      %dma_start3A_136 = arith.constant 0 : i32
      %dma_start3A_137 = tpu.memref_slice %arg6[%arg0, %add3A_123, %dma_start3A_136] : memref<2x10240x128xf32, #tpu.memory_space<hbm>> -> memref<1x128x128xf32, #tpu.memory_space<hbm>>
      %dma_start3A_138 = tpu.memref_squeeze %dma_start3A_137 : memref<1x128x128xf32, #tpu.memory_space<hbm>> -> memref<128x128xf32, #tpu.memory_space<hbm>>
      tpu.enqueue_dma source(%arg9 : memref<128x128xf32, #tpu.memory_space<vmem>>) target(%dma_start3A_138 : memref<128x128xf32, #tpu.memory_space<hbm>>) target_semaphore(%run_scoped3A_132 : memref<!tpu.dma_semaphore, #tpu.memory_space<semaphore_mem>>)
      %dma_wait3A_139 = arith.constant 0 : i32
      %dma_wait3A_140 = tpu.memref_slice %arg6[%arg0, %add3A_123, %dma_wait3A_139] : memref<2x10240x128xf32, #tpu.memory_space<hbm>> -> memref<1x128x128xf32, #tpu.memory_space<hbm>>
      %dma_wait3A_141 = tpu.memref_squeeze %dma_wait3A_140 : memref<1x128x128xf32, #tpu.memory_space<hbm>> -> memref<128x128xf32, #tpu.memory_space<hbm>>
      %dma_wait3A_142 = arith.constant 0 : i32
      %dma_wait3A_143 = tpu.memref_slice %arg6[%arg0, %add3A_123, %dma_wait3A_142] : memref<2x10240x128xf32, #tpu.memory_space<hbm>> -> memref<1x128x128xf32, #tpu.memory_space<hbm>>
      %dma_wait3A_144 = tpu.memref_squeeze %dma_wait3A_143 : memref<1x128x128xf32, #tpu.memory_space<hbm>> -> memref<128x128xf32, #tpu.memory_space<hbm>>
      tpu.wait_dma2 semaphore(%run_scoped3A_132 : memref<!tpu.dma_semaphore, #tpu.memory_space<semaphore_mem>>) src(%arg9 : memref<128x128xf32, #tpu.memory_space<vmem>>) dst(%dma_wait3A_144 : memref<128x128xf32, #tpu.memory_space<hbm>>)
      tpu.yield
    }) : () -> ()
    %mul3A_124 = arith.constant 640 : i32
    %mul3A_125 = arith.muli %arg1, %mul3A_124 : i32
    %add3A_126 = arith.constant 512 : i32
    %add3A_127 = arith.addi %mul3A_125, %add3A_126 : i32
    "tpu.region"() ({
      %run_scoped3A_132 = tpu.sem_alloc : memref<!tpu.dma_semaphore, #tpu.memory_space<semaphore_mem>>
      %dma_start3A_133 = arith.constant 0 : i32
      %dma_start3A_134 = tpu.memref_slice %arg11[%add3A_127, %dma_start3A_133] : memref<10240x128xf32, #tpu.memory_space<vmem_shared>> -> memref<128x128xf32, #tpu.memory_space<vmem_shared>>
      %dma_start3A_135 = arith.constant 0 : i32
      %dma_start3A_136 = tpu.memref_slice %arg11[%add3A_127, %dma_start3A_135] : memref<10240x128xf32, #tpu.memory_space<vmem_shared>> -> memref<128x128xf32, #tpu.memory_space<vmem_shared>>
      tpu.enqueue_dma source(%dma_start3A_136 : memref<128x128xf32, #tpu.memory_space<vmem_shared>>) target(%arg9 : memref<128x128xf32, #tpu.memory_space<vmem>>) target_semaphore(%run_scoped3A_132 : memref<!tpu.dma_semaphore, #tpu.memory_space<semaphore_mem>>)
      %dma_wait3A_137 = arith.constant 0 : i32
      %dma_wait3A_138 = tpu.memref_slice %arg11[%add3A_127, %dma_wait3A_137] : memref<10240x128xf32, #tpu.memory_space<vmem_shared>> -> memref<128x128xf32, #tpu.memory_space<vmem_shared>>
      %dma_wait3A_139 = arith.constant 0 : i32
      %dma_wait3A_140 = tpu.memref_slice %arg11[%add3A_127, %dma_wait3A_139] : memref<10240x128xf32, #tpu.memory_space<vmem_shared>> -> memref<128x128xf32, #tpu.memory_space<vmem_shared>>
      tpu.wait_dma2 semaphore(%run_scoped3A_132 : memref<!tpu.dma_semaphore, #tpu.memory_space<semaphore_mem>>) src(%dma_wait3A_140 : memref<128x128xf32, #tpu.memory_space<vmem_shared>>) dst(%arg9 : memref<128x128xf32, #tpu.memory_space<vmem>>)
      tpu.yield
    }) : () -> ()
    %mul3A_128 = arith.constant 640 : i32
    %mul3A_129 = arith.muli %arg1, %mul3A_128 : i32
    %add3A_130 = arith.constant 512 : i32
    %add3A_131 = arith.addi %mul3A_129, %add3A_130 : i32
    "tpu.region"() ({
      %run_scoped3A_132 = tpu.sem_alloc : memref<!tpu.dma_semaphore, #tpu.memory_space<semaphore_mem>>
      %dma_start3A_133 = arith.constant 0 : i32
      %dma_start3A_134 = tpu.memref_slice %arg6[%arg0, %add3A_131, %dma_start3A_133] : memref<2x10240x128xf32, #tpu.memory_space<hbm>> -> memref<1x128x128xf32, #tpu.memory_space<hbm>>
      %dma_start3A_135 = tpu.memref_squeeze %dma_start3A_134 : memref<1x128x128xf32, #tpu.memory_space<hbm>> -> memref<128x128xf32, #tpu.memory_space<hbm>>
      %dma_start3A_136 = arith.constant 0 : i32
      %dma_start3A_137 = tpu.memref_slice %arg6[%arg0, %add3A_131, %dma_start3A_136] : memref<2x10240x128xf32, #tpu.memory_space<hbm>> -> memref<1x128x128xf32, #tpu.memory_space<hbm>>
      %dma_start3A_138 = tpu.memref_squeeze %dma_start3A_137 : memref<1x128x128xf32, #tpu.memory_space<hbm>> -> memref<128x128xf32, #tpu.memory_space<hbm>>
      tpu.enqueue_dma source(%arg9 : memref<128x128xf32, #tpu.memory_space<vmem>>) target(%dma_start3A_138 : memref<128x128xf32, #tpu.memory_space<hbm>>) target_semaphore(%run_scoped3A_132 : memref<!tpu.dma_semaphore, #tpu.memory_space<semaphore_mem>>)
      %dma_wait3A_139 = arith.constant 0 : i32
      %dma_wait3A_140 = tpu.memref_slice %arg6[%arg0, %add3A_131, %dma_wait3A_139] : memref<2x10240x128xf32, #tpu.memory_space<hbm>> -> memref<1x128x128xf32, #tpu.memory_space<hbm>>
      %dma_wait3A_141 = tpu.memref_squeeze %dma_wait3A_140 : memref<1x128x128xf32, #tpu.memory_space<hbm>> -> memref<128x128xf32, #tpu.memory_space<hbm>>
      %dma_wait3A_142 = arith.constant 0 : i32
      %dma_wait3A_143 = tpu.memref_slice %arg6[%arg0, %add3A_131, %dma_wait3A_142] : memref<2x10240x128xf32, #tpu.memory_space<hbm>> -> memref<1x128x128xf32, #tpu.memory_space<hbm>>
      %dma_wait3A_144 = tpu.memref_squeeze %dma_wait3A_143 : memref<1x128x128xf32, #tpu.memory_space<hbm>> -> memref<128x128xf32, #tpu.memory_space<hbm>>
      tpu.wait_dma2 semaphore(%run_scoped3A_132 : memref<!tpu.dma_semaphore, #tpu.memory_space<semaphore_mem>>) src(%arg9 : memref<128x128xf32, #tpu.memory_space<vmem>>) dst(%dma_wait3A_144 : memref<128x128xf32, #tpu.memory_space<hbm>>)
      tpu.yield
    }) : () -> ()
    return
  }
}

#map = affine_map<(d0, d1) -> (0, 0)>
#map1 = affine_map<(d0, d1) -> (0, 0, 0, 0)>
#map2 = affine_map<(d0, d1) -> (0, 0, 0)>
module attributes {stable_mosaic.version = 14 : i64} {
  func.func @_sc_segsum(%arg0: i32, %arg1: i32, %arg2: memref<10240x128xf32, #tpu.memory_space<hbm>>, %arg3: memref<32x2x40x128xi32, #tpu.memory_space<hbm>>, %arg4: memref<32x2x40x128xi32, #tpu.memory_space<hbm>>, %arg5: memref<128x128xf32, #tpu.memory_space<hbm>>, %arg6: memref<2x10240x128xf32, #tpu.memory_space<hbm>>, %arg7: memref<40x128xi32, #tpu.memory_space<vmem>>, %arg8: memref<40x128xi32, #tpu.memory_space<vmem>>, %arg9: memref<128x128xf32, #tpu.memory_space<vmem>>, %arg10: memref<128x128xf32, #tpu.memory_space<vmem>>, %arg11: memref<10240x128xf32, #tpu.memory_space<vmem_shared>>, %arg12: memref<!tpu.dma_semaphore, #tpu.memory_space<semaphore_mem>>, %arg13: memref<!tpu.dma_semaphore, #tpu.memory_space<semaphore_mem>>) attributes {dimension_semantics = [#tpu.dimension_semantics<core_parallel>, #tpu.dimension_semantics<subcore_parallel>], iteration_bounds = array<i64: 2, 16>, scalar_prefetch = 0 : i64, scratch_operands = 7 : i64, tpu.core_type = #tpu.core_type<sc_vector_subcore>, window_params = [{transform_indices = #map}, {transform_indices = #map1}, {transform_indices = #map1}, {transform_indices = #map}, {transform_indices = #map2}]} {
    %mul3A = arith.constant 2 : i32
    %mul3A_0 = arith.muli %arg1, %mul3A : i32
    %add3A = arith.addi %mul3A_0, %arg0 : i32
    "tpu.region"() ({
      %run_scoped3A_132 = tpu.sem_alloc : memref<!tpu.dma_semaphore, #tpu.memory_space<semaphore_mem>>
      tpu.enqueue_dma source(%arg5 : memref<128x128xf32, #tpu.memory_space<hbm>>) target(%arg9 : memref<128x128xf32, #tpu.memory_space<vmem>>) target_semaphore(%run_scoped3A_132 : memref<!tpu.dma_semaphore, #tpu.memory_space<semaphore_mem>>)
      tpu.wait_dma2 semaphore(%run_scoped3A_132 : memref<!tpu.dma_semaphore, #tpu.memory_space<semaphore_mem>>) src(%arg5 : memref<128x128xf32, #tpu.memory_space<hbm>>) dst(%arg9 : memref<128x128xf32, #tpu.memory_space<vmem>>)
      tpu.yield
    }) : () -> ()
    %mul3A_1 = arith.constant 640 : i32
    %mul3A_2 = arith.muli %arg1, %mul3A_1 : i32
    %add3A_3 = arith.constant 0 : i32
    %add3A_4 = arith.addi %mul3A_2, %add3A_3 : i32
    "tpu.region"() ({
      %run_scoped3A_132 = tpu.sem_alloc : memref<!tpu.dma_semaphore, #tpu.memory_space<semaphore_mem>>
      %dma_start3A_133 = arith.constant 0 : i32
      %dma_start3A_134 = tpu.memref_slice %arg11[%add3A_4, %dma_start3A_133] : memref<10240x128xf32, #tpu.memory_space<vmem_shared>> -> memref<128x128xf32, #tpu.memory_space<vmem_shared>>
      %dma_start3A_135 = arith.constant 0 : i32
      %dma_start3A_136 = tpu.memref_slice %arg11[%add3A_4, %dma_start3A_135] : memref<10240x128xf32, #tpu.memory_space<vmem_shared>> -> memref<128x128xf32, #tpu.memory_space<vmem_shared>>
      tpu.enqueue_dma source(%arg9 : memref<128x128xf32, #tpu.memory_space<vmem>>) target(%dma_start3A_136 : memref<128x128xf32, #tpu.memory_space<vmem_shared>>) target_semaphore(%run_scoped3A_132 : memref<!tpu.dma_semaphore, #tpu.memory_space<semaphore_mem>>)
      %dma_wait3A_137 = arith.constant 0 : i32
      %dma_wait3A_138 = tpu.memref_slice %arg11[%add3A_4, %dma_wait3A_137] : memref<10240x128xf32, #tpu.memory_space<vmem_shared>> -> memref<128x128xf32, #tpu.memory_space<vmem_shared>>
      %dma_wait3A_139 = arith.constant 0 : i32
      %dma_wait3A_140 = tpu.memref_slice %arg11[%add3A_4, %dma_wait3A_139] : memref<10240x128xf32, #tpu.memory_space<vmem_shared>> -> memref<128x128xf32, #tpu.memory_space<vmem_shared>>
      tpu.wait_dma2 semaphore(%run_scoped3A_132 : memref<!tpu.dma_semaphore, #tpu.memory_space<semaphore_mem>>) src(%arg9 : memref<128x128xf32, #tpu.memory_space<vmem>>) dst(%dma_wait3A_140 : memref<128x128xf32, #tpu.memory_space<vmem_shared>>)
      tpu.yield
    }) : () -> ()
    %mul3A_5 = arith.constant 640 : i32
    %mul3A_6 = arith.muli %arg1, %mul3A_5 : i32
    %add3A_7 = arith.constant 128 : i32
    %add3A_8 = arith.addi %mul3A_6, %add3A_7 : i32
    "tpu.region"() ({
      %run_scoped3A_132 = tpu.sem_alloc : memref<!tpu.dma_semaphore, #tpu.memory_space<semaphore_mem>>
      %dma_start3A_133 = arith.constant 0 : i32
      %dma_start3A_134 = tpu.memref_slice %arg11[%add3A_8, %dma_start3A_133] : memref<10240x128xf32, #tpu.memory_space<vmem_shared>> -> memref<128x128xf32, #tpu.memory_space<vmem_shared>>
      %dma_start3A_135 = arith.constant 0 : i32
      %dma_start3A_136 = tpu.memref_slice %arg11[%add3A_8, %dma_start3A_135] : memref<10240x128xf32, #tpu.memory_space<vmem_shared>> -> memref<128x128xf32, #tpu.memory_space<vmem_shared>>
      tpu.enqueue_dma source(%arg9 : memref<128x128xf32, #tpu.memory_space<vmem>>) target(%dma_start3A_136 : memref<128x128xf32, #tpu.memory_space<vmem_shared>>) target_semaphore(%run_scoped3A_132 : memref<!tpu.dma_semaphore, #tpu.memory_space<semaphore_mem>>)
      %dma_wait3A_137 = arith.constant 0 : i32
      %dma_wait3A_138 = tpu.memref_slice %arg11[%add3A_8, %dma_wait3A_137] : memref<10240x128xf32, #tpu.memory_space<vmem_shared>> -> memref<128x128xf32, #tpu.memory_space<vmem_shared>>
      %dma_wait3A_139 = arith.constant 0 : i32
      %dma_wait3A_140 = tpu.memref_slice %arg11[%add3A_8, %dma_wait3A_139] : memref<10240x128xf32, #tpu.memory_space<vmem_shared>> -> memref<128x128xf32, #tpu.memory_space<vmem_shared>>
      tpu.wait_dma2 semaphore(%run_scoped3A_132 : memref<!tpu.dma_semaphore, #tpu.memory_space<semaphore_mem>>) src(%arg9 : memref<128x128xf32, #tpu.memory_space<vmem>>) dst(%dma_wait3A_140 : memref<128x128xf32, #tpu.memory_space<vmem_shared>>)
      tpu.yield
    }) : () -> ()
    %mul3A_9 = arith.constant 640 : i32
    %mul3A_10 = arith.muli %arg1, %mul3A_9 : i32
    %add3A_11 = arith.constant 256 : i32
    %add3A_12 = arith.addi %mul3A_10, %add3A_11 : i32
    "tpu.region"() ({
      %run_scoped3A_132 = tpu.sem_alloc : memref<!tpu.dma_semaphore, #tpu.memory_space<semaphore_mem>>
      %dma_start3A_133 = arith.constant 0 : i32
      %dma_start3A_134 = tpu.memref_slice %arg11[%add3A_12, %dma_start3A_133] : memref<10240x128xf32, #tpu.memory_space<vmem_shared>> -> memref<128x128xf32, #tpu.memory_space<vmem_shared>>
      %dma_start3A_135 = arith.constant 0 : i32
      %dma_start3A_136 = tpu.memref_slice %arg11[%add3A_12, %dma_start3A_135] : memref<10240x128xf32, #tpu.memory_space<vmem_shared>> -> memref<128x128xf32, #tpu.memory_space<vmem_shared>>
      tpu.enqueue_dma source(%arg9 : memref<128x128xf32, #tpu.memory_space<vmem>>) target(%dma_start3A_136 : memref<128x128xf32, #tpu.memory_space<vmem_shared>>) target_semaphore(%run_scoped3A_132 : memref<!tpu.dma_semaphore, #tpu.memory_space<semaphore_mem>>)
      %dma_wait3A_137 = arith.constant 0 : i32
      %dma_wait3A_138 = tpu.memref_slice %arg11[%add3A_12, %dma_wait3A_137] : memref<10240x128xf32, #tpu.memory_space<vmem_shared>> -> memref<128x128xf32, #tpu.memory_space<vmem_shared>>
      %dma_wait3A_139 = arith.constant 0 : i32
      %dma_wait3A_140 = tpu.memref_slice %arg11[%add3A_12, %dma_wait3A_139] : memref<10240x128xf32, #tpu.memory_space<vmem_shared>> -> memref<128x128xf32, #tpu.memory_space<vmem_shared>>
      tpu.wait_dma2 semaphore(%run_scoped3A_132 : memref<!tpu.dma_semaphore, #tpu.memory_space<semaphore_mem>>) src(%arg9 : memref<128x128xf32, #tpu.memory_space<vmem>>) dst(%dma_wait3A_140 : memref<128x128xf32, #tpu.memory_space<vmem_shared>>)
      tpu.yield
    }) : () -> ()
    %mul3A_13 = arith.constant 640 : i32
    %mul3A_14 = arith.muli %arg1, %mul3A_13 : i32
    %add3A_15 = arith.constant 384 : i32
    %add3A_16 = arith.addi %mul3A_14, %add3A_15 : i32
    "tpu.region"() ({
      %run_scoped3A_132 = tpu.sem_alloc : memref<!tpu.dma_semaphore, #tpu.memory_space<semaphore_mem>>
      %dma_start3A_133 = arith.constant 0 : i32
      %dma_start3A_134 = tpu.memref_slice %arg11[%add3A_16, %dma_start3A_133] : memref<10240x128xf32, #tpu.memory_space<vmem_shared>> -> memref<128x128xf32, #tpu.memory_space<vmem_shared>>
      %dma_start3A_135 = arith.constant 0 : i32
      %dma_start3A_136 = tpu.memref_slice %arg11[%add3A_16, %dma_start3A_135] : memref<10240x128xf32, #tpu.memory_space<vmem_shared>> -> memref<128x128xf32, #tpu.memory_space<vmem_shared>>
      tpu.enqueue_dma source(%arg9 : memref<128x128xf32, #tpu.memory_space<vmem>>) target(%dma_start3A_136 : memref<128x128xf32, #tpu.memory_space<vmem_shared>>) target_semaphore(%run_scoped3A_132 : memref<!tpu.dma_semaphore, #tpu.memory_space<semaphore_mem>>)
      %dma_wait3A_137 = arith.constant 0 : i32
      %dma_wait3A_138 = tpu.memref_slice %arg11[%add3A_16, %dma_wait3A_137] : memref<10240x128xf32, #tpu.memory_space<vmem_shared>> -> memref<128x128xf32, #tpu.memory_space<vmem_shared>>
      %dma_wait3A_139 = arith.constant 0 : i32
      %dma_wait3A_140 = tpu.memref_slice %arg11[%add3A_16, %dma_wait3A_139] : memref<10240x128xf32, #tpu.memory_space<vmem_shared>> -> memref<128x128xf32, #tpu.memory_space<vmem_shared>>
      tpu.wait_dma2 semaphore(%run_scoped3A_132 : memref<!tpu.dma_semaphore, #tpu.memory_space<semaphore_mem>>) src(%arg9 : memref<128x128xf32, #tpu.memory_space<vmem>>) dst(%dma_wait3A_140 : memref<128x128xf32, #tpu.memory_space<vmem_shared>>)
      tpu.yield
    }) : () -> ()
    %mul3A_17 = arith.constant 640 : i32
    %mul3A_18 = arith.muli %arg1, %mul3A_17 : i32
    %add3A_19 = arith.constant 512 : i32
    %add3A_20 = arith.addi %mul3A_18, %add3A_19 : i32
    "tpu.region"() ({
      %run_scoped3A_132 = tpu.sem_alloc : memref<!tpu.dma_semaphore, #tpu.memory_space<semaphore_mem>>
      %dma_start3A_133 = arith.constant 0 : i32
      %dma_start3A_134 = tpu.memref_slice %arg11[%add3A_20, %dma_start3A_133] : memref<10240x128xf32, #tpu.memory_space<vmem_shared>> -> memref<128x128xf32, #tpu.memory_space<vmem_shared>>
      %dma_start3A_135 = arith.constant 0 : i32
      %dma_start3A_136 = tpu.memref_slice %arg11[%add3A_20, %dma_start3A_135] : memref<10240x128xf32, #tpu.memory_space<vmem_shared>> -> memref<128x128xf32, #tpu.memory_space<vmem_shared>>
      tpu.enqueue_dma source(%arg9 : memref<128x128xf32, #tpu.memory_space<vmem>>) target(%dma_start3A_136 : memref<128x128xf32, #tpu.memory_space<vmem_shared>>) target_semaphore(%run_scoped3A_132 : memref<!tpu.dma_semaphore, #tpu.memory_space<semaphore_mem>>)
      %dma_wait3A_137 = arith.constant 0 : i32
      %dma_wait3A_138 = tpu.memref_slice %arg11[%add3A_20, %dma_wait3A_137] : memref<10240x128xf32, #tpu.memory_space<vmem_shared>> -> memref<128x128xf32, #tpu.memory_space<vmem_shared>>
      %dma_wait3A_139 = arith.constant 0 : i32
      %dma_wait3A_140 = tpu.memref_slice %arg11[%add3A_20, %dma_wait3A_139] : memref<10240x128xf32, #tpu.memory_space<vmem_shared>> -> memref<128x128xf32, #tpu.memory_space<vmem_shared>>
      tpu.wait_dma2 semaphore(%run_scoped3A_132 : memref<!tpu.dma_semaphore, #tpu.memory_space<semaphore_mem>>) src(%arg9 : memref<128x128xf32, #tpu.memory_space<vmem>>) dst(%dma_wait3A_140 : memref<128x128xf32, #tpu.memory_space<vmem_shared>>)
      tpu.yield
    }) : () -> ()
    %barrier3A = arith.constant 0 : index
    tpu.barrier barrier_id(%barrier3A)
    %run_scoped3A = arith.constant 0 : i32
    "tpu.region"() ({
      %run_scoped3A_132 = tpu.sem_alloc : memref<!tpu.dma_semaphore, #tpu.memory_space<semaphore_mem>>
      %dma_start3A_133 = arith.constant 0 : i32
      %dma_start3A_134 = arith.constant 0 : i32
      %dma_start3A_135 = tpu.memref_slice %arg3[%add3A, %run_scoped3A, %dma_start3A_133, %dma_start3A_134] : memref<32x2x40x128xi32, #tpu.memory_space<hbm>> -> memref<1x1x40x128xi32, #tpu.memory_space<hbm>>
      %dma_start3A_136 = tpu.memref_squeeze %dma_start3A_135 : memref<1x1x40x128xi32, #tpu.memory_space<hbm>> -> memref<40x128xi32, #tpu.memory_space<hbm>>
      %dma_start3A_137 = arith.constant 0 : i32
      %dma_start3A_138 = arith.constant 0 : i32
      %dma_start3A_139 = tpu.memref_slice %arg3[%add3A, %run_scoped3A, %dma_start3A_137, %dma_start3A_138] : memref<32x2x40x128xi32, #tpu.memory_space<hbm>> -> memref<1x1x40x128xi32, #tpu.memory_space<hbm>>
      %dma_start3A_140 = tpu.memref_squeeze %dma_start3A_139 : memref<1x1x40x128xi32, #tpu.memory_space<hbm>> -> memref<40x128xi32, #tpu.memory_space<hbm>>
      tpu.enqueue_dma source(%dma_start3A_140 : memref<40x128xi32, #tpu.memory_space<hbm>>) target(%arg7 : memref<40x128xi32, #tpu.memory_space<vmem>>) target_semaphore(%run_scoped3A_132 : memref<!tpu.dma_semaphore, #tpu.memory_space<semaphore_mem>>)
      %dma_wait3A_141 = arith.constant 0 : i32
      %dma_wait3A_142 = arith.constant 0 : i32
      %dma_wait3A_143 = tpu.memref_slice %arg3[%add3A, %run_scoped3A, %dma_wait3A_141, %dma_wait3A_142] : memref<32x2x40x128xi32, #tpu.memory_space<hbm>> -> memref<1x1x40x128xi32, #tpu.memory_space<hbm>>
      %dma_wait3A_144 = tpu.memref_squeeze %dma_wait3A_143 : memref<1x1x40x128xi32, #tpu.memory_space<hbm>> -> memref<40x128xi32, #tpu.memory_space<hbm>>
      %dma_wait3A_145 = arith.constant 0 : i32
      %dma_wait3A_146 = arith.constant 0 : i32
      %dma_wait3A_147 = tpu.memref_slice %arg3[%add3A, %run_scoped3A, %dma_wait3A_145, %dma_wait3A_146] : memref<32x2x40x128xi32, #tpu.memory_space<hbm>> -> memref<1x1x40x128xi32, #tpu.memory_space<hbm>>
      %dma_wait3A_148 = tpu.memref_squeeze %dma_wait3A_147 : memref<1x1x40x128xi32, #tpu.memory_space<hbm>> -> memref<40x128xi32, #tpu.memory_space<hbm>>
      tpu.wait_dma2 semaphore(%run_scoped3A_132 : memref<!tpu.dma_semaphore, #tpu.memory_space<semaphore_mem>>) src(%dma_wait3A_148 : memref<40x128xi32, #tpu.memory_space<hbm>>) dst(%arg7 : memref<40x128xi32, #tpu.memory_space<vmem>>)
      tpu.yield
    }) : () -> ()
    %run_scoped3A_21 = arith.constant 0 : i32
    "tpu.region"() ({
      %run_scoped3A_132 = tpu.sem_alloc : memref<!tpu.dma_semaphore, #tpu.memory_space<semaphore_mem>>
      %dma_start3A_133 = arith.constant 0 : i32
      %dma_start3A_134 = arith.constant 0 : i32
      %dma_start3A_135 = tpu.memref_slice %arg4[%add3A, %run_scoped3A_21, %dma_start3A_133, %dma_start3A_134] : memref<32x2x40x128xi32, #tpu.memory_space<hbm>> -> memref<1x1x40x128xi32, #tpu.memory_space<hbm>>
      %dma_start3A_136 = tpu.memref_squeeze %dma_start3A_135 : memref<1x1x40x128xi32, #tpu.memory_space<hbm>> -> memref<40x128xi32, #tpu.memory_space<hbm>>
      %dma_start3A_137 = arith.constant 0 : i32
      %dma_start3A_138 = arith.constant 0 : i32
      %dma_start3A_139 = tpu.memref_slice %arg4[%add3A, %run_scoped3A_21, %dma_start3A_137, %dma_start3A_138] : memref<32x2x40x128xi32, #tpu.memory_space<hbm>> -> memref<1x1x40x128xi32, #tpu.memory_space<hbm>>
      %dma_start3A_140 = tpu.memref_squeeze %dma_start3A_139 : memref<1x1x40x128xi32, #tpu.memory_space<hbm>> -> memref<40x128xi32, #tpu.memory_space<hbm>>
      tpu.enqueue_dma source(%dma_start3A_140 : memref<40x128xi32, #tpu.memory_space<hbm>>) target(%arg8 : memref<40x128xi32, #tpu.memory_space<vmem>>) target_semaphore(%run_scoped3A_132 : memref<!tpu.dma_semaphore, #tpu.memory_space<semaphore_mem>>)
      %dma_wait3A_141 = arith.constant 0 : i32
      %dma_wait3A_142 = arith.constant 0 : i32
      %dma_wait3A_143 = tpu.memref_slice %arg4[%add3A, %run_scoped3A_21, %dma_wait3A_141, %dma_wait3A_142] : memref<32x2x40x128xi32, #tpu.memory_space<hbm>> -> memref<1x1x40x128xi32, #tpu.memory_space<hbm>>
      %dma_wait3A_144 = tpu.memref_squeeze %dma_wait3A_143 : memref<1x1x40x128xi32, #tpu.memory_space<hbm>> -> memref<40x128xi32, #tpu.memory_space<hbm>>
      %dma_wait3A_145 = arith.constant 0 : i32
      %dma_wait3A_146 = arith.constant 0 : i32
      %dma_wait3A_147 = tpu.memref_slice %arg4[%add3A, %run_scoped3A_21, %dma_wait3A_145, %dma_wait3A_146] : memref<32x2x40x128xi32, #tpu.memory_space<hbm>> -> memref<1x1x40x128xi32, #tpu.memory_space<hbm>>
      %dma_wait3A_148 = tpu.memref_squeeze %dma_wait3A_147 : memref<1x1x40x128xi32, #tpu.memory_space<hbm>> -> memref<40x128xi32, #tpu.memory_space<hbm>>
      tpu.wait_dma2 semaphore(%run_scoped3A_132 : memref<!tpu.dma_semaphore, #tpu.memory_space<semaphore_mem>>) src(%dma_wait3A_148 : memref<40x128xi32, #tpu.memory_space<hbm>>) dst(%arg8 : memref<40x128xi32, #tpu.memory_space<vmem>>)
      tpu.yield
    }) : () -> ()
    %dma_start3A = arith.constant 0 : i32
    %dma_start3A_22 = arith.constant 0 : i32
    %dma_start3A_23 = tpu.memref_slice %arg7[%dma_start3A, %dma_start3A_22] : memref<40x128xi32, #tpu.memory_space<vmem>> -> memref<1x128xi32, #tpu.memory_space<vmem>>
    %dma_start3A_24 = tpu.memref_squeeze %dma_start3A_23 : memref<1x128xi32, #tpu.memory_space<vmem>> -> memref<128xi32, #tpu.memory_space<vmem>>
    %dma_start3A_25 = arith.constant 0 : i32
    %dma_start3A_26 = arith.constant 0 : i32
    %dma_start3A_27 = tpu.memref_slice %arg2[%dma_start3A_25, %dma_start3A_26] : memref<10240x128xf32, #tpu.memory_space<hbm>> -> memref<10240x128xf32, #tpu.memory_space<hbm>>
    tpu.enqueue_indirect_dma source(%dma_start3A_27 : memref<10240x128xf32, #tpu.memory_space<hbm>>) target(%arg9 : memref<128x128xf32, #tpu.memory_space<vmem>>) offsets(%dma_start3A_24 : memref<128xi32, #tpu.memory_space<vmem>>) semaphore(%arg12 : memref<!tpu.dma_semaphore, #tpu.memory_space<semaphore_mem>>)
    %scan3A = arith.constant 0 : i32
    %scan3A_28 = arith.constant 19 : i32
    %scan3A_29 = arith.addi %scan3A, %scan3A_28 : i32
    %scan3A_30 = arith.constant 1 : i32
    scf.for %scan3A_132 = %scan3A to %scan3A_29 step %scan3A_30  : i32 {
      %mul3A_133 = arith.constant 2 : i32
      %mul3A_134 = arith.muli %scan3A_132, %mul3A_133 : i32
      %add3A_135 = arith.constant 0 : i32
      %add3A_136 = arith.addi %add3A_135, %mul3A_134 : i32
      %add3A_137 = arith.constant 1 : i32
      %add3A_138 = arith.addi %add3A_136, %add3A_137 : i32
      %dma_start3A_139 = arith.constant 0 : i32
      %dma_start3A_140 = tpu.memref_slice %arg7[%add3A_138, %dma_start3A_139] : memref<40x128xi32, #tpu.memory_space<vmem>> -> memref<1x128xi32, #tpu.memory_space<vmem>>
      %dma_start3A_141 = tpu.memref_squeeze %dma_start3A_140 : memref<1x128xi32, #tpu.memory_space<vmem>> -> memref<128xi32, #tpu.memory_space<vmem>>
      %dma_start3A_142 = arith.constant 0 : i32
      %dma_start3A_143 = arith.constant 0 : i32
      %dma_start3A_144 = tpu.memref_slice %arg2[%dma_start3A_142, %dma_start3A_143] : memref<10240x128xf32, #tpu.memory_space<hbm>> -> memref<10240x128xf32, #tpu.memory_space<hbm>>
      tpu.enqueue_indirect_dma source(%dma_start3A_144 : memref<10240x128xf32, #tpu.memory_space<hbm>>) target(%arg10 : memref<128x128xf32, #tpu.memory_space<vmem>>) offsets(%dma_start3A_141 : memref<128xi32, #tpu.memory_space<vmem>>) semaphore(%arg13 : memref<!tpu.dma_semaphore, #tpu.memory_space<semaphore_mem>>)
      %dma_wait3A_145 = arith.constant 0 : i32
      %dma_wait3A_146 = tpu.memref_slice %arg7[%add3A_136, %dma_wait3A_145] : memref<40x128xi32, #tpu.memory_space<vmem>> -> memref<1x128xi32, #tpu.memory_space<vmem>>
      %dma_wait3A_147 = tpu.memref_squeeze %dma_wait3A_146 : memref<1x128xi32, #tpu.memory_space<vmem>> -> memref<128xi32, #tpu.memory_space<vmem>>
      %dma_wait3A_148 = arith.constant 0 : i32
      %dma_wait3A_149 = arith.constant 0 : i32
      %dma_wait3A_150 = tpu.memref_slice %arg2[%dma_wait3A_148, %dma_wait3A_149] : memref<10240x128xf32, #tpu.memory_space<hbm>> -> memref<10240x128xf32, #tpu.memory_space<hbm>>
      tpu.wait_indirect_dma semaphore(%arg12 : memref<!tpu.dma_semaphore, #tpu.memory_space<semaphore_mem>>) src(%dma_wait3A_150 : memref<10240x128xf32, #tpu.memory_space<hbm>>) dst(%arg9 : memref<128x128xf32, #tpu.memory_space<vmem>>)
      "tpu.region"() ({
        %run_scoped3A_169 = tpu.sem_alloc : memref<!tpu.dma_semaphore, #tpu.memory_space<semaphore_mem>>
        %dma_start3A_170 = arith.constant 0 : i32
        %dma_start3A_171 = tpu.memref_slice %arg8[%add3A_136, %dma_start3A_170] : memref<40x128xi32, #tpu.memory_space<vmem>> -> memref<1x128xi32, #tpu.memory_space<vmem>>
        %dma_start3A_172 = tpu.memref_squeeze %dma_start3A_171 : memref<1x128xi32, #tpu.memory_space<vmem>> -> memref<128xi32, #tpu.memory_space<vmem>>
        %dma_start3A_173 = arith.constant 0 : i32
        %dma_start3A_174 = arith.constant 0 : i32
        %dma_start3A_175 = tpu.memref_slice %arg11[%dma_start3A_173, %dma_start3A_174] : memref<10240x128xf32, #tpu.memory_space<vmem_shared>> -> memref<10240x128xf32, #tpu.memory_space<vmem_shared>>
        tpu.enqueue_indirect_dma source(%arg9 : memref<128x128xf32, #tpu.memory_space<vmem>>) target(%dma_start3A_175 : memref<10240x128xf32, #tpu.memory_space<vmem_shared>>) offsets(%dma_start3A_172 : memref<128xi32, #tpu.memory_space<vmem>>) semaphore(%run_scoped3A_169 : memref<!tpu.dma_semaphore, #tpu.memory_space<semaphore_mem>>) {add = true}
        %dma_wait3A_176 = arith.constant 0 : i32
        %dma_wait3A_177 = tpu.memref_slice %arg8[%add3A_136, %dma_wait3A_176] : memref<40x128xi32, #tpu.memory_space<vmem>> -> memref<1x128xi32, #tpu.memory_space<vmem>>
        %dma_wait3A_178 = tpu.memref_squeeze %dma_wait3A_177 : memref<1x128xi32, #tpu.memory_space<vmem>> -> memref<128xi32, #tpu.memory_space<vmem>>
        %dma_wait3A_179 = arith.constant 0 : i32
        %dma_wait3A_180 = arith.constant 0 : i32
        %dma_wait3A_181 = tpu.memref_slice %arg11[%dma_wait3A_179, %dma_wait3A_180] : memref<10240x128xf32, #tpu.memory_space<vmem_shared>> -> memref<10240x128xf32, #tpu.memory_space<vmem_shared>>
        tpu.wait_indirect_dma semaphore(%run_scoped3A_169 : memref<!tpu.dma_semaphore, #tpu.memory_space<semaphore_mem>>) src(%arg9 : memref<128x128xf32, #tpu.memory_space<vmem>>) dst(%dma_wait3A_181 : memref<10240x128xf32, #tpu.memory_space<vmem_shared>>)
        tpu.yield
      }) : () -> ()
      %add3A_151 = arith.constant 2 : i32
      %add3A_152 = arith.addi %add3A_136, %add3A_151 : i32
      %dma_start3A_153 = arith.constant 0 : i32
      %dma_start3A_154 = tpu.memref_slice %arg7[%add3A_152, %dma_start3A_153] : memref<40x128xi32, #tpu.memory_space<vmem>> -> memref<1x128xi32, #tpu.memory_space<vmem>>
      %dma_start3A_155 = tpu.memref_squeeze %dma_start3A_154 : memref<1x128xi32, #tpu.memory_space<vmem>> -> memref<128xi32, #tpu.memory_space<vmem>>
      %dma_start3A_156 = arith.constant 0 : i32
      %dma_start3A_157 = arith.constant 0 : i32
      %dma_start3A_158 = tpu.memref_slice %arg2[%dma_start3A_156, %dma_start3A_157] : memref<10240x128xf32, #tpu.memory_space<hbm>> -> memref<10240x128xf32, #tpu.memory_space<hbm>>
      tpu.enqueue_indirect_dma source(%dma_start3A_158 : memref<10240x128xf32, #tpu.memory_space<hbm>>) target(%arg9 : memref<128x128xf32, #tpu.memory_space<vmem>>) offsets(%dma_start3A_155 : memref<128xi32, #tpu.memory_space<vmem>>) semaphore(%arg12 : memref<!tpu.dma_semaphore, #tpu.memory_space<semaphore_mem>>)
      %add3A_159 = arith.constant 1 : i32
      %add3A_160 = arith.addi %add3A_136, %add3A_159 : i32
      %dma_wait3A_161 = arith.constant 0 : i32
      %dma_wait3A_162 = tpu.memref_slice %arg7[%add3A_160, %dma_wait3A_161] : memref<40x128xi32, #tpu.memory_space<vmem>> -> memref<1x128xi32, #tpu.memory_space<vmem>>
      %dma_wait3A_163 = tpu.memref_squeeze %dma_wait3A_162 : memref<1x128xi32, #tpu.memory_space<vmem>> -> memref<128xi32, #tpu.memory_space<vmem>>
      %dma_wait3A_164 = arith.constant 0 : i32
      %dma_wait3A_165 = arith.constant 0 : i32
      %dma_wait3A_166 = tpu.memref_slice %arg2[%dma_wait3A_164, %dma_wait3A_165] : memref<10240x128xf32, #tpu.memory_space<hbm>> -> memref<10240x128xf32, #tpu.memory_space<hbm>>
      tpu.wait_indirect_dma semaphore(%arg13 : memref<!tpu.dma_semaphore, #tpu.memory_space<semaphore_mem>>) src(%dma_wait3A_166 : memref<10240x128xf32, #tpu.memory_space<hbm>>) dst(%arg10 : memref<128x128xf32, #tpu.memory_space<vmem>>)
      %add3A_167 = arith.constant 1 : i32
      %add3A_168 = arith.addi %add3A_136, %add3A_167 : i32
      "tpu.region"() ({
        %run_scoped3A_169 = tpu.sem_alloc : memref<!tpu.dma_semaphore, #tpu.memory_space<semaphore_mem>>
        %dma_start3A_170 = arith.constant 0 : i32
        %dma_start3A_171 = tpu.memref_slice %arg8[%add3A_168, %dma_start3A_170] : memref<40x128xi32, #tpu.memory_space<vmem>> -> memref<1x128xi32, #tpu.memory_space<vmem>>
        %dma_start3A_172 = tpu.memref_squeeze %dma_start3A_171 : memref<1x128xi32, #tpu.memory_space<vmem>> -> memref<128xi32, #tpu.memory_space<vmem>>
        %dma_start3A_173 = arith.constant 0 : i32
        %dma_start3A_174 = arith.constant 0 : i32
        %dma_start3A_175 = tpu.memref_slice %arg11[%dma_start3A_173, %dma_start3A_174] : memref<10240x128xf32, #tpu.memory_space<vmem_shared>> -> memref<10240x128xf32, #tpu.memory_space<vmem_shared>>
        tpu.enqueue_indirect_dma source(%arg10 : memref<128x128xf32, #tpu.memory_space<vmem>>) target(%dma_start3A_175 : memref<10240x128xf32, #tpu.memory_space<vmem_shared>>) offsets(%dma_start3A_172 : memref<128xi32, #tpu.memory_space<vmem>>) semaphore(%run_scoped3A_169 : memref<!tpu.dma_semaphore, #tpu.memory_space<semaphore_mem>>) {add = true}
        %dma_wait3A_176 = arith.constant 0 : i32
        %dma_wait3A_177 = tpu.memref_slice %arg8[%add3A_168, %dma_wait3A_176] : memref<40x128xi32, #tpu.memory_space<vmem>> -> memref<1x128xi32, #tpu.memory_space<vmem>>
        %dma_wait3A_178 = tpu.memref_squeeze %dma_wait3A_177 : memref<1x128xi32, #tpu.memory_space<vmem>> -> memref<128xi32, #tpu.memory_space<vmem>>
        %dma_wait3A_179 = arith.constant 0 : i32
        %dma_wait3A_180 = arith.constant 0 : i32
        %dma_wait3A_181 = tpu.memref_slice %arg11[%dma_wait3A_179, %dma_wait3A_180] : memref<10240x128xf32, #tpu.memory_space<vmem_shared>> -> memref<10240x128xf32, #tpu.memory_space<vmem_shared>>
        tpu.wait_indirect_dma semaphore(%run_scoped3A_169 : memref<!tpu.dma_semaphore, #tpu.memory_space<semaphore_mem>>) src(%arg10 : memref<128x128xf32, #tpu.memory_space<vmem>>) dst(%dma_wait3A_181 : memref<10240x128xf32, #tpu.memory_space<vmem_shared>>)
        tpu.yield
      }) : () -> ()
    }
    %scan3A_31 = arith.constant 19 : i32
    %dma_start3A_32 = arith.constant 39 : i32
    %dma_start3A_33 = arith.constant 0 : i32
    %dma_start3A_34 = tpu.memref_slice %arg7[%dma_start3A_32, %dma_start3A_33] : memref<40x128xi32, #tpu.memory_space<vmem>> -> memref<1x128xi32, #tpu.memory_space<vmem>>
    %dma_start3A_35 = tpu.memref_squeeze %dma_start3A_34 : memref<1x128xi32, #tpu.memory_space<vmem>> -> memref<128xi32, #tpu.memory_space<vmem>>
    %dma_start3A_36 = arith.constant 0 : i32
    %dma_start3A_37 = arith.constant 0 : i32
    %dma_start3A_38 = tpu.memref_slice %arg2[%dma_start3A_36, %dma_start3A_37] : memref<10240x128xf32, #tpu.memory_space<hbm>> -> memref<10240x128xf32, #tpu.memory_space<hbm>>
    tpu.enqueue_indirect_dma source(%dma_start3A_38 : memref<10240x128xf32, #tpu.memory_space<hbm>>) target(%arg10 : memref<128x128xf32, #tpu.memory_space<vmem>>) offsets(%dma_start3A_35 : memref<128xi32, #tpu.memory_space<vmem>>) semaphore(%arg13 : memref<!tpu.dma_semaphore, #tpu.memory_space<semaphore_mem>>)
    %dma_wait3A = arith.constant 38 : i32
    %dma_wait3A_39 = arith.constant 0 : i32
    %dma_wait3A_40 = tpu.memref_slice %arg7[%dma_wait3A, %dma_wait3A_39] : memref<40x128xi32, #tpu.memory_space<vmem>> -> memref<1x128xi32, #tpu.memory_space<vmem>>
    %dma_wait3A_41 = tpu.memref_squeeze %dma_wait3A_40 : memref<1x128xi32, #tpu.memory_space<vmem>> -> memref<128xi32, #tpu.memory_space<vmem>>
    %dma_wait3A_42 = arith.constant 0 : i32
    %dma_wait3A_43 = arith.constant 0 : i32
    %dma_wait3A_44 = tpu.memref_slice %arg2[%dma_wait3A_42, %dma_wait3A_43] : memref<10240x128xf32, #tpu.memory_space<hbm>> -> memref<10240x128xf32, #tpu.memory_space<hbm>>
    tpu.wait_indirect_dma semaphore(%arg12 : memref<!tpu.dma_semaphore, #tpu.memory_space<semaphore_mem>>) src(%dma_wait3A_44 : memref<10240x128xf32, #tpu.memory_space<hbm>>) dst(%arg9 : memref<128x128xf32, #tpu.memory_space<vmem>>)
    %run_scoped3A_45 = arith.constant 38 : i32
    "tpu.region"() ({
      %run_scoped3A_132 = tpu.sem_alloc : memref<!tpu.dma_semaphore, #tpu.memory_space<semaphore_mem>>
      %dma_start3A_133 = arith.constant 0 : i32
      %dma_start3A_134 = tpu.memref_slice %arg8[%run_scoped3A_45, %dma_start3A_133] : memref<40x128xi32, #tpu.memory_space<vmem>> -> memref<1x128xi32, #tpu.memory_space<vmem>>
      %dma_start3A_135 = tpu.memref_squeeze %dma_start3A_134 : memref<1x128xi32, #tpu.memory_space<vmem>> -> memref<128xi32, #tpu.memory_space<vmem>>
      %dma_start3A_136 = arith.constant 0 : i32
      %dma_start3A_137 = arith.constant 0 : i32
      %dma_start3A_138 = tpu.memref_slice %arg11[%dma_start3A_136, %dma_start3A_137] : memref<10240x128xf32, #tpu.memory_space<vmem_shared>> -> memref<10240x128xf32, #tpu.memory_space<vmem_shared>>
      tpu.enqueue_indirect_dma source(%arg9 : memref<128x128xf32, #tpu.memory_space<vmem>>) target(%dma_start3A_138 : memref<10240x128xf32, #tpu.memory_space<vmem_shared>>) offsets(%dma_start3A_135 : memref<128xi32, #tpu.memory_space<vmem>>) semaphore(%run_scoped3A_132 : memref<!tpu.dma_semaphore, #tpu.memory_space<semaphore_mem>>) {add = true}
      %dma_wait3A_139 = arith.constant 0 : i32
      %dma_wait3A_140 = tpu.memref_slice %arg8[%run_scoped3A_45, %dma_wait3A_139] : memref<40x128xi32, #tpu.memory_space<vmem>> -> memref<1x128xi32, #tpu.memory_space<vmem>>
      %dma_wait3A_141 = tpu.memref_squeeze %dma_wait3A_140 : memref<1x128xi32, #tpu.memory_space<vmem>> -> memref<128xi32, #tpu.memory_space<vmem>>
      %dma_wait3A_142 = arith.constant 0 : i32
      %dma_wait3A_143 = arith.constant 0 : i32
      %dma_wait3A_144 = tpu.memref_slice %arg11[%dma_wait3A_142, %dma_wait3A_143] : memref<10240x128xf32, #tpu.memory_space<vmem_shared>> -> memref<10240x128xf32, #tpu.memory_space<vmem_shared>>
      tpu.wait_indirect_dma semaphore(%run_scoped3A_132 : memref<!tpu.dma_semaphore, #tpu.memory_space<semaphore_mem>>) src(%arg9 : memref<128x128xf32, #tpu.memory_space<vmem>>) dst(%dma_wait3A_144 : memref<10240x128xf32, #tpu.memory_space<vmem_shared>>)
      tpu.yield
    }) : () -> ()
    %dma_wait3A_46 = arith.constant 39 : i32
    %dma_wait3A_47 = arith.constant 0 : i32
    %dma_wait3A_48 = tpu.memref_slice %arg7[%dma_wait3A_46, %dma_wait3A_47] : memref<40x128xi32, #tpu.memory_space<vmem>> -> memref<1x128xi32, #tpu.memory_space<vmem>>
    %dma_wait3A_49 = tpu.memref_squeeze %dma_wait3A_48 : memref<1x128xi32, #tpu.memory_space<vmem>> -> memref<128xi32, #tpu.memory_space<vmem>>
    %dma_wait3A_50 = arith.constant 0 : i32
    %dma_wait3A_51 = arith.constant 0 : i32
    %dma_wait3A_52 = tpu.memref_slice %arg2[%dma_wait3A_50, %dma_wait3A_51] : memref<10240x128xf32, #tpu.memory_space<hbm>> -> memref<10240x128xf32, #tpu.memory_space<hbm>>
    tpu.wait_indirect_dma semaphore(%arg13 : memref<!tpu.dma_semaphore, #tpu.memory_space<semaphore_mem>>) src(%dma_wait3A_52 : memref<10240x128xf32, #tpu.memory_space<hbm>>) dst(%arg10 : memref<128x128xf32, #tpu.memory_space<vmem>>)
    %run_scoped3A_53 = arith.constant 39 : i32
    "tpu.region"() ({
      %run_scoped3A_132 = tpu.sem_alloc : memref<!tpu.dma_semaphore, #tpu.memory_space<semaphore_mem>>
      %dma_start3A_133 = arith.constant 0 : i32
      %dma_start3A_134 = tpu.memref_slice %arg8[%run_scoped3A_53, %dma_start3A_133] : memref<40x128xi32, #tpu.memory_space<vmem>> -> memref<1x128xi32, #tpu.memory_space<vmem>>
      %dma_start3A_135 = tpu.memref_squeeze %dma_start3A_134 : memref<1x128xi32, #tpu.memory_space<vmem>> -> memref<128xi32, #tpu.memory_space<vmem>>
      %dma_start3A_136 = arith.constant 0 : i32
      %dma_start3A_137 = arith.constant 0 : i32
      %dma_start3A_138 = tpu.memref_slice %arg11[%dma_start3A_136, %dma_start3A_137] : memref<10240x128xf32, #tpu.memory_space<vmem_shared>> -> memref<10240x128xf32, #tpu.memory_space<vmem_shared>>
      tpu.enqueue_indirect_dma source(%arg10 : memref<128x128xf32, #tpu.memory_space<vmem>>) target(%dma_start3A_138 : memref<10240x128xf32, #tpu.memory_space<vmem_shared>>) offsets(%dma_start3A_135 : memref<128xi32, #tpu.memory_space<vmem>>) semaphore(%run_scoped3A_132 : memref<!tpu.dma_semaphore, #tpu.memory_space<semaphore_mem>>) {add = true}
      %dma_wait3A_139 = arith.constant 0 : i32
      %dma_wait3A_140 = tpu.memref_slice %arg8[%run_scoped3A_53, %dma_wait3A_139] : memref<40x128xi32, #tpu.memory_space<vmem>> -> memref<1x128xi32, #tpu.memory_space<vmem>>
      %dma_wait3A_141 = tpu.memref_squeeze %dma_wait3A_140 : memref<1x128xi32, #tpu.memory_space<vmem>> -> memref<128xi32, #tpu.memory_space<vmem>>
      %dma_wait3A_142 = arith.constant 0 : i32
      %dma_wait3A_143 = arith.constant 0 : i32
      %dma_wait3A_144 = tpu.memref_slice %arg11[%dma_wait3A_142, %dma_wait3A_143] : memref<10240x128xf32, #tpu.memory_space<vmem_shared>> -> memref<10240x128xf32, #tpu.memory_space<vmem_shared>>
      tpu.wait_indirect_dma semaphore(%run_scoped3A_132 : memref<!tpu.dma_semaphore, #tpu.memory_space<semaphore_mem>>) src(%arg10 : memref<128x128xf32, #tpu.memory_space<vmem>>) dst(%dma_wait3A_144 : memref<10240x128xf32, #tpu.memory_space<vmem_shared>>)
      tpu.yield
    }) : () -> ()
    %run_scoped3A_54 = arith.constant 1 : i32
    "tpu.region"() ({
      %run_scoped3A_132 = tpu.sem_alloc : memref<!tpu.dma_semaphore, #tpu.memory_space<semaphore_mem>>
      %dma_start3A_133 = arith.constant 0 : i32
      %dma_start3A_134 = arith.constant 0 : i32
      %dma_start3A_135 = tpu.memref_slice %arg3[%add3A, %run_scoped3A_54, %dma_start3A_133, %dma_start3A_134] : memref<32x2x40x128xi32, #tpu.memory_space<hbm>> -> memref<1x1x40x128xi32, #tpu.memory_space<hbm>>
      %dma_start3A_136 = tpu.memref_squeeze %dma_start3A_135 : memref<1x1x40x128xi32, #tpu.memory_space<hbm>> -> memref<40x128xi32, #tpu.memory_space<hbm>>
      %dma_start3A_137 = arith.constant 0 : i32
      %dma_start3A_138 = arith.constant 0 : i32
      %dma_start3A_139 = tpu.memref_slice %arg3[%add3A, %run_scoped3A_54, %dma_start3A_137, %dma_start3A_138] : memref<32x2x40x128xi32, #tpu.memory_space<hbm>> -> memref<1x1x40x128xi32, #tpu.memory_space<hbm>>
      %dma_start3A_140 = tpu.memref_squeeze %dma_start3A_139 : memref<1x1x40x128xi32, #tpu.memory_space<hbm>> -> memref<40x128xi32, #tpu.memory_space<hbm>>
      tpu.enqueue_dma source(%dma_start3A_140 : memref<40x128xi32, #tpu.memory_space<hbm>>) target(%arg7 : memref<40x128xi32, #tpu.memory_space<vmem>>) target_semaphore(%run_scoped3A_132 : memref<!tpu.dma_semaphore, #tpu.memory_space<semaphore_mem>>)
      %dma_wait3A_141 = arith.constant 0 : i32
      %dma_wait3A_142 = arith.constant 0 : i32
      %dma_wait3A_143 = tpu.memref_slice %arg3[%add3A, %run_scoped3A_54, %dma_wait3A_141, %dma_wait3A_142] : memref<32x2x40x128xi32, #tpu.memory_space<hbm>> -> memref<1x1x40x128xi32, #tpu.memory_space<hbm>>
      %dma_wait3A_144 = tpu.memref_squeeze %dma_wait3A_143 : memref<1x1x40x128xi32, #tpu.memory_space<hbm>> -> memref<40x128xi32, #tpu.memory_space<hbm>>
      %dma_wait3A_145 = arith.constant 0 : i32
      %dma_wait3A_146 = arith.constant 0 : i32
      %dma_wait3A_147 = tpu.memref_slice %arg3[%add3A, %run_scoped3A_54, %dma_wait3A_145, %dma_wait3A_146] : memref<32x2x40x128xi32, #tpu.memory_space<hbm>> -> memref<1x1x40x128xi32, #tpu.memory_space<hbm>>
      %dma_wait3A_148 = tpu.memref_squeeze %dma_wait3A_147 : memref<1x1x40x128xi32, #tpu.memory_space<hbm>> -> memref<40x128xi32, #tpu.memory_space<hbm>>
      tpu.wait_dma2 semaphore(%run_scoped3A_132 : memref<!tpu.dma_semaphore, #tpu.memory_space<semaphore_mem>>) src(%dma_wait3A_148 : memref<40x128xi32, #tpu.memory_space<hbm>>) dst(%arg7 : memref<40x128xi32, #tpu.memory_space<vmem>>)
      tpu.yield
    }) : () -> ()
    %run_scoped3A_55 = arith.constant 1 : i32
    "tpu.region"() ({
      %run_scoped3A_132 = tpu.sem_alloc : memref<!tpu.dma_semaphore, #tpu.memory_space<semaphore_mem>>
      %dma_start3A_133 = arith.constant 0 : i32
      %dma_start3A_134 = arith.constant 0 : i32
      %dma_start3A_135 = tpu.memref_slice %arg4[%add3A, %run_scoped3A_55, %dma_start3A_133, %dma_start3A_134] : memref<32x2x40x128xi32, #tpu.memory_space<hbm>> -> memref<1x1x40x128xi32, #tpu.memory_space<hbm>>
      %dma_start3A_136 = tpu.memref_squeeze %dma_start3A_135 : memref<1x1x40x128xi32, #tpu.memory_space<hbm>> -> memref<40x128xi32, #tpu.memory_space<hbm>>
      %dma_start3A_137 = arith.constant 0 : i32
      %dma_start3A_138 = arith.constant 0 : i32
      %dma_start3A_139 = tpu.memref_slice %arg4[%add3A, %run_scoped3A_55, %dma_start3A_137, %dma_start3A_138] : memref<32x2x40x128xi32, #tpu.memory_space<hbm>> -> memref<1x1x40x128xi32, #tpu.memory_space<hbm>>
      %dma_start3A_140 = tpu.memref_squeeze %dma_start3A_139 : memref<1x1x40x128xi32, #tpu.memory_space<hbm>> -> memref<40x128xi32, #tpu.memory_space<hbm>>
      tpu.enqueue_dma source(%dma_start3A_140 : memref<40x128xi32, #tpu.memory_space<hbm>>) target(%arg8 : memref<40x128xi32, #tpu.memory_space<vmem>>) target_semaphore(%run_scoped3A_132 : memref<!tpu.dma_semaphore, #tpu.memory_space<semaphore_mem>>)
      %dma_wait3A_141 = arith.constant 0 : i32
      %dma_wait3A_142 = arith.constant 0 : i32
      %dma_wait3A_143 = tpu.memref_slice %arg4[%add3A, %run_scoped3A_55, %dma_wait3A_141, %dma_wait3A_142] : memref<32x2x40x128xi32, #tpu.memory_space<hbm>> -> memref<1x1x40x128xi32, #tpu.memory_space<hbm>>
      %dma_wait3A_144 = tpu.memref_squeeze %dma_wait3A_143 : memref<1x1x40x128xi32, #tpu.memory_space<hbm>> -> memref<40x128xi32, #tpu.memory_space<hbm>>
      %dma_wait3A_145 = arith.constant 0 : i32
      %dma_wait3A_146 = arith.constant 0 : i32
      %dma_wait3A_147 = tpu.memref_slice %arg4[%add3A, %run_scoped3A_55, %dma_wait3A_145, %dma_wait3A_146] : memref<32x2x40x128xi32, #tpu.memory_space<hbm>> -> memref<1x1x40x128xi32, #tpu.memory_space<hbm>>
      %dma_wait3A_148 = tpu.memref_squeeze %dma_wait3A_147 : memref<1x1x40x128xi32, #tpu.memory_space<hbm>> -> memref<40x128xi32, #tpu.memory_space<hbm>>
      tpu.wait_dma2 semaphore(%run_scoped3A_132 : memref<!tpu.dma_semaphore, #tpu.memory_space<semaphore_mem>>) src(%dma_wait3A_148 : memref<40x128xi32, #tpu.memory_space<hbm>>) dst(%arg8 : memref<40x128xi32, #tpu.memory_space<vmem>>)
      tpu.yield
    }) : () -> ()
    %dma_start3A_56 = arith.constant 0 : i32
    %dma_start3A_57 = arith.constant 0 : i32
    %dma_start3A_58 = tpu.memref_slice %arg7[%dma_start3A_56, %dma_start3A_57] : memref<40x128xi32, #tpu.memory_space<vmem>> -> memref<1x128xi32, #tpu.memory_space<vmem>>
    %dma_start3A_59 = tpu.memref_squeeze %dma_start3A_58 : memref<1x128xi32, #tpu.memory_space<vmem>> -> memref<128xi32, #tpu.memory_space<vmem>>
    %dma_start3A_60 = arith.constant 0 : i32
    %dma_start3A_61 = arith.constant 0 : i32
    %dma_start3A_62 = tpu.memref_slice %arg2[%dma_start3A_60, %dma_start3A_61] : memref<10240x128xf32, #tpu.memory_space<hbm>> -> memref<10240x128xf32, #tpu.memory_space<hbm>>
    tpu.enqueue_indirect_dma source(%dma_start3A_62 : memref<10240x128xf32, #tpu.memory_space<hbm>>) target(%arg9 : memref<128x128xf32, #tpu.memory_space<vmem>>) offsets(%dma_start3A_59 : memref<128xi32, #tpu.memory_space<vmem>>) semaphore(%arg12 : memref<!tpu.dma_semaphore, #tpu.memory_space<semaphore_mem>>)
    %scan3A_63 = arith.constant 0 : i32
    %scan3A_64 = arith.constant 19 : i32
    %scan3A_65 = arith.addi %scan3A_63, %scan3A_64 : i32
    %scan3A_66 = arith.constant 1 : i32
    scf.for %scan3A_132 = %scan3A_63 to %scan3A_65 step %scan3A_66  : i32 {
      %mul3A_133 = arith.constant 2 : i32
      %mul3A_134 = arith.muli %scan3A_132, %mul3A_133 : i32
      %add3A_135 = arith.constant 0 : i32
      %add3A_136 = arith.addi %add3A_135, %mul3A_134 : i32
      %add3A_137 = arith.constant 1 : i32
      %add3A_138 = arith.addi %add3A_136, %add3A_137 : i32
      %dma_start3A_139 = arith.constant 0 : i32
      %dma_start3A_140 = tpu.memref_slice %arg7[%add3A_138, %dma_start3A_139] : memref<40x128xi32, #tpu.memory_space<vmem>> -> memref<1x128xi32, #tpu.memory_space<vmem>>
      %dma_start3A_141 = tpu.memref_squeeze %dma_start3A_140 : memref<1x128xi32, #tpu.memory_space<vmem>> -> memref<128xi32, #tpu.memory_space<vmem>>
      %dma_start3A_142 = arith.constant 0 : i32
      %dma_start3A_143 = arith.constant 0 : i32
      %dma_start3A_144 = tpu.memref_slice %arg2[%dma_start3A_142, %dma_start3A_143] : memref<10240x128xf32, #tpu.memory_space<hbm>> -> memref<10240x128xf32, #tpu.memory_space<hbm>>
      tpu.enqueue_indirect_dma source(%dma_start3A_144 : memref<10240x128xf32, #tpu.memory_space<hbm>>) target(%arg10 : memref<128x128xf32, #tpu.memory_space<vmem>>) offsets(%dma_start3A_141 : memref<128xi32, #tpu.memory_space<vmem>>) semaphore(%arg13 : memref<!tpu.dma_semaphore, #tpu.memory_space<semaphore_mem>>)
      %dma_wait3A_145 = arith.constant 0 : i32
      %dma_wait3A_146 = tpu.memref_slice %arg7[%add3A_136, %dma_wait3A_145] : memref<40x128xi32, #tpu.memory_space<vmem>> -> memref<1x128xi32, #tpu.memory_space<vmem>>
      %dma_wait3A_147 = tpu.memref_squeeze %dma_wait3A_146 : memref<1x128xi32, #tpu.memory_space<vmem>> -> memref<128xi32, #tpu.memory_space<vmem>>
      %dma_wait3A_148 = arith.constant 0 : i32
      %dma_wait3A_149 = arith.constant 0 : i32
      %dma_wait3A_150 = tpu.memref_slice %arg2[%dma_wait3A_148, %dma_wait3A_149] : memref<10240x128xf32, #tpu.memory_space<hbm>> -> memref<10240x128xf32, #tpu.memory_space<hbm>>
      tpu.wait_indirect_dma semaphore(%arg12 : memref<!tpu.dma_semaphore, #tpu.memory_space<semaphore_mem>>) src(%dma_wait3A_150 : memref<10240x128xf32, #tpu.memory_space<hbm>>) dst(%arg9 : memref<128x128xf32, #tpu.memory_space<vmem>>)
      "tpu.region"() ({
        %run_scoped3A_169 = tpu.sem_alloc : memref<!tpu.dma_semaphore, #tpu.memory_space<semaphore_mem>>
        %dma_start3A_170 = arith.constant 0 : i32
        %dma_start3A_171 = tpu.memref_slice %arg8[%add3A_136, %dma_start3A_170] : memref<40x128xi32, #tpu.memory_space<vmem>> -> memref<1x128xi32, #tpu.memory_space<vmem>>
        %dma_start3A_172 = tpu.memref_squeeze %dma_start3A_171 : memref<1x128xi32, #tpu.memory_space<vmem>> -> memref<128xi32, #tpu.memory_space<vmem>>
        %dma_start3A_173 = arith.constant 0 : i32
        %dma_start3A_174 = arith.constant 0 : i32
        %dma_start3A_175 = tpu.memref_slice %arg11[%dma_start3A_173, %dma_start3A_174] : memref<10240x128xf32, #tpu.memory_space<vmem_shared>> -> memref<10240x128xf32, #tpu.memory_space<vmem_shared>>
        tpu.enqueue_indirect_dma source(%arg9 : memref<128x128xf32, #tpu.memory_space<vmem>>) target(%dma_start3A_175 : memref<10240x128xf32, #tpu.memory_space<vmem_shared>>) offsets(%dma_start3A_172 : memref<128xi32, #tpu.memory_space<vmem>>) semaphore(%run_scoped3A_169 : memref<!tpu.dma_semaphore, #tpu.memory_space<semaphore_mem>>) {add = true}
        %dma_wait3A_176 = arith.constant 0 : i32
        %dma_wait3A_177 = tpu.memref_slice %arg8[%add3A_136, %dma_wait3A_176] : memref<40x128xi32, #tpu.memory_space<vmem>> -> memref<1x128xi32, #tpu.memory_space<vmem>>
        %dma_wait3A_178 = tpu.memref_squeeze %dma_wait3A_177 : memref<1x128xi32, #tpu.memory_space<vmem>> -> memref<128xi32, #tpu.memory_space<vmem>>
        %dma_wait3A_179 = arith.constant 0 : i32
        %dma_wait3A_180 = arith.constant 0 : i32
        %dma_wait3A_181 = tpu.memref_slice %arg11[%dma_wait3A_179, %dma_wait3A_180] : memref<10240x128xf32, #tpu.memory_space<vmem_shared>> -> memref<10240x128xf32, #tpu.memory_space<vmem_shared>>
        tpu.wait_indirect_dma semaphore(%run_scoped3A_169 : memref<!tpu.dma_semaphore, #tpu.memory_space<semaphore_mem>>) src(%arg9 : memref<128x128xf32, #tpu.memory_space<vmem>>) dst(%dma_wait3A_181 : memref<10240x128xf32, #tpu.memory_space<vmem_shared>>)
        tpu.yield
      }) : () -> ()
      %add3A_151 = arith.constant 2 : i32
      %add3A_152 = arith.addi %add3A_136, %add3A_151 : i32
      %dma_start3A_153 = arith.constant 0 : i32
      %dma_start3A_154 = tpu.memref_slice %arg7[%add3A_152, %dma_start3A_153] : memref<40x128xi32, #tpu.memory_space<vmem>> -> memref<1x128xi32, #tpu.memory_space<vmem>>
      %dma_start3A_155 = tpu.memref_squeeze %dma_start3A_154 : memref<1x128xi32, #tpu.memory_space<vmem>> -> memref<128xi32, #tpu.memory_space<vmem>>
      %dma_start3A_156 = arith.constant 0 : i32
      %dma_start3A_157 = arith.constant 0 : i32
      %dma_start3A_158 = tpu.memref_slice %arg2[%dma_start3A_156, %dma_start3A_157] : memref<10240x128xf32, #tpu.memory_space<hbm>> -> memref<10240x128xf32, #tpu.memory_space<hbm>>
      tpu.enqueue_indirect_dma source(%dma_start3A_158 : memref<10240x128xf32, #tpu.memory_space<hbm>>) target(%arg9 : memref<128x128xf32, #tpu.memory_space<vmem>>) offsets(%dma_start3A_155 : memref<128xi32, #tpu.memory_space<vmem>>) semaphore(%arg12 : memref<!tpu.dma_semaphore, #tpu.memory_space<semaphore_mem>>)
      %add3A_159 = arith.constant 1 : i32
      %add3A_160 = arith.addi %add3A_136, %add3A_159 : i32
      %dma_wait3A_161 = arith.constant 0 : i32
      %dma_wait3A_162 = tpu.memref_slice %arg7[%add3A_160, %dma_wait3A_161] : memref<40x128xi32, #tpu.memory_space<vmem>> -> memref<1x128xi32, #tpu.memory_space<vmem>>
      %dma_wait3A_163 = tpu.memref_squeeze %dma_wait3A_162 : memref<1x128xi32, #tpu.memory_space<vmem>> -> memref<128xi32, #tpu.memory_space<vmem>>
      %dma_wait3A_164 = arith.constant 0 : i32
      %dma_wait3A_165 = arith.constant 0 : i32
      %dma_wait3A_166 = tpu.memref_slice %arg2[%dma_wait3A_164, %dma_wait3A_165] : memref<10240x128xf32, #tpu.memory_space<hbm>> -> memref<10240x128xf32, #tpu.memory_space<hbm>>
      tpu.wait_indirect_dma semaphore(%arg13 : memref<!tpu.dma_semaphore, #tpu.memory_space<semaphore_mem>>) src(%dma_wait3A_166 : memref<10240x128xf32, #tpu.memory_space<hbm>>) dst(%arg10 : memref<128x128xf32, #tpu.memory_space<vmem>>)
      %add3A_167 = arith.constant 1 : i32
      %add3A_168 = arith.addi %add3A_136, %add3A_167 : i32
      "tpu.region"() ({
        %run_scoped3A_169 = tpu.sem_alloc : memref<!tpu.dma_semaphore, #tpu.memory_space<semaphore_mem>>
        %dma_start3A_170 = arith.constant 0 : i32
        %dma_start3A_171 = tpu.memref_slice %arg8[%add3A_168, %dma_start3A_170] : memref<40x128xi32, #tpu.memory_space<vmem>> -> memref<1x128xi32, #tpu.memory_space<vmem>>
        %dma_start3A_172 = tpu.memref_squeeze %dma_start3A_171 : memref<1x128xi32, #tpu.memory_space<vmem>> -> memref<128xi32, #tpu.memory_space<vmem>>
        %dma_start3A_173 = arith.constant 0 : i32
        %dma_start3A_174 = arith.constant 0 : i32
        %dma_start3A_175 = tpu.memref_slice %arg11[%dma_start3A_173, %dma_start3A_174] : memref<10240x128xf32, #tpu.memory_space<vmem_shared>> -> memref<10240x128xf32, #tpu.memory_space<vmem_shared>>
        tpu.enqueue_indirect_dma source(%arg10 : memref<128x128xf32, #tpu.memory_space<vmem>>) target(%dma_start3A_175 : memref<10240x128xf32, #tpu.memory_space<vmem_shared>>) offsets(%dma_start3A_172 : memref<128xi32, #tpu.memory_space<vmem>>) semaphore(%run_scoped3A_169 : memref<!tpu.dma_semaphore, #tpu.memory_space<semaphore_mem>>) {add = true}
        %dma_wait3A_176 = arith.constant 0 : i32
        %dma_wait3A_177 = tpu.memref_slice %arg8[%add3A_168, %dma_wait3A_176] : memref<40x128xi32, #tpu.memory_space<vmem>> -> memref<1x128xi32, #tpu.memory_space<vmem>>
        %dma_wait3A_178 = tpu.memref_squeeze %dma_wait3A_177 : memref<1x128xi32, #tpu.memory_space<vmem>> -> memref<128xi32, #tpu.memory_space<vmem>>
        %dma_wait3A_179 = arith.constant 0 : i32
        %dma_wait3A_180 = arith.constant 0 : i32
        %dma_wait3A_181 = tpu.memref_slice %arg11[%dma_wait3A_179, %dma_wait3A_180] : memref<10240x128xf32, #tpu.memory_space<vmem_shared>> -> memref<10240x128xf32, #tpu.memory_space<vmem_shared>>
        tpu.wait_indirect_dma semaphore(%run_scoped3A_169 : memref<!tpu.dma_semaphore, #tpu.memory_space<semaphore_mem>>) src(%arg10 : memref<128x128xf32, #tpu.memory_space<vmem>>) dst(%dma_wait3A_181 : memref<10240x128xf32, #tpu.memory_space<vmem_shared>>)
        tpu.yield
      }) : () -> ()
    }
    %scan3A_67 = arith.constant 19 : i32
    %dma_start3A_68 = arith.constant 39 : i32
    %dma_start3A_69 = arith.constant 0 : i32
    %dma_start3A_70 = tpu.memref_slice %arg7[%dma_start3A_68, %dma_start3A_69] : memref<40x128xi32, #tpu.memory_space<vmem>> -> memref<1x128xi32, #tpu.memory_space<vmem>>
    %dma_start3A_71 = tpu.memref_squeeze %dma_start3A_70 : memref<1x128xi32, #tpu.memory_space<vmem>> -> memref<128xi32, #tpu.memory_space<vmem>>
    %dma_start3A_72 = arith.constant 0 : i32
    %dma_start3A_73 = arith.constant 0 : i32
    %dma_start3A_74 = tpu.memref_slice %arg2[%dma_start3A_72, %dma_start3A_73] : memref<10240x128xf32, #tpu.memory_space<hbm>> -> memref<10240x128xf32, #tpu.memory_space<hbm>>
    tpu.enqueue_indirect_dma source(%dma_start3A_74 : memref<10240x128xf32, #tpu.memory_space<hbm>>) target(%arg10 : memref<128x128xf32, #tpu.memory_space<vmem>>) offsets(%dma_start3A_71 : memref<128xi32, #tpu.memory_space<vmem>>) semaphore(%arg13 : memref<!tpu.dma_semaphore, #tpu.memory_space<semaphore_mem>>)
    %dma_wait3A_75 = arith.constant 38 : i32
    %dma_wait3A_76 = arith.constant 0 : i32
    %dma_wait3A_77 = tpu.memref_slice %arg7[%dma_wait3A_75, %dma_wait3A_76] : memref<40x128xi32, #tpu.memory_space<vmem>> -> memref<1x128xi32, #tpu.memory_space<vmem>>
    %dma_wait3A_78 = tpu.memref_squeeze %dma_wait3A_77 : memref<1x128xi32, #tpu.memory_space<vmem>> -> memref<128xi32, #tpu.memory_space<vmem>>
    %dma_wait3A_79 = arith.constant 0 : i32
    %dma_wait3A_80 = arith.constant 0 : i32
    %dma_wait3A_81 = tpu.memref_slice %arg2[%dma_wait3A_79, %dma_wait3A_80] : memref<10240x128xf32, #tpu.memory_space<hbm>> -> memref<10240x128xf32, #tpu.memory_space<hbm>>
    tpu.wait_indirect_dma semaphore(%arg12 : memref<!tpu.dma_semaphore, #tpu.memory_space<semaphore_mem>>) src(%dma_wait3A_81 : memref<10240x128xf32, #tpu.memory_space<hbm>>) dst(%arg9 : memref<128x128xf32, #tpu.memory_space<vmem>>)
    %run_scoped3A_82 = arith.constant 38 : i32
    "tpu.region"() ({
      %run_scoped3A_132 = tpu.sem_alloc : memref<!tpu.dma_semaphore, #tpu.memory_space<semaphore_mem>>
      %dma_start3A_133 = arith.constant 0 : i32
      %dma_start3A_134 = tpu.memref_slice %arg8[%run_scoped3A_82, %dma_start3A_133] : memref<40x128xi32, #tpu.memory_space<vmem>> -> memref<1x128xi32, #tpu.memory_space<vmem>>
      %dma_start3A_135 = tpu.memref_squeeze %dma_start3A_134 : memref<1x128xi32, #tpu.memory_space<vmem>> -> memref<128xi32, #tpu.memory_space<vmem>>
      %dma_start3A_136 = arith.constant 0 : i32
      %dma_start3A_137 = arith.constant 0 : i32
      %dma_start3A_138 = tpu.memref_slice %arg11[%dma_start3A_136, %dma_start3A_137] : memref<10240x128xf32, #tpu.memory_space<vmem_shared>> -> memref<10240x128xf32, #tpu.memory_space<vmem_shared>>
      tpu.enqueue_indirect_dma source(%arg9 : memref<128x128xf32, #tpu.memory_space<vmem>>) target(%dma_start3A_138 : memref<10240x128xf32, #tpu.memory_space<vmem_shared>>) offsets(%dma_start3A_135 : memref<128xi32, #tpu.memory_space<vmem>>) semaphore(%run_scoped3A_132 : memref<!tpu.dma_semaphore, #tpu.memory_space<semaphore_mem>>) {add = true}
      %dma_wait3A_139 = arith.constant 0 : i32
      %dma_wait3A_140 = tpu.memref_slice %arg8[%run_scoped3A_82, %dma_wait3A_139] : memref<40x128xi32, #tpu.memory_space<vmem>> -> memref<1x128xi32, #tpu.memory_space<vmem>>
      %dma_wait3A_141 = tpu.memref_squeeze %dma_wait3A_140 : memref<1x128xi32, #tpu.memory_space<vmem>> -> memref<128xi32, #tpu.memory_space<vmem>>
      %dma_wait3A_142 = arith.constant 0 : i32
      %dma_wait3A_143 = arith.constant 0 : i32
      %dma_wait3A_144 = tpu.memref_slice %arg11[%dma_wait3A_142, %dma_wait3A_143] : memref<10240x128xf32, #tpu.memory_space<vmem_shared>> -> memref<10240x128xf32, #tpu.memory_space<vmem_shared>>
      tpu.wait_indirect_dma semaphore(%run_scoped3A_132 : memref<!tpu.dma_semaphore, #tpu.memory_space<semaphore_mem>>) src(%arg9 : memref<128x128xf32, #tpu.memory_space<vmem>>) dst(%dma_wait3A_144 : memref<10240x128xf32, #tpu.memory_space<vmem_shared>>)
      tpu.yield
    }) : () -> ()
    %dma_wait3A_83 = arith.constant 39 : i32
    %dma_wait3A_84 = arith.constant 0 : i32
    %dma_wait3A_85 = tpu.memref_slice %arg7[%dma_wait3A_83, %dma_wait3A_84] : memref<40x128xi32, #tpu.memory_space<vmem>> -> memref<1x128xi32, #tpu.memory_space<vmem>>
    %dma_wait3A_86 = tpu.memref_squeeze %dma_wait3A_85 : memref<1x128xi32, #tpu.memory_space<vmem>> -> memref<128xi32, #tpu.memory_space<vmem>>
    %dma_wait3A_87 = arith.constant 0 : i32
    %dma_wait3A_88 = arith.constant 0 : i32
    %dma_wait3A_89 = tpu.memref_slice %arg2[%dma_wait3A_87, %dma_wait3A_88] : memref<10240x128xf32, #tpu.memory_space<hbm>> -> memref<10240x128xf32, #tpu.memory_space<hbm>>
    tpu.wait_indirect_dma semaphore(%arg13 : memref<!tpu.dma_semaphore, #tpu.memory_space<semaphore_mem>>) src(%dma_wait3A_89 : memref<10240x128xf32, #tpu.memory_space<hbm>>) dst(%arg10 : memref<128x128xf32, #tpu.memory_space<vmem>>)
    %run_scoped3A_90 = arith.constant 39 : i32
    "tpu.region"() ({
      %run_scoped3A_132 = tpu.sem_alloc : memref<!tpu.dma_semaphore, #tpu.memory_space<semaphore_mem>>
      %dma_start3A_133 = arith.constant 0 : i32
      %dma_start3A_134 = tpu.memref_slice %arg8[%run_scoped3A_90, %dma_start3A_133] : memref<40x128xi32, #tpu.memory_space<vmem>> -> memref<1x128xi32, #tpu.memory_space<vmem>>
      %dma_start3A_135 = tpu.memref_squeeze %dma_start3A_134 : memref<1x128xi32, #tpu.memory_space<vmem>> -> memref<128xi32, #tpu.memory_space<vmem>>
      %dma_start3A_136 = arith.constant 0 : i32
      %dma_start3A_137 = arith.constant 0 : i32
      %dma_start3A_138 = tpu.memref_slice %arg11[%dma_start3A_136, %dma_start3A_137] : memref<10240x128xf32, #tpu.memory_space<vmem_shared>> -> memref<10240x128xf32, #tpu.memory_space<vmem_shared>>
      tpu.enqueue_indirect_dma source(%arg10 : memref<128x128xf32, #tpu.memory_space<vmem>>) target(%dma_start3A_138 : memref<10240x128xf32, #tpu.memory_space<vmem_shared>>) offsets(%dma_start3A_135 : memref<128xi32, #tpu.memory_space<vmem>>) semaphore(%run_scoped3A_132 : memref<!tpu.dma_semaphore, #tpu.memory_space<semaphore_mem>>) {add = true}
      %dma_wait3A_139 = arith.constant 0 : i32
      %dma_wait3A_140 = tpu.memref_slice %arg8[%run_scoped3A_90, %dma_wait3A_139] : memref<40x128xi32, #tpu.memory_space<vmem>> -> memref<1x128xi32, #tpu.memory_space<vmem>>
      %dma_wait3A_141 = tpu.memref_squeeze %dma_wait3A_140 : memref<1x128xi32, #tpu.memory_space<vmem>> -> memref<128xi32, #tpu.memory_space<vmem>>
      %dma_wait3A_142 = arith.constant 0 : i32
      %dma_wait3A_143 = arith.constant 0 : i32
      %dma_wait3A_144 = tpu.memref_slice %arg11[%dma_wait3A_142, %dma_wait3A_143] : memref<10240x128xf32, #tpu.memory_space<vmem_shared>> -> memref<10240x128xf32, #tpu.memory_space<vmem_shared>>
      tpu.wait_indirect_dma semaphore(%run_scoped3A_132 : memref<!tpu.dma_semaphore, #tpu.memory_space<semaphore_mem>>) src(%arg10 : memref<128x128xf32, #tpu.memory_space<vmem>>) dst(%dma_wait3A_144 : memref<10240x128xf32, #tpu.memory_space<vmem_shared>>)
      tpu.yield
    }) : () -> ()
    %barrier3A_91 = arith.constant 0 : index
    tpu.barrier barrier_id(%barrier3A_91)
    %mul3A_92 = arith.constant 640 : i32
    %mul3A_93 = arith.muli %arg1, %mul3A_92 : i32
    %add3A_94 = arith.constant 0 : i32
    %add3A_95 = arith.addi %mul3A_93, %add3A_94 : i32
    "tpu.region"() ({
      %run_scoped3A_132 = tpu.sem_alloc : memref<!tpu.dma_semaphore, #tpu.memory_space<semaphore_mem>>
      %dma_start3A_133 = arith.constant 0 : i32
      %dma_start3A_134 = tpu.memref_slice %arg11[%add3A_95, %dma_start3A_133] : memref<10240x128xf32, #tpu.memory_space<vmem_shared>> -> memref<128x128xf32, #tpu.memory_space<vmem_shared>>
      %dma_start3A_135 = arith.constant 0 : i32
      %dma_start3A_136 = tpu.memref_slice %arg11[%add3A_95, %dma_start3A_135] : memref<10240x128xf32, #tpu.memory_space<vmem_shared>> -> memref<128x128xf32, #tpu.memory_space<vmem_shared>>
      tpu.enqueue_dma source(%dma_start3A_136 : memref<128x128xf32, #tpu.memory_space<vmem_shared>>) target(%arg9 : memref<128x128xf32, #tpu.memory_space<vmem>>) target_semaphore(%run_scoped3A_132 : memref<!tpu.dma_semaphore, #tpu.memory_space<semaphore_mem>>)
      %dma_wait3A_137 = arith.constant 0 : i32
      %dma_wait3A_138 = tpu.memref_slice %arg11[%add3A_95, %dma_wait3A_137] : memref<10240x128xf32, #tpu.memory_space<vmem_shared>> -> memref<128x128xf32, #tpu.memory_space<vmem_shared>>
      %dma_wait3A_139 = arith.constant 0 : i32
      %dma_wait3A_140 = tpu.memref_slice %arg11[%add3A_95, %dma_wait3A_139] : memref<10240x128xf32, #tpu.memory_space<vmem_shared>> -> memref<128x128xf32, #tpu.memory_space<vmem_shared>>
      tpu.wait_dma2 semaphore(%run_scoped3A_132 : memref<!tpu.dma_semaphore, #tpu.memory_space<semaphore_mem>>) src(%dma_wait3A_140 : memref<128x128xf32, #tpu.memory_space<vmem_shared>>) dst(%arg9 : memref<128x128xf32, #tpu.memory_space<vmem>>)
      tpu.yield
    }) : () -> ()
    %mul3A_96 = arith.constant 640 : i32
    %mul3A_97 = arith.muli %arg1, %mul3A_96 : i32
    %add3A_98 = arith.constant 0 : i32
    %add3A_99 = arith.addi %mul3A_97, %add3A_98 : i32
    "tpu.region"() ({
      %run_scoped3A_132 = tpu.sem_alloc : memref<!tpu.dma_semaphore, #tpu.memory_space<semaphore_mem>>
      %dma_start3A_133 = arith.constant 0 : i32
      %dma_start3A_134 = tpu.memref_slice %arg6[%arg0, %add3A_99, %dma_start3A_133] : memref<2x10240x128xf32, #tpu.memory_space<hbm>> -> memref<1x128x128xf32, #tpu.memory_space<hbm>>
      %dma_start3A_135 = tpu.memref_squeeze %dma_start3A_134 : memref<1x128x128xf32, #tpu.memory_space<hbm>> -> memref<128x128xf32, #tpu.memory_space<hbm>>
      %dma_start3A_136 = arith.constant 0 : i32
      %dma_start3A_137 = tpu.memref_slice %arg6[%arg0, %add3A_99, %dma_start3A_136] : memref<2x10240x128xf32, #tpu.memory_space<hbm>> -> memref<1x128x128xf32, #tpu.memory_space<hbm>>
      %dma_start3A_138 = tpu.memref_squeeze %dma_start3A_137 : memref<1x128x128xf32, #tpu.memory_space<hbm>> -> memref<128x128xf32, #tpu.memory_space<hbm>>
      tpu.enqueue_dma source(%arg9 : memref<128x128xf32, #tpu.memory_space<vmem>>) target(%dma_start3A_138 : memref<128x128xf32, #tpu.memory_space<hbm>>) target_semaphore(%run_scoped3A_132 : memref<!tpu.dma_semaphore, #tpu.memory_space<semaphore_mem>>)
      %dma_wait3A_139 = arith.constant 0 : i32
      %dma_wait3A_140 = tpu.memref_slice %arg6[%arg0, %add3A_99, %dma_wait3A_139] : memref<2x10240x128xf32, #tpu.memory_space<hbm>> -> memref<1x128x128xf32, #tpu.memory_space<hbm>>
      %dma_wait3A_141 = tpu.memref_squeeze %dma_wait3A_140 : memref<1x128x128xf32, #tpu.memory_space<hbm>> -> memref<128x128xf32, #tpu.memory_space<hbm>>
      %dma_wait3A_142 = arith.constant 0 : i32
      %dma_wait3A_143 = tpu.memref_slice %arg6[%arg0, %add3A_99, %dma_wait3A_142] : memref<2x10240x128xf32, #tpu.memory_space<hbm>> -> memref<1x128x128xf32, #tpu.memory_space<hbm>>
      %dma_wait3A_144 = tpu.memref_squeeze %dma_wait3A_143 : memref<1x128x128xf32, #tpu.memory_space<hbm>> -> memref<128x128xf32, #tpu.memory_space<hbm>>
      tpu.wait_dma2 semaphore(%run_scoped3A_132 : memref<!tpu.dma_semaphore, #tpu.memory_space<semaphore_mem>>) src(%arg9 : memref<128x128xf32, #tpu.memory_space<vmem>>) dst(%dma_wait3A_144 : memref<128x128xf32, #tpu.memory_space<hbm>>)
      tpu.yield
    }) : () -> ()
    %mul3A_100 = arith.constant 640 : i32
    %mul3A_101 = arith.muli %arg1, %mul3A_100 : i32
    %add3A_102 = arith.constant 128 : i32
    %add3A_103 = arith.addi %mul3A_101, %add3A_102 : i32
    "tpu.region"() ({
      %run_scoped3A_132 = tpu.sem_alloc : memref<!tpu.dma_semaphore, #tpu.memory_space<semaphore_mem>>
      %dma_start3A_133 = arith.constant 0 : i32
      %dma_start3A_134 = tpu.memref_slice %arg11[%add3A_103, %dma_start3A_133] : memref<10240x128xf32, #tpu.memory_space<vmem_shared>> -> memref<128x128xf32, #tpu.memory_space<vmem_shared>>
      %dma_start3A_135 = arith.constant 0 : i32
      %dma_start3A_136 = tpu.memref_slice %arg11[%add3A_103, %dma_start3A_135] : memref<10240x128xf32, #tpu.memory_space<vmem_shared>> -> memref<128x128xf32, #tpu.memory_space<vmem_shared>>
      tpu.enqueue_dma source(%dma_start3A_136 : memref<128x128xf32, #tpu.memory_space<vmem_shared>>) target(%arg9 : memref<128x128xf32, #tpu.memory_space<vmem>>) target_semaphore(%run_scoped3A_132 : memref<!tpu.dma_semaphore, #tpu.memory_space<semaphore_mem>>)
      %dma_wait3A_137 = arith.constant 0 : i32
      %dma_wait3A_138 = tpu.memref_slice %arg11[%add3A_103, %dma_wait3A_137] : memref<10240x128xf32, #tpu.memory_space<vmem_shared>> -> memref<128x128xf32, #tpu.memory_space<vmem_shared>>
      %dma_wait3A_139 = arith.constant 0 : i32
      %dma_wait3A_140 = tpu.memref_slice %arg11[%add3A_103, %dma_wait3A_139] : memref<10240x128xf32, #tpu.memory_space<vmem_shared>> -> memref<128x128xf32, #tpu.memory_space<vmem_shared>>
      tpu.wait_dma2 semaphore(%run_scoped3A_132 : memref<!tpu.dma_semaphore, #tpu.memory_space<semaphore_mem>>) src(%dma_wait3A_140 : memref<128x128xf32, #tpu.memory_space<vmem_shared>>) dst(%arg9 : memref<128x128xf32, #tpu.memory_space<vmem>>)
      tpu.yield
    }) : () -> ()
    %mul3A_104 = arith.constant 640 : i32
    %mul3A_105 = arith.muli %arg1, %mul3A_104 : i32
    %add3A_106 = arith.constant 128 : i32
    %add3A_107 = arith.addi %mul3A_105, %add3A_106 : i32
    "tpu.region"() ({
      %run_scoped3A_132 = tpu.sem_alloc : memref<!tpu.dma_semaphore, #tpu.memory_space<semaphore_mem>>
      %dma_start3A_133 = arith.constant 0 : i32
      %dma_start3A_134 = tpu.memref_slice %arg6[%arg0, %add3A_107, %dma_start3A_133] : memref<2x10240x128xf32, #tpu.memory_space<hbm>> -> memref<1x128x128xf32, #tpu.memory_space<hbm>>
      %dma_start3A_135 = tpu.memref_squeeze %dma_start3A_134 : memref<1x128x128xf32, #tpu.memory_space<hbm>> -> memref<128x128xf32, #tpu.memory_space<hbm>>
      %dma_start3A_136 = arith.constant 0 : i32
      %dma_start3A_137 = tpu.memref_slice %arg6[%arg0, %add3A_107, %dma_start3A_136] : memref<2x10240x128xf32, #tpu.memory_space<hbm>> -> memref<1x128x128xf32, #tpu.memory_space<hbm>>
      %dma_start3A_138 = tpu.memref_squeeze %dma_start3A_137 : memref<1x128x128xf32, #tpu.memory_space<hbm>> -> memref<128x128xf32, #tpu.memory_space<hbm>>
      tpu.enqueue_dma source(%arg9 : memref<128x128xf32, #tpu.memory_space<vmem>>) target(%dma_start3A_138 : memref<128x128xf32, #tpu.memory_space<hbm>>) target_semaphore(%run_scoped3A_132 : memref<!tpu.dma_semaphore, #tpu.memory_space<semaphore_mem>>)
      %dma_wait3A_139 = arith.constant 0 : i32
      %dma_wait3A_140 = tpu.memref_slice %arg6[%arg0, %add3A_107, %dma_wait3A_139] : memref<2x10240x128xf32, #tpu.memory_space<hbm>> -> memref<1x128x128xf32, #tpu.memory_space<hbm>>
      %dma_wait3A_141 = tpu.memref_squeeze %dma_wait3A_140 : memref<1x128x128xf32, #tpu.memory_space<hbm>> -> memref<128x128xf32, #tpu.memory_space<hbm>>
      %dma_wait3A_142 = arith.constant 0 : i32
      %dma_wait3A_143 = tpu.memref_slice %arg6[%arg0, %add3A_107, %dma_wait3A_142] : memref<2x10240x128xf32, #tpu.memory_space<hbm>> -> memref<1x128x128xf32, #tpu.memory_space<hbm>>
      %dma_wait3A_144 = tpu.memref_squeeze %dma_wait3A_143 : memref<1x128x128xf32, #tpu.memory_space<hbm>> -> memref<128x128xf32, #tpu.memory_space<hbm>>
      tpu.wait_dma2 semaphore(%run_scoped3A_132 : memref<!tpu.dma_semaphore, #tpu.memory_space<semaphore_mem>>) src(%arg9 : memref<128x128xf32, #tpu.memory_space<vmem>>) dst(%dma_wait3A_144 : memref<128x128xf32, #tpu.memory_space<hbm>>)
      tpu.yield
    }) : () -> ()
    %mul3A_108 = arith.constant 640 : i32
    %mul3A_109 = arith.muli %arg1, %mul3A_108 : i32
    %add3A_110 = arith.constant 256 : i32
    %add3A_111 = arith.addi %mul3A_109, %add3A_110 : i32
    "tpu.region"() ({
      %run_scoped3A_132 = tpu.sem_alloc : memref<!tpu.dma_semaphore, #tpu.memory_space<semaphore_mem>>
      %dma_start3A_133 = arith.constant 0 : i32
      %dma_start3A_134 = tpu.memref_slice %arg11[%add3A_111, %dma_start3A_133] : memref<10240x128xf32, #tpu.memory_space<vmem_shared>> -> memref<128x128xf32, #tpu.memory_space<vmem_shared>>
      %dma_start3A_135 = arith.constant 0 : i32
      %dma_start3A_136 = tpu.memref_slice %arg11[%add3A_111, %dma_start3A_135] : memref<10240x128xf32, #tpu.memory_space<vmem_shared>> -> memref<128x128xf32, #tpu.memory_space<vmem_shared>>
      tpu.enqueue_dma source(%dma_start3A_136 : memref<128x128xf32, #tpu.memory_space<vmem_shared>>) target(%arg9 : memref<128x128xf32, #tpu.memory_space<vmem>>) target_semaphore(%run_scoped3A_132 : memref<!tpu.dma_semaphore, #tpu.memory_space<semaphore_mem>>)
      %dma_wait3A_137 = arith.constant 0 : i32
      %dma_wait3A_138 = tpu.memref_slice %arg11[%add3A_111, %dma_wait3A_137] : memref<10240x128xf32, #tpu.memory_space<vmem_shared>> -> memref<128x128xf32, #tpu.memory_space<vmem_shared>>
      %dma_wait3A_139 = arith.constant 0 : i32
      %dma_wait3A_140 = tpu.memref_slice %arg11[%add3A_111, %dma_wait3A_139] : memref<10240x128xf32, #tpu.memory_space<vmem_shared>> -> memref<128x128xf32, #tpu.memory_space<vmem_shared>>
      tpu.wait_dma2 semaphore(%run_scoped3A_132 : memref<!tpu.dma_semaphore, #tpu.memory_space<semaphore_mem>>) src(%dma_wait3A_140 : memref<128x128xf32, #tpu.memory_space<vmem_shared>>) dst(%arg9 : memref<128x128xf32, #tpu.memory_space<vmem>>)
      tpu.yield
    }) : () -> ()
    %mul3A_112 = arith.constant 640 : i32
    %mul3A_113 = arith.muli %arg1, %mul3A_112 : i32
    %add3A_114 = arith.constant 256 : i32
    %add3A_115 = arith.addi %mul3A_113, %add3A_114 : i32
    "tpu.region"() ({
      %run_scoped3A_132 = tpu.sem_alloc : memref<!tpu.dma_semaphore, #tpu.memory_space<semaphore_mem>>
      %dma_start3A_133 = arith.constant 0 : i32
      %dma_start3A_134 = tpu.memref_slice %arg6[%arg0, %add3A_115, %dma_start3A_133] : memref<2x10240x128xf32, #tpu.memory_space<hbm>> -> memref<1x128x128xf32, #tpu.memory_space<hbm>>
      %dma_start3A_135 = tpu.memref_squeeze %dma_start3A_134 : memref<1x128x128xf32, #tpu.memory_space<hbm>> -> memref<128x128xf32, #tpu.memory_space<hbm>>
      %dma_start3A_136 = arith.constant 0 : i32
      %dma_start3A_137 = tpu.memref_slice %arg6[%arg0, %add3A_115, %dma_start3A_136] : memref<2x10240x128xf32, #tpu.memory_space<hbm>> -> memref<1x128x128xf32, #tpu.memory_space<hbm>>
      %dma_start3A_138 = tpu.memref_squeeze %dma_start3A_137 : memref<1x128x128xf32, #tpu.memory_space<hbm>> -> memref<128x128xf32, #tpu.memory_space<hbm>>
      tpu.enqueue_dma source(%arg9 : memref<128x128xf32, #tpu.memory_space<vmem>>) target(%dma_start3A_138 : memref<128x128xf32, #tpu.memory_space<hbm>>) target_semaphore(%run_scoped3A_132 : memref<!tpu.dma_semaphore, #tpu.memory_space<semaphore_mem>>)
      %dma_wait3A_139 = arith.constant 0 : i32
      %dma_wait3A_140 = tpu.memref_slice %arg6[%arg0, %add3A_115, %dma_wait3A_139] : memref<2x10240x128xf32, #tpu.memory_space<hbm>> -> memref<1x128x128xf32, #tpu.memory_space<hbm>>
      %dma_wait3A_141 = tpu.memref_squeeze %dma_wait3A_140 : memref<1x128x128xf32, #tpu.memory_space<hbm>> -> memref<128x128xf32, #tpu.memory_space<hbm>>
      %dma_wait3A_142 = arith.constant 0 : i32
      %dma_wait3A_143 = tpu.memref_slice %arg6[%arg0, %add3A_115, %dma_wait3A_142] : memref<2x10240x128xf32, #tpu.memory_space<hbm>> -> memref<1x128x128xf32, #tpu.memory_space<hbm>>
      %dma_wait3A_144 = tpu.memref_squeeze %dma_wait3A_143 : memref<1x128x128xf32, #tpu.memory_space<hbm>> -> memref<128x128xf32, #tpu.memory_space<hbm>>
      tpu.wait_dma2 semaphore(%run_scoped3A_132 : memref<!tpu.dma_semaphore, #tpu.memory_space<semaphore_mem>>) src(%arg9 : memref<128x128xf32, #tpu.memory_space<vmem>>) dst(%dma_wait3A_144 : memref<128x128xf32, #tpu.memory_space<hbm>>)
      tpu.yield
    }) : () -> ()
    %mul3A_116 = arith.constant 640 : i32
    %mul3A_117 = arith.muli %arg1, %mul3A_116 : i32
    %add3A_118 = arith.constant 384 : i32
    %add3A_119 = arith.addi %mul3A_117, %add3A_118 : i32
    "tpu.region"() ({
      %run_scoped3A_132 = tpu.sem_alloc : memref<!tpu.dma_semaphore, #tpu.memory_space<semaphore_mem>>
      %dma_start3A_133 = arith.constant 0 : i32
      %dma_start3A_134 = tpu.memref_slice %arg11[%add3A_119, %dma_start3A_133] : memref<10240x128xf32, #tpu.memory_space<vmem_shared>> -> memref<128x128xf32, #tpu.memory_space<vmem_shared>>
      %dma_start3A_135 = arith.constant 0 : i32
      %dma_start3A_136 = tpu.memref_slice %arg11[%add3A_119, %dma_start3A_135] : memref<10240x128xf32, #tpu.memory_space<vmem_shared>> -> memref<128x128xf32, #tpu.memory_space<vmem_shared>>
      tpu.enqueue_dma source(%dma_start3A_136 : memref<128x128xf32, #tpu.memory_space<vmem_shared>>) target(%arg9 : memref<128x128xf32, #tpu.memory_space<vmem>>) target_semaphore(%run_scoped3A_132 : memref<!tpu.dma_semaphore, #tpu.memory_space<semaphore_mem>>)
      %dma_wait3A_137 = arith.constant 0 : i32
      %dma_wait3A_138 = tpu.memref_slice %arg11[%add3A_119, %dma_wait3A_137] : memref<10240x128xf32, #tpu.memory_space<vmem_shared>> -> memref<128x128xf32, #tpu.memory_space<vmem_shared>>
      %dma_wait3A_139 = arith.constant 0 : i32
      %dma_wait3A_140 = tpu.memref_slice %arg11[%add3A_119, %dma_wait3A_139] : memref<10240x128xf32, #tpu.memory_space<vmem_shared>> -> memref<128x128xf32, #tpu.memory_space<vmem_shared>>
      tpu.wait_dma2 semaphore(%run_scoped3A_132 : memref<!tpu.dma_semaphore, #tpu.memory_space<semaphore_mem>>) src(%dma_wait3A_140 : memref<128x128xf32, #tpu.memory_space<vmem_shared>>) dst(%arg9 : memref<128x128xf32, #tpu.memory_space<vmem>>)
      tpu.yield
    }) : () -> ()
    %mul3A_120 = arith.constant 640 : i32
    %mul3A_121 = arith.muli %arg1, %mul3A_120 : i32
    %add3A_122 = arith.constant 384 : i32
    %add3A_123 = arith.addi %mul3A_121, %add3A_122 : i32
    "tpu.region"() ({
      %run_scoped3A_132 = tpu.sem_alloc : memref<!tpu.dma_semaphore, #tpu.memory_space<semaphore_mem>>
      %dma_start3A_133 = arith.constant 0 : i32
      %dma_start3A_134 = tpu.memref_slice %arg6[%arg0, %add3A_123, %dma_start3A_133] : memref<2x10240x128xf32, #tpu.memory_space<hbm>> -> memref<1x128x128xf32, #tpu.memory_space<hbm>>
      %dma_start3A_135 = tpu.memref_squeeze %dma_start3A_134 : memref<1x128x128xf32, #tpu.memory_space<hbm>> -> memref<128x128xf32, #tpu.memory_space<hbm>>
      %dma_start3A_136 = arith.constant 0 : i32
      %dma_start3A_137 = tpu.memref_slice %arg6[%arg0, %add3A_123, %dma_start3A_136] : memref<2x10240x128xf32, #tpu.memory_space<hbm>> -> memref<1x128x128xf32, #tpu.memory_space<hbm>>
      %dma_start3A_138 = tpu.memref_squeeze %dma_start3A_137 : memref<1x128x128xf32, #tpu.memory_space<hbm>> -> memref<128x128xf32, #tpu.memory_space<hbm>>
      tpu.enqueue_dma source(%arg9 : memref<128x128xf32, #tpu.memory_space<vmem>>) target(%dma_start3A_138 : memref<128x128xf32, #tpu.memory_space<hbm>>) target_semaphore(%run_scoped3A_132 : memref<!tpu.dma_semaphore, #tpu.memory_space<semaphore_mem>>)
      %dma_wait3A_139 = arith.constant 0 : i32
      %dma_wait3A_140 = tpu.memref_slice %arg6[%arg0, %add3A_123, %dma_wait3A_139] : memref<2x10240x128xf32, #tpu.memory_space<hbm>> -> memref<1x128x128xf32, #tpu.memory_space<hbm>>
      %dma_wait3A_141 = tpu.memref_squeeze %dma_wait3A_140 : memref<1x128x128xf32, #tpu.memory_space<hbm>> -> memref<128x128xf32, #tpu.memory_space<hbm>>
      %dma_wait3A_142 = arith.constant 0 : i32
      %dma_wait3A_143 = tpu.memref_slice %arg6[%arg0, %add3A_123, %dma_wait3A_142] : memref<2x10240x128xf32, #tpu.memory_space<hbm>> -> memref<1x128x128xf32, #tpu.memory_space<hbm>>
      %dma_wait3A_144 = tpu.memref_squeeze %dma_wait3A_143 : memref<1x128x128xf32, #tpu.memory_space<hbm>> -> memref<128x128xf32, #tpu.memory_space<hbm>>
      tpu.wait_dma2 semaphore(%run_scoped3A_132 : memref<!tpu.dma_semaphore, #tpu.memory_space<semaphore_mem>>) src(%arg9 : memref<128x128xf32, #tpu.memory_space<vmem>>) dst(%dma_wait3A_144 : memref<128x128xf32, #tpu.memory_space<hbm>>)
      tpu.yield
    }) : () -> ()
    %mul3A_124 = arith.constant 640 : i32
    %mul3A_125 = arith.muli %arg1, %mul3A_124 : i32
    %add3A_126 = arith.constant 512 : i32
    %add3A_127 = arith.addi %mul3A_125, %add3A_126 : i32
    "tpu.region"() ({
      %run_scoped3A_132 = tpu.sem_alloc : memref<!tpu.dma_semaphore, #tpu.memory_space<semaphore_mem>>
      %dma_start3A_133 = arith.constant 0 : i32
      %dma_start3A_134 = tpu.memref_slice %arg11[%add3A_127, %dma_start3A_133] : memref<10240x128xf32, #tpu.memory_space<vmem_shared>> -> memref<128x128xf32, #tpu.memory_space<vmem_shared>>
      %dma_start3A_135 = arith.constant 0 : i32
      %dma_start3A_136 = tpu.memref_slice %arg11[%add3A_127, %dma_start3A_135] : memref<10240x128xf32, #tpu.memory_space<vmem_shared>> -> memref<128x128xf32, #tpu.memory_space<vmem_shared>>
      tpu.enqueue_dma source(%dma_start3A_136 : memref<128x128xf32, #tpu.memory_space<vmem_shared>>) target(%arg9 : memref<128x128xf32, #tpu.memory_space<vmem>>) target_semaphore(%run_scoped3A_132 : memref<!tpu.dma_semaphore, #tpu.memory_space<semaphore_mem>>)
      %dma_wait3A_137 = arith.constant 0 : i32
      %dma_wait3A_138 = tpu.memref_slice %arg11[%add3A_127, %dma_wait3A_137] : memref<10240x128xf32, #tpu.memory_space<vmem_shared>> -> memref<128x128xf32, #tpu.memory_space<vmem_shared>>
      %dma_wait3A_139 = arith.constant 0 : i32
      %dma_wait3A_140 = tpu.memref_slice %arg11[%add3A_127, %dma_wait3A_139] : memref<10240x128xf32, #tpu.memory_space<vmem_shared>> -> memref<128x128xf32, #tpu.memory_space<vmem_shared>>
      tpu.wait_dma2 semaphore(%run_scoped3A_132 : memref<!tpu.dma_semaphore, #tpu.memory_space<semaphore_mem>>) src(%dma_wait3A_140 : memref<128x128xf32, #tpu.memory_space<vmem_shared>>) dst(%arg9 : memref<128x128xf32, #tpu.memory_space<vmem>>)
      tpu.yield
    }) : () -> ()
    %mul3A_128 = arith.constant 640 : i32
    %mul3A_129 = arith.muli %arg1, %mul3A_128 : i32
    %add3A_130 = arith.constant 512 : i32
    %add3A_131 = arith.addi %mul3A_129, %add3A_130 : i32
    "tpu.region"() ({
      %run_scoped3A_132 = tpu.sem_alloc : memref<!tpu.dma_semaphore, #tpu.memory_space<semaphore_mem>>
      %dma_start3A_133 = arith.constant 0 : i32
      %dma_start3A_134 = tpu.memref_slice %arg6[%arg0, %add3A_131, %dma_start3A_133] : memref<2x10240x128xf32, #tpu.memory_space<hbm>> -> memref<1x128x128xf32, #tpu.memory_space<hbm>>
      %dma_start3A_135 = tpu.memref_squeeze %dma_start3A_134 : memref<1x128x128xf32, #tpu.memory_space<hbm>> -> memref<128x128xf32, #tpu.memory_space<hbm>>
      %dma_start3A_136 = arith.constant 0 : i32
      %dma_start3A_137 = tpu.memref_slice %arg6[%arg0, %add3A_131, %dma_start3A_136] : memref<2x10240x128xf32, #tpu.memory_space<hbm>> -> memref<1x128x128xf32, #tpu.memory_space<hbm>>
      %dma_start3A_138 = tpu.memref_squeeze %dma_start3A_137 : memref<1x128x128xf32, #tpu.memory_space<hbm>> -> memref<128x128xf32, #tpu.memory_space<hbm>>
      tpu.enqueue_dma source(%arg9 : memref<128x128xf32, #tpu.memory_space<vmem>>) target(%dma_start3A_138 : memref<128x128xf32, #tpu.memory_space<hbm>>) target_semaphore(%run_scoped3A_132 : memref<!tpu.dma_semaphore, #tpu.memory_space<semaphore_mem>>)
      %dma_wait3A_139 = arith.constant 0 : i32
      %dma_wait3A_140 = tpu.memref_slice %arg6[%arg0, %add3A_131, %dma_wait3A_139] : memref<2x10240x128xf32, #tpu.memory_space<hbm>> -> memref<1x128x128xf32, #tpu.memory_space<hbm>>
      %dma_wait3A_141 = tpu.memref_squeeze %dma_wait3A_140 : memref<1x128x128xf32, #tpu.memory_space<hbm>> -> memref<128x128xf32, #tpu.memory_space<hbm>>
      %dma_wait3A_142 = arith.constant 0 : i32
      %dma_wait3A_143 = tpu.memref_slice %arg6[%arg0, %add3A_131, %dma_wait3A_142] : memref<2x10240x128xf32, #tpu.memory_space<hbm>> -> memref<1x128x128xf32, #tpu.memory_space<hbm>>
      %dma_wait3A_144 = tpu.memref_squeeze %dma_wait3A_143 : memref<1x128x128xf32, #tpu.memory_space<hbm>> -> memref<128x128xf32, #tpu.memory_space<hbm>>
      tpu.wait_dma2 semaphore(%run_scoped3A_132 : memref<!tpu.dma_semaphore, #tpu.memory_space<semaphore_mem>>) src(%arg9 : memref<128x128xf32, #tpu.memory_space<vmem>>) dst(%dma_wait3A_144 : memref<128x128xf32, #tpu.memory_space<hbm>>)
      tpu.yield
    }) : () -> ()
    return
  }
}

#map = affine_map<(d0, d1) -> (0, 0)>
#map1 = affine_map<(d0, d1) -> (0, 0, 0, 0)>
#map2 = affine_map<(d0, d1) -> (0, 0, 0)>
module attributes {stable_mosaic.version = 14 : i64} {
  func.func @_sc_segsum(%arg0: i32, %arg1: i32, %arg2: memref<10240x128xf32, #tpu.memory_space<hbm>>, %arg3: memref<32x2x40x128xi32, #tpu.memory_space<hbm>>, %arg4: memref<32x2x40x128xi32, #tpu.memory_space<hbm>>, %arg5: memref<128x128xf32, #tpu.memory_space<hbm>>, %arg6: memref<2x10240x128xf32, #tpu.memory_space<hbm>>, %arg7: memref<40x128xi32, #tpu.memory_space<vmem>>, %arg8: memref<40x128xi32, #tpu.memory_space<vmem>>, %arg9: memref<128x128xf32, #tpu.memory_space<vmem>>, %arg10: memref<128x128xf32, #tpu.memory_space<vmem>>, %arg11: memref<10240x128xf32, #tpu.memory_space<vmem_shared>>, %arg12: memref<!tpu.dma_semaphore, #tpu.memory_space<semaphore_mem>>, %arg13: memref<!tpu.dma_semaphore, #tpu.memory_space<semaphore_mem>>) attributes {dimension_semantics = [#tpu.dimension_semantics<core_parallel>, #tpu.dimension_semantics<subcore_parallel>], iteration_bounds = array<i64: 2, 16>, scalar_prefetch = 0 : i64, scratch_operands = 7 : i64, tpu.core_type = #tpu.core_type<sc_vector_subcore>, window_params = [{transform_indices = #map}, {transform_indices = #map1}, {transform_indices = #map1}, {transform_indices = #map}, {transform_indices = #map2}]} {
    %mul3A = arith.constant 2 : i32
    %mul3A_0 = arith.muli %arg1, %mul3A : i32
    %add3A = arith.addi %mul3A_0, %arg0 : i32
    "tpu.region"() ({
      %run_scoped3A_132 = tpu.sem_alloc : memref<!tpu.dma_semaphore, #tpu.memory_space<semaphore_mem>>
      tpu.enqueue_dma source(%arg5 : memref<128x128xf32, #tpu.memory_space<hbm>>) target(%arg9 : memref<128x128xf32, #tpu.memory_space<vmem>>) target_semaphore(%run_scoped3A_132 : memref<!tpu.dma_semaphore, #tpu.memory_space<semaphore_mem>>)
      tpu.wait_dma2 semaphore(%run_scoped3A_132 : memref<!tpu.dma_semaphore, #tpu.memory_space<semaphore_mem>>) src(%arg5 : memref<128x128xf32, #tpu.memory_space<hbm>>) dst(%arg9 : memref<128x128xf32, #tpu.memory_space<vmem>>)
      tpu.yield
    }) : () -> ()
    %mul3A_1 = arith.constant 640 : i32
    %mul3A_2 = arith.muli %arg1, %mul3A_1 : i32
    %add3A_3 = arith.constant 0 : i32
    %add3A_4 = arith.addi %mul3A_2, %add3A_3 : i32
    "tpu.region"() ({
      %run_scoped3A_132 = tpu.sem_alloc : memref<!tpu.dma_semaphore, #tpu.memory_space<semaphore_mem>>
      %dma_start3A_133 = arith.constant 0 : i32
      %dma_start3A_134 = tpu.memref_slice %arg11[%add3A_4, %dma_start3A_133] : memref<10240x128xf32, #tpu.memory_space<vmem_shared>> -> memref<128x128xf32, #tpu.memory_space<vmem_shared>>
      %dma_start3A_135 = arith.constant 0 : i32
      %dma_start3A_136 = tpu.memref_slice %arg11[%add3A_4, %dma_start3A_135] : memref<10240x128xf32, #tpu.memory_space<vmem_shared>> -> memref<128x128xf32, #tpu.memory_space<vmem_shared>>
      tpu.enqueue_dma source(%arg9 : memref<128x128xf32, #tpu.memory_space<vmem>>) target(%dma_start3A_136 : memref<128x128xf32, #tpu.memory_space<vmem_shared>>) target_semaphore(%run_scoped3A_132 : memref<!tpu.dma_semaphore, #tpu.memory_space<semaphore_mem>>)
      %dma_wait3A_137 = arith.constant 0 : i32
      %dma_wait3A_138 = tpu.memref_slice %arg11[%add3A_4, %dma_wait3A_137] : memref<10240x128xf32, #tpu.memory_space<vmem_shared>> -> memref<128x128xf32, #tpu.memory_space<vmem_shared>>
      %dma_wait3A_139 = arith.constant 0 : i32
      %dma_wait3A_140 = tpu.memref_slice %arg11[%add3A_4, %dma_wait3A_139] : memref<10240x128xf32, #tpu.memory_space<vmem_shared>> -> memref<128x128xf32, #tpu.memory_space<vmem_shared>>
      tpu.wait_dma2 semaphore(%run_scoped3A_132 : memref<!tpu.dma_semaphore, #tpu.memory_space<semaphore_mem>>) src(%arg9 : memref<128x128xf32, #tpu.memory_space<vmem>>) dst(%dma_wait3A_140 : memref<128x128xf32, #tpu.memory_space<vmem_shared>>)
      tpu.yield
    }) : () -> ()
    %mul3A_5 = arith.constant 640 : i32
    %mul3A_6 = arith.muli %arg1, %mul3A_5 : i32
    %add3A_7 = arith.constant 128 : i32
    %add3A_8 = arith.addi %mul3A_6, %add3A_7 : i32
    "tpu.region"() ({
      %run_scoped3A_132 = tpu.sem_alloc : memref<!tpu.dma_semaphore, #tpu.memory_space<semaphore_mem>>
      %dma_start3A_133 = arith.constant 0 : i32
      %dma_start3A_134 = tpu.memref_slice %arg11[%add3A_8, %dma_start3A_133] : memref<10240x128xf32, #tpu.memory_space<vmem_shared>> -> memref<128x128xf32, #tpu.memory_space<vmem_shared>>
      %dma_start3A_135 = arith.constant 0 : i32
      %dma_start3A_136 = tpu.memref_slice %arg11[%add3A_8, %dma_start3A_135] : memref<10240x128xf32, #tpu.memory_space<vmem_shared>> -> memref<128x128xf32, #tpu.memory_space<vmem_shared>>
      tpu.enqueue_dma source(%arg9 : memref<128x128xf32, #tpu.memory_space<vmem>>) target(%dma_start3A_136 : memref<128x128xf32, #tpu.memory_space<vmem_shared>>) target_semaphore(%run_scoped3A_132 : memref<!tpu.dma_semaphore, #tpu.memory_space<semaphore_mem>>)
      %dma_wait3A_137 = arith.constant 0 : i32
      %dma_wait3A_138 = tpu.memref_slice %arg11[%add3A_8, %dma_wait3A_137] : memref<10240x128xf32, #tpu.memory_space<vmem_shared>> -> memref<128x128xf32, #tpu.memory_space<vmem_shared>>
      %dma_wait3A_139 = arith.constant 0 : i32
      %dma_wait3A_140 = tpu.memref_slice %arg11[%add3A_8, %dma_wait3A_139] : memref<10240x128xf32, #tpu.memory_space<vmem_shared>> -> memref<128x128xf32, #tpu.memory_space<vmem_shared>>
      tpu.wait_dma2 semaphore(%run_scoped3A_132 : memref<!tpu.dma_semaphore, #tpu.memory_space<semaphore_mem>>) src(%arg9 : memref<128x128xf32, #tpu.memory_space<vmem>>) dst(%dma_wait3A_140 : memref<128x128xf32, #tpu.memory_space<vmem_shared>>)
      tpu.yield
    }) : () -> ()
    %mul3A_9 = arith.constant 640 : i32
    %mul3A_10 = arith.muli %arg1, %mul3A_9 : i32
    %add3A_11 = arith.constant 256 : i32
    %add3A_12 = arith.addi %mul3A_10, %add3A_11 : i32
    "tpu.region"() ({
      %run_scoped3A_132 = tpu.sem_alloc : memref<!tpu.dma_semaphore, #tpu.memory_space<semaphore_mem>>
      %dma_start3A_133 = arith.constant 0 : i32
      %dma_start3A_134 = tpu.memref_slice %arg11[%add3A_12, %dma_start3A_133] : memref<10240x128xf32, #tpu.memory_space<vmem_shared>> -> memref<128x128xf32, #tpu.memory_space<vmem_shared>>
      %dma_start3A_135 = arith.constant 0 : i32
      %dma_start3A_136 = tpu.memref_slice %arg11[%add3A_12, %dma_start3A_135] : memref<10240x128xf32, #tpu.memory_space<vmem_shared>> -> memref<128x128xf32, #tpu.memory_space<vmem_shared>>
      tpu.enqueue_dma source(%arg9 : memref<128x128xf32, #tpu.memory_space<vmem>>) target(%dma_start3A_136 : memref<128x128xf32, #tpu.memory_space<vmem_shared>>) target_semaphore(%run_scoped3A_132 : memref<!tpu.dma_semaphore, #tpu.memory_space<semaphore_mem>>)
      %dma_wait3A_137 = arith.constant 0 : i32
      %dma_wait3A_138 = tpu.memref_slice %arg11[%add3A_12, %dma_wait3A_137] : memref<10240x128xf32, #tpu.memory_space<vmem_shared>> -> memref<128x128xf32, #tpu.memory_space<vmem_shared>>
      %dma_wait3A_139 = arith.constant 0 : i32
      %dma_wait3A_140 = tpu.memref_slice %arg11[%add3A_12, %dma_wait3A_139] : memref<10240x128xf32, #tpu.memory_space<vmem_shared>> -> memref<128x128xf32, #tpu.memory_space<vmem_shared>>
      tpu.wait_dma2 semaphore(%run_scoped3A_132 : memref<!tpu.dma_semaphore, #tpu.memory_space<semaphore_mem>>) src(%arg9 : memref<128x128xf32, #tpu.memory_space<vmem>>) dst(%dma_wait3A_140 : memref<128x128xf32, #tpu.memory_space<vmem_shared>>)
      tpu.yield
    }) : () -> ()
    %mul3A_13 = arith.constant 640 : i32
    %mul3A_14 = arith.muli %arg1, %mul3A_13 : i32
    %add3A_15 = arith.constant 384 : i32
    %add3A_16 = arith.addi %mul3A_14, %add3A_15 : i32
    "tpu.region"() ({
      %run_scoped3A_132 = tpu.sem_alloc : memref<!tpu.dma_semaphore, #tpu.memory_space<semaphore_mem>>
      %dma_start3A_133 = arith.constant 0 : i32
      %dma_start3A_134 = tpu.memref_slice %arg11[%add3A_16, %dma_start3A_133] : memref<10240x128xf32, #tpu.memory_space<vmem_shared>> -> memref<128x128xf32, #tpu.memory_space<vmem_shared>>
      %dma_start3A_135 = arith.constant 0 : i32
      %dma_start3A_136 = tpu.memref_slice %arg11[%add3A_16, %dma_start3A_135] : memref<10240x128xf32, #tpu.memory_space<vmem_shared>> -> memref<128x128xf32, #tpu.memory_space<vmem_shared>>
      tpu.enqueue_dma source(%arg9 : memref<128x128xf32, #tpu.memory_space<vmem>>) target(%dma_start3A_136 : memref<128x128xf32, #tpu.memory_space<vmem_shared>>) target_semaphore(%run_scoped3A_132 : memref<!tpu.dma_semaphore, #tpu.memory_space<semaphore_mem>>)
      %dma_wait3A_137 = arith.constant 0 : i32
      %dma_wait3A_138 = tpu.memref_slice %arg11[%add3A_16, %dma_wait3A_137] : memref<10240x128xf32, #tpu.memory_space<vmem_shared>> -> memref<128x128xf32, #tpu.memory_space<vmem_shared>>
      %dma_wait3A_139 = arith.constant 0 : i32
      %dma_wait3A_140 = tpu.memref_slice %arg11[%add3A_16, %dma_wait3A_139] : memref<10240x128xf32, #tpu.memory_space<vmem_shared>> -> memref<128x128xf32, #tpu.memory_space<vmem_shared>>
      tpu.wait_dma2 semaphore(%run_scoped3A_132 : memref<!tpu.dma_semaphore, #tpu.memory_space<semaphore_mem>>) src(%arg9 : memref<128x128xf32, #tpu.memory_space<vmem>>) dst(%dma_wait3A_140 : memref<128x128xf32, #tpu.memory_space<vmem_shared>>)
      tpu.yield
    }) : () -> ()
    %mul3A_17 = arith.constant 640 : i32
    %mul3A_18 = arith.muli %arg1, %mul3A_17 : i32
    %add3A_19 = arith.constant 512 : i32
    %add3A_20 = arith.addi %mul3A_18, %add3A_19 : i32
    "tpu.region"() ({
      %run_scoped3A_132 = tpu.sem_alloc : memref<!tpu.dma_semaphore, #tpu.memory_space<semaphore_mem>>
      %dma_start3A_133 = arith.constant 0 : i32
      %dma_start3A_134 = tpu.memref_slice %arg11[%add3A_20, %dma_start3A_133] : memref<10240x128xf32, #tpu.memory_space<vmem_shared>> -> memref<128x128xf32, #tpu.memory_space<vmem_shared>>
      %dma_start3A_135 = arith.constant 0 : i32
      %dma_start3A_136 = tpu.memref_slice %arg11[%add3A_20, %dma_start3A_135] : memref<10240x128xf32, #tpu.memory_space<vmem_shared>> -> memref<128x128xf32, #tpu.memory_space<vmem_shared>>
      tpu.enqueue_dma source(%arg9 : memref<128x128xf32, #tpu.memory_space<vmem>>) target(%dma_start3A_136 : memref<128x128xf32, #tpu.memory_space<vmem_shared>>) target_semaphore(%run_scoped3A_132 : memref<!tpu.dma_semaphore, #tpu.memory_space<semaphore_mem>>)
      %dma_wait3A_137 = arith.constant 0 : i32
      %dma_wait3A_138 = tpu.memref_slice %arg11[%add3A_20, %dma_wait3A_137] : memref<10240x128xf32, #tpu.memory_space<vmem_shared>> -> memref<128x128xf32, #tpu.memory_space<vmem_shared>>
      %dma_wait3A_139 = arith.constant 0 : i32
      %dma_wait3A_140 = tpu.memref_slice %arg11[%add3A_20, %dma_wait3A_139] : memref<10240x128xf32, #tpu.memory_space<vmem_shared>> -> memref<128x128xf32, #tpu.memory_space<vmem_shared>>
      tpu.wait_dma2 semaphore(%run_scoped3A_132 : memref<!tpu.dma_semaphore, #tpu.memory_space<semaphore_mem>>) src(%arg9 : memref<128x128xf32, #tpu.memory_space<vmem>>) dst(%dma_wait3A_140 : memref<128x128xf32, #tpu.memory_space<vmem_shared>>)
      tpu.yield
    }) : () -> ()
    %barrier3A = arith.constant 0 : index
    tpu.barrier barrier_id(%barrier3A)
    %run_scoped3A = arith.constant 0 : i32
    "tpu.region"() ({
      %run_scoped3A_132 = tpu.sem_alloc : memref<!tpu.dma_semaphore, #tpu.memory_space<semaphore_mem>>
      %dma_start3A_133 = arith.constant 0 : i32
      %dma_start3A_134 = arith.constant 0 : i32
      %dma_start3A_135 = tpu.memref_slice %arg3[%add3A, %run_scoped3A, %dma_start3A_133, %dma_start3A_134] : memref<32x2x40x128xi32, #tpu.memory_space<hbm>> -> memref<1x1x40x128xi32, #tpu.memory_space<hbm>>
      %dma_start3A_136 = tpu.memref_squeeze %dma_start3A_135 : memref<1x1x40x128xi32, #tpu.memory_space<hbm>> -> memref<40x128xi32, #tpu.memory_space<hbm>>
      %dma_start3A_137 = arith.constant 0 : i32
      %dma_start3A_138 = arith.constant 0 : i32
      %dma_start3A_139 = tpu.memref_slice %arg3[%add3A, %run_scoped3A, %dma_start3A_137, %dma_start3A_138] : memref<32x2x40x128xi32, #tpu.memory_space<hbm>> -> memref<1x1x40x128xi32, #tpu.memory_space<hbm>>
      %dma_start3A_140 = tpu.memref_squeeze %dma_start3A_139 : memref<1x1x40x128xi32, #tpu.memory_space<hbm>> -> memref<40x128xi32, #tpu.memory_space<hbm>>
      tpu.enqueue_dma source(%dma_start3A_140 : memref<40x128xi32, #tpu.memory_space<hbm>>) target(%arg7 : memref<40x128xi32, #tpu.memory_space<vmem>>) target_semaphore(%run_scoped3A_132 : memref<!tpu.dma_semaphore, #tpu.memory_space<semaphore_mem>>)
      %dma_wait3A_141 = arith.constant 0 : i32
      %dma_wait3A_142 = arith.constant 0 : i32
      %dma_wait3A_143 = tpu.memref_slice %arg3[%add3A, %run_scoped3A, %dma_wait3A_141, %dma_wait3A_142] : memref<32x2x40x128xi32, #tpu.memory_space<hbm>> -> memref<1x1x40x128xi32, #tpu.memory_space<hbm>>
      %dma_wait3A_144 = tpu.memref_squeeze %dma_wait3A_143 : memref<1x1x40x128xi32, #tpu.memory_space<hbm>> -> memref<40x128xi32, #tpu.memory_space<hbm>>
      %dma_wait3A_145 = arith.constant 0 : i32
      %dma_wait3A_146 = arith.constant 0 : i32
      %dma_wait3A_147 = tpu.memref_slice %arg3[%add3A, %run_scoped3A, %dma_wait3A_145, %dma_wait3A_146] : memref<32x2x40x128xi32, #tpu.memory_space<hbm>> -> memref<1x1x40x128xi32, #tpu.memory_space<hbm>>
      %dma_wait3A_148 = tpu.memref_squeeze %dma_wait3A_147 : memref<1x1x40x128xi32, #tpu.memory_space<hbm>> -> memref<40x128xi32, #tpu.memory_space<hbm>>
      tpu.wait_dma2 semaphore(%run_scoped3A_132 : memref<!tpu.dma_semaphore, #tpu.memory_space<semaphore_mem>>) src(%dma_wait3A_148 : memref<40x128xi32, #tpu.memory_space<hbm>>) dst(%arg7 : memref<40x128xi32, #tpu.memory_space<vmem>>)
      tpu.yield
    }) : () -> ()
    %run_scoped3A_21 = arith.constant 0 : i32
    "tpu.region"() ({
      %run_scoped3A_132 = tpu.sem_alloc : memref<!tpu.dma_semaphore, #tpu.memory_space<semaphore_mem>>
      %dma_start3A_133 = arith.constant 0 : i32
      %dma_start3A_134 = arith.constant 0 : i32
      %dma_start3A_135 = tpu.memref_slice %arg4[%add3A, %run_scoped3A_21, %dma_start3A_133, %dma_start3A_134] : memref<32x2x40x128xi32, #tpu.memory_space<hbm>> -> memref<1x1x40x128xi32, #tpu.memory_space<hbm>>
      %dma_start3A_136 = tpu.memref_squeeze %dma_start3A_135 : memref<1x1x40x128xi32, #tpu.memory_space<hbm>> -> memref<40x128xi32, #tpu.memory_space<hbm>>
      %dma_start3A_137 = arith.constant 0 : i32
      %dma_start3A_138 = arith.constant 0 : i32
      %dma_start3A_139 = tpu.memref_slice %arg4[%add3A, %run_scoped3A_21, %dma_start3A_137, %dma_start3A_138] : memref<32x2x40x128xi32, #tpu.memory_space<hbm>> -> memref<1x1x40x128xi32, #tpu.memory_space<hbm>>
      %dma_start3A_140 = tpu.memref_squeeze %dma_start3A_139 : memref<1x1x40x128xi32, #tpu.memory_space<hbm>> -> memref<40x128xi32, #tpu.memory_space<hbm>>
      tpu.enqueue_dma source(%dma_start3A_140 : memref<40x128xi32, #tpu.memory_space<hbm>>) target(%arg8 : memref<40x128xi32, #tpu.memory_space<vmem>>) target_semaphore(%run_scoped3A_132 : memref<!tpu.dma_semaphore, #tpu.memory_space<semaphore_mem>>)
      %dma_wait3A_141 = arith.constant 0 : i32
      %dma_wait3A_142 = arith.constant 0 : i32
      %dma_wait3A_143 = tpu.memref_slice %arg4[%add3A, %run_scoped3A_21, %dma_wait3A_141, %dma_wait3A_142] : memref<32x2x40x128xi32, #tpu.memory_space<hbm>> -> memref<1x1x40x128xi32, #tpu.memory_space<hbm>>
      %dma_wait3A_144 = tpu.memref_squeeze %dma_wait3A_143 : memref<1x1x40x128xi32, #tpu.memory_space<hbm>> -> memref<40x128xi32, #tpu.memory_space<hbm>>
      %dma_wait3A_145 = arith.constant 0 : i32
      %dma_wait3A_146 = arith.constant 0 : i32
      %dma_wait3A_147 = tpu.memref_slice %arg4[%add3A, %run_scoped3A_21, %dma_wait3A_145, %dma_wait3A_146] : memref<32x2x40x128xi32, #tpu.memory_space<hbm>> -> memref<1x1x40x128xi32, #tpu.memory_space<hbm>>
      %dma_wait3A_148 = tpu.memref_squeeze %dma_wait3A_147 : memref<1x1x40x128xi32, #tpu.memory_space<hbm>> -> memref<40x128xi32, #tpu.memory_space<hbm>>
      tpu.wait_dma2 semaphore(%run_scoped3A_132 : memref<!tpu.dma_semaphore, #tpu.memory_space<semaphore_mem>>) src(%dma_wait3A_148 : memref<40x128xi32, #tpu.memory_space<hbm>>) dst(%arg8 : memref<40x128xi32, #tpu.memory_space<vmem>>)
      tpu.yield
    }) : () -> ()
    %dma_start3A = arith.constant 0 : i32
    %dma_start3A_22 = arith.constant 0 : i32
    %dma_start3A_23 = tpu.memref_slice %arg7[%dma_start3A, %dma_start3A_22] : memref<40x128xi32, #tpu.memory_space<vmem>> -> memref<1x128xi32, #tpu.memory_space<vmem>>
    %dma_start3A_24 = tpu.memref_squeeze %dma_start3A_23 : memref<1x128xi32, #tpu.memory_space<vmem>> -> memref<128xi32, #tpu.memory_space<vmem>>
    %dma_start3A_25 = arith.constant 0 : i32
    %dma_start3A_26 = arith.constant 0 : i32
    %dma_start3A_27 = tpu.memref_slice %arg2[%dma_start3A_25, %dma_start3A_26] : memref<10240x128xf32, #tpu.memory_space<hbm>> -> memref<10240x128xf32, #tpu.memory_space<hbm>>
    tpu.enqueue_indirect_dma source(%dma_start3A_27 : memref<10240x128xf32, #tpu.memory_space<hbm>>) target(%arg9 : memref<128x128xf32, #tpu.memory_space<vmem>>) offsets(%dma_start3A_24 : memref<128xi32, #tpu.memory_space<vmem>>) semaphore(%arg12 : memref<!tpu.dma_semaphore, #tpu.memory_space<semaphore_mem>>)
    %scan3A = arith.constant 0 : i32
    %scan3A_28 = arith.constant 19 : i32
    %scan3A_29 = arith.addi %scan3A, %scan3A_28 : i32
    %scan3A_30 = arith.constant 1 : i32
    scf.for %scan3A_132 = %scan3A to %scan3A_29 step %scan3A_30  : i32 {
      %mul3A_133 = arith.constant 2 : i32
      %mul3A_134 = arith.muli %scan3A_132, %mul3A_133 : i32
      %add3A_135 = arith.constant 0 : i32
      %add3A_136 = arith.addi %add3A_135, %mul3A_134 : i32
      %add3A_137 = arith.constant 1 : i32
      %add3A_138 = arith.addi %add3A_136, %add3A_137 : i32
      %dma_start3A_139 = arith.constant 0 : i32
      %dma_start3A_140 = tpu.memref_slice %arg7[%add3A_138, %dma_start3A_139] : memref<40x128xi32, #tpu.memory_space<vmem>> -> memref<1x128xi32, #tpu.memory_space<vmem>>
      %dma_start3A_141 = tpu.memref_squeeze %dma_start3A_140 : memref<1x128xi32, #tpu.memory_space<vmem>> -> memref<128xi32, #tpu.memory_space<vmem>>
      %dma_start3A_142 = arith.constant 0 : i32
      %dma_start3A_143 = arith.constant 0 : i32
      %dma_start3A_144 = tpu.memref_slice %arg2[%dma_start3A_142, %dma_start3A_143] : memref<10240x128xf32, #tpu.memory_space<hbm>> -> memref<10240x128xf32, #tpu.memory_space<hbm>>
      tpu.enqueue_indirect_dma source(%dma_start3A_144 : memref<10240x128xf32, #tpu.memory_space<hbm>>) target(%arg10 : memref<128x128xf32, #tpu.memory_space<vmem>>) offsets(%dma_start3A_141 : memref<128xi32, #tpu.memory_space<vmem>>) semaphore(%arg13 : memref<!tpu.dma_semaphore, #tpu.memory_space<semaphore_mem>>)
      %dma_wait3A_145 = arith.constant 0 : i32
      %dma_wait3A_146 = tpu.memref_slice %arg7[%add3A_136, %dma_wait3A_145] : memref<40x128xi32, #tpu.memory_space<vmem>> -> memref<1x128xi32, #tpu.memory_space<vmem>>
      %dma_wait3A_147 = tpu.memref_squeeze %dma_wait3A_146 : memref<1x128xi32, #tpu.memory_space<vmem>> -> memref<128xi32, #tpu.memory_space<vmem>>
      %dma_wait3A_148 = arith.constant 0 : i32
      %dma_wait3A_149 = arith.constant 0 : i32
      %dma_wait3A_150 = tpu.memref_slice %arg2[%dma_wait3A_148, %dma_wait3A_149] : memref<10240x128xf32, #tpu.memory_space<hbm>> -> memref<10240x128xf32, #tpu.memory_space<hbm>>
      tpu.wait_indirect_dma semaphore(%arg12 : memref<!tpu.dma_semaphore, #tpu.memory_space<semaphore_mem>>) src(%dma_wait3A_150 : memref<10240x128xf32, #tpu.memory_space<hbm>>) dst(%arg9 : memref<128x128xf32, #tpu.memory_space<vmem>>)
      "tpu.region"() ({
        %run_scoped3A_169 = tpu.sem_alloc : memref<!tpu.dma_semaphore, #tpu.memory_space<semaphore_mem>>
        %dma_start3A_170 = arith.constant 0 : i32
        %dma_start3A_171 = tpu.memref_slice %arg8[%add3A_136, %dma_start3A_170] : memref<40x128xi32, #tpu.memory_space<vmem>> -> memref<1x128xi32, #tpu.memory_space<vmem>>
        %dma_start3A_172 = tpu.memref_squeeze %dma_start3A_171 : memref<1x128xi32, #tpu.memory_space<vmem>> -> memref<128xi32, #tpu.memory_space<vmem>>
        %dma_start3A_173 = arith.constant 0 : i32
        %dma_start3A_174 = arith.constant 0 : i32
        %dma_start3A_175 = tpu.memref_slice %arg11[%dma_start3A_173, %dma_start3A_174] : memref<10240x128xf32, #tpu.memory_space<vmem_shared>> -> memref<10240x128xf32, #tpu.memory_space<vmem_shared>>
        tpu.enqueue_indirect_dma source(%arg9 : memref<128x128xf32, #tpu.memory_space<vmem>>) target(%dma_start3A_175 : memref<10240x128xf32, #tpu.memory_space<vmem_shared>>) offsets(%dma_start3A_172 : memref<128xi32, #tpu.memory_space<vmem>>) semaphore(%run_scoped3A_169 : memref<!tpu.dma_semaphore, #tpu.memory_space<semaphore_mem>>) {add = true}
        %dma_wait3A_176 = arith.constant 0 : i32
        %dma_wait3A_177 = tpu.memref_slice %arg8[%add3A_136, %dma_wait3A_176] : memref<40x128xi32, #tpu.memory_space<vmem>> -> memref<1x128xi32, #tpu.memory_space<vmem>>
        %dma_wait3A_178 = tpu.memref_squeeze %dma_wait3A_177 : memref<1x128xi32, #tpu.memory_space<vmem>> -> memref<128xi32, #tpu.memory_space<vmem>>
        %dma_wait3A_179 = arith.constant 0 : i32
        %dma_wait3A_180 = arith.constant 0 : i32
        %dma_wait3A_181 = tpu.memref_slice %arg11[%dma_wait3A_179, %dma_wait3A_180] : memref<10240x128xf32, #tpu.memory_space<vmem_shared>> -> memref<10240x128xf32, #tpu.memory_space<vmem_shared>>
        tpu.wait_indirect_dma semaphore(%run_scoped3A_169 : memref<!tpu.dma_semaphore, #tpu.memory_space<semaphore_mem>>) src(%arg9 : memref<128x128xf32, #tpu.memory_space<vmem>>) dst(%dma_wait3A_181 : memref<10240x128xf32, #tpu.memory_space<vmem_shared>>)
        tpu.yield
      }) : () -> ()
      %add3A_151 = arith.constant 2 : i32
      %add3A_152 = arith.addi %add3A_136, %add3A_151 : i32
      %dma_start3A_153 = arith.constant 0 : i32
      %dma_start3A_154 = tpu.memref_slice %arg7[%add3A_152, %dma_start3A_153] : memref<40x128xi32, #tpu.memory_space<vmem>> -> memref<1x128xi32, #tpu.memory_space<vmem>>
      %dma_start3A_155 = tpu.memref_squeeze %dma_start3A_154 : memref<1x128xi32, #tpu.memory_space<vmem>> -> memref<128xi32, #tpu.memory_space<vmem>>
      %dma_start3A_156 = arith.constant 0 : i32
      %dma_start3A_157 = arith.constant 0 : i32
      %dma_start3A_158 = tpu.memref_slice %arg2[%dma_start3A_156, %dma_start3A_157] : memref<10240x128xf32, #tpu.memory_space<hbm>> -> memref<10240x128xf32, #tpu.memory_space<hbm>>
      tpu.enqueue_indirect_dma source(%dma_start3A_158 : memref<10240x128xf32, #tpu.memory_space<hbm>>) target(%arg9 : memref<128x128xf32, #tpu.memory_space<vmem>>) offsets(%dma_start3A_155 : memref<128xi32, #tpu.memory_space<vmem>>) semaphore(%arg12 : memref<!tpu.dma_semaphore, #tpu.memory_space<semaphore_mem>>)
      %add3A_159 = arith.constant 1 : i32
      %add3A_160 = arith.addi %add3A_136, %add3A_159 : i32
      %dma_wait3A_161 = arith.constant 0 : i32
      %dma_wait3A_162 = tpu.memref_slice %arg7[%add3A_160, %dma_wait3A_161] : memref<40x128xi32, #tpu.memory_space<vmem>> -> memref<1x128xi32, #tpu.memory_space<vmem>>
      %dma_wait3A_163 = tpu.memref_squeeze %dma_wait3A_162 : memref<1x128xi32, #tpu.memory_space<vmem>> -> memref<128xi32, #tpu.memory_space<vmem>>
      %dma_wait3A_164 = arith.constant 0 : i32
      %dma_wait3A_165 = arith.constant 0 : i32
      %dma_wait3A_166 = tpu.memref_slice %arg2[%dma_wait3A_164, %dma_wait3A_165] : memref<10240x128xf32, #tpu.memory_space<hbm>> -> memref<10240x128xf32, #tpu.memory_space<hbm>>
      tpu.wait_indirect_dma semaphore(%arg13 : memref<!tpu.dma_semaphore, #tpu.memory_space<semaphore_mem>>) src(%dma_wait3A_166 : memref<10240x128xf32, #tpu.memory_space<hbm>>) dst(%arg10 : memref<128x128xf32, #tpu.memory_space<vmem>>)
      %add3A_167 = arith.constant 1 : i32
      %add3A_168 = arith.addi %add3A_136, %add3A_167 : i32
      "tpu.region"() ({
        %run_scoped3A_169 = tpu.sem_alloc : memref<!tpu.dma_semaphore, #tpu.memory_space<semaphore_mem>>
        %dma_start3A_170 = arith.constant 0 : i32
        %dma_start3A_171 = tpu.memref_slice %arg8[%add3A_168, %dma_start3A_170] : memref<40x128xi32, #tpu.memory_space<vmem>> -> memref<1x128xi32, #tpu.memory_space<vmem>>
        %dma_start3A_172 = tpu.memref_squeeze %dma_start3A_171 : memref<1x128xi32, #tpu.memory_space<vmem>> -> memref<128xi32, #tpu.memory_space<vmem>>
        %dma_start3A_173 = arith.constant 0 : i32
        %dma_start3A_174 = arith.constant 0 : i32
        %dma_start3A_175 = tpu.memref_slice %arg11[%dma_start3A_173, %dma_start3A_174] : memref<10240x128xf32, #tpu.memory_space<vmem_shared>> -> memref<10240x128xf32, #tpu.memory_space<vmem_shared>>
        tpu.enqueue_indirect_dma source(%arg10 : memref<128x128xf32, #tpu.memory_space<vmem>>) target(%dma_start3A_175 : memref<10240x128xf32, #tpu.memory_space<vmem_shared>>) offsets(%dma_start3A_172 : memref<128xi32, #tpu.memory_space<vmem>>) semaphore(%run_scoped3A_169 : memref<!tpu.dma_semaphore, #tpu.memory_space<semaphore_mem>>) {add = true}
        %dma_wait3A_176 = arith.constant 0 : i32
        %dma_wait3A_177 = tpu.memref_slice %arg8[%add3A_168, %dma_wait3A_176] : memref<40x128xi32, #tpu.memory_space<vmem>> -> memref<1x128xi32, #tpu.memory_space<vmem>>
        %dma_wait3A_178 = tpu.memref_squeeze %dma_wait3A_177 : memref<1x128xi32, #tpu.memory_space<vmem>> -> memref<128xi32, #tpu.memory_space<vmem>>
        %dma_wait3A_179 = arith.constant 0 : i32
        %dma_wait3A_180 = arith.constant 0 : i32
        %dma_wait3A_181 = tpu.memref_slice %arg11[%dma_wait3A_179, %dma_wait3A_180] : memref<10240x128xf32, #tpu.memory_space<vmem_shared>> -> memref<10240x128xf32, #tpu.memory_space<vmem_shared>>
        tpu.wait_indirect_dma semaphore(%run_scoped3A_169 : memref<!tpu.dma_semaphore, #tpu.memory_space<semaphore_mem>>) src(%arg10 : memref<128x128xf32, #tpu.memory_space<vmem>>) dst(%dma_wait3A_181 : memref<10240x128xf32, #tpu.memory_space<vmem_shared>>)
        tpu.yield
      }) : () -> ()
    }
    %scan3A_31 = arith.constant 19 : i32
    %dma_start3A_32 = arith.constant 39 : i32
    %dma_start3A_33 = arith.constant 0 : i32
    %dma_start3A_34 = tpu.memref_slice %arg7[%dma_start3A_32, %dma_start3A_33] : memref<40x128xi32, #tpu.memory_space<vmem>> -> memref<1x128xi32, #tpu.memory_space<vmem>>
    %dma_start3A_35 = tpu.memref_squeeze %dma_start3A_34 : memref<1x128xi32, #tpu.memory_space<vmem>> -> memref<128xi32, #tpu.memory_space<vmem>>
    %dma_start3A_36 = arith.constant 0 : i32
    %dma_start3A_37 = arith.constant 0 : i32
    %dma_start3A_38 = tpu.memref_slice %arg2[%dma_start3A_36, %dma_start3A_37] : memref<10240x128xf32, #tpu.memory_space<hbm>> -> memref<10240x128xf32, #tpu.memory_space<hbm>>
    tpu.enqueue_indirect_dma source(%dma_start3A_38 : memref<10240x128xf32, #tpu.memory_space<hbm>>) target(%arg10 : memref<128x128xf32, #tpu.memory_space<vmem>>) offsets(%dma_start3A_35 : memref<128xi32, #tpu.memory_space<vmem>>) semaphore(%arg13 : memref<!tpu.dma_semaphore, #tpu.memory_space<semaphore_mem>>)
    %dma_wait3A = arith.constant 38 : i32
    %dma_wait3A_39 = arith.constant 0 : i32
    %dma_wait3A_40 = tpu.memref_slice %arg7[%dma_wait3A, %dma_wait3A_39] : memref<40x128xi32, #tpu.memory_space<vmem>> -> memref<1x128xi32, #tpu.memory_space<vmem>>
    %dma_wait3A_41 = tpu.memref_squeeze %dma_wait3A_40 : memref<1x128xi32, #tpu.memory_space<vmem>> -> memref<128xi32, #tpu.memory_space<vmem>>
    %dma_wait3A_42 = arith.constant 0 : i32
    %dma_wait3A_43 = arith.constant 0 : i32
    %dma_wait3A_44 = tpu.memref_slice %arg2[%dma_wait3A_42, %dma_wait3A_43] : memref<10240x128xf32, #tpu.memory_space<hbm>> -> memref<10240x128xf32, #tpu.memory_space<hbm>>
    tpu.wait_indirect_dma semaphore(%arg12 : memref<!tpu.dma_semaphore, #tpu.memory_space<semaphore_mem>>) src(%dma_wait3A_44 : memref<10240x128xf32, #tpu.memory_space<hbm>>) dst(%arg9 : memref<128x128xf32, #tpu.memory_space<vmem>>)
    %run_scoped3A_45 = arith.constant 38 : i32
    "tpu.region"() ({
      %run_scoped3A_132 = tpu.sem_alloc : memref<!tpu.dma_semaphore, #tpu.memory_space<semaphore_mem>>
      %dma_start3A_133 = arith.constant 0 : i32
      %dma_start3A_134 = tpu.memref_slice %arg8[%run_scoped3A_45, %dma_start3A_133] : memref<40x128xi32, #tpu.memory_space<vmem>> -> memref<1x128xi32, #tpu.memory_space<vmem>>
      %dma_start3A_135 = tpu.memref_squeeze %dma_start3A_134 : memref<1x128xi32, #tpu.memory_space<vmem>> -> memref<128xi32, #tpu.memory_space<vmem>>
      %dma_start3A_136 = arith.constant 0 : i32
      %dma_start3A_137 = arith.constant 0 : i32
      %dma_start3A_138 = tpu.memref_slice %arg11[%dma_start3A_136, %dma_start3A_137] : memref<10240x128xf32, #tpu.memory_space<vmem_shared>> -> memref<10240x128xf32, #tpu.memory_space<vmem_shared>>
      tpu.enqueue_indirect_dma source(%arg9 : memref<128x128xf32, #tpu.memory_space<vmem>>) target(%dma_start3A_138 : memref<10240x128xf32, #tpu.memory_space<vmem_shared>>) offsets(%dma_start3A_135 : memref<128xi32, #tpu.memory_space<vmem>>) semaphore(%run_scoped3A_132 : memref<!tpu.dma_semaphore, #tpu.memory_space<semaphore_mem>>) {add = true}
      %dma_wait3A_139 = arith.constant 0 : i32
      %dma_wait3A_140 = tpu.memref_slice %arg8[%run_scoped3A_45, %dma_wait3A_139] : memref<40x128xi32, #tpu.memory_space<vmem>> -> memref<1x128xi32, #tpu.memory_space<vmem>>
      %dma_wait3A_141 = tpu.memref_squeeze %dma_wait3A_140 : memref<1x128xi32, #tpu.memory_space<vmem>> -> memref<128xi32, #tpu.memory_space<vmem>>
      %dma_wait3A_142 = arith.constant 0 : i32
      %dma_wait3A_143 = arith.constant 0 : i32
      %dma_wait3A_144 = tpu.memref_slice %arg11[%dma_wait3A_142, %dma_wait3A_143] : memref<10240x128xf32, #tpu.memory_space<vmem_shared>> -> memref<10240x128xf32, #tpu.memory_space<vmem_shared>>
      tpu.wait_indirect_dma semaphore(%run_scoped3A_132 : memref<!tpu.dma_semaphore, #tpu.memory_space<semaphore_mem>>) src(%arg9 : memref<128x128xf32, #tpu.memory_space<vmem>>) dst(%dma_wait3A_144 : memref<10240x128xf32, #tpu.memory_space<vmem_shared>>)
      tpu.yield
    }) : () -> ()
    %dma_wait3A_46 = arith.constant 39 : i32
    %dma_wait3A_47 = arith.constant 0 : i32
    %dma_wait3A_48 = tpu.memref_slice %arg7[%dma_wait3A_46, %dma_wait3A_47] : memref<40x128xi32, #tpu.memory_space<vmem>> -> memref<1x128xi32, #tpu.memory_space<vmem>>
    %dma_wait3A_49 = tpu.memref_squeeze %dma_wait3A_48 : memref<1x128xi32, #tpu.memory_space<vmem>> -> memref<128xi32, #tpu.memory_space<vmem>>
    %dma_wait3A_50 = arith.constant 0 : i32
    %dma_wait3A_51 = arith.constant 0 : i32
    %dma_wait3A_52 = tpu.memref_slice %arg2[%dma_wait3A_50, %dma_wait3A_51] : memref<10240x128xf32, #tpu.memory_space<hbm>> -> memref<10240x128xf32, #tpu.memory_space<hbm>>
    tpu.wait_indirect_dma semaphore(%arg13 : memref<!tpu.dma_semaphore, #tpu.memory_space<semaphore_mem>>) src(%dma_wait3A_52 : memref<10240x128xf32, #tpu.memory_space<hbm>>) dst(%arg10 : memref<128x128xf32, #tpu.memory_space<vmem>>)
    %run_scoped3A_53 = arith.constant 39 : i32
    "tpu.region"() ({
      %run_scoped3A_132 = tpu.sem_alloc : memref<!tpu.dma_semaphore, #tpu.memory_space<semaphore_mem>>
      %dma_start3A_133 = arith.constant 0 : i32
      %dma_start3A_134 = tpu.memref_slice %arg8[%run_scoped3A_53, %dma_start3A_133] : memref<40x128xi32, #tpu.memory_space<vmem>> -> memref<1x128xi32, #tpu.memory_space<vmem>>
      %dma_start3A_135 = tpu.memref_squeeze %dma_start3A_134 : memref<1x128xi32, #tpu.memory_space<vmem>> -> memref<128xi32, #tpu.memory_space<vmem>>
      %dma_start3A_136 = arith.constant 0 : i32
      %dma_start3A_137 = arith.constant 0 : i32
      %dma_start3A_138 = tpu.memref_slice %arg11[%dma_start3A_136, %dma_start3A_137] : memref<10240x128xf32, #tpu.memory_space<vmem_shared>> -> memref<10240x128xf32, #tpu.memory_space<vmem_shared>>
      tpu.enqueue_indirect_dma source(%arg10 : memref<128x128xf32, #tpu.memory_space<vmem>>) target(%dma_start3A_138 : memref<10240x128xf32, #tpu.memory_space<vmem_shared>>) offsets(%dma_start3A_135 : memref<128xi32, #tpu.memory_space<vmem>>) semaphore(%run_scoped3A_132 : memref<!tpu.dma_semaphore, #tpu.memory_space<semaphore_mem>>) {add = true}
      %dma_wait3A_139 = arith.constant 0 : i32
      %dma_wait3A_140 = tpu.memref_slice %arg8[%run_scoped3A_53, %dma_wait3A_139] : memref<40x128xi32, #tpu.memory_space<vmem>> -> memref<1x128xi32, #tpu.memory_space<vmem>>
      %dma_wait3A_141 = tpu.memref_squeeze %dma_wait3A_140 : memref<1x128xi32, #tpu.memory_space<vmem>> -> memref<128xi32, #tpu.memory_space<vmem>>
      %dma_wait3A_142 = arith.constant 0 : i32
      %dma_wait3A_143 = arith.constant 0 : i32
      %dma_wait3A_144 = tpu.memref_slice %arg11[%dma_wait3A_142, %dma_wait3A_143] : memref<10240x128xf32, #tpu.memory_space<vmem_shared>> -> memref<10240x128xf32, #tpu.memory_space<vmem_shared>>
      tpu.wait_indirect_dma semaphore(%run_scoped3A_132 : memref<!tpu.dma_semaphore, #tpu.memory_space<semaphore_mem>>) src(%arg10 : memref<128x128xf32, #tpu.memory_space<vmem>>) dst(%dma_wait3A_144 : memref<10240x128xf32, #tpu.memory_space<vmem_shared>>)
      tpu.yield
    }) : () -> ()
    %run_scoped3A_54 = arith.constant 1 : i32
    "tpu.region"() ({
      %run_scoped3A_132 = tpu.sem_alloc : memref<!tpu.dma_semaphore, #tpu.memory_space<semaphore_mem>>
      %dma_start3A_133 = arith.constant 0 : i32
      %dma_start3A_134 = arith.constant 0 : i32
      %dma_start3A_135 = tpu.memref_slice %arg3[%add3A, %run_scoped3A_54, %dma_start3A_133, %dma_start3A_134] : memref<32x2x40x128xi32, #tpu.memory_space<hbm>> -> memref<1x1x40x128xi32, #tpu.memory_space<hbm>>
      %dma_start3A_136 = tpu.memref_squeeze %dma_start3A_135 : memref<1x1x40x128xi32, #tpu.memory_space<hbm>> -> memref<40x128xi32, #tpu.memory_space<hbm>>
      %dma_start3A_137 = arith.constant 0 : i32
      %dma_start3A_138 = arith.constant 0 : i32
      %dma_start3A_139 = tpu.memref_slice %arg3[%add3A, %run_scoped3A_54, %dma_start3A_137, %dma_start3A_138] : memref<32x2x40x128xi32, #tpu.memory_space<hbm>> -> memref<1x1x40x128xi32, #tpu.memory_space<hbm>>
      %dma_start3A_140 = tpu.memref_squeeze %dma_start3A_139 : memref<1x1x40x128xi32, #tpu.memory_space<hbm>> -> memref<40x128xi32, #tpu.memory_space<hbm>>
      tpu.enqueue_dma source(%dma_start3A_140 : memref<40x128xi32, #tpu.memory_space<hbm>>) target(%arg7 : memref<40x128xi32, #tpu.memory_space<vmem>>) target_semaphore(%run_scoped3A_132 : memref<!tpu.dma_semaphore, #tpu.memory_space<semaphore_mem>>)
      %dma_wait3A_141 = arith.constant 0 : i32
      %dma_wait3A_142 = arith.constant 0 : i32
      %dma_wait3A_143 = tpu.memref_slice %arg3[%add3A, %run_scoped3A_54, %dma_wait3A_141, %dma_wait3A_142] : memref<32x2x40x128xi32, #tpu.memory_space<hbm>> -> memref<1x1x40x128xi32, #tpu.memory_space<hbm>>
      %dma_wait3A_144 = tpu.memref_squeeze %dma_wait3A_143 : memref<1x1x40x128xi32, #tpu.memory_space<hbm>> -> memref<40x128xi32, #tpu.memory_space<hbm>>
      %dma_wait3A_145 = arith.constant 0 : i32
      %dma_wait3A_146 = arith.constant 0 : i32
      %dma_wait3A_147 = tpu.memref_slice %arg3[%add3A, %run_scoped3A_54, %dma_wait3A_145, %dma_wait3A_146] : memref<32x2x40x128xi32, #tpu.memory_space<hbm>> -> memref<1x1x40x128xi32, #tpu.memory_space<hbm>>
      %dma_wait3A_148 = tpu.memref_squeeze %dma_wait3A_147 : memref<1x1x40x128xi32, #tpu.memory_space<hbm>> -> memref<40x128xi32, #tpu.memory_space<hbm>>
      tpu.wait_dma2 semaphore(%run_scoped3A_132 : memref<!tpu.dma_semaphore, #tpu.memory_space<semaphore_mem>>) src(%dma_wait3A_148 : memref<40x128xi32, #tpu.memory_space<hbm>>) dst(%arg7 : memref<40x128xi32, #tpu.memory_space<vmem>>)
      tpu.yield
    }) : () -> ()
    %run_scoped3A_55 = arith.constant 1 : i32
    "tpu.region"() ({
      %run_scoped3A_132 = tpu.sem_alloc : memref<!tpu.dma_semaphore, #tpu.memory_space<semaphore_mem>>
      %dma_start3A_133 = arith.constant 0 : i32
      %dma_start3A_134 = arith.constant 0 : i32
      %dma_start3A_135 = tpu.memref_slice %arg4[%add3A, %run_scoped3A_55, %dma_start3A_133, %dma_start3A_134] : memref<32x2x40x128xi32, #tpu.memory_space<hbm>> -> memref<1x1x40x128xi32, #tpu.memory_space<hbm>>
      %dma_start3A_136 = tpu.memref_squeeze %dma_start3A_135 : memref<1x1x40x128xi32, #tpu.memory_space<hbm>> -> memref<40x128xi32, #tpu.memory_space<hbm>>
      %dma_start3A_137 = arith.constant 0 : i32
      %dma_start3A_138 = arith.constant 0 : i32
      %dma_start3A_139 = tpu.memref_slice %arg4[%add3A, %run_scoped3A_55, %dma_start3A_137, %dma_start3A_138] : memref<32x2x40x128xi32, #tpu.memory_space<hbm>> -> memref<1x1x40x128xi32, #tpu.memory_space<hbm>>
      %dma_start3A_140 = tpu.memref_squeeze %dma_start3A_139 : memref<1x1x40x128xi32, #tpu.memory_space<hbm>> -> memref<40x128xi32, #tpu.memory_space<hbm>>
      tpu.enqueue_dma source(%dma_start3A_140 : memref<40x128xi32, #tpu.memory_space<hbm>>) target(%arg8 : memref<40x128xi32, #tpu.memory_space<vmem>>) target_semaphore(%run_scoped3A_132 : memref<!tpu.dma_semaphore, #tpu.memory_space<semaphore_mem>>)
      %dma_wait3A_141 = arith.constant 0 : i32
      %dma_wait3A_142 = arith.constant 0 : i32
      %dma_wait3A_143 = tpu.memref_slice %arg4[%add3A, %run_scoped3A_55, %dma_wait3A_141, %dma_wait3A_142] : memref<32x2x40x128xi32, #tpu.memory_space<hbm>> -> memref<1x1x40x128xi32, #tpu.memory_space<hbm>>
      %dma_wait3A_144 = tpu.memref_squeeze %dma_wait3A_143 : memref<1x1x40x128xi32, #tpu.memory_space<hbm>> -> memref<40x128xi32, #tpu.memory_space<hbm>>
      %dma_wait3A_145 = arith.constant 0 : i32
      %dma_wait3A_146 = arith.constant 0 : i32
      %dma_wait3A_147 = tpu.memref_slice %arg4[%add3A, %run_scoped3A_55, %dma_wait3A_145, %dma_wait3A_146] : memref<32x2x40x128xi32, #tpu.memory_space<hbm>> -> memref<1x1x40x128xi32, #tpu.memory_space<hbm>>
      %dma_wait3A_148 = tpu.memref_squeeze %dma_wait3A_147 : memref<1x1x40x128xi32, #tpu.memory_space<hbm>> -> memref<40x128xi32, #tpu.memory_space<hbm>>
      tpu.wait_dma2 semaphore(%run_scoped3A_132 : memref<!tpu.dma_semaphore, #tpu.memory_space<semaphore_mem>>) src(%dma_wait3A_148 : memref<40x128xi32, #tpu.memory_space<hbm>>) dst(%arg8 : memref<40x128xi32, #tpu.memory_space<vmem>>)
      tpu.yield
    }) : () -> ()
    %dma_start3A_56 = arith.constant 0 : i32
    %dma_start3A_57 = arith.constant 0 : i32
    %dma_start3A_58 = tpu.memref_slice %arg7[%dma_start3A_56, %dma_start3A_57] : memref<40x128xi32, #tpu.memory_space<vmem>> -> memref<1x128xi32, #tpu.memory_space<vmem>>
    %dma_start3A_59 = tpu.memref_squeeze %dma_start3A_58 : memref<1x128xi32, #tpu.memory_space<vmem>> -> memref<128xi32, #tpu.memory_space<vmem>>
    %dma_start3A_60 = arith.constant 0 : i32
    %dma_start3A_61 = arith.constant 0 : i32
    %dma_start3A_62 = tpu.memref_slice %arg2[%dma_start3A_60, %dma_start3A_61] : memref<10240x128xf32, #tpu.memory_space<hbm>> -> memref<10240x128xf32, #tpu.memory_space<hbm>>
    tpu.enqueue_indirect_dma source(%dma_start3A_62 : memref<10240x128xf32, #tpu.memory_space<hbm>>) target(%arg9 : memref<128x128xf32, #tpu.memory_space<vmem>>) offsets(%dma_start3A_59 : memref<128xi32, #tpu.memory_space<vmem>>) semaphore(%arg12 : memref<!tpu.dma_semaphore, #tpu.memory_space<semaphore_mem>>)
    %scan3A_63 = arith.constant 0 : i32
    %scan3A_64 = arith.constant 19 : i32
    %scan3A_65 = arith.addi %scan3A_63, %scan3A_64 : i32
    %scan3A_66 = arith.constant 1 : i32
    scf.for %scan3A_132 = %scan3A_63 to %scan3A_65 step %scan3A_66  : i32 {
      %mul3A_133 = arith.constant 2 : i32
      %mul3A_134 = arith.muli %scan3A_132, %mul3A_133 : i32
      %add3A_135 = arith.constant 0 : i32
      %add3A_136 = arith.addi %add3A_135, %mul3A_134 : i32
      %add3A_137 = arith.constant 1 : i32
      %add3A_138 = arith.addi %add3A_136, %add3A_137 : i32
      %dma_start3A_139 = arith.constant 0 : i32
      %dma_start3A_140 = tpu.memref_slice %arg7[%add3A_138, %dma_start3A_139] : memref<40x128xi32, #tpu.memory_space<vmem>> -> memref<1x128xi32, #tpu.memory_space<vmem>>
      %dma_start3A_141 = tpu.memref_squeeze %dma_start3A_140 : memref<1x128xi32, #tpu.memory_space<vmem>> -> memref<128xi32, #tpu.memory_space<vmem>>
      %dma_start3A_142 = arith.constant 0 : i32
      %dma_start3A_143 = arith.constant 0 : i32
      %dma_start3A_144 = tpu.memref_slice %arg2[%dma_start3A_142, %dma_start3A_143] : memref<10240x128xf32, #tpu.memory_space<hbm>> -> memref<10240x128xf32, #tpu.memory_space<hbm>>
      tpu.enqueue_indirect_dma source(%dma_start3A_144 : memref<10240x128xf32, #tpu.memory_space<hbm>>) target(%arg10 : memref<128x128xf32, #tpu.memory_space<vmem>>) offsets(%dma_start3A_141 : memref<128xi32, #tpu.memory_space<vmem>>) semaphore(%arg13 : memref<!tpu.dma_semaphore, #tpu.memory_space<semaphore_mem>>)
      %dma_wait3A_145 = arith.constant 0 : i32
      %dma_wait3A_146 = tpu.memref_slice %arg7[%add3A_136, %dma_wait3A_145] : memref<40x128xi32, #tpu.memory_space<vmem>> -> memref<1x128xi32, #tpu.memory_space<vmem>>
      %dma_wait3A_147 = tpu.memref_squeeze %dma_wait3A_146 : memref<1x128xi32, #tpu.memory_space<vmem>> -> memref<128xi32, #tpu.memory_space<vmem>>
      %dma_wait3A_148 = arith.constant 0 : i32
      %dma_wait3A_149 = arith.constant 0 : i32
      %dma_wait3A_150 = tpu.memref_slice %arg2[%dma_wait3A_148, %dma_wait3A_149] : memref<10240x128xf32, #tpu.memory_space<hbm>> -> memref<10240x128xf32, #tpu.memory_space<hbm>>
      tpu.wait_indirect_dma semaphore(%arg12 : memref<!tpu.dma_semaphore, #tpu.memory_space<semaphore_mem>>) src(%dma_wait3A_150 : memref<10240x128xf32, #tpu.memory_space<hbm>>) dst(%arg9 : memref<128x128xf32, #tpu.memory_space<vmem>>)
      "tpu.region"() ({
        %run_scoped3A_169 = tpu.sem_alloc : memref<!tpu.dma_semaphore, #tpu.memory_space<semaphore_mem>>
        %dma_start3A_170 = arith.constant 0 : i32
        %dma_start3A_171 = tpu.memref_slice %arg8[%add3A_136, %dma_start3A_170] : memref<40x128xi32, #tpu.memory_space<vmem>> -> memref<1x128xi32, #tpu.memory_space<vmem>>
        %dma_start3A_172 = tpu.memref_squeeze %dma_start3A_171 : memref<1x128xi32, #tpu.memory_space<vmem>> -> memref<128xi32, #tpu.memory_space<vmem>>
        %dma_start3A_173 = arith.constant 0 : i32
        %dma_start3A_174 = arith.constant 0 : i32
        %dma_start3A_175 = tpu.memref_slice %arg11[%dma_start3A_173, %dma_start3A_174] : memref<10240x128xf32, #tpu.memory_space<vmem_shared>> -> memref<10240x128xf32, #tpu.memory_space<vmem_shared>>
        tpu.enqueue_indirect_dma source(%arg9 : memref<128x128xf32, #tpu.memory_space<vmem>>) target(%dma_start3A_175 : memref<10240x128xf32, #tpu.memory_space<vmem_shared>>) offsets(%dma_start3A_172 : memref<128xi32, #tpu.memory_space<vmem>>) semaphore(%run_scoped3A_169 : memref<!tpu.dma_semaphore, #tpu.memory_space<semaphore_mem>>) {add = true}
        %dma_wait3A_176 = arith.constant 0 : i32
        %dma_wait3A_177 = tpu.memref_slice %arg8[%add3A_136, %dma_wait3A_176] : memref<40x128xi32, #tpu.memory_space<vmem>> -> memref<1x128xi32, #tpu.memory_space<vmem>>
        %dma_wait3A_178 = tpu.memref_squeeze %dma_wait3A_177 : memref<1x128xi32, #tpu.memory_space<vmem>> -> memref<128xi32, #tpu.memory_space<vmem>>
        %dma_wait3A_179 = arith.constant 0 : i32
        %dma_wait3A_180 = arith.constant 0 : i32
        %dma_wait3A_181 = tpu.memref_slice %arg11[%dma_wait3A_179, %dma_wait3A_180] : memref<10240x128xf32, #tpu.memory_space<vmem_shared>> -> memref<10240x128xf32, #tpu.memory_space<vmem_shared>>
        tpu.wait_indirect_dma semaphore(%run_scoped3A_169 : memref<!tpu.dma_semaphore, #tpu.memory_space<semaphore_mem>>) src(%arg9 : memref<128x128xf32, #tpu.memory_space<vmem>>) dst(%dma_wait3A_181 : memref<10240x128xf32, #tpu.memory_space<vmem_shared>>)
        tpu.yield
      }) : () -> ()
      %add3A_151 = arith.constant 2 : i32
      %add3A_152 = arith.addi %add3A_136, %add3A_151 : i32
      %dma_start3A_153 = arith.constant 0 : i32
      %dma_start3A_154 = tpu.memref_slice %arg7[%add3A_152, %dma_start3A_153] : memref<40x128xi32, #tpu.memory_space<vmem>> -> memref<1x128xi32, #tpu.memory_space<vmem>>
      %dma_start3A_155 = tpu.memref_squeeze %dma_start3A_154 : memref<1x128xi32, #tpu.memory_space<vmem>> -> memref<128xi32, #tpu.memory_space<vmem>>
      %dma_start3A_156 = arith.constant 0 : i32
      %dma_start3A_157 = arith.constant 0 : i32
      %dma_start3A_158 = tpu.memref_slice %arg2[%dma_start3A_156, %dma_start3A_157] : memref<10240x128xf32, #tpu.memory_space<hbm>> -> memref<10240x128xf32, #tpu.memory_space<hbm>>
      tpu.enqueue_indirect_dma source(%dma_start3A_158 : memref<10240x128xf32, #tpu.memory_space<hbm>>) target(%arg9 : memref<128x128xf32, #tpu.memory_space<vmem>>) offsets(%dma_start3A_155 : memref<128xi32, #tpu.memory_space<vmem>>) semaphore(%arg12 : memref<!tpu.dma_semaphore, #tpu.memory_space<semaphore_mem>>)
      %add3A_159 = arith.constant 1 : i32
      %add3A_160 = arith.addi %add3A_136, %add3A_159 : i32
      %dma_wait3A_161 = arith.constant 0 : i32
      %dma_wait3A_162 = tpu.memref_slice %arg7[%add3A_160, %dma_wait3A_161] : memref<40x128xi32, #tpu.memory_space<vmem>> -> memref<1x128xi32, #tpu.memory_space<vmem>>
      %dma_wait3A_163 = tpu.memref_squeeze %dma_wait3A_162 : memref<1x128xi32, #tpu.memory_space<vmem>> -> memref<128xi32, #tpu.memory_space<vmem>>
      %dma_wait3A_164 = arith.constant 0 : i32
      %dma_wait3A_165 = arith.constant 0 : i32
      %dma_wait3A_166 = tpu.memref_slice %arg2[%dma_wait3A_164, %dma_wait3A_165] : memref<10240x128xf32, #tpu.memory_space<hbm>> -> memref<10240x128xf32, #tpu.memory_space<hbm>>
      tpu.wait_indirect_dma semaphore(%arg13 : memref<!tpu.dma_semaphore, #tpu.memory_space<semaphore_mem>>) src(%dma_wait3A_166 : memref<10240x128xf32, #tpu.memory_space<hbm>>) dst(%arg10 : memref<128x128xf32, #tpu.memory_space<vmem>>)
      %add3A_167 = arith.constant 1 : i32
      %add3A_168 = arith.addi %add3A_136, %add3A_167 : i32
      "tpu.region"() ({
        %run_scoped3A_169 = tpu.sem_alloc : memref<!tpu.dma_semaphore, #tpu.memory_space<semaphore_mem>>
        %dma_start3A_170 = arith.constant 0 : i32
        %dma_start3A_171 = tpu.memref_slice %arg8[%add3A_168, %dma_start3A_170] : memref<40x128xi32, #tpu.memory_space<vmem>> -> memref<1x128xi32, #tpu.memory_space<vmem>>
        %dma_start3A_172 = tpu.memref_squeeze %dma_start3A_171 : memref<1x128xi32, #tpu.memory_space<vmem>> -> memref<128xi32, #tpu.memory_space<vmem>>
        %dma_start3A_173 = arith.constant 0 : i32
        %dma_start3A_174 = arith.constant 0 : i32
        %dma_start3A_175 = tpu.memref_slice %arg11[%dma_start3A_173, %dma_start3A_174] : memref<10240x128xf32, #tpu.memory_space<vmem_shared>> -> memref<10240x128xf32, #tpu.memory_space<vmem_shared>>
        tpu.enqueue_indirect_dma source(%arg10 : memref<128x128xf32, #tpu.memory_space<vmem>>) target(%dma_start3A_175 : memref<10240x128xf32, #tpu.memory_space<vmem_shared>>) offsets(%dma_start3A_172 : memref<128xi32, #tpu.memory_space<vmem>>) semaphore(%run_scoped3A_169 : memref<!tpu.dma_semaphore, #tpu.memory_space<semaphore_mem>>) {add = true}
        %dma_wait3A_176 = arith.constant 0 : i32
        %dma_wait3A_177 = tpu.memref_slice %arg8[%add3A_168, %dma_wait3A_176] : memref<40x128xi32, #tpu.memory_space<vmem>> -> memref<1x128xi32, #tpu.memory_space<vmem>>
        %dma_wait3A_178 = tpu.memref_squeeze %dma_wait3A_177 : memref<1x128xi32, #tpu.memory_space<vmem>> -> memref<128xi32, #tpu.memory_space<vmem>>
        %dma_wait3A_179 = arith.constant 0 : i32
        %dma_wait3A_180 = arith.constant 0 : i32
        %dma_wait3A_181 = tpu.memref_slice %arg11[%dma_wait3A_179, %dma_wait3A_180] : memref<10240x128xf32, #tpu.memory_space<vmem_shared>> -> memref<10240x128xf32, #tpu.memory_space<vmem_shared>>
        tpu.wait_indirect_dma semaphore(%run_scoped3A_169 : memref<!tpu.dma_semaphore, #tpu.memory_space<semaphore_mem>>) src(%arg10 : memref<128x128xf32, #tpu.memory_space<vmem>>) dst(%dma_wait3A_181 : memref<10240x128xf32, #tpu.memory_space<vmem_shared>>)
        tpu.yield
      }) : () -> ()
    }
    %scan3A_67 = arith.constant 19 : i32
    %dma_start3A_68 = arith.constant 39 : i32
    %dma_start3A_69 = arith.constant 0 : i32
    %dma_start3A_70 = tpu.memref_slice %arg7[%dma_start3A_68, %dma_start3A_69] : memref<40x128xi32, #tpu.memory_space<vmem>> -> memref<1x128xi32, #tpu.memory_space<vmem>>
    %dma_start3A_71 = tpu.memref_squeeze %dma_start3A_70 : memref<1x128xi32, #tpu.memory_space<vmem>> -> memref<128xi32, #tpu.memory_space<vmem>>
    %dma_start3A_72 = arith.constant 0 : i32
    %dma_start3A_73 = arith.constant 0 : i32
    %dma_start3A_74 = tpu.memref_slice %arg2[%dma_start3A_72, %dma_start3A_73] : memref<10240x128xf32, #tpu.memory_space<hbm>> -> memref<10240x128xf32, #tpu.memory_space<hbm>>
    tpu.enqueue_indirect_dma source(%dma_start3A_74 : memref<10240x128xf32, #tpu.memory_space<hbm>>) target(%arg10 : memref<128x128xf32, #tpu.memory_space<vmem>>) offsets(%dma_start3A_71 : memref<128xi32, #tpu.memory_space<vmem>>) semaphore(%arg13 : memref<!tpu.dma_semaphore, #tpu.memory_space<semaphore_mem>>)
    %dma_wait3A_75 = arith.constant 38 : i32
    %dma_wait3A_76 = arith.constant 0 : i32
    %dma_wait3A_77 = tpu.memref_slice %arg7[%dma_wait3A_75, %dma_wait3A_76] : memref<40x128xi32, #tpu.memory_space<vmem>> -> memref<1x128xi32, #tpu.memory_space<vmem>>
    %dma_wait3A_78 = tpu.memref_squeeze %dma_wait3A_77 : memref<1x128xi32, #tpu.memory_space<vmem>> -> memref<128xi32, #tpu.memory_space<vmem>>
    %dma_wait3A_79 = arith.constant 0 : i32
    %dma_wait3A_80 = arith.constant 0 : i32
    %dma_wait3A_81 = tpu.memref_slice %arg2[%dma_wait3A_79, %dma_wait3A_80] : memref<10240x128xf32, #tpu.memory_space<hbm>> -> memref<10240x128xf32, #tpu.memory_space<hbm>>
    tpu.wait_indirect_dma semaphore(%arg12 : memref<!tpu.dma_semaphore, #tpu.memory_space<semaphore_mem>>) src(%dma_wait3A_81 : memref<10240x128xf32, #tpu.memory_space<hbm>>) dst(%arg9 : memref<128x128xf32, #tpu.memory_space<vmem>>)
    %run_scoped3A_82 = arith.constant 38 : i32
    "tpu.region"() ({
      %run_scoped3A_132 = tpu.sem_alloc : memref<!tpu.dma_semaphore, #tpu.memory_space<semaphore_mem>>
      %dma_start3A_133 = arith.constant 0 : i32
      %dma_start3A_134 = tpu.memref_slice %arg8[%run_scoped3A_82, %dma_start3A_133] : memref<40x128xi32, #tpu.memory_space<vmem>> -> memref<1x128xi32, #tpu.memory_space<vmem>>
      %dma_start3A_135 = tpu.memref_squeeze %dma_start3A_134 : memref<1x128xi32, #tpu.memory_space<vmem>> -> memref<128xi32, #tpu.memory_space<vmem>>
      %dma_start3A_136 = arith.constant 0 : i32
      %dma_start3A_137 = arith.constant 0 : i32
      %dma_start3A_138 = tpu.memref_slice %arg11[%dma_start3A_136, %dma_start3A_137] : memref<10240x128xf32, #tpu.memory_space<vmem_shared>> -> memref<10240x128xf32, #tpu.memory_space<vmem_shared>>
      tpu.enqueue_indirect_dma source(%arg9 : memref<128x128xf32, #tpu.memory_space<vmem>>) target(%dma_start3A_138 : memref<10240x128xf32, #tpu.memory_space<vmem_shared>>) offsets(%dma_start3A_135 : memref<128xi32, #tpu.memory_space<vmem>>) semaphore(%run_scoped3A_132 : memref<!tpu.dma_semaphore, #tpu.memory_space<semaphore_mem>>) {add = true}
      %dma_wait3A_139 = arith.constant 0 : i32
      %dma_wait3A_140 = tpu.memref_slice %arg8[%run_scoped3A_82, %dma_wait3A_139] : memref<40x128xi32, #tpu.memory_space<vmem>> -> memref<1x128xi32, #tpu.memory_space<vmem>>
      %dma_wait3A_141 = tpu.memref_squeeze %dma_wait3A_140 : memref<1x128xi32, #tpu.memory_space<vmem>> -> memref<128xi32, #tpu.memory_space<vmem>>
      %dma_wait3A_142 = arith.constant 0 : i32
      %dma_wait3A_143 = arith.constant 0 : i32
      %dma_wait3A_144 = tpu.memref_slice %arg11[%dma_wait3A_142, %dma_wait3A_143] : memref<10240x128xf32, #tpu.memory_space<vmem_shared>> -> memref<10240x128xf32, #tpu.memory_space<vmem_shared>>
      tpu.wait_indirect_dma semaphore(%run_scoped3A_132 : memref<!tpu.dma_semaphore, #tpu.memory_space<semaphore_mem>>) src(%arg9 : memref<128x128xf32, #tpu.memory_space<vmem>>) dst(%dma_wait3A_144 : memref<10240x128xf32, #tpu.memory_space<vmem_shared>>)
      tpu.yield
    }) : () -> ()
    %dma_wait3A_83 = arith.constant 39 : i32
    %dma_wait3A_84 = arith.constant 0 : i32
    %dma_wait3A_85 = tpu.memref_slice %arg7[%dma_wait3A_83, %dma_wait3A_84] : memref<40x128xi32, #tpu.memory_space<vmem>> -> memref<1x128xi32, #tpu.memory_space<vmem>>
    %dma_wait3A_86 = tpu.memref_squeeze %dma_wait3A_85 : memref<1x128xi32, #tpu.memory_space<vmem>> -> memref<128xi32, #tpu.memory_space<vmem>>
    %dma_wait3A_87 = arith.constant 0 : i32
    %dma_wait3A_88 = arith.constant 0 : i32
    %dma_wait3A_89 = tpu.memref_slice %arg2[%dma_wait3A_87, %dma_wait3A_88] : memref<10240x128xf32, #tpu.memory_space<hbm>> -> memref<10240x128xf32, #tpu.memory_space<hbm>>
    tpu.wait_indirect_dma semaphore(%arg13 : memref<!tpu.dma_semaphore, #tpu.memory_space<semaphore_mem>>) src(%dma_wait3A_89 : memref<10240x128xf32, #tpu.memory_space<hbm>>) dst(%arg10 : memref<128x128xf32, #tpu.memory_space<vmem>>)
    %run_scoped3A_90 = arith.constant 39 : i32
    "tpu.region"() ({
      %run_scoped3A_132 = tpu.sem_alloc : memref<!tpu.dma_semaphore, #tpu.memory_space<semaphore_mem>>
      %dma_start3A_133 = arith.constant 0 : i32
      %dma_start3A_134 = tpu.memref_slice %arg8[%run_scoped3A_90, %dma_start3A_133] : memref<40x128xi32, #tpu.memory_space<vmem>> -> memref<1x128xi32, #tpu.memory_space<vmem>>
      %dma_start3A_135 = tpu.memref_squeeze %dma_start3A_134 : memref<1x128xi32, #tpu.memory_space<vmem>> -> memref<128xi32, #tpu.memory_space<vmem>>
      %dma_start3A_136 = arith.constant 0 : i32
      %dma_start3A_137 = arith.constant 0 : i32
      %dma_start3A_138 = tpu.memref_slice %arg11[%dma_start3A_136, %dma_start3A_137] : memref<10240x128xf32, #tpu.memory_space<vmem_shared>> -> memref<10240x128xf32, #tpu.memory_space<vmem_shared>>
      tpu.enqueue_indirect_dma source(%arg10 : memref<128x128xf32, #tpu.memory_space<vmem>>) target(%dma_start3A_138 : memref<10240x128xf32, #tpu.memory_space<vmem_shared>>) offsets(%dma_start3A_135 : memref<128xi32, #tpu.memory_space<vmem>>) semaphore(%run_scoped3A_132 : memref<!tpu.dma_semaphore, #tpu.memory_space<semaphore_mem>>) {add = true}
      %dma_wait3A_139 = arith.constant 0 : i32
      %dma_wait3A_140 = tpu.memref_slice %arg8[%run_scoped3A_90, %dma_wait3A_139] : memref<40x128xi32, #tpu.memory_space<vmem>> -> memref<1x128xi32, #tpu.memory_space<vmem>>
      %dma_wait3A_141 = tpu.memref_squeeze %dma_wait3A_140 : memref<1x128xi32, #tpu.memory_space<vmem>> -> memref<128xi32, #tpu.memory_space<vmem>>
      %dma_wait3A_142 = arith.constant 0 : i32
      %dma_wait3A_143 = arith.constant 0 : i32
      %dma_wait3A_144 = tpu.memref_slice %arg11[%dma_wait3A_142, %dma_wait3A_143] : memref<10240x128xf32, #tpu.memory_space<vmem_shared>> -> memref<10240x128xf32, #tpu.memory_space<vmem_shared>>
      tpu.wait_indirect_dma semaphore(%run_scoped3A_132 : memref<!tpu.dma_semaphore, #tpu.memory_space<semaphore_mem>>) src(%arg10 : memref<128x128xf32, #tpu.memory_space<vmem>>) dst(%dma_wait3A_144 : memref<10240x128xf32, #tpu.memory_space<vmem_shared>>)
      tpu.yield
    }) : () -> ()
    %barrier3A_91 = arith.constant 0 : index
    tpu.barrier barrier_id(%barrier3A_91)
    %mul3A_92 = arith.constant 640 : i32
    %mul3A_93 = arith.muli %arg1, %mul3A_92 : i32
    %add3A_94 = arith.constant 0 : i32
    %add3A_95 = arith.addi %mul3A_93, %add3A_94 : i32
    "tpu.region"() ({
      %run_scoped3A_132 = tpu.sem_alloc : memref<!tpu.dma_semaphore, #tpu.memory_space<semaphore_mem>>
      %dma_start3A_133 = arith.constant 0 : i32
      %dma_start3A_134 = tpu.memref_slice %arg11[%add3A_95, %dma_start3A_133] : memref<10240x128xf32, #tpu.memory_space<vmem_shared>> -> memref<128x128xf32, #tpu.memory_space<vmem_shared>>
      %dma_start3A_135 = arith.constant 0 : i32
      %dma_start3A_136 = tpu.memref_slice %arg11[%add3A_95, %dma_start3A_135] : memref<10240x128xf32, #tpu.memory_space<vmem_shared>> -> memref<128x128xf32, #tpu.memory_space<vmem_shared>>
      tpu.enqueue_dma source(%dma_start3A_136 : memref<128x128xf32, #tpu.memory_space<vmem_shared>>) target(%arg9 : memref<128x128xf32, #tpu.memory_space<vmem>>) target_semaphore(%run_scoped3A_132 : memref<!tpu.dma_semaphore, #tpu.memory_space<semaphore_mem>>)
      %dma_wait3A_137 = arith.constant 0 : i32
      %dma_wait3A_138 = tpu.memref_slice %arg11[%add3A_95, %dma_wait3A_137] : memref<10240x128xf32, #tpu.memory_space<vmem_shared>> -> memref<128x128xf32, #tpu.memory_space<vmem_shared>>
      %dma_wait3A_139 = arith.constant 0 : i32
      %dma_wait3A_140 = tpu.memref_slice %arg11[%add3A_95, %dma_wait3A_139] : memref<10240x128xf32, #tpu.memory_space<vmem_shared>> -> memref<128x128xf32, #tpu.memory_space<vmem_shared>>
      tpu.wait_dma2 semaphore(%run_scoped3A_132 : memref<!tpu.dma_semaphore, #tpu.memory_space<semaphore_mem>>) src(%dma_wait3A_140 : memref<128x128xf32, #tpu.memory_space<vmem_shared>>) dst(%arg9 : memref<128x128xf32, #tpu.memory_space<vmem>>)
      tpu.yield
    }) : () -> ()
    %mul3A_96 = arith.constant 640 : i32
    %mul3A_97 = arith.muli %arg1, %mul3A_96 : i32
    %add3A_98 = arith.constant 0 : i32
    %add3A_99 = arith.addi %mul3A_97, %add3A_98 : i32
    "tpu.region"() ({
      %run_scoped3A_132 = tpu.sem_alloc : memref<!tpu.dma_semaphore, #tpu.memory_space<semaphore_mem>>
      %dma_start3A_133 = arith.constant 0 : i32
      %dma_start3A_134 = tpu.memref_slice %arg6[%arg0, %add3A_99, %dma_start3A_133] : memref<2x10240x128xf32, #tpu.memory_space<hbm>> -> memref<1x128x128xf32, #tpu.memory_space<hbm>>
      %dma_start3A_135 = tpu.memref_squeeze %dma_start3A_134 : memref<1x128x128xf32, #tpu.memory_space<hbm>> -> memref<128x128xf32, #tpu.memory_space<hbm>>
      %dma_start3A_136 = arith.constant 0 : i32
      %dma_start3A_137 = tpu.memref_slice %arg6[%arg0, %add3A_99, %dma_start3A_136] : memref<2x10240x128xf32, #tpu.memory_space<hbm>> -> memref<1x128x128xf32, #tpu.memory_space<hbm>>
      %dma_start3A_138 = tpu.memref_squeeze %dma_start3A_137 : memref<1x128x128xf32, #tpu.memory_space<hbm>> -> memref<128x128xf32, #tpu.memory_space<hbm>>
      tpu.enqueue_dma source(%arg9 : memref<128x128xf32, #tpu.memory_space<vmem>>) target(%dma_start3A_138 : memref<128x128xf32, #tpu.memory_space<hbm>>) target_semaphore(%run_scoped3A_132 : memref<!tpu.dma_semaphore, #tpu.memory_space<semaphore_mem>>)
      %dma_wait3A_139 = arith.constant 0 : i32
      %dma_wait3A_140 = tpu.memref_slice %arg6[%arg0, %add3A_99, %dma_wait3A_139] : memref<2x10240x128xf32, #tpu.memory_space<hbm>> -> memref<1x128x128xf32, #tpu.memory_space<hbm>>
      %dma_wait3A_141 = tpu.memref_squeeze %dma_wait3A_140 : memref<1x128x128xf32, #tpu.memory_space<hbm>> -> memref<128x128xf32, #tpu.memory_space<hbm>>
      %dma_wait3A_142 = arith.constant 0 : i32
      %dma_wait3A_143 = tpu.memref_slice %arg6[%arg0, %add3A_99, %dma_wait3A_142] : memref<2x10240x128xf32, #tpu.memory_space<hbm>> -> memref<1x128x128xf32, #tpu.memory_space<hbm>>
      %dma_wait3A_144 = tpu.memref_squeeze %dma_wait3A_143 : memref<1x128x128xf32, #tpu.memory_space<hbm>> -> memref<128x128xf32, #tpu.memory_space<hbm>>
      tpu.wait_dma2 semaphore(%run_scoped3A_132 : memref<!tpu.dma_semaphore, #tpu.memory_space<semaphore_mem>>) src(%arg9 : memref<128x128xf32, #tpu.memory_space<vmem>>) dst(%dma_wait3A_144 : memref<128x128xf32, #tpu.memory_space<hbm>>)
      tpu.yield
    }) : () -> ()
    %mul3A_100 = arith.constant 640 : i32
    %mul3A_101 = arith.muli %arg1, %mul3A_100 : i32
    %add3A_102 = arith.constant 128 : i32
    %add3A_103 = arith.addi %mul3A_101, %add3A_102 : i32
    "tpu.region"() ({
      %run_scoped3A_132 = tpu.sem_alloc : memref<!tpu.dma_semaphore, #tpu.memory_space<semaphore_mem>>
      %dma_start3A_133 = arith.constant 0 : i32
      %dma_start3A_134 = tpu.memref_slice %arg11[%add3A_103, %dma_start3A_133] : memref<10240x128xf32, #tpu.memory_space<vmem_shared>> -> memref<128x128xf32, #tpu.memory_space<vmem_shared>>
      %dma_start3A_135 = arith.constant 0 : i32
      %dma_start3A_136 = tpu.memref_slice %arg11[%add3A_103, %dma_start3A_135] : memref<10240x128xf32, #tpu.memory_space<vmem_shared>> -> memref<128x128xf32, #tpu.memory_space<vmem_shared>>
      tpu.enqueue_dma source(%dma_start3A_136 : memref<128x128xf32, #tpu.memory_space<vmem_shared>>) target(%arg9 : memref<128x128xf32, #tpu.memory_space<vmem>>) target_semaphore(%run_scoped3A_132 : memref<!tpu.dma_semaphore, #tpu.memory_space<semaphore_mem>>)
      %dma_wait3A_137 = arith.constant 0 : i32
      %dma_wait3A_138 = tpu.memref_slice %arg11[%add3A_103, %dma_wait3A_137] : memref<10240x128xf32, #tpu.memory_space<vmem_shared>> -> memref<128x128xf32, #tpu.memory_space<vmem_shared>>
      %dma_wait3A_139 = arith.constant 0 : i32
      %dma_wait3A_140 = tpu.memref_slice %arg11[%add3A_103, %dma_wait3A_139] : memref<10240x128xf32, #tpu.memory_space<vmem_shared>> -> memref<128x128xf32, #tpu.memory_space<vmem_shared>>
      tpu.wait_dma2 semaphore(%run_scoped3A_132 : memref<!tpu.dma_semaphore, #tpu.memory_space<semaphore_mem>>) src(%dma_wait3A_140 : memref<128x128xf32, #tpu.memory_space<vmem_shared>>) dst(%arg9 : memref<128x128xf32, #tpu.memory_space<vmem>>)
      tpu.yield
    }) : () -> ()
    %mul3A_104 = arith.constant 640 : i32
    %mul3A_105 = arith.muli %arg1, %mul3A_104 : i32
    %add3A_106 = arith.constant 128 : i32
    %add3A_107 = arith.addi %mul3A_105, %add3A_106 : i32
    "tpu.region"() ({
      %run_scoped3A_132 = tpu.sem_alloc : memref<!tpu.dma_semaphore, #tpu.memory_space<semaphore_mem>>
      %dma_start3A_133 = arith.constant 0 : i32
      %dma_start3A_134 = tpu.memref_slice %arg6[%arg0, %add3A_107, %dma_start3A_133] : memref<2x10240x128xf32, #tpu.memory_space<hbm>> -> memref<1x128x128xf32, #tpu.memory_space<hbm>>
      %dma_start3A_135 = tpu.memref_squeeze %dma_start3A_134 : memref<1x128x128xf32, #tpu.memory_space<hbm>> -> memref<128x128xf32, #tpu.memory_space<hbm>>
      %dma_start3A_136 = arith.constant 0 : i32
      %dma_start3A_137 = tpu.memref_slice %arg6[%arg0, %add3A_107, %dma_start3A_136] : memref<2x10240x128xf32, #tpu.memory_space<hbm>> -> memref<1x128x128xf32, #tpu.memory_space<hbm>>
      %dma_start3A_138 = tpu.memref_squeeze %dma_start3A_137 : memref<1x128x128xf32, #tpu.memory_space<hbm>> -> memref<128x128xf32, #tpu.memory_space<hbm>>
      tpu.enqueue_dma source(%arg9 : memref<128x128xf32, #tpu.memory_space<vmem>>) target(%dma_start3A_138 : memref<128x128xf32, #tpu.memory_space<hbm>>) target_semaphore(%run_scoped3A_132 : memref<!tpu.dma_semaphore, #tpu.memory_space<semaphore_mem>>)
      %dma_wait3A_139 = arith.constant 0 : i32
      %dma_wait3A_140 = tpu.memref_slice %arg6[%arg0, %add3A_107, %dma_wait3A_139] : memref<2x10240x128xf32, #tpu.memory_space<hbm>> -> memref<1x128x128xf32, #tpu.memory_space<hbm>>
      %dma_wait3A_141 = tpu.memref_squeeze %dma_wait3A_140 : memref<1x128x128xf32, #tpu.memory_space<hbm>> -> memref<128x128xf32, #tpu.memory_space<hbm>>
      %dma_wait3A_142 = arith.constant 0 : i32
      %dma_wait3A_143 = tpu.memref_slice %arg6[%arg0, %add3A_107, %dma_wait3A_142] : memref<2x10240x128xf32, #tpu.memory_space<hbm>> -> memref<1x128x128xf32, #tpu.memory_space<hbm>>
      %dma_wait3A_144 = tpu.memref_squeeze %dma_wait3A_143 : memref<1x128x128xf32, #tpu.memory_space<hbm>> -> memref<128x128xf32, #tpu.memory_space<hbm>>
      tpu.wait_dma2 semaphore(%run_scoped3A_132 : memref<!tpu.dma_semaphore, #tpu.memory_space<semaphore_mem>>) src(%arg9 : memref<128x128xf32, #tpu.memory_space<vmem>>) dst(%dma_wait3A_144 : memref<128x128xf32, #tpu.memory_space<hbm>>)
      tpu.yield
    }) : () -> ()
    %mul3A_108 = arith.constant 640 : i32
    %mul3A_109 = arith.muli %arg1, %mul3A_108 : i32
    %add3A_110 = arith.constant 256 : i32
    %add3A_111 = arith.addi %mul3A_109, %add3A_110 : i32
    "tpu.region"() ({
      %run_scoped3A_132 = tpu.sem_alloc : memref<!tpu.dma_semaphore, #tpu.memory_space<semaphore_mem>>
      %dma_start3A_133 = arith.constant 0 : i32
      %dma_start3A_134 = tpu.memref_slice %arg11[%add3A_111, %dma_start3A_133] : memref<10240x128xf32, #tpu.memory_space<vmem_shared>> -> memref<128x128xf32, #tpu.memory_space<vmem_shared>>
      %dma_start3A_135 = arith.constant 0 : i32
      %dma_start3A_136 = tpu.memref_slice %arg11[%add3A_111, %dma_start3A_135] : memref<10240x128xf32, #tpu.memory_space<vmem_shared>> -> memref<128x128xf32, #tpu.memory_space<vmem_shared>>
      tpu.enqueue_dma source(%dma_start3A_136 : memref<128x128xf32, #tpu.memory_space<vmem_shared>>) target(%arg9 : memref<128x128xf32, #tpu.memory_space<vmem>>) target_semaphore(%run_scoped3A_132 : memref<!tpu.dma_semaphore, #tpu.memory_space<semaphore_mem>>)
      %dma_wait3A_137 = arith.constant 0 : i32
      %dma_wait3A_138 = tpu.memref_slice %arg11[%add3A_111, %dma_wait3A_137] : memref<10240x128xf32, #tpu.memory_space<vmem_shared>> -> memref<128x128xf32, #tpu.memory_space<vmem_shared>>
      %dma_wait3A_139 = arith.constant 0 : i32
      %dma_wait3A_140 = tpu.memref_slice %arg11[%add3A_111, %dma_wait3A_139] : memref<10240x128xf32, #tpu.memory_space<vmem_shared>> -> memref<128x128xf32, #tpu.memory_space<vmem_shared>>
      tpu.wait_dma2 semaphore(%run_scoped3A_132 : memref<!tpu.dma_semaphore, #tpu.memory_space<semaphore_mem>>) src(%dma_wait3A_140 : memref<128x128xf32, #tpu.memory_space<vmem_shared>>) dst(%arg9 : memref<128x128xf32, #tpu.memory_space<vmem>>)
      tpu.yield
    }) : () -> ()
    %mul3A_112 = arith.constant 640 : i32
    %mul3A_113 = arith.muli %arg1, %mul3A_112 : i32
    %add3A_114 = arith.constant 256 : i32
    %add3A_115 = arith.addi %mul3A_113, %add3A_114 : i32
    "tpu.region"() ({
      %run_scoped3A_132 = tpu.sem_alloc : memref<!tpu.dma_semaphore, #tpu.memory_space<semaphore_mem>>
      %dma_start3A_133 = arith.constant 0 : i32
      %dma_start3A_134 = tpu.memref_slice %arg6[%arg0, %add3A_115, %dma_start3A_133] : memref<2x10240x128xf32, #tpu.memory_space<hbm>> -> memref<1x128x128xf32, #tpu.memory_space<hbm>>
      %dma_start3A_135 = tpu.memref_squeeze %dma_start3A_134 : memref<1x128x128xf32, #tpu.memory_space<hbm>> -> memref<128x128xf32, #tpu.memory_space<hbm>>
      %dma_start3A_136 = arith.constant 0 : i32
      %dma_start3A_137 = tpu.memref_slice %arg6[%arg0, %add3A_115, %dma_start3A_136] : memref<2x10240x128xf32, #tpu.memory_space<hbm>> -> memref<1x128x128xf32, #tpu.memory_space<hbm>>
      %dma_start3A_138 = tpu.memref_squeeze %dma_start3A_137 : memref<1x128x128xf32, #tpu.memory_space<hbm>> -> memref<128x128xf32, #tpu.memory_space<hbm>>
      tpu.enqueue_dma source(%arg9 : memref<128x128xf32, #tpu.memory_space<vmem>>) target(%dma_start3A_138 : memref<128x128xf32, #tpu.memory_space<hbm>>) target_semaphore(%run_scoped3A_132 : memref<!tpu.dma_semaphore, #tpu.memory_space<semaphore_mem>>)
      %dma_wait3A_139 = arith.constant 0 : i32
      %dma_wait3A_140 = tpu.memref_slice %arg6[%arg0, %add3A_115, %dma_wait3A_139] : memref<2x10240x128xf32, #tpu.memory_space<hbm>> -> memref<1x128x128xf32, #tpu.memory_space<hbm>>
      %dma_wait3A_141 = tpu.memref_squeeze %dma_wait3A_140 : memref<1x128x128xf32, #tpu.memory_space<hbm>> -> memref<128x128xf32, #tpu.memory_space<hbm>>
      %dma_wait3A_142 = arith.constant 0 : i32
      %dma_wait3A_143 = tpu.memref_slice %arg6[%arg0, %add3A_115, %dma_wait3A_142] : memref<2x10240x128xf32, #tpu.memory_space<hbm>> -> memref<1x128x128xf32, #tpu.memory_space<hbm>>
      %dma_wait3A_144 = tpu.memref_squeeze %dma_wait3A_143 : memref<1x128x128xf32, #tpu.memory_space<hbm>> -> memref<128x128xf32, #tpu.memory_space<hbm>>
      tpu.wait_dma2 semaphore(%run_scoped3A_132 : memref<!tpu.dma_semaphore, #tpu.memory_space<semaphore_mem>>) src(%arg9 : memref<128x128xf32, #tpu.memory_space<vmem>>) dst(%dma_wait3A_144 : memref<128x128xf32, #tpu.memory_space<hbm>>)
      tpu.yield
    }) : () -> ()
    %mul3A_116 = arith.constant 640 : i32
    %mul3A_117 = arith.muli %arg1, %mul3A_116 : i32
    %add3A_118 = arith.constant 384 : i32
    %add3A_119 = arith.addi %mul3A_117, %add3A_118 : i32
    "tpu.region"() ({
      %run_scoped3A_132 = tpu.sem_alloc : memref<!tpu.dma_semaphore, #tpu.memory_space<semaphore_mem>>
      %dma_start3A_133 = arith.constant 0 : i32
      %dma_start3A_134 = tpu.memref_slice %arg11[%add3A_119, %dma_start3A_133] : memref<10240x128xf32, #tpu.memory_space<vmem_shared>> -> memref<128x128xf32, #tpu.memory_space<vmem_shared>>
      %dma_start3A_135 = arith.constant 0 : i32
      %dma_start3A_136 = tpu.memref_slice %arg11[%add3A_119, %dma_start3A_135] : memref<10240x128xf32, #tpu.memory_space<vmem_shared>> -> memref<128x128xf32, #tpu.memory_space<vmem_shared>>
      tpu.enqueue_dma source(%dma_start3A_136 : memref<128x128xf32, #tpu.memory_space<vmem_shared>>) target(%arg9 : memref<128x128xf32, #tpu.memory_space<vmem>>) target_semaphore(%run_scoped3A_132 : memref<!tpu.dma_semaphore, #tpu.memory_space<semaphore_mem>>)
      %dma_wait3A_137 = arith.constant 0 : i32
      %dma_wait3A_138 = tpu.memref_slice %arg11[%add3A_119, %dma_wait3A_137] : memref<10240x128xf32, #tpu.memory_space<vmem_shared>> -> memref<128x128xf32, #tpu.memory_space<vmem_shared>>
      %dma_wait3A_139 = arith.constant 0 : i32
      %dma_wait3A_140 = tpu.memref_slice %arg11[%add3A_119, %dma_wait3A_139] : memref<10240x128xf32, #tpu.memory_space<vmem_shared>> -> memref<128x128xf32, #tpu.memory_space<vmem_shared>>
      tpu.wait_dma2 semaphore(%run_scoped3A_132 : memref<!tpu.dma_semaphore, #tpu.memory_space<semaphore_mem>>) src(%dma_wait3A_140 : memref<128x128xf32, #tpu.memory_space<vmem_shared>>) dst(%arg9 : memref<128x128xf32, #tpu.memory_space<vmem>>)
      tpu.yield
    }) : () -> ()
    %mul3A_120 = arith.constant 640 : i32
    %mul3A_121 = arith.muli %arg1, %mul3A_120 : i32
    %add3A_122 = arith.constant 384 : i32
    %add3A_123 = arith.addi %mul3A_121, %add3A_122 : i32
    "tpu.region"() ({
      %run_scoped3A_132 = tpu.sem_alloc : memref<!tpu.dma_semaphore, #tpu.memory_space<semaphore_mem>>
      %dma_start3A_133 = arith.constant 0 : i32
      %dma_start3A_134 = tpu.memref_slice %arg6[%arg0, %add3A_123, %dma_start3A_133] : memref<2x10240x128xf32, #tpu.memory_space<hbm>> -> memref<1x128x128xf32, #tpu.memory_space<hbm>>
      %dma_start3A_135 = tpu.memref_squeeze %dma_start3A_134 : memref<1x128x128xf32, #tpu.memory_space<hbm>> -> memref<128x128xf32, #tpu.memory_space<hbm>>
      %dma_start3A_136 = arith.constant 0 : i32
      %dma_start3A_137 = tpu.memref_slice %arg6[%arg0, %add3A_123, %dma_start3A_136] : memref<2x10240x128xf32, #tpu.memory_space<hbm>> -> memref<1x128x128xf32, #tpu.memory_space<hbm>>
      %dma_start3A_138 = tpu.memref_squeeze %dma_start3A_137 : memref<1x128x128xf32, #tpu.memory_space<hbm>> -> memref<128x128xf32, #tpu.memory_space<hbm>>
      tpu.enqueue_dma source(%arg9 : memref<128x128xf32, #tpu.memory_space<vmem>>) target(%dma_start3A_138 : memref<128x128xf32, #tpu.memory_space<hbm>>) target_semaphore(%run_scoped3A_132 : memref<!tpu.dma_semaphore, #tpu.memory_space<semaphore_mem>>)
      %dma_wait3A_139 = arith.constant 0 : i32
      %dma_wait3A_140 = tpu.memref_slice %arg6[%arg0, %add3A_123, %dma_wait3A_139] : memref<2x10240x128xf32, #tpu.memory_space<hbm>> -> memref<1x128x128xf32, #tpu.memory_space<hbm>>
      %dma_wait3A_141 = tpu.memref_squeeze %dma_wait3A_140 : memref<1x128x128xf32, #tpu.memory_space<hbm>> -> memref<128x128xf32, #tpu.memory_space<hbm>>
      %dma_wait3A_142 = arith.constant 0 : i32
      %dma_wait3A_143 = tpu.memref_slice %arg6[%arg0, %add3A_123, %dma_wait3A_142] : memref<2x10240x128xf32, #tpu.memory_space<hbm>> -> memref<1x128x128xf32, #tpu.memory_space<hbm>>
      %dma_wait3A_144 = tpu.memref_squeeze %dma_wait3A_143 : memref<1x128x128xf32, #tpu.memory_space<hbm>> -> memref<128x128xf32, #tpu.memory_space<hbm>>
      tpu.wait_dma2 semaphore(%run_scoped3A_132 : memref<!tpu.dma_semaphore, #tpu.memory_space<semaphore_mem>>) src(%arg9 : memref<128x128xf32, #tpu.memory_space<vmem>>) dst(%dma_wait3A_144 : memref<128x128xf32, #tpu.memory_space<hbm>>)
      tpu.yield
    }) : () -> ()
    %mul3A_124 = arith.constant 640 : i32
    %mul3A_125 = arith.muli %arg1, %mul3A_124 : i32
    %add3A_126 = arith.constant 512 : i32
    %add3A_127 = arith.addi %mul3A_125, %add3A_126 : i32
    "tpu.region"() ({
      %run_scoped3A_132 = tpu.sem_alloc : memref<!tpu.dma_semaphore, #tpu.memory_space<semaphore_mem>>
      %dma_start3A_133 = arith.constant 0 : i32
      %dma_start3A_134 = tpu.memref_slice %arg11[%add3A_127, %dma_start3A_133] : memref<10240x128xf32, #tpu.memory_space<vmem_shared>> -> memref<128x128xf32, #tpu.memory_space<vmem_shared>>
      %dma_start3A_135 = arith.constant 0 : i32
      %dma_start3A_136 = tpu.memref_slice %arg11[%add3A_127, %dma_start3A_135] : memref<10240x128xf32, #tpu.memory_space<vmem_shared>> -> memref<128x128xf32, #tpu.memory_space<vmem_shared>>
      tpu.enqueue_dma source(%dma_start3A_136 : memref<128x128xf32, #tpu.memory_space<vmem_shared>>) target(%arg9 : memref<128x128xf32, #tpu.memory_space<vmem>>) target_semaphore(%run_scoped3A_132 : memref<!tpu.dma_semaphore, #tpu.memory_space<semaphore_mem>>)
      %dma_wait3A_137 = arith.constant 0 : i32
      %dma_wait3A_138 = tpu.memref_slice %arg11[%add3A_127, %dma_wait3A_137] : memref<10240x128xf32, #tpu.memory_space<vmem_shared>> -> memref<128x128xf32, #tpu.memory_space<vmem_shared>>
      %dma_wait3A_139 = arith.constant 0 : i32
      %dma_wait3A_140 = tpu.memref_slice %arg11[%add3A_127, %dma_wait3A_139] : memref<10240x128xf32, #tpu.memory_space<vmem_shared>> -> memref<128x128xf32, #tpu.memory_space<vmem_shared>>
      tpu.wait_dma2 semaphore(%run_scoped3A_132 : memref<!tpu.dma_semaphore, #tpu.memory_space<semaphore_mem>>) src(%dma_wait3A_140 : memref<128x128xf32, #tpu.memory_space<vmem_shared>>) dst(%arg9 : memref<128x128xf32, #tpu.memory_space<vmem>>)
      tpu.yield
    }) : () -> ()
    %mul3A_128 = arith.constant 640 : i32
    %mul3A_129 = arith.muli %arg1, %mul3A_128 : i32
    %add3A_130 = arith.constant 512 : i32
    %add3A_131 = arith.addi %mul3A_129, %add3A_130 : i32
    "tpu.region"() ({
      %run_scoped3A_132 = tpu.sem_alloc : memref<!tpu.dma_semaphore, #tpu.memory_space<semaphore_mem>>
      %dma_start3A_133 = arith.constant 0 : i32
      %dma_start3A_134 = tpu.memref_slice %arg6[%arg0, %add3A_131, %dma_start3A_133] : memref<2x10240x128xf32, #tpu.memory_space<hbm>> -> memref<1x128x128xf32, #tpu.memory_space<hbm>>
      %dma_start3A_135 = tpu.memref_squeeze %dma_start3A_134 : memref<1x128x128xf32, #tpu.memory_space<hbm>> -> memref<128x128xf32, #tpu.memory_space<hbm>>
      %dma_start3A_136 = arith.constant 0 : i32
      %dma_start3A_137 = tpu.memref_slice %arg6[%arg0, %add3A_131, %dma_start3A_136] : memref<2x10240x128xf32, #tpu.memory_space<hbm>> -> memref<1x128x128xf32, #tpu.memory_space<hbm>>
      %dma_start3A_138 = tpu.memref_squeeze %dma_start3A_137 : memref<1x128x128xf32, #tpu.memory_space<hbm>> -> memref<128x128xf32, #tpu.memory_space<hbm>>
      tpu.enqueue_dma source(%arg9 : memref<128x128xf32, #tpu.memory_space<vmem>>) target(%dma_start3A_138 : memref<128x128xf32, #tpu.memory_space<hbm>>) target_semaphore(%run_scoped3A_132 : memref<!tpu.dma_semaphore, #tpu.memory_space<semaphore_mem>>)
      %dma_wait3A_139 = arith.constant 0 : i32
      %dma_wait3A_140 = tpu.memref_slice %arg6[%arg0, %add3A_131, %dma_wait3A_139] : memref<2x10240x128xf32, #tpu.memory_space<hbm>> -> memref<1x128x128xf32, #tpu.memory_space<hbm>>
      %dma_wait3A_141 = tpu.memref_squeeze %dma_wait3A_140 : memref<1x128x128xf32, #tpu.memory_space<hbm>> -> memref<128x128xf32, #tpu.memory_space<hbm>>
      %dma_wait3A_142 = arith.constant 0 : i32
      %dma_wait3A_143 = tpu.memref_slice %arg6[%arg0, %add3A_131, %dma_wait3A_142] : memref<2x10240x128xf32, #tpu.memory_space<hbm>> -> memref<1x128x128xf32, #tpu.memory_space<hbm>>
      %dma_wait3A_144 = tpu.memref_squeeze %dma_wait3A_143 : memref<1x128x128xf32, #tpu.memory_space<hbm>> -> memref<128x128xf32, #tpu.memory_space<hbm>>
      tpu.wait_dma2 semaphore(%run_scoped3A_132 : memref<!tpu.dma_semaphore, #tpu.memory_space<semaphore_mem>>) src(%arg9 : memref<128x128xf32, #tpu.memory_space<vmem>>) dst(%dma_wait3A_144 : memref<128x128xf32, #tpu.memory_space<hbm>>)
      tpu.yield
    }) : () -> ()
    return
  }
}

#map = affine_map<(d0, d1) -> (0, 0)>
#map1 = affine_map<(d0, d1) -> (0, 0, 0, 0)>
#map2 = affine_map<(d0, d1) -> (0, 0, 0)>
module attributes {stable_mosaic.version = 14 : i64} {
  func.func @_sc_segsum(%arg0: i32, %arg1: i32, %arg2: memref<10240x128xf32, #tpu.memory_space<hbm>>, %arg3: memref<32x2x40x128xi32, #tpu.memory_space<hbm>>, %arg4: memref<32x2x40x128xi32, #tpu.memory_space<hbm>>, %arg5: memref<128x128xf32, #tpu.memory_space<hbm>>, %arg6: memref<2x10240x128xf32, #tpu.memory_space<hbm>>, %arg7: memref<40x128xi32, #tpu.memory_space<vmem>>, %arg8: memref<40x128xi32, #tpu.memory_space<vmem>>, %arg9: memref<128x128xf32, #tpu.memory_space<vmem>>, %arg10: memref<128x128xf32, #tpu.memory_space<vmem>>, %arg11: memref<10240x128xf32, #tpu.memory_space<vmem_shared>>, %arg12: memref<!tpu.dma_semaphore, #tpu.memory_space<semaphore_mem>>, %arg13: memref<!tpu.dma_semaphore, #tpu.memory_space<semaphore_mem>>) attributes {dimension_semantics = [#tpu.dimension_semantics<core_parallel>, #tpu.dimension_semantics<subcore_parallel>], iteration_bounds = array<i64: 2, 16>, scalar_prefetch = 0 : i64, scratch_operands = 7 : i64, tpu.core_type = #tpu.core_type<sc_vector_subcore>, window_params = [{transform_indices = #map}, {transform_indices = #map1}, {transform_indices = #map1}, {transform_indices = #map}, {transform_indices = #map2}]} {
    %mul3A = arith.constant 2 : i32
    %mul3A_0 = arith.muli %arg1, %mul3A : i32
    %add3A = arith.addi %mul3A_0, %arg0 : i32
    "tpu.region"() ({
      %run_scoped3A_132 = tpu.sem_alloc : memref<!tpu.dma_semaphore, #tpu.memory_space<semaphore_mem>>
      tpu.enqueue_dma source(%arg5 : memref<128x128xf32, #tpu.memory_space<hbm>>) target(%arg9 : memref<128x128xf32, #tpu.memory_space<vmem>>) target_semaphore(%run_scoped3A_132 : memref<!tpu.dma_semaphore, #tpu.memory_space<semaphore_mem>>)
      tpu.wait_dma2 semaphore(%run_scoped3A_132 : memref<!tpu.dma_semaphore, #tpu.memory_space<semaphore_mem>>) src(%arg5 : memref<128x128xf32, #tpu.memory_space<hbm>>) dst(%arg9 : memref<128x128xf32, #tpu.memory_space<vmem>>)
      tpu.yield
    }) : () -> ()
    %mul3A_1 = arith.constant 640 : i32
    %mul3A_2 = arith.muli %arg1, %mul3A_1 : i32
    %add3A_3 = arith.constant 0 : i32
    %add3A_4 = arith.addi %mul3A_2, %add3A_3 : i32
    "tpu.region"() ({
      %run_scoped3A_132 = tpu.sem_alloc : memref<!tpu.dma_semaphore, #tpu.memory_space<semaphore_mem>>
      %dma_start3A_133 = arith.constant 0 : i32
      %dma_start3A_134 = tpu.memref_slice %arg11[%add3A_4, %dma_start3A_133] : memref<10240x128xf32, #tpu.memory_space<vmem_shared>> -> memref<128x128xf32, #tpu.memory_space<vmem_shared>>
      %dma_start3A_135 = arith.constant 0 : i32
      %dma_start3A_136 = tpu.memref_slice %arg11[%add3A_4, %dma_start3A_135] : memref<10240x128xf32, #tpu.memory_space<vmem_shared>> -> memref<128x128xf32, #tpu.memory_space<vmem_shared>>
      tpu.enqueue_dma source(%arg9 : memref<128x128xf32, #tpu.memory_space<vmem>>) target(%dma_start3A_136 : memref<128x128xf32, #tpu.memory_space<vmem_shared>>) target_semaphore(%run_scoped3A_132 : memref<!tpu.dma_semaphore, #tpu.memory_space<semaphore_mem>>)
      %dma_wait3A_137 = arith.constant 0 : i32
      %dma_wait3A_138 = tpu.memref_slice %arg11[%add3A_4, %dma_wait3A_137] : memref<10240x128xf32, #tpu.memory_space<vmem_shared>> -> memref<128x128xf32, #tpu.memory_space<vmem_shared>>
      %dma_wait3A_139 = arith.constant 0 : i32
      %dma_wait3A_140 = tpu.memref_slice %arg11[%add3A_4, %dma_wait3A_139] : memref<10240x128xf32, #tpu.memory_space<vmem_shared>> -> memref<128x128xf32, #tpu.memory_space<vmem_shared>>
      tpu.wait_dma2 semaphore(%run_scoped3A_132 : memref<!tpu.dma_semaphore, #tpu.memory_space<semaphore_mem>>) src(%arg9 : memref<128x128xf32, #tpu.memory_space<vmem>>) dst(%dma_wait3A_140 : memref<128x128xf32, #tpu.memory_space<vmem_shared>>)
      tpu.yield
    }) : () -> ()
    %mul3A_5 = arith.constant 640 : i32
    %mul3A_6 = arith.muli %arg1, %mul3A_5 : i32
    %add3A_7 = arith.constant 128 : i32
    %add3A_8 = arith.addi %mul3A_6, %add3A_7 : i32
    "tpu.region"() ({
      %run_scoped3A_132 = tpu.sem_alloc : memref<!tpu.dma_semaphore, #tpu.memory_space<semaphore_mem>>
      %dma_start3A_133 = arith.constant 0 : i32
      %dma_start3A_134 = tpu.memref_slice %arg11[%add3A_8, %dma_start3A_133] : memref<10240x128xf32, #tpu.memory_space<vmem_shared>> -> memref<128x128xf32, #tpu.memory_space<vmem_shared>>
      %dma_start3A_135 = arith.constant 0 : i32
      %dma_start3A_136 = tpu.memref_slice %arg11[%add3A_8, %dma_start3A_135] : memref<10240x128xf32, #tpu.memory_space<vmem_shared>> -> memref<128x128xf32, #tpu.memory_space<vmem_shared>>
      tpu.enqueue_dma source(%arg9 : memref<128x128xf32, #tpu.memory_space<vmem>>) target(%dma_start3A_136 : memref<128x128xf32, #tpu.memory_space<vmem_shared>>) target_semaphore(%run_scoped3A_132 : memref<!tpu.dma_semaphore, #tpu.memory_space<semaphore_mem>>)
      %dma_wait3A_137 = arith.constant 0 : i32
      %dma_wait3A_138 = tpu.memref_slice %arg11[%add3A_8, %dma_wait3A_137] : memref<10240x128xf32, #tpu.memory_space<vmem_shared>> -> memref<128x128xf32, #tpu.memory_space<vmem_shared>>
      %dma_wait3A_139 = arith.constant 0 : i32
      %dma_wait3A_140 = tpu.memref_slice %arg11[%add3A_8, %dma_wait3A_139] : memref<10240x128xf32, #tpu.memory_space<vmem_shared>> -> memref<128x128xf32, #tpu.memory_space<vmem_shared>>
      tpu.wait_dma2 semaphore(%run_scoped3A_132 : memref<!tpu.dma_semaphore, #tpu.memory_space<semaphore_mem>>) src(%arg9 : memref<128x128xf32, #tpu.memory_space<vmem>>) dst(%dma_wait3A_140 : memref<128x128xf32, #tpu.memory_space<vmem_shared>>)
      tpu.yield
    }) : () -> ()
    %mul3A_9 = arith.constant 640 : i32
    %mul3A_10 = arith.muli %arg1, %mul3A_9 : i32
    %add3A_11 = arith.constant 256 : i32
    %add3A_12 = arith.addi %mul3A_10, %add3A_11 : i32
    "tpu.region"() ({
      %run_scoped3A_132 = tpu.sem_alloc : memref<!tpu.dma_semaphore, #tpu.memory_space<semaphore_mem>>
      %dma_start3A_133 = arith.constant 0 : i32
      %dma_start3A_134 = tpu.memref_slice %arg11[%add3A_12, %dma_start3A_133] : memref<10240x128xf32, #tpu.memory_space<vmem_shared>> -> memref<128x128xf32, #tpu.memory_space<vmem_shared>>
      %dma_start3A_135 = arith.constant 0 : i32
      %dma_start3A_136 = tpu.memref_slice %arg11[%add3A_12, %dma_start3A_135] : memref<10240x128xf32, #tpu.memory_space<vmem_shared>> -> memref<128x128xf32, #tpu.memory_space<vmem_shared>>
      tpu.enqueue_dma source(%arg9 : memref<128x128xf32, #tpu.memory_space<vmem>>) target(%dma_start3A_136 : memref<128x128xf32, #tpu.memory_space<vmem_shared>>) target_semaphore(%run_scoped3A_132 : memref<!tpu.dma_semaphore, #tpu.memory_space<semaphore_mem>>)
      %dma_wait3A_137 = arith.constant 0 : i32
      %dma_wait3A_138 = tpu.memref_slice %arg11[%add3A_12, %dma_wait3A_137] : memref<10240x128xf32, #tpu.memory_space<vmem_shared>> -> memref<128x128xf32, #tpu.memory_space<vmem_shared>>
      %dma_wait3A_139 = arith.constant 0 : i32
      %dma_wait3A_140 = tpu.memref_slice %arg11[%add3A_12, %dma_wait3A_139] : memref<10240x128xf32, #tpu.memory_space<vmem_shared>> -> memref<128x128xf32, #tpu.memory_space<vmem_shared>>
      tpu.wait_dma2 semaphore(%run_scoped3A_132 : memref<!tpu.dma_semaphore, #tpu.memory_space<semaphore_mem>>) src(%arg9 : memref<128x128xf32, #tpu.memory_space<vmem>>) dst(%dma_wait3A_140 : memref<128x128xf32, #tpu.memory_space<vmem_shared>>)
      tpu.yield
    }) : () -> ()
    %mul3A_13 = arith.constant 640 : i32
    %mul3A_14 = arith.muli %arg1, %mul3A_13 : i32
    %add3A_15 = arith.constant 384 : i32
    %add3A_16 = arith.addi %mul3A_14, %add3A_15 : i32
    "tpu.region"() ({
      %run_scoped3A_132 = tpu.sem_alloc : memref<!tpu.dma_semaphore, #tpu.memory_space<semaphore_mem>>
      %dma_start3A_133 = arith.constant 0 : i32
      %dma_start3A_134 = tpu.memref_slice %arg11[%add3A_16, %dma_start3A_133] : memref<10240x128xf32, #tpu.memory_space<vmem_shared>> -> memref<128x128xf32, #tpu.memory_space<vmem_shared>>
      %dma_start3A_135 = arith.constant 0 : i32
      %dma_start3A_136 = tpu.memref_slice %arg11[%add3A_16, %dma_start3A_135] : memref<10240x128xf32, #tpu.memory_space<vmem_shared>> -> memref<128x128xf32, #tpu.memory_space<vmem_shared>>
      tpu.enqueue_dma source(%arg9 : memref<128x128xf32, #tpu.memory_space<vmem>>) target(%dma_start3A_136 : memref<128x128xf32, #tpu.memory_space<vmem_shared>>) target_semaphore(%run_scoped3A_132 : memref<!tpu.dma_semaphore, #tpu.memory_space<semaphore_mem>>)
      %dma_wait3A_137 = arith.constant 0 : i32
      %dma_wait3A_138 = tpu.memref_slice %arg11[%add3A_16, %dma_wait3A_137] : memref<10240x128xf32, #tpu.memory_space<vmem_shared>> -> memref<128x128xf32, #tpu.memory_space<vmem_shared>>
      %dma_wait3A_139 = arith.constant 0 : i32
      %dma_wait3A_140 = tpu.memref_slice %arg11[%add3A_16, %dma_wait3A_139] : memref<10240x128xf32, #tpu.memory_space<vmem_shared>> -> memref<128x128xf32, #tpu.memory_space<vmem_shared>>
      tpu.wait_dma2 semaphore(%run_scoped3A_132 : memref<!tpu.dma_semaphore, #tpu.memory_space<semaphore_mem>>) src(%arg9 : memref<128x128xf32, #tpu.memory_space<vmem>>) dst(%dma_wait3A_140 : memref<128x128xf32, #tpu.memory_space<vmem_shared>>)
      tpu.yield
    }) : () -> ()
    %mul3A_17 = arith.constant 640 : i32
    %mul3A_18 = arith.muli %arg1, %mul3A_17 : i32
    %add3A_19 = arith.constant 512 : i32
    %add3A_20 = arith.addi %mul3A_18, %add3A_19 : i32
    "tpu.region"() ({
      %run_scoped3A_132 = tpu.sem_alloc : memref<!tpu.dma_semaphore, #tpu.memory_space<semaphore_mem>>
      %dma_start3A_133 = arith.constant 0 : i32
      %dma_start3A_134 = tpu.memref_slice %arg11[%add3A_20, %dma_start3A_133] : memref<10240x128xf32, #tpu.memory_space<vmem_shared>> -> memref<128x128xf32, #tpu.memory_space<vmem_shared>>
      %dma_start3A_135 = arith.constant 0 : i32
      %dma_start3A_136 = tpu.memref_slice %arg11[%add3A_20, %dma_start3A_135] : memref<10240x128xf32, #tpu.memory_space<vmem_shared>> -> memref<128x128xf32, #tpu.memory_space<vmem_shared>>
      tpu.enqueue_dma source(%arg9 : memref<128x128xf32, #tpu.memory_space<vmem>>) target(%dma_start3A_136 : memref<128x128xf32, #tpu.memory_space<vmem_shared>>) target_semaphore(%run_scoped3A_132 : memref<!tpu.dma_semaphore, #tpu.memory_space<semaphore_mem>>)
      %dma_wait3A_137 = arith.constant 0 : i32
      %dma_wait3A_138 = tpu.memref_slice %arg11[%add3A_20, %dma_wait3A_137] : memref<10240x128xf32, #tpu.memory_space<vmem_shared>> -> memref<128x128xf32, #tpu.memory_space<vmem_shared>>
      %dma_wait3A_139 = arith.constant 0 : i32
      %dma_wait3A_140 = tpu.memref_slice %arg11[%add3A_20, %dma_wait3A_139] : memref<10240x128xf32, #tpu.memory_space<vmem_shared>> -> memref<128x128xf32, #tpu.memory_space<vmem_shared>>
      tpu.wait_dma2 semaphore(%run_scoped3A_132 : memref<!tpu.dma_semaphore, #tpu.memory_space<semaphore_mem>>) src(%arg9 : memref<128x128xf32, #tpu.memory_space<vmem>>) dst(%dma_wait3A_140 : memref<128x128xf32, #tpu.memory_space<vmem_shared>>)
      tpu.yield
    }) : () -> ()
    %barrier3A = arith.constant 0 : index
    tpu.barrier barrier_id(%barrier3A)
    %run_scoped3A = arith.constant 0 : i32
    "tpu.region"() ({
      %run_scoped3A_132 = tpu.sem_alloc : memref<!tpu.dma_semaphore, #tpu.memory_space<semaphore_mem>>
      %dma_start3A_133 = arith.constant 0 : i32
      %dma_start3A_134 = arith.constant 0 : i32
      %dma_start3A_135 = tpu.memref_slice %arg3[%add3A, %run_scoped3A, %dma_start3A_133, %dma_start3A_134] : memref<32x2x40x128xi32, #tpu.memory_space<hbm>> -> memref<1x1x40x128xi32, #tpu.memory_space<hbm>>
      %dma_start3A_136 = tpu.memref_squeeze %dma_start3A_135 : memref<1x1x40x128xi32, #tpu.memory_space<hbm>> -> memref<40x128xi32, #tpu.memory_space<hbm>>
      %dma_start3A_137 = arith.constant 0 : i32
      %dma_start3A_138 = arith.constant 0 : i32
      %dma_start3A_139 = tpu.memref_slice %arg3[%add3A, %run_scoped3A, %dma_start3A_137, %dma_start3A_138] : memref<32x2x40x128xi32, #tpu.memory_space<hbm>> -> memref<1x1x40x128xi32, #tpu.memory_space<hbm>>
      %dma_start3A_140 = tpu.memref_squeeze %dma_start3A_139 : memref<1x1x40x128xi32, #tpu.memory_space<hbm>> -> memref<40x128xi32, #tpu.memory_space<hbm>>
      tpu.enqueue_dma source(%dma_start3A_140 : memref<40x128xi32, #tpu.memory_space<hbm>>) target(%arg7 : memref<40x128xi32, #tpu.memory_space<vmem>>) target_semaphore(%run_scoped3A_132 : memref<!tpu.dma_semaphore, #tpu.memory_space<semaphore_mem>>)
      %dma_wait3A_141 = arith.constant 0 : i32
      %dma_wait3A_142 = arith.constant 0 : i32
      %dma_wait3A_143 = tpu.memref_slice %arg3[%add3A, %run_scoped3A, %dma_wait3A_141, %dma_wait3A_142] : memref<32x2x40x128xi32, #tpu.memory_space<hbm>> -> memref<1x1x40x128xi32, #tpu.memory_space<hbm>>
      %dma_wait3A_144 = tpu.memref_squeeze %dma_wait3A_143 : memref<1x1x40x128xi32, #tpu.memory_space<hbm>> -> memref<40x128xi32, #tpu.memory_space<hbm>>
      %dma_wait3A_145 = arith.constant 0 : i32
      %dma_wait3A_146 = arith.constant 0 : i32
      %dma_wait3A_147 = tpu.memref_slice %arg3[%add3A, %run_scoped3A, %dma_wait3A_145, %dma_wait3A_146] : memref<32x2x40x128xi32, #tpu.memory_space<hbm>> -> memref<1x1x40x128xi32, #tpu.memory_space<hbm>>
      %dma_wait3A_148 = tpu.memref_squeeze %dma_wait3A_147 : memref<1x1x40x128xi32, #tpu.memory_space<hbm>> -> memref<40x128xi32, #tpu.memory_space<hbm>>
      tpu.wait_dma2 semaphore(%run_scoped3A_132 : memref<!tpu.dma_semaphore, #tpu.memory_space<semaphore_mem>>) src(%dma_wait3A_148 : memref<40x128xi32, #tpu.memory_space<hbm>>) dst(%arg7 : memref<40x128xi32, #tpu.memory_space<vmem>>)
      tpu.yield
    }) : () -> ()
    %run_scoped3A_21 = arith.constant 0 : i32
    "tpu.region"() ({
      %run_scoped3A_132 = tpu.sem_alloc : memref<!tpu.dma_semaphore, #tpu.memory_space<semaphore_mem>>
      %dma_start3A_133 = arith.constant 0 : i32
      %dma_start3A_134 = arith.constant 0 : i32
      %dma_start3A_135 = tpu.memref_slice %arg4[%add3A, %run_scoped3A_21, %dma_start3A_133, %dma_start3A_134] : memref<32x2x40x128xi32, #tpu.memory_space<hbm>> -> memref<1x1x40x128xi32, #tpu.memory_space<hbm>>
      %dma_start3A_136 = tpu.memref_squeeze %dma_start3A_135 : memref<1x1x40x128xi32, #tpu.memory_space<hbm>> -> memref<40x128xi32, #tpu.memory_space<hbm>>
      %dma_start3A_137 = arith.constant 0 : i32
      %dma_start3A_138 = arith.constant 0 : i32
      %dma_start3A_139 = tpu.memref_slice %arg4[%add3A, %run_scoped3A_21, %dma_start3A_137, %dma_start3A_138] : memref<32x2x40x128xi32, #tpu.memory_space<hbm>> -> memref<1x1x40x128xi32, #tpu.memory_space<hbm>>
      %dma_start3A_140 = tpu.memref_squeeze %dma_start3A_139 : memref<1x1x40x128xi32, #tpu.memory_space<hbm>> -> memref<40x128xi32, #tpu.memory_space<hbm>>
      tpu.enqueue_dma source(%dma_start3A_140 : memref<40x128xi32, #tpu.memory_space<hbm>>) target(%arg8 : memref<40x128xi32, #tpu.memory_space<vmem>>) target_semaphore(%run_scoped3A_132 : memref<!tpu.dma_semaphore, #tpu.memory_space<semaphore_mem>>)
      %dma_wait3A_141 = arith.constant 0 : i32
      %dma_wait3A_142 = arith.constant 0 : i32
      %dma_wait3A_143 = tpu.memref_slice %arg4[%add3A, %run_scoped3A_21, %dma_wait3A_141, %dma_wait3A_142] : memref<32x2x40x128xi32, #tpu.memory_space<hbm>> -> memref<1x1x40x128xi32, #tpu.memory_space<hbm>>
      %dma_wait3A_144 = tpu.memref_squeeze %dma_wait3A_143 : memref<1x1x40x128xi32, #tpu.memory_space<hbm>> -> memref<40x128xi32, #tpu.memory_space<hbm>>
      %dma_wait3A_145 = arith.constant 0 : i32
      %dma_wait3A_146 = arith.constant 0 : i32
      %dma_wait3A_147 = tpu.memref_slice %arg4[%add3A, %run_scoped3A_21, %dma_wait3A_145, %dma_wait3A_146] : memref<32x2x40x128xi32, #tpu.memory_space<hbm>> -> memref<1x1x40x128xi32, #tpu.memory_space<hbm>>
      %dma_wait3A_148 = tpu.memref_squeeze %dma_wait3A_147 : memref<1x1x40x128xi32, #tpu.memory_space<hbm>> -> memref<40x128xi32, #tpu.memory_space<hbm>>
      tpu.wait_dma2 semaphore(%run_scoped3A_132 : memref<!tpu.dma_semaphore, #tpu.memory_space<semaphore_mem>>) src(%dma_wait3A_148 : memref<40x128xi32, #tpu.memory_space<hbm>>) dst(%arg8 : memref<40x128xi32, #tpu.memory_space<vmem>>)
      tpu.yield
    }) : () -> ()
    %dma_start3A = arith.constant 0 : i32
    %dma_start3A_22 = arith.constant 0 : i32
    %dma_start3A_23 = tpu.memref_slice %arg7[%dma_start3A, %dma_start3A_22] : memref<40x128xi32, #tpu.memory_space<vmem>> -> memref<1x128xi32, #tpu.memory_space<vmem>>
    %dma_start3A_24 = tpu.memref_squeeze %dma_start3A_23 : memref<1x128xi32, #tpu.memory_space<vmem>> -> memref<128xi32, #tpu.memory_space<vmem>>
    %dma_start3A_25 = arith.constant 0 : i32
    %dma_start3A_26 = arith.constant 0 : i32
    %dma_start3A_27 = tpu.memref_slice %arg2[%dma_start3A_25, %dma_start3A_26] : memref<10240x128xf32, #tpu.memory_space<hbm>> -> memref<10240x128xf32, #tpu.memory_space<hbm>>
    tpu.enqueue_indirect_dma source(%dma_start3A_27 : memref<10240x128xf32, #tpu.memory_space<hbm>>) target(%arg9 : memref<128x128xf32, #tpu.memory_space<vmem>>) offsets(%dma_start3A_24 : memref<128xi32, #tpu.memory_space<vmem>>) semaphore(%arg12 : memref<!tpu.dma_semaphore, #tpu.memory_space<semaphore_mem>>)
    %scan3A = arith.constant 0 : i32
    %scan3A_28 = arith.constant 19 : i32
    %scan3A_29 = arith.addi %scan3A, %scan3A_28 : i32
    %scan3A_30 = arith.constant 1 : i32
    scf.for %scan3A_132 = %scan3A to %scan3A_29 step %scan3A_30  : i32 {
      %mul3A_133 = arith.constant 2 : i32
      %mul3A_134 = arith.muli %scan3A_132, %mul3A_133 : i32
      %add3A_135 = arith.constant 0 : i32
      %add3A_136 = arith.addi %add3A_135, %mul3A_134 : i32
      %add3A_137 = arith.constant 1 : i32
      %add3A_138 = arith.addi %add3A_136, %add3A_137 : i32
      %dma_start3A_139 = arith.constant 0 : i32
      %dma_start3A_140 = tpu.memref_slice %arg7[%add3A_138, %dma_start3A_139] : memref<40x128xi32, #tpu.memory_space<vmem>> -> memref<1x128xi32, #tpu.memory_space<vmem>>
      %dma_start3A_141 = tpu.memref_squeeze %dma_start3A_140 : memref<1x128xi32, #tpu.memory_space<vmem>> -> memref<128xi32, #tpu.memory_space<vmem>>
      %dma_start3A_142 = arith.constant 0 : i32
      %dma_start3A_143 = arith.constant 0 : i32
      %dma_start3A_144 = tpu.memref_slice %arg2[%dma_start3A_142, %dma_start3A_143] : memref<10240x128xf32, #tpu.memory_space<hbm>> -> memref<10240x128xf32, #tpu.memory_space<hbm>>
      tpu.enqueue_indirect_dma source(%dma_start3A_144 : memref<10240x128xf32, #tpu.memory_space<hbm>>) target(%arg10 : memref<128x128xf32, #tpu.memory_space<vmem>>) offsets(%dma_start3A_141 : memref<128xi32, #tpu.memory_space<vmem>>) semaphore(%arg13 : memref<!tpu.dma_semaphore, #tpu.memory_space<semaphore_mem>>)
      %dma_wait3A_145 = arith.constant 0 : i32
      %dma_wait3A_146 = tpu.memref_slice %arg7[%add3A_136, %dma_wait3A_145] : memref<40x128xi32, #tpu.memory_space<vmem>> -> memref<1x128xi32, #tpu.memory_space<vmem>>
      %dma_wait3A_147 = tpu.memref_squeeze %dma_wait3A_146 : memref<1x128xi32, #tpu.memory_space<vmem>> -> memref<128xi32, #tpu.memory_space<vmem>>
      %dma_wait3A_148 = arith.constant 0 : i32
      %dma_wait3A_149 = arith.constant 0 : i32
      %dma_wait3A_150 = tpu.memref_slice %arg2[%dma_wait3A_148, %dma_wait3A_149] : memref<10240x128xf32, #tpu.memory_space<hbm>> -> memref<10240x128xf32, #tpu.memory_space<hbm>>
      tpu.wait_indirect_dma semaphore(%arg12 : memref<!tpu.dma_semaphore, #tpu.memory_space<semaphore_mem>>) src(%dma_wait3A_150 : memref<10240x128xf32, #tpu.memory_space<hbm>>) dst(%arg9 : memref<128x128xf32, #tpu.memory_space<vmem>>)
      "tpu.region"() ({
        %run_scoped3A_169 = tpu.sem_alloc : memref<!tpu.dma_semaphore, #tpu.memory_space<semaphore_mem>>
        %dma_start3A_170 = arith.constant 0 : i32
        %dma_start3A_171 = tpu.memref_slice %arg8[%add3A_136, %dma_start3A_170] : memref<40x128xi32, #tpu.memory_space<vmem>> -> memref<1x128xi32, #tpu.memory_space<vmem>>
        %dma_start3A_172 = tpu.memref_squeeze %dma_start3A_171 : memref<1x128xi32, #tpu.memory_space<vmem>> -> memref<128xi32, #tpu.memory_space<vmem>>
        %dma_start3A_173 = arith.constant 0 : i32
        %dma_start3A_174 = arith.constant 0 : i32
        %dma_start3A_175 = tpu.memref_slice %arg11[%dma_start3A_173, %dma_start3A_174] : memref<10240x128xf32, #tpu.memory_space<vmem_shared>> -> memref<10240x128xf32, #tpu.memory_space<vmem_shared>>
        tpu.enqueue_indirect_dma source(%arg9 : memref<128x128xf32, #tpu.memory_space<vmem>>) target(%dma_start3A_175 : memref<10240x128xf32, #tpu.memory_space<vmem_shared>>) offsets(%dma_start3A_172 : memref<128xi32, #tpu.memory_space<vmem>>) semaphore(%run_scoped3A_169 : memref<!tpu.dma_semaphore, #tpu.memory_space<semaphore_mem>>) {add = true}
        %dma_wait3A_176 = arith.constant 0 : i32
        %dma_wait3A_177 = tpu.memref_slice %arg8[%add3A_136, %dma_wait3A_176] : memref<40x128xi32, #tpu.memory_space<vmem>> -> memref<1x128xi32, #tpu.memory_space<vmem>>
        %dma_wait3A_178 = tpu.memref_squeeze %dma_wait3A_177 : memref<1x128xi32, #tpu.memory_space<vmem>> -> memref<128xi32, #tpu.memory_space<vmem>>
        %dma_wait3A_179 = arith.constant 0 : i32
        %dma_wait3A_180 = arith.constant 0 : i32
        %dma_wait3A_181 = tpu.memref_slice %arg11[%dma_wait3A_179, %dma_wait3A_180] : memref<10240x128xf32, #tpu.memory_space<vmem_shared>> -> memref<10240x128xf32, #tpu.memory_space<vmem_shared>>
        tpu.wait_indirect_dma semaphore(%run_scoped3A_169 : memref<!tpu.dma_semaphore, #tpu.memory_space<semaphore_mem>>) src(%arg9 : memref<128x128xf32, #tpu.memory_space<vmem>>) dst(%dma_wait3A_181 : memref<10240x128xf32, #tpu.memory_space<vmem_shared>>)
        tpu.yield
      }) : () -> ()
      %add3A_151 = arith.constant 2 : i32
      %add3A_152 = arith.addi %add3A_136, %add3A_151 : i32
      %dma_start3A_153 = arith.constant 0 : i32
      %dma_start3A_154 = tpu.memref_slice %arg7[%add3A_152, %dma_start3A_153] : memref<40x128xi32, #tpu.memory_space<vmem>> -> memref<1x128xi32, #tpu.memory_space<vmem>>
      %dma_start3A_155 = tpu.memref_squeeze %dma_start3A_154 : memref<1x128xi32, #tpu.memory_space<vmem>> -> memref<128xi32, #tpu.memory_space<vmem>>
      %dma_start3A_156 = arith.constant 0 : i32
      %dma_start3A_157 = arith.constant 0 : i32
      %dma_start3A_158 = tpu.memref_slice %arg2[%dma_start3A_156, %dma_start3A_157] : memref<10240x128xf32, #tpu.memory_space<hbm>> -> memref<10240x128xf32, #tpu.memory_space<hbm>>
      tpu.enqueue_indirect_dma source(%dma_start3A_158 : memref<10240x128xf32, #tpu.memory_space<hbm>>) target(%arg9 : memref<128x128xf32, #tpu.memory_space<vmem>>) offsets(%dma_start3A_155 : memref<128xi32, #tpu.memory_space<vmem>>) semaphore(%arg12 : memref<!tpu.dma_semaphore, #tpu.memory_space<semaphore_mem>>)
      %add3A_159 = arith.constant 1 : i32
      %add3A_160 = arith.addi %add3A_136, %add3A_159 : i32
      %dma_wait3A_161 = arith.constant 0 : i32
      %dma_wait3A_162 = tpu.memref_slice %arg7[%add3A_160, %dma_wait3A_161] : memref<40x128xi32, #tpu.memory_space<vmem>> -> memref<1x128xi32, #tpu.memory_space<vmem>>
      %dma_wait3A_163 = tpu.memref_squeeze %dma_wait3A_162 : memref<1x128xi32, #tpu.memory_space<vmem>> -> memref<128xi32, #tpu.memory_space<vmem>>
      %dma_wait3A_164 = arith.constant 0 : i32
      %dma_wait3A_165 = arith.constant 0 : i32
      %dma_wait3A_166 = tpu.memref_slice %arg2[%dma_wait3A_164, %dma_wait3A_165] : memref<10240x128xf32, #tpu.memory_space<hbm>> -> memref<10240x128xf32, #tpu.memory_space<hbm>>
      tpu.wait_indirect_dma semaphore(%arg13 : memref<!tpu.dma_semaphore, #tpu.memory_space<semaphore_mem>>) src(%dma_wait3A_166 : memref<10240x128xf32, #tpu.memory_space<hbm>>) dst(%arg10 : memref<128x128xf32, #tpu.memory_space<vmem>>)
      %add3A_167 = arith.constant 1 : i32
      %add3A_168 = arith.addi %add3A_136, %add3A_167 : i32
      "tpu.region"() ({
        %run_scoped3A_169 = tpu.sem_alloc : memref<!tpu.dma_semaphore, #tpu.memory_space<semaphore_mem>>
        %dma_start3A_170 = arith.constant 0 : i32
        %dma_start3A_171 = tpu.memref_slice %arg8[%add3A_168, %dma_start3A_170] : memref<40x128xi32, #tpu.memory_space<vmem>> -> memref<1x128xi32, #tpu.memory_space<vmem>>
        %dma_start3A_172 = tpu.memref_squeeze %dma_start3A_171 : memref<1x128xi32, #tpu.memory_space<vmem>> -> memref<128xi32, #tpu.memory_space<vmem>>
        %dma_start3A_173 = arith.constant 0 : i32
        %dma_start3A_174 = arith.constant 0 : i32
        %dma_start3A_175 = tpu.memref_slice %arg11[%dma_start3A_173, %dma_start3A_174] : memref<10240x128xf32, #tpu.memory_space<vmem_shared>> -> memref<10240x128xf32, #tpu.memory_space<vmem_shared>>
        tpu.enqueue_indirect_dma source(%arg10 : memref<128x128xf32, #tpu.memory_space<vmem>>) target(%dma_start3A_175 : memref<10240x128xf32, #tpu.memory_space<vmem_shared>>) offsets(%dma_start3A_172 : memref<128xi32, #tpu.memory_space<vmem>>) semaphore(%run_scoped3A_169 : memref<!tpu.dma_semaphore, #tpu.memory_space<semaphore_mem>>) {add = true}
        %dma_wait3A_176 = arith.constant 0 : i32
        %dma_wait3A_177 = tpu.memref_slice %arg8[%add3A_168, %dma_wait3A_176] : memref<40x128xi32, #tpu.memory_space<vmem>> -> memref<1x128xi32, #tpu.memory_space<vmem>>
        %dma_wait3A_178 = tpu.memref_squeeze %dma_wait3A_177 : memref<1x128xi32, #tpu.memory_space<vmem>> -> memref<128xi32, #tpu.memory_space<vmem>>
        %dma_wait3A_179 = arith.constant 0 : i32
        %dma_wait3A_180 = arith.constant 0 : i32
        %dma_wait3A_181 = tpu.memref_slice %arg11[%dma_wait3A_179, %dma_wait3A_180] : memref<10240x128xf32, #tpu.memory_space<vmem_shared>> -> memref<10240x128xf32, #tpu.memory_space<vmem_shared>>
        tpu.wait_indirect_dma semaphore(%run_scoped3A_169 : memref<!tpu.dma_semaphore, #tpu.memory_space<semaphore_mem>>) src(%arg10 : memref<128x128xf32, #tpu.memory_space<vmem>>) dst(%dma_wait3A_181 : memref<10240x128xf32, #tpu.memory_space<vmem_shared>>)
        tpu.yield
      }) : () -> ()
    }
    %scan3A_31 = arith.constant 19 : i32
    %dma_start3A_32 = arith.constant 39 : i32
    %dma_start3A_33 = arith.constant 0 : i32
    %dma_start3A_34 = tpu.memref_slice %arg7[%dma_start3A_32, %dma_start3A_33] : memref<40x128xi32, #tpu.memory_space<vmem>> -> memref<1x128xi32, #tpu.memory_space<vmem>>
    %dma_start3A_35 = tpu.memref_squeeze %dma_start3A_34 : memref<1x128xi32, #tpu.memory_space<vmem>> -> memref<128xi32, #tpu.memory_space<vmem>>
    %dma_start3A_36 = arith.constant 0 : i32
    %dma_start3A_37 = arith.constant 0 : i32
    %dma_start3A_38 = tpu.memref_slice %arg2[%dma_start3A_36, %dma_start3A_37] : memref<10240x128xf32, #tpu.memory_space<hbm>> -> memref<10240x128xf32, #tpu.memory_space<hbm>>
    tpu.enqueue_indirect_dma source(%dma_start3A_38 : memref<10240x128xf32, #tpu.memory_space<hbm>>) target(%arg10 : memref<128x128xf32, #tpu.memory_space<vmem>>) offsets(%dma_start3A_35 : memref<128xi32, #tpu.memory_space<vmem>>) semaphore(%arg13 : memref<!tpu.dma_semaphore, #tpu.memory_space<semaphore_mem>>)
    %dma_wait3A = arith.constant 38 : i32
    %dma_wait3A_39 = arith.constant 0 : i32
    %dma_wait3A_40 = tpu.memref_slice %arg7[%dma_wait3A, %dma_wait3A_39] : memref<40x128xi32, #tpu.memory_space<vmem>> -> memref<1x128xi32, #tpu.memory_space<vmem>>
    %dma_wait3A_41 = tpu.memref_squeeze %dma_wait3A_40 : memref<1x128xi32, #tpu.memory_space<vmem>> -> memref<128xi32, #tpu.memory_space<vmem>>
    %dma_wait3A_42 = arith.constant 0 : i32
    %dma_wait3A_43 = arith.constant 0 : i32
    %dma_wait3A_44 = tpu.memref_slice %arg2[%dma_wait3A_42, %dma_wait3A_43] : memref<10240x128xf32, #tpu.memory_space<hbm>> -> memref<10240x128xf32, #tpu.memory_space<hbm>>
    tpu.wait_indirect_dma semaphore(%arg12 : memref<!tpu.dma_semaphore, #tpu.memory_space<semaphore_mem>>) src(%dma_wait3A_44 : memref<10240x128xf32, #tpu.memory_space<hbm>>) dst(%arg9 : memref<128x128xf32, #tpu.memory_space<vmem>>)
    %run_scoped3A_45 = arith.constant 38 : i32
    "tpu.region"() ({
      %run_scoped3A_132 = tpu.sem_alloc : memref<!tpu.dma_semaphore, #tpu.memory_space<semaphore_mem>>
      %dma_start3A_133 = arith.constant 0 : i32
      %dma_start3A_134 = tpu.memref_slice %arg8[%run_scoped3A_45, %dma_start3A_133] : memref<40x128xi32, #tpu.memory_space<vmem>> -> memref<1x128xi32, #tpu.memory_space<vmem>>
      %dma_start3A_135 = tpu.memref_squeeze %dma_start3A_134 : memref<1x128xi32, #tpu.memory_space<vmem>> -> memref<128xi32, #tpu.memory_space<vmem>>
      %dma_start3A_136 = arith.constant 0 : i32
      %dma_start3A_137 = arith.constant 0 : i32
      %dma_start3A_138 = tpu.memref_slice %arg11[%dma_start3A_136, %dma_start3A_137] : memref<10240x128xf32, #tpu.memory_space<vmem_shared>> -> memref<10240x128xf32, #tpu.memory_space<vmem_shared>>
      tpu.enqueue_indirect_dma source(%arg9 : memref<128x128xf32, #tpu.memory_space<vmem>>) target(%dma_start3A_138 : memref<10240x128xf32, #tpu.memory_space<vmem_shared>>) offsets(%dma_start3A_135 : memref<128xi32, #tpu.memory_space<vmem>>) semaphore(%run_scoped3A_132 : memref<!tpu.dma_semaphore, #tpu.memory_space<semaphore_mem>>) {add = true}
      %dma_wait3A_139 = arith.constant 0 : i32
      %dma_wait3A_140 = tpu.memref_slice %arg8[%run_scoped3A_45, %dma_wait3A_139] : memref<40x128xi32, #tpu.memory_space<vmem>> -> memref<1x128xi32, #tpu.memory_space<vmem>>
      %dma_wait3A_141 = tpu.memref_squeeze %dma_wait3A_140 : memref<1x128xi32, #tpu.memory_space<vmem>> -> memref<128xi32, #tpu.memory_space<vmem>>
      %dma_wait3A_142 = arith.constant 0 : i32
      %dma_wait3A_143 = arith.constant 0 : i32
      %dma_wait3A_144 = tpu.memref_slice %arg11[%dma_wait3A_142, %dma_wait3A_143] : memref<10240x128xf32, #tpu.memory_space<vmem_shared>> -> memref<10240x128xf32, #tpu.memory_space<vmem_shared>>
      tpu.wait_indirect_dma semaphore(%run_scoped3A_132 : memref<!tpu.dma_semaphore, #tpu.memory_space<semaphore_mem>>) src(%arg9 : memref<128x128xf32, #tpu.memory_space<vmem>>) dst(%dma_wait3A_144 : memref<10240x128xf32, #tpu.memory_space<vmem_shared>>)
      tpu.yield
    }) : () -> ()
    %dma_wait3A_46 = arith.constant 39 : i32
    %dma_wait3A_47 = arith.constant 0 : i32
    %dma_wait3A_48 = tpu.memref_slice %arg7[%dma_wait3A_46, %dma_wait3A_47] : memref<40x128xi32, #tpu.memory_space<vmem>> -> memref<1x128xi32, #tpu.memory_space<vmem>>
    %dma_wait3A_49 = tpu.memref_squeeze %dma_wait3A_48 : memref<1x128xi32, #tpu.memory_space<vmem>> -> memref<128xi32, #tpu.memory_space<vmem>>
    %dma_wait3A_50 = arith.constant 0 : i32
    %dma_wait3A_51 = arith.constant 0 : i32
    %dma_wait3A_52 = tpu.memref_slice %arg2[%dma_wait3A_50, %dma_wait3A_51] : memref<10240x128xf32, #tpu.memory_space<hbm>> -> memref<10240x128xf32, #tpu.memory_space<hbm>>
    tpu.wait_indirect_dma semaphore(%arg13 : memref<!tpu.dma_semaphore, #tpu.memory_space<semaphore_mem>>) src(%dma_wait3A_52 : memref<10240x128xf32, #tpu.memory_space<hbm>>) dst(%arg10 : memref<128x128xf32, #tpu.memory_space<vmem>>)
    %run_scoped3A_53 = arith.constant 39 : i32
    "tpu.region"() ({
      %run_scoped3A_132 = tpu.sem_alloc : memref<!tpu.dma_semaphore, #tpu.memory_space<semaphore_mem>>
      %dma_start3A_133 = arith.constant 0 : i32
      %dma_start3A_134 = tpu.memref_slice %arg8[%run_scoped3A_53, %dma_start3A_133] : memref<40x128xi32, #tpu.memory_space<vmem>> -> memref<1x128xi32, #tpu.memory_space<vmem>>
      %dma_start3A_135 = tpu.memref_squeeze %dma_start3A_134 : memref<1x128xi32, #tpu.memory_space<vmem>> -> memref<128xi32, #tpu.memory_space<vmem>>
      %dma_start3A_136 = arith.constant 0 : i32
      %dma_start3A_137 = arith.constant 0 : i32
      %dma_start3A_138 = tpu.memref_slice %arg11[%dma_start3A_136, %dma_start3A_137] : memref<10240x128xf32, #tpu.memory_space<vmem_shared>> -> memref<10240x128xf32, #tpu.memory_space<vmem_shared>>
      tpu.enqueue_indirect_dma source(%arg10 : memref<128x128xf32, #tpu.memory_space<vmem>>) target(%dma_start3A_138 : memref<10240x128xf32, #tpu.memory_space<vmem_shared>>) offsets(%dma_start3A_135 : memref<128xi32, #tpu.memory_space<vmem>>) semaphore(%run_scoped3A_132 : memref<!tpu.dma_semaphore, #tpu.memory_space<semaphore_mem>>) {add = true}
      %dma_wait3A_139 = arith.constant 0 : i32
      %dma_wait3A_140 = tpu.memref_slice %arg8[%run_scoped3A_53, %dma_wait3A_139] : memref<40x128xi32, #tpu.memory_space<vmem>> -> memref<1x128xi32, #tpu.memory_space<vmem>>
      %dma_wait3A_141 = tpu.memref_squeeze %dma_wait3A_140 : memref<1x128xi32, #tpu.memory_space<vmem>> -> memref<128xi32, #tpu.memory_space<vmem>>
      %dma_wait3A_142 = arith.constant 0 : i32
      %dma_wait3A_143 = arith.constant 0 : i32
      %dma_wait3A_144 = tpu.memref_slice %arg11[%dma_wait3A_142, %dma_wait3A_143] : memref<10240x128xf32, #tpu.memory_space<vmem_shared>> -> memref<10240x128xf32, #tpu.memory_space<vmem_shared>>
      tpu.wait_indirect_dma semaphore(%run_scoped3A_132 : memref<!tpu.dma_semaphore, #tpu.memory_space<semaphore_mem>>) src(%arg10 : memref<128x128xf32, #tpu.memory_space<vmem>>) dst(%dma_wait3A_144 : memref<10240x128xf32, #tpu.memory_space<vmem_shared>>)
      tpu.yield
    }) : () -> ()
    %run_scoped3A_54 = arith.constant 1 : i32
    "tpu.region"() ({
      %run_scoped3A_132 = tpu.sem_alloc : memref<!tpu.dma_semaphore, #tpu.memory_space<semaphore_mem>>
      %dma_start3A_133 = arith.constant 0 : i32
      %dma_start3A_134 = arith.constant 0 : i32
      %dma_start3A_135 = tpu.memref_slice %arg3[%add3A, %run_scoped3A_54, %dma_start3A_133, %dma_start3A_134] : memref<32x2x40x128xi32, #tpu.memory_space<hbm>> -> memref<1x1x40x128xi32, #tpu.memory_space<hbm>>
      %dma_start3A_136 = tpu.memref_squeeze %dma_start3A_135 : memref<1x1x40x128xi32, #tpu.memory_space<hbm>> -> memref<40x128xi32, #tpu.memory_space<hbm>>
      %dma_start3A_137 = arith.constant 0 : i32
      %dma_start3A_138 = arith.constant 0 : i32
      %dma_start3A_139 = tpu.memref_slice %arg3[%add3A, %run_scoped3A_54, %dma_start3A_137, %dma_start3A_138] : memref<32x2x40x128xi32, #tpu.memory_space<hbm>> -> memref<1x1x40x128xi32, #tpu.memory_space<hbm>>
      %dma_start3A_140 = tpu.memref_squeeze %dma_start3A_139 : memref<1x1x40x128xi32, #tpu.memory_space<hbm>> -> memref<40x128xi32, #tpu.memory_space<hbm>>
      tpu.enqueue_dma source(%dma_start3A_140 : memref<40x128xi32, #tpu.memory_space<hbm>>) target(%arg7 : memref<40x128xi32, #tpu.memory_space<vmem>>) target_semaphore(%run_scoped3A_132 : memref<!tpu.dma_semaphore, #tpu.memory_space<semaphore_mem>>)
      %dma_wait3A_141 = arith.constant 0 : i32
      %dma_wait3A_142 = arith.constant 0 : i32
      %dma_wait3A_143 = tpu.memref_slice %arg3[%add3A, %run_scoped3A_54, %dma_wait3A_141, %dma_wait3A_142] : memref<32x2x40x128xi32, #tpu.memory_space<hbm>> -> memref<1x1x40x128xi32, #tpu.memory_space<hbm>>
      %dma_wait3A_144 = tpu.memref_squeeze %dma_wait3A_143 : memref<1x1x40x128xi32, #tpu.memory_space<hbm>> -> memref<40x128xi32, #tpu.memory_space<hbm>>
      %dma_wait3A_145 = arith.constant 0 : i32
      %dma_wait3A_146 = arith.constant 0 : i32
      %dma_wait3A_147 = tpu.memref_slice %arg3[%add3A, %run_scoped3A_54, %dma_wait3A_145, %dma_wait3A_146] : memref<32x2x40x128xi32, #tpu.memory_space<hbm>> -> memref<1x1x40x128xi32, #tpu.memory_space<hbm>>
      %dma_wait3A_148 = tpu.memref_squeeze %dma_wait3A_147 : memref<1x1x40x128xi32, #tpu.memory_space<hbm>> -> memref<40x128xi32, #tpu.memory_space<hbm>>
      tpu.wait_dma2 semaphore(%run_scoped3A_132 : memref<!tpu.dma_semaphore, #tpu.memory_space<semaphore_mem>>) src(%dma_wait3A_148 : memref<40x128xi32, #tpu.memory_space<hbm>>) dst(%arg7 : memref<40x128xi32, #tpu.memory_space<vmem>>)
      tpu.yield
    }) : () -> ()
    %run_scoped3A_55 = arith.constant 1 : i32
    "tpu.region"() ({
      %run_scoped3A_132 = tpu.sem_alloc : memref<!tpu.dma_semaphore, #tpu.memory_space<semaphore_mem>>
      %dma_start3A_133 = arith.constant 0 : i32
      %dma_start3A_134 = arith.constant 0 : i32
      %dma_start3A_135 = tpu.memref_slice %arg4[%add3A, %run_scoped3A_55, %dma_start3A_133, %dma_start3A_134] : memref<32x2x40x128xi32, #tpu.memory_space<hbm>> -> memref<1x1x40x128xi32, #tpu.memory_space<hbm>>
      %dma_start3A_136 = tpu.memref_squeeze %dma_start3A_135 : memref<1x1x40x128xi32, #tpu.memory_space<hbm>> -> memref<40x128xi32, #tpu.memory_space<hbm>>
      %dma_start3A_137 = arith.constant 0 : i32
      %dma_start3A_138 = arith.constant 0 : i32
      %dma_start3A_139 = tpu.memref_slice %arg4[%add3A, %run_scoped3A_55, %dma_start3A_137, %dma_start3A_138] : memref<32x2x40x128xi32, #tpu.memory_space<hbm>> -> memref<1x1x40x128xi32, #tpu.memory_space<hbm>>
      %dma_start3A_140 = tpu.memref_squeeze %dma_start3A_139 : memref<1x1x40x128xi32, #tpu.memory_space<hbm>> -> memref<40x128xi32, #tpu.memory_space<hbm>>
      tpu.enqueue_dma source(%dma_start3A_140 : memref<40x128xi32, #tpu.memory_space<hbm>>) target(%arg8 : memref<40x128xi32, #tpu.memory_space<vmem>>) target_semaphore(%run_scoped3A_132 : memref<!tpu.dma_semaphore, #tpu.memory_space<semaphore_mem>>)
      %dma_wait3A_141 = arith.constant 0 : i32
      %dma_wait3A_142 = arith.constant 0 : i32
      %dma_wait3A_143 = tpu.memref_slice %arg4[%add3A, %run_scoped3A_55, %dma_wait3A_141, %dma_wait3A_142] : memref<32x2x40x128xi32, #tpu.memory_space<hbm>> -> memref<1x1x40x128xi32, #tpu.memory_space<hbm>>
      %dma_wait3A_144 = tpu.memref_squeeze %dma_wait3A_143 : memref<1x1x40x128xi32, #tpu.memory_space<hbm>> -> memref<40x128xi32, #tpu.memory_space<hbm>>
      %dma_wait3A_145 = arith.constant 0 : i32
      %dma_wait3A_146 = arith.constant 0 : i32
      %dma_wait3A_147 = tpu.memref_slice %arg4[%add3A, %run_scoped3A_55, %dma_wait3A_145, %dma_wait3A_146] : memref<32x2x40x128xi32, #tpu.memory_space<hbm>> -> memref<1x1x40x128xi32, #tpu.memory_space<hbm>>
      %dma_wait3A_148 = tpu.memref_squeeze %dma_wait3A_147 : memref<1x1x40x128xi32, #tpu.memory_space<hbm>> -> memref<40x128xi32, #tpu.memory_space<hbm>>
      tpu.wait_dma2 semaphore(%run_scoped3A_132 : memref<!tpu.dma_semaphore, #tpu.memory_space<semaphore_mem>>) src(%dma_wait3A_148 : memref<40x128xi32, #tpu.memory_space<hbm>>) dst(%arg8 : memref<40x128xi32, #tpu.memory_space<vmem>>)
      tpu.yield
    }) : () -> ()
    %dma_start3A_56 = arith.constant 0 : i32
    %dma_start3A_57 = arith.constant 0 : i32
    %dma_start3A_58 = tpu.memref_slice %arg7[%dma_start3A_56, %dma_start3A_57] : memref<40x128xi32, #tpu.memory_space<vmem>> -> memref<1x128xi32, #tpu.memory_space<vmem>>
    %dma_start3A_59 = tpu.memref_squeeze %dma_start3A_58 : memref<1x128xi32, #tpu.memory_space<vmem>> -> memref<128xi32, #tpu.memory_space<vmem>>
    %dma_start3A_60 = arith.constant 0 : i32
    %dma_start3A_61 = arith.constant 0 : i32
    %dma_start3A_62 = tpu.memref_slice %arg2[%dma_start3A_60, %dma_start3A_61] : memref<10240x128xf32, #tpu.memory_space<hbm>> -> memref<10240x128xf32, #tpu.memory_space<hbm>>
    tpu.enqueue_indirect_dma source(%dma_start3A_62 : memref<10240x128xf32, #tpu.memory_space<hbm>>) target(%arg9 : memref<128x128xf32, #tpu.memory_space<vmem>>) offsets(%dma_start3A_59 : memref<128xi32, #tpu.memory_space<vmem>>) semaphore(%arg12 : memref<!tpu.dma_semaphore, #tpu.memory_space<semaphore_mem>>)
    %scan3A_63 = arith.constant 0 : i32
    %scan3A_64 = arith.constant 19 : i32
    %scan3A_65 = arith.addi %scan3A_63, %scan3A_64 : i32
    %scan3A_66 = arith.constant 1 : i32
    scf.for %scan3A_132 = %scan3A_63 to %scan3A_65 step %scan3A_66  : i32 {
      %mul3A_133 = arith.constant 2 : i32
      %mul3A_134 = arith.muli %scan3A_132, %mul3A_133 : i32
      %add3A_135 = arith.constant 0 : i32
      %add3A_136 = arith.addi %add3A_135, %mul3A_134 : i32
      %add3A_137 = arith.constant 1 : i32
      %add3A_138 = arith.addi %add3A_136, %add3A_137 : i32
      %dma_start3A_139 = arith.constant 0 : i32
      %dma_start3A_140 = tpu.memref_slice %arg7[%add3A_138, %dma_start3A_139] : memref<40x128xi32, #tpu.memory_space<vmem>> -> memref<1x128xi32, #tpu.memory_space<vmem>>
      %dma_start3A_141 = tpu.memref_squeeze %dma_start3A_140 : memref<1x128xi32, #tpu.memory_space<vmem>> -> memref<128xi32, #tpu.memory_space<vmem>>
      %dma_start3A_142 = arith.constant 0 : i32
      %dma_start3A_143 = arith.constant 0 : i32
      %dma_start3A_144 = tpu.memref_slice %arg2[%dma_start3A_142, %dma_start3A_143] : memref<10240x128xf32, #tpu.memory_space<hbm>> -> memref<10240x128xf32, #tpu.memory_space<hbm>>
      tpu.enqueue_indirect_dma source(%dma_start3A_144 : memref<10240x128xf32, #tpu.memory_space<hbm>>) target(%arg10 : memref<128x128xf32, #tpu.memory_space<vmem>>) offsets(%dma_start3A_141 : memref<128xi32, #tpu.memory_space<vmem>>) semaphore(%arg13 : memref<!tpu.dma_semaphore, #tpu.memory_space<semaphore_mem>>)
      %dma_wait3A_145 = arith.constant 0 : i32
      %dma_wait3A_146 = tpu.memref_slice %arg7[%add3A_136, %dma_wait3A_145] : memref<40x128xi32, #tpu.memory_space<vmem>> -> memref<1x128xi32, #tpu.memory_space<vmem>>
      %dma_wait3A_147 = tpu.memref_squeeze %dma_wait3A_146 : memref<1x128xi32, #tpu.memory_space<vmem>> -> memref<128xi32, #tpu.memory_space<vmem>>
      %dma_wait3A_148 = arith.constant 0 : i32
      %dma_wait3A_149 = arith.constant 0 : i32
      %dma_wait3A_150 = tpu.memref_slice %arg2[%dma_wait3A_148, %dma_wait3A_149] : memref<10240x128xf32, #tpu.memory_space<hbm>> -> memref<10240x128xf32, #tpu.memory_space<hbm>>
      tpu.wait_indirect_dma semaphore(%arg12 : memref<!tpu.dma_semaphore, #tpu.memory_space<semaphore_mem>>) src(%dma_wait3A_150 : memref<10240x128xf32, #tpu.memory_space<hbm>>) dst(%arg9 : memref<128x128xf32, #tpu.memory_space<vmem>>)
      "tpu.region"() ({
        %run_scoped3A_169 = tpu.sem_alloc : memref<!tpu.dma_semaphore, #tpu.memory_space<semaphore_mem>>
        %dma_start3A_170 = arith.constant 0 : i32
        %dma_start3A_171 = tpu.memref_slice %arg8[%add3A_136, %dma_start3A_170] : memref<40x128xi32, #tpu.memory_space<vmem>> -> memref<1x128xi32, #tpu.memory_space<vmem>>
        %dma_start3A_172 = tpu.memref_squeeze %dma_start3A_171 : memref<1x128xi32, #tpu.memory_space<vmem>> -> memref<128xi32, #tpu.memory_space<vmem>>
        %dma_start3A_173 = arith.constant 0 : i32
        %dma_start3A_174 = arith.constant 0 : i32
        %dma_start3A_175 = tpu.memref_slice %arg11[%dma_start3A_173, %dma_start3A_174] : memref<10240x128xf32, #tpu.memory_space<vmem_shared>> -> memref<10240x128xf32, #tpu.memory_space<vmem_shared>>
        tpu.enqueue_indirect_dma source(%arg9 : memref<128x128xf32, #tpu.memory_space<vmem>>) target(%dma_start3A_175 : memref<10240x128xf32, #tpu.memory_space<vmem_shared>>) offsets(%dma_start3A_172 : memref<128xi32, #tpu.memory_space<vmem>>) semaphore(%run_scoped3A_169 : memref<!tpu.dma_semaphore, #tpu.memory_space<semaphore_mem>>) {add = true}
        %dma_wait3A_176 = arith.constant 0 : i32
        %dma_wait3A_177 = tpu.memref_slice %arg8[%add3A_136, %dma_wait3A_176] : memref<40x128xi32, #tpu.memory_space<vmem>> -> memref<1x128xi32, #tpu.memory_space<vmem>>
        %dma_wait3A_178 = tpu.memref_squeeze %dma_wait3A_177 : memref<1x128xi32, #tpu.memory_space<vmem>> -> memref<128xi32, #tpu.memory_space<vmem>>
        %dma_wait3A_179 = arith.constant 0 : i32
        %dma_wait3A_180 = arith.constant 0 : i32
        %dma_wait3A_181 = tpu.memref_slice %arg11[%dma_wait3A_179, %dma_wait3A_180] : memref<10240x128xf32, #tpu.memory_space<vmem_shared>> -> memref<10240x128xf32, #tpu.memory_space<vmem_shared>>
        tpu.wait_indirect_dma semaphore(%run_scoped3A_169 : memref<!tpu.dma_semaphore, #tpu.memory_space<semaphore_mem>>) src(%arg9 : memref<128x128xf32, #tpu.memory_space<vmem>>) dst(%dma_wait3A_181 : memref<10240x128xf32, #tpu.memory_space<vmem_shared>>)
        tpu.yield
      }) : () -> ()
      %add3A_151 = arith.constant 2 : i32
      %add3A_152 = arith.addi %add3A_136, %add3A_151 : i32
      %dma_start3A_153 = arith.constant 0 : i32
      %dma_start3A_154 = tpu.memref_slice %arg7[%add3A_152, %dma_start3A_153] : memref<40x128xi32, #tpu.memory_space<vmem>> -> memref<1x128xi32, #tpu.memory_space<vmem>>
      %dma_start3A_155 = tpu.memref_squeeze %dma_start3A_154 : memref<1x128xi32, #tpu.memory_space<vmem>> -> memref<128xi32, #tpu.memory_space<vmem>>
      %dma_start3A_156 = arith.constant 0 : i32
      %dma_start3A_157 = arith.constant 0 : i32
      %dma_start3A_158 = tpu.memref_slice %arg2[%dma_start3A_156, %dma_start3A_157] : memref<10240x128xf32, #tpu.memory_space<hbm>> -> memref<10240x128xf32, #tpu.memory_space<hbm>>
      tpu.enqueue_indirect_dma source(%dma_start3A_158 : memref<10240x128xf32, #tpu.memory_space<hbm>>) target(%arg9 : memref<128x128xf32, #tpu.memory_space<vmem>>) offsets(%dma_start3A_155 : memref<128xi32, #tpu.memory_space<vmem>>) semaphore(%arg12 : memref<!tpu.dma_semaphore, #tpu.memory_space<semaphore_mem>>)
      %add3A_159 = arith.constant 1 : i32
      %add3A_160 = arith.addi %add3A_136, %add3A_159 : i32
      %dma_wait3A_161 = arith.constant 0 : i32
      %dma_wait3A_162 = tpu.memref_slice %arg7[%add3A_160, %dma_wait3A_161] : memref<40x128xi32, #tpu.memory_space<vmem>> -> memref<1x128xi32, #tpu.memory_space<vmem>>
      %dma_wait3A_163 = tpu.memref_squeeze %dma_wait3A_162 : memref<1x128xi32, #tpu.memory_space<vmem>> -> memref<128xi32, #tpu.memory_space<vmem>>
      %dma_wait3A_164 = arith.constant 0 : i32
      %dma_wait3A_165 = arith.constant 0 : i32
      %dma_wait3A_166 = tpu.memref_slice %arg2[%dma_wait3A_164, %dma_wait3A_165] : memref<10240x128xf32, #tpu.memory_space<hbm>> -> memref<10240x128xf32, #tpu.memory_space<hbm>>
      tpu.wait_indirect_dma semaphore(%arg13 : memref<!tpu.dma_semaphore, #tpu.memory_space<semaphore_mem>>) src(%dma_wait3A_166 : memref<10240x128xf32, #tpu.memory_space<hbm>>) dst(%arg10 : memref<128x128xf32, #tpu.memory_space<vmem>>)
      %add3A_167 = arith.constant 1 : i32
      %add3A_168 = arith.addi %add3A_136, %add3A_167 : i32
      "tpu.region"() ({
        %run_scoped3A_169 = tpu.sem_alloc : memref<!tpu.dma_semaphore, #tpu.memory_space<semaphore_mem>>
        %dma_start3A_170 = arith.constant 0 : i32
        %dma_start3A_171 = tpu.memref_slice %arg8[%add3A_168, %dma_start3A_170] : memref<40x128xi32, #tpu.memory_space<vmem>> -> memref<1x128xi32, #tpu.memory_space<vmem>>
        %dma_start3A_172 = tpu.memref_squeeze %dma_start3A_171 : memref<1x128xi32, #tpu.memory_space<vmem>> -> memref<128xi32, #tpu.memory_space<vmem>>
        %dma_start3A_173 = arith.constant 0 : i32
        %dma_start3A_174 = arith.constant 0 : i32
        %dma_start3A_175 = tpu.memref_slice %arg11[%dma_start3A_173, %dma_start3A_174] : memref<10240x128xf32, #tpu.memory_space<vmem_shared>> -> memref<10240x128xf32, #tpu.memory_space<vmem_shared>>
        tpu.enqueue_indirect_dma source(%arg10 : memref<128x128xf32, #tpu.memory_space<vmem>>) target(%dma_start3A_175 : memref<10240x128xf32, #tpu.memory_space<vmem_shared>>) offsets(%dma_start3A_172 : memref<128xi32, #tpu.memory_space<vmem>>) semaphore(%run_scoped3A_169 : memref<!tpu.dma_semaphore, #tpu.memory_space<semaphore_mem>>) {add = true}
        %dma_wait3A_176 = arith.constant 0 : i32
        %dma_wait3A_177 = tpu.memref_slice %arg8[%add3A_168, %dma_wait3A_176] : memref<40x128xi32, #tpu.memory_space<vmem>> -> memref<1x128xi32, #tpu.memory_space<vmem>>
        %dma_wait3A_178 = tpu.memref_squeeze %dma_wait3A_177 : memref<1x128xi32, #tpu.memory_space<vmem>> -> memref<128xi32, #tpu.memory_space<vmem>>
        %dma_wait3A_179 = arith.constant 0 : i32
        %dma_wait3A_180 = arith.constant 0 : i32
        %dma_wait3A_181 = tpu.memref_slice %arg11[%dma_wait3A_179, %dma_wait3A_180] : memref<10240x128xf32, #tpu.memory_space<vmem_shared>> -> memref<10240x128xf32, #tpu.memory_space<vmem_shared>>
        tpu.wait_indirect_dma semaphore(%run_scoped3A_169 : memref<!tpu.dma_semaphore, #tpu.memory_space<semaphore_mem>>) src(%arg10 : memref<128x128xf32, #tpu.memory_space<vmem>>) dst(%dma_wait3A_181 : memref<10240x128xf32, #tpu.memory_space<vmem_shared>>)
        tpu.yield
      }) : () -> ()
    }
    %scan3A_67 = arith.constant 19 : i32
    %dma_start3A_68 = arith.constant 39 : i32
    %dma_start3A_69 = arith.constant 0 : i32
    %dma_start3A_70 = tpu.memref_slice %arg7[%dma_start3A_68, %dma_start3A_69] : memref<40x128xi32, #tpu.memory_space<vmem>> -> memref<1x128xi32, #tpu.memory_space<vmem>>
    %dma_start3A_71 = tpu.memref_squeeze %dma_start3A_70 : memref<1x128xi32, #tpu.memory_space<vmem>> -> memref<128xi32, #tpu.memory_space<vmem>>
    %dma_start3A_72 = arith.constant 0 : i32
    %dma_start3A_73 = arith.constant 0 : i32
    %dma_start3A_74 = tpu.memref_slice %arg2[%dma_start3A_72, %dma_start3A_73] : memref<10240x128xf32, #tpu.memory_space<hbm>> -> memref<10240x128xf32, #tpu.memory_space<hbm>>
    tpu.enqueue_indirect_dma source(%dma_start3A_74 : memref<10240x128xf32, #tpu.memory_space<hbm>>) target(%arg10 : memref<128x128xf32, #tpu.memory_space<vmem>>) offsets(%dma_start3A_71 : memref<128xi32, #tpu.memory_space<vmem>>) semaphore(%arg13 : memref<!tpu.dma_semaphore, #tpu.memory_space<semaphore_mem>>)
    %dma_wait3A_75 = arith.constant 38 : i32
    %dma_wait3A_76 = arith.constant 0 : i32
    %dma_wait3A_77 = tpu.memref_slice %arg7[%dma_wait3A_75, %dma_wait3A_76] : memref<40x128xi32, #tpu.memory_space<vmem>> -> memref<1x128xi32, #tpu.memory_space<vmem>>
    %dma_wait3A_78 = tpu.memref_squeeze %dma_wait3A_77 : memref<1x128xi32, #tpu.memory_space<vmem>> -> memref<128xi32, #tpu.memory_space<vmem>>
    %dma_wait3A_79 = arith.constant 0 : i32
    %dma_wait3A_80 = arith.constant 0 : i32
    %dma_wait3A_81 = tpu.memref_slice %arg2[%dma_wait3A_79, %dma_wait3A_80] : memref<10240x128xf32, #tpu.memory_space<hbm>> -> memref<10240x128xf32, #tpu.memory_space<hbm>>
    tpu.wait_indirect_dma semaphore(%arg12 : memref<!tpu.dma_semaphore, #tpu.memory_space<semaphore_mem>>) src(%dma_wait3A_81 : memref<10240x128xf32, #tpu.memory_space<hbm>>) dst(%arg9 : memref<128x128xf32, #tpu.memory_space<vmem>>)
    %run_scoped3A_82 = arith.constant 38 : i32
    "tpu.region"() ({
      %run_scoped3A_132 = tpu.sem_alloc : memref<!tpu.dma_semaphore, #tpu.memory_space<semaphore_mem>>
      %dma_start3A_133 = arith.constant 0 : i32
      %dma_start3A_134 = tpu.memref_slice %arg8[%run_scoped3A_82, %dma_start3A_133] : memref<40x128xi32, #tpu.memory_space<vmem>> -> memref<1x128xi32, #tpu.memory_space<vmem>>
      %dma_start3A_135 = tpu.memref_squeeze %dma_start3A_134 : memref<1x128xi32, #tpu.memory_space<vmem>> -> memref<128xi32, #tpu.memory_space<vmem>>
      %dma_start3A_136 = arith.constant 0 : i32
      %dma_start3A_137 = arith.constant 0 : i32
      %dma_start3A_138 = tpu.memref_slice %arg11[%dma_start3A_136, %dma_start3A_137] : memref<10240x128xf32, #tpu.memory_space<vmem_shared>> -> memref<10240x128xf32, #tpu.memory_space<vmem_shared>>
      tpu.enqueue_indirect_dma source(%arg9 : memref<128x128xf32, #tpu.memory_space<vmem>>) target(%dma_start3A_138 : memref<10240x128xf32, #tpu.memory_space<vmem_shared>>) offsets(%dma_start3A_135 : memref<128xi32, #tpu.memory_space<vmem>>) semaphore(%run_scoped3A_132 : memref<!tpu.dma_semaphore, #tpu.memory_space<semaphore_mem>>) {add = true}
      %dma_wait3A_139 = arith.constant 0 : i32
      %dma_wait3A_140 = tpu.memref_slice %arg8[%run_scoped3A_82, %dma_wait3A_139] : memref<40x128xi32, #tpu.memory_space<vmem>> -> memref<1x128xi32, #tpu.memory_space<vmem>>
      %dma_wait3A_141 = tpu.memref_squeeze %dma_wait3A_140 : memref<1x128xi32, #tpu.memory_space<vmem>> -> memref<128xi32, #tpu.memory_space<vmem>>
      %dma_wait3A_142 = arith.constant 0 : i32
      %dma_wait3A_143 = arith.constant 0 : i32
      %dma_wait3A_144 = tpu.memref_slice %arg11[%dma_wait3A_142, %dma_wait3A_143] : memref<10240x128xf32, #tpu.memory_space<vmem_shared>> -> memref<10240x128xf32, #tpu.memory_space<vmem_shared>>
      tpu.wait_indirect_dma semaphore(%run_scoped3A_132 : memref<!tpu.dma_semaphore, #tpu.memory_space<semaphore_mem>>) src(%arg9 : memref<128x128xf32, #tpu.memory_space<vmem>>) dst(%dma_wait3A_144 : memref<10240x128xf32, #tpu.memory_space<vmem_shared>>)
      tpu.yield
    }) : () -> ()
    %dma_wait3A_83 = arith.constant 39 : i32
    %dma_wait3A_84 = arith.constant 0 : i32
    %dma_wait3A_85 = tpu.memref_slice %arg7[%dma_wait3A_83, %dma_wait3A_84] : memref<40x128xi32, #tpu.memory_space<vmem>> -> memref<1x128xi32, #tpu.memory_space<vmem>>
    %dma_wait3A_86 = tpu.memref_squeeze %dma_wait3A_85 : memref<1x128xi32, #tpu.memory_space<vmem>> -> memref<128xi32, #tpu.memory_space<vmem>>
    %dma_wait3A_87 = arith.constant 0 : i32
    %dma_wait3A_88 = arith.constant 0 : i32
    %dma_wait3A_89 = tpu.memref_slice %arg2[%dma_wait3A_87, %dma_wait3A_88] : memref<10240x128xf32, #tpu.memory_space<hbm>> -> memref<10240x128xf32, #tpu.memory_space<hbm>>
    tpu.wait_indirect_dma semaphore(%arg13 : memref<!tpu.dma_semaphore, #tpu.memory_space<semaphore_mem>>) src(%dma_wait3A_89 : memref<10240x128xf32, #tpu.memory_space<hbm>>) dst(%arg10 : memref<128x128xf32, #tpu.memory_space<vmem>>)
    %run_scoped3A_90 = arith.constant 39 : i32
    "tpu.region"() ({
      %run_scoped3A_132 = tpu.sem_alloc : memref<!tpu.dma_semaphore, #tpu.memory_space<semaphore_mem>>
      %dma_start3A_133 = arith.constant 0 : i32
      %dma_start3A_134 = tpu.memref_slice %arg8[%run_scoped3A_90, %dma_start3A_133] : memref<40x128xi32, #tpu.memory_space<vmem>> -> memref<1x128xi32, #tpu.memory_space<vmem>>
      %dma_start3A_135 = tpu.memref_squeeze %dma_start3A_134 : memref<1x128xi32, #tpu.memory_space<vmem>> -> memref<128xi32, #tpu.memory_space<vmem>>
      %dma_start3A_136 = arith.constant 0 : i32
      %dma_start3A_137 = arith.constant 0 : i32
      %dma_start3A_138 = tpu.memref_slice %arg11[%dma_start3A_136, %dma_start3A_137] : memref<10240x128xf32, #tpu.memory_space<vmem_shared>> -> memref<10240x128xf32, #tpu.memory_space<vmem_shared>>
      tpu.enqueue_indirect_dma source(%arg10 : memref<128x128xf32, #tpu.memory_space<vmem>>) target(%dma_start3A_138 : memref<10240x128xf32, #tpu.memory_space<vmem_shared>>) offsets(%dma_start3A_135 : memref<128xi32, #tpu.memory_space<vmem>>) semaphore(%run_scoped3A_132 : memref<!tpu.dma_semaphore, #tpu.memory_space<semaphore_mem>>) {add = true}
      %dma_wait3A_139 = arith.constant 0 : i32
      %dma_wait3A_140 = tpu.memref_slice %arg8[%run_scoped3A_90, %dma_wait3A_139] : memref<40x128xi32, #tpu.memory_space<vmem>> -> memref<1x128xi32, #tpu.memory_space<vmem>>
      %dma_wait3A_141 = tpu.memref_squeeze %dma_wait3A_140 : memref<1x128xi32, #tpu.memory_space<vmem>> -> memref<128xi32, #tpu.memory_space<vmem>>
      %dma_wait3A_142 = arith.constant 0 : i32
      %dma_wait3A_143 = arith.constant 0 : i32
      %dma_wait3A_144 = tpu.memref_slice %arg11[%dma_wait3A_142, %dma_wait3A_143] : memref<10240x128xf32, #tpu.memory_space<vmem_shared>> -> memref<10240x128xf32, #tpu.memory_space<vmem_shared>>
      tpu.wait_indirect_dma semaphore(%run_scoped3A_132 : memref<!tpu.dma_semaphore, #tpu.memory_space<semaphore_mem>>) src(%arg10 : memref<128x128xf32, #tpu.memory_space<vmem>>) dst(%dma_wait3A_144 : memref<10240x128xf32, #tpu.memory_space<vmem_shared>>)
      tpu.yield
    }) : () -> ()
    %barrier3A_91 = arith.constant 0 : index
    tpu.barrier barrier_id(%barrier3A_91)
    %mul3A_92 = arith.constant 640 : i32
    %mul3A_93 = arith.muli %arg1, %mul3A_92 : i32
    %add3A_94 = arith.constant 0 : i32
    %add3A_95 = arith.addi %mul3A_93, %add3A_94 : i32
    "tpu.region"() ({
      %run_scoped3A_132 = tpu.sem_alloc : memref<!tpu.dma_semaphore, #tpu.memory_space<semaphore_mem>>
      %dma_start3A_133 = arith.constant 0 : i32
      %dma_start3A_134 = tpu.memref_slice %arg11[%add3A_95, %dma_start3A_133] : memref<10240x128xf32, #tpu.memory_space<vmem_shared>> -> memref<128x128xf32, #tpu.memory_space<vmem_shared>>
      %dma_start3A_135 = arith.constant 0 : i32
      %dma_start3A_136 = tpu.memref_slice %arg11[%add3A_95, %dma_start3A_135] : memref<10240x128xf32, #tpu.memory_space<vmem_shared>> -> memref<128x128xf32, #tpu.memory_space<vmem_shared>>
      tpu.enqueue_dma source(%dma_start3A_136 : memref<128x128xf32, #tpu.memory_space<vmem_shared>>) target(%arg9 : memref<128x128xf32, #tpu.memory_space<vmem>>) target_semaphore(%run_scoped3A_132 : memref<!tpu.dma_semaphore, #tpu.memory_space<semaphore_mem>>)
      %dma_wait3A_137 = arith.constant 0 : i32
      %dma_wait3A_138 = tpu.memref_slice %arg11[%add3A_95, %dma_wait3A_137] : memref<10240x128xf32, #tpu.memory_space<vmem_shared>> -> memref<128x128xf32, #tpu.memory_space<vmem_shared>>
      %dma_wait3A_139 = arith.constant 0 : i32
      %dma_wait3A_140 = tpu.memref_slice %arg11[%add3A_95, %dma_wait3A_139] : memref<10240x128xf32, #tpu.memory_space<vmem_shared>> -> memref<128x128xf32, #tpu.memory_space<vmem_shared>>
      tpu.wait_dma2 semaphore(%run_scoped3A_132 : memref<!tpu.dma_semaphore, #tpu.memory_space<semaphore_mem>>) src(%dma_wait3A_140 : memref<128x128xf32, #tpu.memory_space<vmem_shared>>) dst(%arg9 : memref<128x128xf32, #tpu.memory_space<vmem>>)
      tpu.yield
    }) : () -> ()
    %mul3A_96 = arith.constant 640 : i32
    %mul3A_97 = arith.muli %arg1, %mul3A_96 : i32
    %add3A_98 = arith.constant 0 : i32
    %add3A_99 = arith.addi %mul3A_97, %add3A_98 : i32
    "tpu.region"() ({
      %run_scoped3A_132 = tpu.sem_alloc : memref<!tpu.dma_semaphore, #tpu.memory_space<semaphore_mem>>
      %dma_start3A_133 = arith.constant 0 : i32
      %dma_start3A_134 = tpu.memref_slice %arg6[%arg0, %add3A_99, %dma_start3A_133] : memref<2x10240x128xf32, #tpu.memory_space<hbm>> -> memref<1x128x128xf32, #tpu.memory_space<hbm>>
      %dma_start3A_135 = tpu.memref_squeeze %dma_start3A_134 : memref<1x128x128xf32, #tpu.memory_space<hbm>> -> memref<128x128xf32, #tpu.memory_space<hbm>>
      %dma_start3A_136 = arith.constant 0 : i32
      %dma_start3A_137 = tpu.memref_slice %arg6[%arg0, %add3A_99, %dma_start3A_136] : memref<2x10240x128xf32, #tpu.memory_space<hbm>> -> memref<1x128x128xf32, #tpu.memory_space<hbm>>
      %dma_start3A_138 = tpu.memref_squeeze %dma_start3A_137 : memref<1x128x128xf32, #tpu.memory_space<hbm>> -> memref<128x128xf32, #tpu.memory_space<hbm>>
      tpu.enqueue_dma source(%arg9 : memref<128x128xf32, #tpu.memory_space<vmem>>) target(%dma_start3A_138 : memref<128x128xf32, #tpu.memory_space<hbm>>) target_semaphore(%run_scoped3A_132 : memref<!tpu.dma_semaphore, #tpu.memory_space<semaphore_mem>>)
      %dma_wait3A_139 = arith.constant 0 : i32
      %dma_wait3A_140 = tpu.memref_slice %arg6[%arg0, %add3A_99, %dma_wait3A_139] : memref<2x10240x128xf32, #tpu.memory_space<hbm>> -> memref<1x128x128xf32, #tpu.memory_space<hbm>>
      %dma_wait3A_141 = tpu.memref_squeeze %dma_wait3A_140 : memref<1x128x128xf32, #tpu.memory_space<hbm>> -> memref<128x128xf32, #tpu.memory_space<hbm>>
      %dma_wait3A_142 = arith.constant 0 : i32
      %dma_wait3A_143 = tpu.memref_slice %arg6[%arg0, %add3A_99, %dma_wait3A_142] : memref<2x10240x128xf32, #tpu.memory_space<hbm>> -> memref<1x128x128xf32, #tpu.memory_space<hbm>>
      %dma_wait3A_144 = tpu.memref_squeeze %dma_wait3A_143 : memref<1x128x128xf32, #tpu.memory_space<hbm>> -> memref<128x128xf32, #tpu.memory_space<hbm>>
      tpu.wait_dma2 semaphore(%run_scoped3A_132 : memref<!tpu.dma_semaphore, #tpu.memory_space<semaphore_mem>>) src(%arg9 : memref<128x128xf32, #tpu.memory_space<vmem>>) dst(%dma_wait3A_144 : memref<128x128xf32, #tpu.memory_space<hbm>>)
      tpu.yield
    }) : () -> ()
    %mul3A_100 = arith.constant 640 : i32
    %mul3A_101 = arith.muli %arg1, %mul3A_100 : i32
    %add3A_102 = arith.constant 128 : i32
    %add3A_103 = arith.addi %mul3A_101, %add3A_102 : i32
    "tpu.region"() ({
      %run_scoped3A_132 = tpu.sem_alloc : memref<!tpu.dma_semaphore, #tpu.memory_space<semaphore_mem>>
      %dma_start3A_133 = arith.constant 0 : i32
      %dma_start3A_134 = tpu.memref_slice %arg11[%add3A_103, %dma_start3A_133] : memref<10240x128xf32, #tpu.memory_space<vmem_shared>> -> memref<128x128xf32, #tpu.memory_space<vmem_shared>>
      %dma_start3A_135 = arith.constant 0 : i32
      %dma_start3A_136 = tpu.memref_slice %arg11[%add3A_103, %dma_start3A_135] : memref<10240x128xf32, #tpu.memory_space<vmem_shared>> -> memref<128x128xf32, #tpu.memory_space<vmem_shared>>
      tpu.enqueue_dma source(%dma_start3A_136 : memref<128x128xf32, #tpu.memory_space<vmem_shared>>) target(%arg9 : memref<128x128xf32, #tpu.memory_space<vmem>>) target_semaphore(%run_scoped3A_132 : memref<!tpu.dma_semaphore, #tpu.memory_space<semaphore_mem>>)
      %dma_wait3A_137 = arith.constant 0 : i32
      %dma_wait3A_138 = tpu.memref_slice %arg11[%add3A_103, %dma_wait3A_137] : memref<10240x128xf32, #tpu.memory_space<vmem_shared>> -> memref<128x128xf32, #tpu.memory_space<vmem_shared>>
      %dma_wait3A_139 = arith.constant 0 : i32
      %dma_wait3A_140 = tpu.memref_slice %arg11[%add3A_103, %dma_wait3A_139] : memref<10240x128xf32, #tpu.memory_space<vmem_shared>> -> memref<128x128xf32, #tpu.memory_space<vmem_shared>>
      tpu.wait_dma2 semaphore(%run_scoped3A_132 : memref<!tpu.dma_semaphore, #tpu.memory_space<semaphore_mem>>) src(%dma_wait3A_140 : memref<128x128xf32, #tpu.memory_space<vmem_shared>>) dst(%arg9 : memref<128x128xf32, #tpu.memory_space<vmem>>)
      tpu.yield
    }) : () -> ()
    %mul3A_104 = arith.constant 640 : i32
    %mul3A_105 = arith.muli %arg1, %mul3A_104 : i32
    %add3A_106 = arith.constant 128 : i32
    %add3A_107 = arith.addi %mul3A_105, %add3A_106 : i32
    "tpu.region"() ({
      %run_scoped3A_132 = tpu.sem_alloc : memref<!tpu.dma_semaphore, #tpu.memory_space<semaphore_mem>>
      %dma_start3A_133 = arith.constant 0 : i32
      %dma_start3A_134 = tpu.memref_slice %arg6[%arg0, %add3A_107, %dma_start3A_133] : memref<2x10240x128xf32, #tpu.memory_space<hbm>> -> memref<1x128x128xf32, #tpu.memory_space<hbm>>
      %dma_start3A_135 = tpu.memref_squeeze %dma_start3A_134 : memref<1x128x128xf32, #tpu.memory_space<hbm>> -> memref<128x128xf32, #tpu.memory_space<hbm>>
      %dma_start3A_136 = arith.constant 0 : i32
      %dma_start3A_137 = tpu.memref_slice %arg6[%arg0, %add3A_107, %dma_start3A_136] : memref<2x10240x128xf32, #tpu.memory_space<hbm>> -> memref<1x128x128xf32, #tpu.memory_space<hbm>>
      %dma_start3A_138 = tpu.memref_squeeze %dma_start3A_137 : memref<1x128x128xf32, #tpu.memory_space<hbm>> -> memref<128x128xf32, #tpu.memory_space<hbm>>
      tpu.enqueue_dma source(%arg9 : memref<128x128xf32, #tpu.memory_space<vmem>>) target(%dma_start3A_138 : memref<128x128xf32, #tpu.memory_space<hbm>>) target_semaphore(%run_scoped3A_132 : memref<!tpu.dma_semaphore, #tpu.memory_space<semaphore_mem>>)
      %dma_wait3A_139 = arith.constant 0 : i32
      %dma_wait3A_140 = tpu.memref_slice %arg6[%arg0, %add3A_107, %dma_wait3A_139] : memref<2x10240x128xf32, #tpu.memory_space<hbm>> -> memref<1x128x128xf32, #tpu.memory_space<hbm>>
      %dma_wait3A_141 = tpu.memref_squeeze %dma_wait3A_140 : memref<1x128x128xf32, #tpu.memory_space<hbm>> -> memref<128x128xf32, #tpu.memory_space<hbm>>
      %dma_wait3A_142 = arith.constant 0 : i32
      %dma_wait3A_143 = tpu.memref_slice %arg6[%arg0, %add3A_107, %dma_wait3A_142] : memref<2x10240x128xf32, #tpu.memory_space<hbm>> -> memref<1x128x128xf32, #tpu.memory_space<hbm>>
      %dma_wait3A_144 = tpu.memref_squeeze %dma_wait3A_143 : memref<1x128x128xf32, #tpu.memory_space<hbm>> -> memref<128x128xf32, #tpu.memory_space<hbm>>
      tpu.wait_dma2 semaphore(%run_scoped3A_132 : memref<!tpu.dma_semaphore, #tpu.memory_space<semaphore_mem>>) src(%arg9 : memref<128x128xf32, #tpu.memory_space<vmem>>) dst(%dma_wait3A_144 : memref<128x128xf32, #tpu.memory_space<hbm>>)
      tpu.yield
    }) : () -> ()
    %mul3A_108 = arith.constant 640 : i32
    %mul3A_109 = arith.muli %arg1, %mul3A_108 : i32
    %add3A_110 = arith.constant 256 : i32
    %add3A_111 = arith.addi %mul3A_109, %add3A_110 : i32
    "tpu.region"() ({
      %run_scoped3A_132 = tpu.sem_alloc : memref<!tpu.dma_semaphore, #tpu.memory_space<semaphore_mem>>
      %dma_start3A_133 = arith.constant 0 : i32
      %dma_start3A_134 = tpu.memref_slice %arg11[%add3A_111, %dma_start3A_133] : memref<10240x128xf32, #tpu.memory_space<vmem_shared>> -> memref<128x128xf32, #tpu.memory_space<vmem_shared>>
      %dma_start3A_135 = arith.constant 0 : i32
      %dma_start3A_136 = tpu.memref_slice %arg11[%add3A_111, %dma_start3A_135] : memref<10240x128xf32, #tpu.memory_space<vmem_shared>> -> memref<128x128xf32, #tpu.memory_space<vmem_shared>>
      tpu.enqueue_dma source(%dma_start3A_136 : memref<128x128xf32, #tpu.memory_space<vmem_shared>>) target(%arg9 : memref<128x128xf32, #tpu.memory_space<vmem>>) target_semaphore(%run_scoped3A_132 : memref<!tpu.dma_semaphore, #tpu.memory_space<semaphore_mem>>)
      %dma_wait3A_137 = arith.constant 0 : i32
      %dma_wait3A_138 = tpu.memref_slice %arg11[%add3A_111, %dma_wait3A_137] : memref<10240x128xf32, #tpu.memory_space<vmem_shared>> -> memref<128x128xf32, #tpu.memory_space<vmem_shared>>
      %dma_wait3A_139 = arith.constant 0 : i32
      %dma_wait3A_140 = tpu.memref_slice %arg11[%add3A_111, %dma_wait3A_139] : memref<10240x128xf32, #tpu.memory_space<vmem_shared>> -> memref<128x128xf32, #tpu.memory_space<vmem_shared>>
      tpu.wait_dma2 semaphore(%run_scoped3A_132 : memref<!tpu.dma_semaphore, #tpu.memory_space<semaphore_mem>>) src(%dma_wait3A_140 : memref<128x128xf32, #tpu.memory_space<vmem_shared>>) dst(%arg9 : memref<128x128xf32, #tpu.memory_space<vmem>>)
      tpu.yield
    }) : () -> ()
    %mul3A_112 = arith.constant 640 : i32
    %mul3A_113 = arith.muli %arg1, %mul3A_112 : i32
    %add3A_114 = arith.constant 256 : i32
    %add3A_115 = arith.addi %mul3A_113, %add3A_114 : i32
    "tpu.region"() ({
      %run_scoped3A_132 = tpu.sem_alloc : memref<!tpu.dma_semaphore, #tpu.memory_space<semaphore_mem>>
      %dma_start3A_133 = arith.constant 0 : i32
      %dma_start3A_134 = tpu.memref_slice %arg6[%arg0, %add3A_115, %dma_start3A_133] : memref<2x10240x128xf32, #tpu.memory_space<hbm>> -> memref<1x128x128xf32, #tpu.memory_space<hbm>>
      %dma_start3A_135 = tpu.memref_squeeze %dma_start3A_134 : memref<1x128x128xf32, #tpu.memory_space<hbm>> -> memref<128x128xf32, #tpu.memory_space<hbm>>
      %dma_start3A_136 = arith.constant 0 : i32
      %dma_start3A_137 = tpu.memref_slice %arg6[%arg0, %add3A_115, %dma_start3A_136] : memref<2x10240x128xf32, #tpu.memory_space<hbm>> -> memref<1x128x128xf32, #tpu.memory_space<hbm>>
      %dma_start3A_138 = tpu.memref_squeeze %dma_start3A_137 : memref<1x128x128xf32, #tpu.memory_space<hbm>> -> memref<128x128xf32, #tpu.memory_space<hbm>>
      tpu.enqueue_dma source(%arg9 : memref<128x128xf32, #tpu.memory_space<vmem>>) target(%dma_start3A_138 : memref<128x128xf32, #tpu.memory_space<hbm>>) target_semaphore(%run_scoped3A_132 : memref<!tpu.dma_semaphore, #tpu.memory_space<semaphore_mem>>)
      %dma_wait3A_139 = arith.constant 0 : i32
      %dma_wait3A_140 = tpu.memref_slice %arg6[%arg0, %add3A_115, %dma_wait3A_139] : memref<2x10240x128xf32, #tpu.memory_space<hbm>> -> memref<1x128x128xf32, #tpu.memory_space<hbm>>
      %dma_wait3A_141 = tpu.memref_squeeze %dma_wait3A_140 : memref<1x128x128xf32, #tpu.memory_space<hbm>> -> memref<128x128xf32, #tpu.memory_space<hbm>>
      %dma_wait3A_142 = arith.constant 0 : i32
      %dma_wait3A_143 = tpu.memref_slice %arg6[%arg0, %add3A_115, %dma_wait3A_142] : memref<2x10240x128xf32, #tpu.memory_space<hbm>> -> memref<1x128x128xf32, #tpu.memory_space<hbm>>
      %dma_wait3A_144 = tpu.memref_squeeze %dma_wait3A_143 : memref<1x128x128xf32, #tpu.memory_space<hbm>> -> memref<128x128xf32, #tpu.memory_space<hbm>>
      tpu.wait_dma2 semaphore(%run_scoped3A_132 : memref<!tpu.dma_semaphore, #tpu.memory_space<semaphore_mem>>) src(%arg9 : memref<128x128xf32, #tpu.memory_space<vmem>>) dst(%dma_wait3A_144 : memref<128x128xf32, #tpu.memory_space<hbm>>)
      tpu.yield
    }) : () -> ()
    %mul3A_116 = arith.constant 640 : i32
    %mul3A_117 = arith.muli %arg1, %mul3A_116 : i32
    %add3A_118 = arith.constant 384 : i32
    %add3A_119 = arith.addi %mul3A_117, %add3A_118 : i32
    "tpu.region"() ({
      %run_scoped3A_132 = tpu.sem_alloc : memref<!tpu.dma_semaphore, #tpu.memory_space<semaphore_mem>>
      %dma_start3A_133 = arith.constant 0 : i32
      %dma_start3A_134 = tpu.memref_slice %arg11[%add3A_119, %dma_start3A_133] : memref<10240x128xf32, #tpu.memory_space<vmem_shared>> -> memref<128x128xf32, #tpu.memory_space<vmem_shared>>
      %dma_start3A_135 = arith.constant 0 : i32
      %dma_start3A_136 = tpu.memref_slice %arg11[%add3A_119, %dma_start3A_135] : memref<10240x128xf32, #tpu.memory_space<vmem_shared>> -> memref<128x128xf32, #tpu.memory_space<vmem_shared>>
      tpu.enqueue_dma source(%dma_start3A_136 : memref<128x128xf32, #tpu.memory_space<vmem_shared>>) target(%arg9 : memref<128x128xf32, #tpu.memory_space<vmem>>) target_semaphore(%run_scoped3A_132 : memref<!tpu.dma_semaphore, #tpu.memory_space<semaphore_mem>>)
      %dma_wait3A_137 = arith.constant 0 : i32
      %dma_wait3A_138 = tpu.memref_slice %arg11[%add3A_119, %dma_wait3A_137] : memref<10240x128xf32, #tpu.memory_space<vmem_shared>> -> memref<128x128xf32, #tpu.memory_space<vmem_shared>>
      %dma_wait3A_139 = arith.constant 0 : i32
      %dma_wait3A_140 = tpu.memref_slice %arg11[%add3A_119, %dma_wait3A_139] : memref<10240x128xf32, #tpu.memory_space<vmem_shared>> -> memref<128x128xf32, #tpu.memory_space<vmem_shared>>
      tpu.wait_dma2 semaphore(%run_scoped3A_132 : memref<!tpu.dma_semaphore, #tpu.memory_space<semaphore_mem>>) src(%dma_wait3A_140 : memref<128x128xf32, #tpu.memory_space<vmem_shared>>) dst(%arg9 : memref<128x128xf32, #tpu.memory_space<vmem>>)
      tpu.yield
    }) : () -> ()
    %mul3A_120 = arith.constant 640 : i32
    %mul3A_121 = arith.muli %arg1, %mul3A_120 : i32
    %add3A_122 = arith.constant 384 : i32
    %add3A_123 = arith.addi %mul3A_121, %add3A_122 : i32
    "tpu.region"() ({
      %run_scoped3A_132 = tpu.sem_alloc : memref<!tpu.dma_semaphore, #tpu.memory_space<semaphore_mem>>
      %dma_start3A_133 = arith.constant 0 : i32
      %dma_start3A_134 = tpu.memref_slice %arg6[%arg0, %add3A_123, %dma_start3A_133] : memref<2x10240x128xf32, #tpu.memory_space<hbm>> -> memref<1x128x128xf32, #tpu.memory_space<hbm>>
      %dma_start3A_135 = tpu.memref_squeeze %dma_start3A_134 : memref<1x128x128xf32, #tpu.memory_space<hbm>> -> memref<128x128xf32, #tpu.memory_space<hbm>>
      %dma_start3A_136 = arith.constant 0 : i32
      %dma_start3A_137 = tpu.memref_slice %arg6[%arg0, %add3A_123, %dma_start3A_136] : memref<2x10240x128xf32, #tpu.memory_space<hbm>> -> memref<1x128x128xf32, #tpu.memory_space<hbm>>
      %dma_start3A_138 = tpu.memref_squeeze %dma_start3A_137 : memref<1x128x128xf32, #tpu.memory_space<hbm>> -> memref<128x128xf32, #tpu.memory_space<hbm>>
      tpu.enqueue_dma source(%arg9 : memref<128x128xf32, #tpu.memory_space<vmem>>) target(%dma_start3A_138 : memref<128x128xf32, #tpu.memory_space<hbm>>) target_semaphore(%run_scoped3A_132 : memref<!tpu.dma_semaphore, #tpu.memory_space<semaphore_mem>>)
      %dma_wait3A_139 = arith.constant 0 : i32
      %dma_wait3A_140 = tpu.memref_slice %arg6[%arg0, %add3A_123, %dma_wait3A_139] : memref<2x10240x128xf32, #tpu.memory_space<hbm>> -> memref<1x128x128xf32, #tpu.memory_space<hbm>>
      %dma_wait3A_141 = tpu.memref_squeeze %dma_wait3A_140 : memref<1x128x128xf32, #tpu.memory_space<hbm>> -> memref<128x128xf32, #tpu.memory_space<hbm>>
      %dma_wait3A_142 = arith.constant 0 : i32
      %dma_wait3A_143 = tpu.memref_slice %arg6[%arg0, %add3A_123, %dma_wait3A_142] : memref<2x10240x128xf32, #tpu.memory_space<hbm>> -> memref<1x128x128xf32, #tpu.memory_space<hbm>>
      %dma_wait3A_144 = tpu.memref_squeeze %dma_wait3A_143 : memref<1x128x128xf32, #tpu.memory_space<hbm>> -> memref<128x128xf32, #tpu.memory_space<hbm>>
      tpu.wait_dma2 semaphore(%run_scoped3A_132 : memref<!tpu.dma_semaphore, #tpu.memory_space<semaphore_mem>>) src(%arg9 : memref<128x128xf32, #tpu.memory_space<vmem>>) dst(%dma_wait3A_144 : memref<128x128xf32, #tpu.memory_space<hbm>>)
      tpu.yield
    }) : () -> ()
    %mul3A_124 = arith.constant 640 : i32
    %mul3A_125 = arith.muli %arg1, %mul3A_124 : i32
    %add3A_126 = arith.constant 512 : i32
    %add3A_127 = arith.addi %mul3A_125, %add3A_126 : i32
    "tpu.region"() ({
      %run_scoped3A_132 = tpu.sem_alloc : memref<!tpu.dma_semaphore, #tpu.memory_space<semaphore_mem>>
      %dma_start3A_133 = arith.constant 0 : i32
      %dma_start3A_134 = tpu.memref_slice %arg11[%add3A_127, %dma_start3A_133] : memref<10240x128xf32, #tpu.memory_space<vmem_shared>> -> memref<128x128xf32, #tpu.memory_space<vmem_shared>>
      %dma_start3A_135 = arith.constant 0 : i32
      %dma_start3A_136 = tpu.memref_slice %arg11[%add3A_127, %dma_start3A_135] : memref<10240x128xf32, #tpu.memory_space<vmem_shared>> -> memref<128x128xf32, #tpu.memory_space<vmem_shared>>
      tpu.enqueue_dma source(%dma_start3A_136 : memref<128x128xf32, #tpu.memory_space<vmem_shared>>) target(%arg9 : memref<128x128xf32, #tpu.memory_space<vmem>>) target_semaphore(%run_scoped3A_132 : memref<!tpu.dma_semaphore, #tpu.memory_space<semaphore_mem>>)
      %dma_wait3A_137 = arith.constant 0 : i32
      %dma_wait3A_138 = tpu.memref_slice %arg11[%add3A_127, %dma_wait3A_137] : memref<10240x128xf32, #tpu.memory_space<vmem_shared>> -> memref<128x128xf32, #tpu.memory_space<vmem_shared>>
      %dma_wait3A_139 = arith.constant 0 : i32
      %dma_wait3A_140 = tpu.memref_slice %arg11[%add3A_127, %dma_wait3A_139] : memref<10240x128xf32, #tpu.memory_space<vmem_shared>> -> memref<128x128xf32, #tpu.memory_space<vmem_shared>>
      tpu.wait_dma2 semaphore(%run_scoped3A_132 : memref<!tpu.dma_semaphore, #tpu.memory_space<semaphore_mem>>) src(%dma_wait3A_140 : memref<128x128xf32, #tpu.memory_space<vmem_shared>>) dst(%arg9 : memref<128x128xf32, #tpu.memory_space<vmem>>)
      tpu.yield
    }) : () -> ()
    %mul3A_128 = arith.constant 640 : i32
    %mul3A_129 = arith.muli %arg1, %mul3A_128 : i32
    %add3A_130 = arith.constant 512 : i32
    %add3A_131 = arith.addi %mul3A_129, %add3A_130 : i32
    "tpu.region"() ({
      %run_scoped3A_132 = tpu.sem_alloc : memref<!tpu.dma_semaphore, #tpu.memory_space<semaphore_mem>>
      %dma_start3A_133 = arith.constant 0 : i32
      %dma_start3A_134 = tpu.memref_slice %arg6[%arg0, %add3A_131, %dma_start3A_133] : memref<2x10240x128xf32, #tpu.memory_space<hbm>> -> memref<1x128x128xf32, #tpu.memory_space<hbm>>
      %dma_start3A_135 = tpu.memref_squeeze %dma_start3A_134 : memref<1x128x128xf32, #tpu.memory_space<hbm>> -> memref<128x128xf32, #tpu.memory_space<hbm>>
      %dma_start3A_136 = arith.constant 0 : i32
      %dma_start3A_137 = tpu.memref_slice %arg6[%arg0, %add3A_131, %dma_start3A_136] : memref<2x10240x128xf32, #tpu.memory_space<hbm>> -> memref<1x128x128xf32, #tpu.memory_space<hbm>>
      %dma_start3A_138 = tpu.memref_squeeze %dma_start3A_137 : memref<1x128x128xf32, #tpu.memory_space<hbm>> -> memref<128x128xf32, #tpu.memory_space<hbm>>
      tpu.enqueue_dma source(%arg9 : memref<128x128xf32, #tpu.memory_space<vmem>>) target(%dma_start3A_138 : memref<128x128xf32, #tpu.memory_space<hbm>>) target_semaphore(%run_scoped3A_132 : memref<!tpu.dma_semaphore, #tpu.memory_space<semaphore_mem>>)
      %dma_wait3A_139 = arith.constant 0 : i32
      %dma_wait3A_140 = tpu.memref_slice %arg6[%arg0, %add3A_131, %dma_wait3A_139] : memref<2x10240x128xf32, #tpu.memory_space<hbm>> -> memref<1x128x128xf32, #tpu.memory_space<hbm>>
      %dma_wait3A_141 = tpu.memref_squeeze %dma_wait3A_140 : memref<1x128x128xf32, #tpu.memory_space<hbm>> -> memref<128x128xf32, #tpu.memory_space<hbm>>
      %dma_wait3A_142 = arith.constant 0 : i32
      %dma_wait3A_143 = tpu.memref_slice %arg6[%arg0, %add3A_131, %dma_wait3A_142] : memref<2x10240x128xf32, #tpu.memory_space<hbm>> -> memref<1x128x128xf32, #tpu.memory_space<hbm>>
      %dma_wait3A_144 = tpu.memref_squeeze %dma_wait3A_143 : memref<1x128x128xf32, #tpu.memory_space<hbm>> -> memref<128x128xf32, #tpu.memory_space<hbm>>
      tpu.wait_dma2 semaphore(%run_scoped3A_132 : memref<!tpu.dma_semaphore, #tpu.memory_space<semaphore_mem>>) src(%arg9 : memref<128x128xf32, #tpu.memory_space<vmem>>) dst(%dma_wait3A_144 : memref<128x128xf32, #tpu.memory_space<hbm>>)
      tpu.yield
    }) : () -> ()
    return
  }
}

#map = affine_map<(d0, d1) -> (0, 0)>
#map1 = affine_map<(d0, d1) -> (0)>
module attributes {stable_mosaic.version = 14 : i64} {
  func.func @_sc_gather(%arg0: i32, %arg1: i32, %arg2: memref<10240x128xf32, #tpu.memory_space<hbm>>, %arg3: memref<512xi32, #tpu.memory_space<hbm>>, %arg4: memref<512x128xf32, #tpu.memory_space<hbm>>, %arg5: memref<16xi32, #tpu.memory_space<vmem>>, %arg6: memref<16x128xf32, #tpu.memory_space<vmem>>, %arg7: memref<!tpu.dma_semaphore, #tpu.memory_space<semaphore_mem>>) attributes {dimension_semantics = [#tpu.dimension_semantics<core_parallel>, #tpu.dimension_semantics<subcore_parallel>], iteration_bounds = array<i64: 2, 16>, scalar_prefetch = 0 : i64, scratch_operands = 3 : i64, tpu.core_type = #tpu.core_type<sc_vector_subcore>, window_params = [{transform_indices = #map}, {transform_indices = #map1}, {transform_indices = #map}]} {
    %mul3A = arith.constant 2 : i32
    %mul3A_0 = arith.muli %arg1, %mul3A : i32
    %add3A = arith.addi %mul3A_0, %arg0 : i32
    %mul3A_1 = arith.constant 16 : i32
    %mul3A_2 = arith.muli %add3A, %mul3A_1 : i32
    "tpu.region"() ({
      %run_scoped3A = tpu.sem_alloc : memref<!tpu.dma_semaphore, #tpu.memory_space<semaphore_mem>>
      %dma_start3A_7 = tpu.memref_slice %arg3[%mul3A_2] : memref<512xi32, #tpu.memory_space<hbm>> -> memref<16xi32, #tpu.memory_space<hbm>>
      %dma_start3A_8 = tpu.memref_slice %arg3[%mul3A_2] : memref<512xi32, #tpu.memory_space<hbm>> -> memref<16xi32, #tpu.memory_space<hbm>>
      tpu.enqueue_dma source(%dma_start3A_8 : memref<16xi32, #tpu.memory_space<hbm>>) target(%arg5 : memref<16xi32, #tpu.memory_space<vmem>>) target_semaphore(%run_scoped3A : memref<!tpu.dma_semaphore, #tpu.memory_space<semaphore_mem>>)
      %dma_wait3A_9 = tpu.memref_slice %arg3[%mul3A_2] : memref<512xi32, #tpu.memory_space<hbm>> -> memref<16xi32, #tpu.memory_space<hbm>>
      %dma_wait3A_10 = tpu.memref_slice %arg3[%mul3A_2] : memref<512xi32, #tpu.memory_space<hbm>> -> memref<16xi32, #tpu.memory_space<hbm>>
      tpu.wait_dma2 semaphore(%run_scoped3A : memref<!tpu.dma_semaphore, #tpu.memory_space<semaphore_mem>>) src(%dma_wait3A_10 : memref<16xi32, #tpu.memory_space<hbm>>) dst(%arg5 : memref<16xi32, #tpu.memory_space<vmem>>)
      tpu.yield
    }) : () -> ()
    %dma_start3A = arith.constant 0 : i32
    %dma_start3A_3 = arith.constant 0 : i32
    %dma_start3A_4 = tpu.memref_slice %arg2[%dma_start3A, %dma_start3A_3] : memref<10240x128xf32, #tpu.memory_space<hbm>> -> memref<10240x128xf32, #tpu.memory_space<hbm>>
    tpu.enqueue_indirect_dma source(%dma_start3A_4 : memref<10240x128xf32, #tpu.memory_space<hbm>>) target(%arg6 : memref<16x128xf32, #tpu.memory_space<vmem>>) offsets(%arg5 : memref<16xi32, #tpu.memory_space<vmem>>) semaphore(%arg7 : memref<!tpu.dma_semaphore, #tpu.memory_space<semaphore_mem>>)
    %dma_wait3A = arith.constant 0 : i32
    %dma_wait3A_5 = arith.constant 0 : i32
    %dma_wait3A_6 = tpu.memref_slice %arg2[%dma_wait3A, %dma_wait3A_5] : memref<10240x128xf32, #tpu.memory_space<hbm>> -> memref<10240x128xf32, #tpu.memory_space<hbm>>
    tpu.wait_indirect_dma semaphore(%arg7 : memref<!tpu.dma_semaphore, #tpu.memory_space<semaphore_mem>>) src(%dma_wait3A_6 : memref<10240x128xf32, #tpu.memory_space<hbm>>) dst(%arg6 : memref<16x128xf32, #tpu.memory_space<vmem>>)
    "tpu.region"() ({
      %run_scoped3A = tpu.sem_alloc : memref<!tpu.dma_semaphore, #tpu.memory_space<semaphore_mem>>
      %dma_start3A_7 = arith.constant 0 : i32
      %dma_start3A_8 = tpu.memref_slice %arg4[%mul3A_2, %dma_start3A_7] : memref<512x128xf32, #tpu.memory_space<hbm>> -> memref<16x128xf32, #tpu.memory_space<hbm>>
      %dma_start3A_9 = arith.constant 0 : i32
      %dma_start3A_10 = tpu.memref_slice %arg4[%mul3A_2, %dma_start3A_9] : memref<512x128xf32, #tpu.memory_space<hbm>> -> memref<16x128xf32, #tpu.memory_space<hbm>>
      tpu.enqueue_dma source(%arg6 : memref<16x128xf32, #tpu.memory_space<vmem>>) target(%dma_start3A_10 : memref<16x128xf32, #tpu.memory_space<hbm>>) target_semaphore(%run_scoped3A : memref<!tpu.dma_semaphore, #tpu.memory_space<semaphore_mem>>)
      %dma_wait3A_11 = arith.constant 0 : i32
      %dma_wait3A_12 = tpu.memref_slice %arg4[%mul3A_2, %dma_wait3A_11] : memref<512x128xf32, #tpu.memory_space<hbm>> -> memref<16x128xf32, #tpu.memory_space<hbm>>
      %dma_wait3A_13 = arith.constant 0 : i32
      %dma_wait3A_14 = tpu.memref_slice %arg4[%mul3A_2, %dma_wait3A_13] : memref<512x128xf32, #tpu.memory_space<hbm>> -> memref<16x128xf32, #tpu.memory_space<hbm>>
      tpu.wait_dma2 semaphore(%run_scoped3A : memref<!tpu.dma_semaphore, #tpu.memory_space<semaphore_mem>>) src(%arg6 : memref<16x128xf32, #tpu.memory_space<vmem>>) dst(%dma_wait3A_14 : memref<16x128xf32, #tpu.memory_space<hbm>>)
      tpu.yield
    }) : () -> ()
    return
  }
}

module attributes {stable_mosaic.version = 14 : i64} {
  func.func @_mw0_body(%arg0: memref<10240x128xf32, #tpu.memory_space<vmem>>, %arg1: memref<128x128xbf16, #tpu.memory_space<vmem>>, %arg2: memref<10240x128xf32, #tpu.memory_space<vmem>>) attributes {dimension_semantics = [], scalar_prefetch = 0 : i64, scratch_operands = 0 : i64, tpu.core_type = #tpu.core_type<tc>} {
    %get3A = arith.constant 0 : index
    %get3A_0 = arith.constant 0 : index
    %get3A_1 = vector.load %arg0[%get3A, %get3A_0] : memref<10240x128xf32, #tpu.memory_space<vmem>>, vector<10240x128xf32>
    %convert_element_type3A = arith.truncf %get3A_1 : vector<10240x128xf32> to vector<10240x128xbf16>
    %get3A_2 = arith.constant 0 : index
    %get3A_3 = arith.constant 0 : index
    %get3A_4 = vector.load %arg1[%get3A_2, %get3A_3] : memref<128x128xbf16, #tpu.memory_space<vmem>>, vector<128x128xbf16>
    %dot_general3A = arith.constant dense<0.000000e+00> : vector<10240x128xf32>
    %dot_general3A_5 = tpu.matmul %convert_element_type3A, %get3A_4, %dot_general3A {dimension_numbers = #tpu.dot_dimension_numbers<[1], [0], [0], [1], [0, 0, 1, 1], [], []>, transpose_lhs_hint = false} : vector<10240x128xbf16>, vector<128x128xbf16>, vector<10240x128xf32> -> vector<10240x128xf32>
    %swap3A = arith.constant 0 : index
    %swap3A_6 = arith.constant 0 : index
    %swap3A_7 = vector.load %arg2[%swap3A, %swap3A_6] : memref<10240x128xf32, #tpu.memory_space<vmem>>, vector<10240x128xf32>
    tpu.vector_store %arg2[%swap3A, %swap3A_6], %dot_general3A_5 {strides = array<i32>} : memref<10240x128xf32, #tpu.memory_space<vmem>>, vector<10240x128xf32>,
    return
  }
}

module attributes {stable_mosaic.version = 14 : i64} {
  func.func @_gru_body(%arg0: memref<2x10240x128xf32, #tpu.memory_space<vmem>>, %arg1: memref<10240x128xf32, #tpu.memory_space<vmem>>, %arg2: memref<128x128xbf16, #tpu.memory_space<vmem>>, %arg3: memref<128x384xbf16, #tpu.memory_space<vmem>>, %arg4: memref<128x384xbf16, #tpu.memory_space<vmem>>, %arg5: memref<1x384xf32, #tpu.memory_space<vmem>>, %arg6: memref<1x384xf32, #tpu.memory_space<vmem>>, %arg7: memref<10240x128xf32, #tpu.memory_space<vmem>>, %arg8: memref<10240x128xf32, #tpu.memory_space<vmem>>) attributes {dimension_semantics = [], scalar_prefetch = 0 : i64, scratch_operands = 0 : i64, tpu.core_type = #tpu.core_type<tc>} {
    %get3A = arith.constant 0 : index
    %get3A_0 = arith.constant 0 : index
    %get3A_1 = vector.load %arg1[%get3A, %get3A_0] : memref<10240x128xf32, #tpu.memory_space<vmem>>, vector<10240x128xf32>
    %get3A_2 = arith.constant 0 : index
    %get3A_3 = arith.constant 0 : index
    %get3A_4 = arith.constant 0 : index
    %get3A_5 = vector.load %arg0[%get3A_2, %get3A_3, %get3A_4] : memref<2x10240x128xf32, #tpu.memory_space<vmem>>, vector<1x10240x128xf32>
    %get3A_6 = vector.shape_cast %get3A_5 : vector<1x10240x128xf32> to vector<10240x128xf32>
    %get3A_7 = arith.constant 1 : index
    %get3A_8 = arith.constant 0 : index
    %get3A_9 = arith.constant 0 : index
    %get3A_10 = vector.load %arg0[%get3A_7, %get3A_8, %get3A_9] : memref<2x10240x128xf32, #tpu.memory_space<vmem>>, vector<1x10240x128xf32>
    %get3A_11 = vector.shape_cast %get3A_10 : vector<1x10240x128xf32> to vector<10240x128xf32>
    %add3A = arith.addf %get3A_6, %get3A_11 : vector<10240x128xf32>
    %convert_element_type3A = arith.truncf %add3A : vector<10240x128xf32> to vector<10240x128xbf16>
    %get3A_12 = arith.constant 0 : index
    %get3A_13 = arith.constant 0 : index
    %get3A_14 = vector.load %arg3[%get3A_12, %get3A_13] : memref<128x384xbf16, #tpu.memory_space<vmem>>, vector<128x384xbf16>
    %dot_general3A = arith.constant dense<0.000000e+00> : vector<10240x384xf32>
    %dot_general3A_15 = tpu.matmul %convert_element_type3A, %get3A_14, %dot_general3A {dimension_numbers = #tpu.dot_dimension_numbers<[1], [0], [0], [1], [0, 0, 1, 1], [], []>, transpose_lhs_hint = false} : vector<10240x128xbf16>, vector<128x384xbf16>, vector<10240x384xf32> -> vector<10240x384xf32>
    %get3A_16 = arith.constant 0 : index
    %get3A_17 = arith.constant 0 : index
    %get3A_18 = vector.load %arg5[%get3A_16, %get3A_17] : memref<1x384xf32, #tpu.memory_space<vmem>>, vector<1x384xf32>
    %add3A_19 = vector.broadcast %get3A_18 : vector<1x384xf32> to vector<10240x384xf32>
    %add3A_20 = arith.addf %dot_general3A_15, %add3A_19 : vector<10240x384xf32>
    %convert_element_type3A_21 = arith.truncf %get3A_1 : vector<10240x128xf32> to vector<10240x128xbf16>
    %get3A_22 = arith.constant 0 : index
    %get3A_23 = arith.constant 0 : index
    %get3A_24 = vector.load %arg4[%get3A_22, %get3A_23] : memref<128x384xbf16, #tpu.memory_space<vmem>>, vector<128x384xbf16>
    %dot_general3A_25 = arith.constant dense<0.000000e+00> : vector<10240x384xf32>
    %dot_general3A_26 = tpu.matmul %convert_element_type3A_21, %get3A_24, %dot_general3A_25 {dimension_numbers = #tpu.dot_dimension_numbers<[1], [0], [0], [1], [0, 0, 1, 1], [], []>, transpose_lhs_hint = false} : vector<10240x128xbf16>, vector<128x384xbf16>, vector<10240x384xf32> -> vector<10240x384xf32>
    %get3A_27 = arith.constant 0 : index
    %get3A_28 = arith.constant 0 : index
    %get3A_29 = vector.load %arg6[%get3A_27, %get3A_28] : memref<1x384xf32, #tpu.memory_space<vmem>>, vector<1x384xf32>
    %add3A_30 = vector.broadcast %get3A_29 : vector<1x384xf32> to vector<10240x384xf32>
    %add3A_31 = arith.addf %dot_general3A_26, %add3A_30 : vector<10240x384xf32>
    %slice3A = vector.extract_strided_slice %add3A_20 {offsets = [0, 0], sizes = [10240, 128], strides = [1, 1]} : vector<10240x384xf32> to vector<10240x128xf32>
    %slice3A_32 = vector.extract_strided_slice %add3A_31 {offsets = [0, 0], sizes = [10240, 128], strides = [1, 1]} : vector<10240x384xf32> to vector<10240x128xf32>
    %add3A_33 = arith.addf %slice3A, %slice3A_32 : vector<10240x128xf32>
    %logistic3A = arith.negf %add3A_33 : vector<10240x128xf32>
    %logistic3A_34 = math.exp %logistic3A : vector<10240x128xf32>
    %logistic3A_35 = arith.constant 1.000000e+00 : f32
    %logistic3A_36 = vector.broadcast %logistic3A_35 : f32 to vector<10240x128xf32>
    %logistic3A_37 = arith.addf %logistic3A_36, %logistic3A_34 : vector<10240x128xf32>
    %logistic3A_38 = arith.divf %logistic3A_36, %logistic3A_37 : vector<10240x128xf32>
    %slice3A_39 = vector.extract_strided_slice %add3A_20 {offsets = [0, 128], sizes = [10240, 128], strides = [1, 1]} : vector<10240x384xf32> to vector<10240x128xf32>
    %slice3A_40 = vector.extract_strided_slice %add3A_31 {offsets = [0, 128], sizes = [10240, 128], strides = [1, 1]} : vector<10240x384xf32> to vector<10240x128xf32>
    %add3A_41 = arith.addf %slice3A_39, %slice3A_40 : vector<10240x128xf32>
    %logistic3A_42 = arith.negf %add3A_41 : vector<10240x128xf32>
    %logistic3A_43 = math.exp %logistic3A_42 : vector<10240x128xf32>
    %logistic3A_44 = arith.constant 1.000000e+00 : f32
    %logistic3A_45 = vector.broadcast %logistic3A_44 : f32 to vector<10240x128xf32>
    %logistic3A_46 = arith.addf %logistic3A_45, %logistic3A_43 : vector<10240x128xf32>
    %logistic3A_47 = arith.divf %logistic3A_45, %logistic3A_46 : vector<10240x128xf32>
    %slice3A_48 = vector.extract_strided_slice %add3A_20 {offsets = [0, 256], sizes = [10240, 128], strides = [1, 1]} : vector<10240x384xf32> to vector<10240x128xf32>
    %slice3A_49 = vector.extract_strided_slice %add3A_31 {offsets = [0, 256], sizes = [10240, 128], strides = [1, 1]} : vector<10240x384xf32> to vector<10240x128xf32>
    %mul3A = arith.mulf %logistic3A_38, %slice3A_49 : vector<10240x128xf32>
    %add3A_50 = arith.addf %slice3A_48, %mul3A : vector<10240x128xf32>
    %tanh3A = math.tanh %add3A_50 : vector<10240x128xf32>
    %sub3A = arith.constant 1.000000e+00 : f32
    %sub3A_51 = vector.broadcast %sub3A : f32 to vector<10240x128xf32>
    %sub3A_52 = arith.subf %sub3A_51, %logistic3A_47 : vector<10240x128xf32>
    %mul3A_53 = arith.mulf %sub3A_52, %tanh3A : vector<10240x128xf32>
    %mul3A_54 = arith.mulf %logistic3A_47, %get3A_1 : vector<10240x128xf32>
    %add3A_55 = arith.addf %mul3A_53, %mul3A_54 : vector<10240x128xf32>
    %swap3A = arith.constant 0 : index
    %swap3A_56 = arith.constant 0 : index
    %swap3A_57 = vector.load %arg7[%swap3A, %swap3A_56] : memref<10240x128xf32, #tpu.memory_space<vmem>>, vector<10240x128xf32>
    tpu.vector_store %arg7[%swap3A, %swap3A_56], %add3A_55 {strides = array<i32>} : memref<10240x128xf32, #tpu.memory_space<vmem>>, vector<10240x128xf32>,
    %convert_element_type3A_58 = arith.truncf %add3A_55 : vector<10240x128xf32> to vector<10240x128xbf16>
    %get3A_59 = arith.constant 0 : index
    %get3A_60 = arith.constant 0 : index
    %get3A_61 = vector.load %arg2[%get3A_59, %get3A_60] : memref<128x128xbf16, #tpu.memory_space<vmem>>, vector<128x128xbf16>
    %dot_general3A_62 = arith.constant dense<0.000000e+00> : vector<10240x128xf32>
    %dot_general3A_63 = tpu.matmul %convert_element_type3A_58, %get3A_61, %dot_general3A_62 {dimension_numbers = #tpu.dot_dimension_numbers<[1], [0], [0], [1], [0, 0, 1, 1], [], []>, transpose_lhs_hint = false} : vector<10240x128xbf16>, vector<128x128xbf16>, vector<10240x128xf32> -> vector<10240x128xf32>
    %swap3A_64 = arith.constant 0 : index
    %swap3A_65 = arith.constant 0 : index
    %swap3A_66 = vector.load %arg8[%swap3A_64, %swap3A_65] : memref<10240x128xf32, #tpu.memory_space<vmem>>, vector<10240x128xf32>
    tpu.vector_store %arg8[%swap3A_64, %swap3A_65], %dot_general3A_63 {strides = array<i32>} : memref<10240x128xf32, #tpu.memory_space<vmem>>, vector<10240x128xf32>,
    return
  }
}

module attributes {stable_mosaic.version = 14 : i64} {
  func.func @_gru_final_body(%arg0: memref<2x10240x128xf32, #tpu.memory_space<vmem>>, %arg1: memref<10240x128xf32, #tpu.memory_space<vmem>>, %arg2: memref<128x384xbf16, #tpu.memory_space<vmem>>, %arg3: memref<128x384xbf16, #tpu.memory_space<vmem>>, %arg4: memref<1x384xf32, #tpu.memory_space<vmem>>, %arg5: memref<1x384xf32, #tpu.memory_space<vmem>>, %arg6: memref<128x128xbf16, #tpu.memory_space<vmem>>, %arg7: memref<1x128xf32, #tpu.memory_space<vmem>>, %arg8: memref<10240x128xf32, #tpu.memory_space<vmem>>) attributes {dimension_semantics = [], scalar_prefetch = 0 : i64, scratch_operands = 0 : i64, tpu.core_type = #tpu.core_type<tc>} {
    %get3A = arith.constant 0 : index
    %get3A_0 = arith.constant 0 : index
    %get3A_1 = vector.load %arg1[%get3A, %get3A_0] : memref<10240x128xf32, #tpu.memory_space<vmem>>, vector<10240x128xf32>
    %get3A_2 = arith.constant 0 : index
    %get3A_3 = arith.constant 0 : index
    %get3A_4 = arith.constant 0 : index
    %get3A_5 = vector.load %arg0[%get3A_2, %get3A_3, %get3A_4] : memref<2x10240x128xf32, #tpu.memory_space<vmem>>, vector<1x10240x128xf32>
    %get3A_6 = vector.shape_cast %get3A_5 : vector<1x10240x128xf32> to vector<10240x128xf32>
    %get3A_7 = arith.constant 1 : index
    %get3A_8 = arith.constant 0 : index
    %get3A_9 = arith.constant 0 : index
    %get3A_10 = vector.load %arg0[%get3A_7, %get3A_8, %get3A_9] : memref<2x10240x128xf32, #tpu.memory_space<vmem>>, vector<1x10240x128xf32>
    %get3A_11 = vector.shape_cast %get3A_10 : vector<1x10240x128xf32> to vector<10240x128xf32>
    %add3A = arith.addf %get3A_6, %get3A_11 : vector<10240x128xf32>
    %convert_element_type3A = arith.truncf %add3A : vector<10240x128xf32> to vector<10240x128xbf16>
    %get3A_12 = arith.constant 0 : index
    %get3A_13 = arith.constant 0 : index
    %get3A_14 = vector.load %arg2[%get3A_12, %get3A_13] : memref<128x384xbf16, #tpu.memory_space<vmem>>, vector<128x384xbf16>
    %dot_general3A = arith.constant dense<0.000000e+00> : vector<10240x384xf32>
    %dot_general3A_15 = tpu.matmul %convert_element_type3A, %get3A_14, %dot_general3A {dimension_numbers = #tpu.dot_dimension_numbers<[1], [0], [0], [1], [0, 0, 1, 1], [], []>, transpose_lhs_hint = false} : vector<10240x128xbf16>, vector<128x384xbf16>, vector<10240x384xf32> -> vector<10240x384xf32>
    %get3A_16 = arith.constant 0 : index
    %get3A_17 = arith.constant 0 : index
    %get3A_18 = vector.load %arg4[%get3A_16, %get3A_17] : memref<1x384xf32, #tpu.memory_space<vmem>>, vector<1x384xf32>
    %add3A_19 = vector.broadcast %get3A_18 : vector<1x384xf32> to vector<10240x384xf32>
    %add3A_20 = arith.addf %dot_general3A_15, %add3A_19 : vector<10240x384xf32>
    %convert_element_type3A_21 = arith.truncf %get3A_1 : vector<10240x128xf32> to vector<10240x128xbf16>
    %get3A_22 = arith.constant 0 : index
    %get3A_23 = arith.constant 0 : index
    %get3A_24 = vector.load %arg3[%get3A_22, %get3A_23] : memref<128x384xbf16, #tpu.memory_space<vmem>>, vector<128x384xbf16>
    %dot_general3A_25 = arith.constant dense<0.000000e+00> : vector<10240x384xf32>
    %dot_general3A_26 = tpu.matmul %convert_element_type3A_21, %get3A_24, %dot_general3A_25 {dimension_numbers = #tpu.dot_dimension_numbers<[1], [0], [0], [1], [0, 0, 1, 1], [], []>, transpose_lhs_hint = false} : vector<10240x128xbf16>, vector<128x384xbf16>, vector<10240x384xf32> -> vector<10240x384xf32>
    %get3A_27 = arith.constant 0 : index
    %get3A_28 = arith.constant 0 : index
    %get3A_29 = vector.load %arg5[%get3A_27, %get3A_28] : memref<1x384xf32, #tpu.memory_space<vmem>>, vector<1x384xf32>
    %add3A_30 = vector.broadcast %get3A_29 : vector<1x384xf32> to vector<10240x384xf32>
    %add3A_31 = arith.addf %dot_general3A_26, %add3A_30 : vector<10240x384xf32>
    %slice3A = vector.extract_strided_slice %add3A_20 {offsets = [0, 0], sizes = [10240, 128], strides = [1, 1]} : vector<10240x384xf32> to vector<10240x128xf32>
    %slice3A_32 = vector.extract_strided_slice %add3A_31 {offsets = [0, 0], sizes = [10240, 128], strides = [1, 1]} : vector<10240x384xf32> to vector<10240x128xf32>
    %add3A_33 = arith.addf %slice3A, %slice3A_32 : vector<10240x128xf32>
    %logistic3A = arith.negf %add3A_33 : vector<10240x128xf32>
    %logistic3A_34 = math.exp %logistic3A : vector<10240x128xf32>
    %logistic3A_35 = arith.constant 1.000000e+00 : f32
    %logistic3A_36 = vector.broadcast %logistic3A_35 : f32 to vector<10240x128xf32>
    %logistic3A_37 = arith.addf %logistic3A_36, %logistic3A_34 : vector<10240x128xf32>
    %logistic3A_38 = arith.divf %logistic3A_36, %logistic3A_37 : vector<10240x128xf32>
    %slice3A_39 = vector.extract_strided_slice %add3A_20 {offsets = [0, 128], sizes = [10240, 128], strides = [1, 1]} : vector<10240x384xf32> to vector<10240x128xf32>
    %slice3A_40 = vector.extract_strided_slice %add3A_31 {offsets = [0, 128], sizes = [10240, 128], strides = [1, 1]} : vector<10240x384xf32> to vector<10240x128xf32>
    %add3A_41 = arith.addf %slice3A_39, %slice3A_40 : vector<10240x128xf32>
    %logistic3A_42 = arith.negf %add3A_41 : vector<10240x128xf32>
    %logistic3A_43 = math.exp %logistic3A_42 : vector<10240x128xf32>
    %logistic3A_44 = arith.constant 1.000000e+00 : f32
    %logistic3A_45 = vector.broadcast %logistic3A_44 : f32 to vector<10240x128xf32>
    %logistic3A_46 = arith.addf %logistic3A_45, %logistic3A_43 : vector<10240x128xf32>
    %logistic3A_47 = arith.divf %logistic3A_45, %logistic3A_46 : vector<10240x128xf32>
    %slice3A_48 = vector.extract_strided_slice %add3A_20 {offsets = [0, 256], sizes = [10240, 128], strides = [1, 1]} : vector<10240x384xf32> to vector<10240x128xf32>
    %slice3A_49 = vector.extract_strided_slice %add3A_31 {offsets = [0, 256], sizes = [10240, 128], strides = [1, 1]} : vector<10240x384xf32> to vector<10240x128xf32>
    %mul3A = arith.mulf %logistic3A_38, %slice3A_49 : vector<10240x128xf32>
    %add3A_50 = arith.addf %slice3A_48, %mul3A : vector<10240x128xf32>
    %tanh3A = math.tanh %add3A_50 : vector<10240x128xf32>
    %sub3A = arith.constant 1.000000e+00 : f32
    %sub3A_51 = vector.broadcast %sub3A : f32 to vector<10240x128xf32>
    %sub3A_52 = arith.subf %sub3A_51, %logistic3A_47 : vector<10240x128xf32>
    %mul3A_53 = arith.mulf %sub3A_52, %tanh3A : vector<10240x128xf32>
    %mul3A_54 = arith.mulf %logistic3A_47, %get3A_1 : vector<10240x128xf32>
    %add3A_55 = arith.addf %mul3A_53, %mul3A_54 : vector<10240x128xf32>
    %convert_element_type3A_56 = arith.truncf %add3A_55 : vector<10240x128xf32> to vector<10240x128xbf16>
    %get3A_57 = arith.constant 0 : index
    %get3A_58 = arith.constant 0 : index
    %get3A_59 = vector.load %arg6[%get3A_57, %get3A_58] : memref<128x128xbf16, #tpu.memory_space<vmem>>, vector<128x128xbf16>
    %dot_general3A_60 = arith.constant dense<0.000000e+00> : vector<10240x128xf32>
    %dot_general3A_61 = tpu.matmul %convert_element_type3A_56, %get3A_59, %dot_general3A_60 {dimension_numbers = #tpu.dot_dimension_numbers<[1], [0], [0], [1], [0, 0, 1, 1], [], []>, transpose_lhs_hint = false} : vector<10240x128xbf16>, vector<128x128xbf16>, vector<10240x128xf32> -> vector<10240x128xf32>
    %get3A_62 = arith.constant 0 : index
    %get3A_63 = arith.constant 0 : index
    %get3A_64 = vector.load %arg7[%get3A_62, %get3A_63] : memref<1x128xf32, #tpu.memory_space<vmem>>, vector<1x128xf32>
    %add3A_65 = vector.broadcast %get3A_64 : vector<1x128xf32> to vector<10240x128xf32>
    %add3A_66 = arith.addf %dot_general3A_61, %add3A_65 : vector<10240x128xf32>
    %swap3A = arith.constant 0 : index
    %swap3A_67 = arith.constant 0 : index
    %swap3A_68 = vector.load %arg8[%swap3A, %swap3A_67] : memref<10240x128xf32, #tpu.memory_space<vmem>>, vector<10240x128xf32>
    tpu.vector_store %arg8[%swap3A, %swap3A_67], %add3A_66 {strides = array<i32>} : memref<10240x128xf32, #tpu.memory_space<vmem>>, vector<10240x128xf32>,
    return
  }
}

</mosaic_0001>

<sc_bundles>
// kernel: kernel.12.cloned.1.call-start
scs
__scs_entry_jumppad:
0x0: {  	(pc) =	sbr.rel $0x88, $3  }
0x1: {  	(tag) =	ssettag $0x0;
	lr =	simm.s32 $0x1  }
0x2: {  	[smem:$0x3F97] =	sst lr;
	_ =	strace $0xD0000000  }
0x3: {  	_ = 	snop  }
0x4: {  	_ = 	snop  }
0x5: {  	_ = 	snop  }
0x6: {  	_ = 	snop  }
0x7: {  	_ = 	snop  }
__scs_overlays_trampoline_lowered:
0x8: {  	[smem:$0x3FA6] =	sst s0  }
0x9: {  	[smem:$0x3FA7] =	sst s1  }
0xa: {  	[smem:$0x3FA8] =	sst s2  }
0xb: {  	[smem:$0x3FA9] =	sst s3  }
0xc: {  	[smem:$0x3FAA] =	sst s4  }
0xd: {  	[smem:$0x3FAB] =	sst s5  }
0xe: {  	[smem:$0x3FAC] =	sst s6  }
0xf: {  	[smem:$0x3FAD] =	sst s7  }
0x10: {  	[smem:$0x3FAE] =	sst s8  }
0x11: {  	[smem:$0x3FAF] =	sst s9;
	s0 =	simm.s32 @!p0 $0x0  }
0x12: {  	s1 =	sld [smem:$0x3F95];
	s0 =	simm.s32 @p0 $0x1  }
0x13: {  	[smem:$0x3FB0] =	sst s0;
	s0 =	simm.s32 @!p1 $0x0  }
0x14: {  	s2 =	sld [smem:$0x3F94];
	s0 =	simm.s32 @p1 $0x1  }
0x15: {  	[smem:$0x3FB1] =	sst s0;
	s0 =	simm.s32 @!p2 $0x0  }
0x16: {  	s3 =	sld [smem:$0x3FDB];
	s0 =	simm.s32 @p2 $0x1  }
0x17: {  	s4 =	simm.s32 $0x1BF5;
	[smem:$0x3FB3] =	sst s0  }
0x18: {  	s0 =	sld [smem:$0x3F96];
	_ =	swait.ge [sflag:s4], $0x0  }
0x19: {  	s7 =	sld [smem:$0x3F97]  }
0x1a: {  	s8 =	sadd.s32 $0xFFFFE003, lr  }
0x1b: {  	s9 =	sadd.s32 $0xFFFFFEF7, lr;
	s5 =	simm.s32 $0xFFFFFFFF;
	p2 =	slt.u32 s8, $0xFFFFF086  }
0x1c: {  	p1 =	slt.u32 s9, $0xF7A;
	s5 =	simm.s32 @!p2 $0x0  }
0x1d: {  	s5 =	simm.s32 @p1 $0x1;
	p0 =	seq.s32 s7, s2  }
0x1e: {  	s7 =	smul.u32 @!p0 $0xF7A, s2;
	p2 =	seq.s32 @!p0 s5, $0x0  }
0x1f: {  	s9 =	smul.u32 $0xF7A, s1;
	s8 =	simm.s32 @!p0 $0x1BF5;
	p2 =	por !p2, p0  }
0x20: {  	[sflag:s8] =	ssyncset.s32 @!p0 $0xFFFFF086;
	s6 =	sadd.s32 @!p0 s3, s7;
	s7 =	simm.s32 @!p0 $0x108  }
0x21: {  	s3 =	sadd.s32 s3, s9;
	s6 =	sadd.s32 @!p0 $0x88, s6;
	s7 =	simm.s32 @p2 $0x1082  }
0x22: {  	[simem:s7], [sflag:s8] =	dma.local @!p0 [hbm:s6], $0xF7A  }
0x23: {  	s9 =	sor.u32 $0xD0000000, s2;
	s6 =	simm.s32 $0x108;
	_ =	swait.ge @!p0 [sflag:s8], $0x0  }
0x24: {  	s3 =	sadd.s32 $0x88, s3;
	s6 =	simm.s32 @!p1 $0x1082;
	[sflag:s4] =	ssyncset.s32 $0xFFFFF086  }
0x25: {  	[simem:s6], [sflag:s4] =	dma.local [hbm:s3], $0xF7A  }
0x26: {  	[smem:$0x3F97] =	sst s1;
	(tag) =	ssettag s2;
	_ =	strace s9  }
0x27: {  	s1 =	sld [smem:$0x3FA7]  }
0x28: {  	s2 =	sld [smem:$0x3FA8]  }
0x29: {  	s4 =	sld [smem:$0x3FAA]  }
0x2a: {  	p0 =	seq.s32 s5, $0x0;
	s5 =	sld [smem:$0x3FAB]  }
0x2b: {  	s6 =	sld [smem:$0x3FAC]  }
0x2c: {  	s7 =	sld [smem:$0x3FAD]  }
0x2d: {  	s3 =	simm.s32 $0x108;
	s8 =	sld [smem:$0x3FAE]  }
0x2e: {  	s3 =	simm.s32 @!p0 $0x1082;
	s9 =	sld [smem:$0x3FAF]  }
0x2f: {  	lr =	sadd.s32 s0, s3;
	s0 =	sld [smem:$0x3FA6]  }
0x30: {  	s3 =	sld [smem:$0x3FA9]  }
0x31: {  	[smem:$0x3FB2] =	sst s10  }
0x32: {  	s10 =	sld [smem:$0x3FB0];
	_ =	sdelay $0x3  }
0x33: {  	p0 =	seq.s32 s10, $0x1;
	s10 =	sld [smem:$0x3FB2];
	_ =	sdelay $0x3  }
0x34: {  	[smem:$0x3FB2] =	sst s10  }
0x35: {  	s10 =	sld [smem:$0x3FB1];
	_ =	sdelay $0x3  }
0x36: {  	p1 =	seq.s32 s10, $0x1;
	s10 =	sld [smem:$0x3FB2];
	_ =	sdelay $0x3  }
0x37: {  	[smem:$0x3FB2] =	sst s10  }
0x38: {  	s10 =	sld [smem:$0x3FB3]  }
0x39: {  	_ = 	snop;
	(pc) =	sbr.ind lr, $3  }
0x3a: {  	_ = 	snop  }
0x3b: {  	_ = 	snop  }
0x3c: {  	p2 =	seq.s32 s10, $0x1;
	s10 =	sld [smem:$0x3FB2]  }
0x3d: {  	_ =	shalt  }
0x3e: {  	_ =	shalt  }
0x3f: {  	_ =	shalt  }
0x40: {  	_ =	shalt  }
0x41: {  	_ =	shalt  }
0x42: {  	_ =	shalt  }
0x43: {  	_ =	shalt  }
0x44: {  	_ =	shalt  }
0x45: {  	_ =	shalt  }
0x46: {  	_ =	shalt  }
0x47: {  	_ =	shalt  }
0x48: {  	_ =	shalt  }
0x49: {  	_ =	shalt  }
0x4a: {  	_ =	shalt  }
0x4b: {  	_ =	shalt  }
0x4c: {  	_ =	shalt  }
0x4d: {  	_ =	shalt  }
0x4e: {  	_ =	shalt  }
0x4f: {  	_ =	shalt  }
0x50: {  	_ =	shalt  }
0x51: {  	_ =	shalt  }
0x52: {  	_ =	shalt  }
0x53: {  	_ =	shalt  }
0x54: {  	_ =	shalt  }
0x55: {  	_ =	shalt  }
0x56: {  	_ =	shalt  }
0x57: {  	_ =	shalt  }
0x58: {  	_ =	shalt  }
0x59: {  	_ =	shalt  }
0x5a: {  	_ =	shalt  }
0x5b: {  	_ =	shalt  }
0x5c: {  	_ =	shalt  }
0x5d: {  	_ =	shalt  }
0x5e: {  	_ =	shalt  }
0x5f: {  	_ =	shalt  }
0x60: {  	_ =	shalt  }
0x61: {  	_ =	shalt  }
0x62: {  	_ =	shalt  }
0x63: {  	_ =	shalt  }
0x64: {  	_ =	shalt  }
0x65: {  	_ =	shalt  }
0x66: {  	_ =	shalt  }
0x67: {  	_ =	shalt  }
0x68: {  	_ =	shalt  }
0x69: {  	_ =	shalt  }
0x6a: {  	_ =	shalt  }
0x6b: {  	_ =	shalt  }
0x6c: {  	_ =	shalt  }
0x6d: {  	_ =	shalt  }
0x6e: {  	_ =	shalt  }
0x6f: {  	_ =	shalt  }
0x70: {  	_ =	shalt  }
0x71: {  	_ =	shalt  }
0x72: {  	_ =	shalt  }
0x73: {  	_ =	shalt  }
0x74: {  	_ =	shalt  }
0x75: {  	_ =	shalt  }
0x76: {  	_ =	shalt  }
0x77: {  	_ =	shalt  }
0x78: {  	_ =	shalt  }
0x79: {  	_ =	shalt  }
0x7a: {  	_ =	shalt  }
0x7b: {  	_ =	shalt  }
0x7c: {  	_ =	shalt  }
0x7d: {  	_ =	shalt  }
0x7e: {  	_ =	shalt  }
0x7f: {  	_ =	shalt  }
0x80: {  	_ =	shalt  }
0x81: {  	_ =	shalt  }
0x82: {  	_ =	shalt  }
0x83: {  	_ =	shalt  }
0x84: {  	_ =	shalt  }
0x85: {  	_ =	shalt  }
0x86: {  	_ =	shalt  }
0x87: {  	_ =	shalt  }
.Lfunc_end0:
.L_simem_size_0:
called_computation_lowered:
.L_overlay_start_0:
0x88: {  	s2 =	sld [smem:$0x3FD9]  }
0x89: {  	s3 =	sld [smem:$0x3FFE];
	_ =	sdelay $0x1  }
0x8a: {  	s1 =	srdreg.scid  }
0x8b: {  	s0 =	sand.u32 $0x1, s1  }
0x8c: {  	s17 =	sshll.u32 s0, $0xA;
	s2 =	sadd.s32 s3, s2  }
0x8d: {  	s2 =	sadd.s32 s2, s17  }
0x8e: {  	[smem:$0x3FBE] =	sst s2  }
0x8f: {  	_ = 	snop  }
0x90: {  	s2 =	sld [smem:$0x3FD0];
	(tm) =	ssettm $0x1  }
0x91: {  	s18 =	sld [smem:$0x3FFB];
	_ =	sdelay $0x3  }
0x92: {  	_ =	strace s18  }
0x93: {  	s3 =	sld [smem:$0x3FFC];
	_ =	sdelay $0x3  }
0x94: {  	_ =	strace s3  }
0x95: {  	s3 =	sld [smem:$0x3FFD];
	_ =	sdelay $0x3  }
0x96: {  	_ =	strace s3  }
0x97: {  	_ =	strace $0x8FFFFFFF  }
0x98: {  	s19 =	sld [smem:$0x3FDB];
	_ =	sdelay $0x1  }
0x99: {  	s4 =	simm.s32 $_scs_section_size  }
0x9a: {  	s5 =	simm.s32 $_size__tile_overlayer_lowered;
	s6 =	simm.s32 $_tile_overlayer_lowered  }
0x9b: {  	s22 =	simm.s32 $0x1BFF;
	s21 =	sshll.u32 s6, $0x1;
	s3 =	sadd.s32 s4, s19  }
0x9c: {  	s7 =	simm.s32 $0x0;
	s20 =	sshll.u32 s5, $0x1;
	s5 =	sadd.s32 s21, s3  }
0x9d: {  	[timem:s7], [sflag:s22] =	dma.local [hbm:s5], s20  }
0x9e: {  	_ =	swait.ge [sflag:s22], s20  }
0x9f: {  	s4 =	ssub.s32 $0x0, s20;
	[sflag:s22] =	ssyncset.done $0x0  }
0xa0: {  	[sflag:s22] =	ssyncadd.s32 s4;
	_ =	sdelay $0x1  }
0xa1: {  	s23 =	simm.s32 $0x1B8B  }
0xa2: {  	_ =	swait.ge [sflag:s23], $0x1  }
0xa3: {  	[sflag:s23] =	ssyncset.done $0x0  }
0xa4: {  	s25 =	simm.s32 $0x1B8E;
	s24 =	sld [smem:$0x3FFE];
	[sflag:s23] =	ssyncadd.s32 $0xFFFFFFFF  }
0xa5: {  	s26 =	simm.s32 $execute0_lowered;
	[smem:$0x3FD2] =	sst s25  }
0xa6: {  	s5 =	sshll.u32 s26, $0x1;
	_ =	strace $0x80000046;
	[dreg:$0x1] =	wrdreg $0xFFFFFFFF  }
0xa7: {  	s28 =	simm.s32 $_size_execute0_lowered;
	s3 =	sadd.s32 s3, s5;
	[dreg:$0x0] =	wrdreg $0x0  }
0xa8: {  	s5 =	sshll.u32 s28, $0x1;
	[dreg:$0x2] =	wrdreg s3  }
0xa9: {  	[dreg:$0x3] =	wrdreg s5  }
0xaa: {  	[dreg:$0x4] =	wrdreg $0xC0  }
0xab: {  	_ =	task [dreg:s7], $0x5FFFF  }
0xac: {  	[dreg:$0x1] =	wrdreg $0xFFFFFFFF  }
0xad: {  	[dreg:$0x0] =	wrdreg $0x60  }
0xae: {  	[dreg:$0x2] =	wrdreg s24  }
0xaf: {  	[dreg:$0x3] =	wrdreg s2  }
0xb0: {  	[dreg:$0x4] =	wrdreg $0xA8000  }
0xb1: {  	[dreg:$0x5] =	wrdreg $0x9  }
0xb2: {  	_ =	task.clear_ibuf [dreg:s7], $0x6FFFF;
	_ =	strace $0x90000046  }
0xb3: {  	s29 =	simm.s32 $0x9;
	_ =	strace $0x80000048  }
0xb4: {  	_ =	swait.ge [sflag:s29], $0x1  }
0xb5: {  	[sflag:s29] =	ssyncadd.s32 $0xFFFFFFFF  }
0xb6: {  	_ =	strace $0x90000048  }
0xb7: {  	_ =	sfence  }
0xb8: {  	s30 =	sld [smem:$0x0];
	_ =	sdelay $0x2  }
0xb9: {  	s31 =	sshll.u32 s1, $0xD;
	s1 =	sshrl.u32 s1, $0x2  }
0xba: {  	s3 =	sand.u32 $0x4000, s31;
	s1 =	sadd.s32 s1, s30  }
0xbb: {  	s0 =	sor.u32 s3, s0;
	s1 =	sshll.u32 s1, $0x11  }
0xbc: {  	s0 =	sor.u32 s1, s0  }
0xbd: {  	s0 =	sadd.s32 $0x8F2B, s0  }
0xbe: {  	[sflag:s0] =	ssyncadd.remote.s32 $0x1  }
0xbf: {  	_ =	sfence.sel $0xFFFF  }
0xc0: {  	[dreg:$0x0] =	wrdreg $0xFFFFFFFF;
	(pc) =	sbr.abs _section_cstart, $3  }
0xc1: {  	[dreg:$0x1] =	wrdreg $0xFFFFFFFF  }
0xc2: {  	_ =	task.clear_ibuf [dreg:s7], $0x2FFFF;
	_ =	strace $0x9FFFFFFF  }
0xc3: {  	(tm) =	ssettm $0x7FFFFFFF  }
tec
execute0_lowered:
.L_overlay_start_1:
0x0: {  	(tag) =	ssettag $0x1  }
0x1: {  	s0 =	rddreg [dreg:$0x0]  }
0x2: {  	s2 =	rddreg [dreg:$0x2];
	s3 =	simm.s32 $0x0;
	s1 =	srdreg.scid  }
0x3: {  	s9 =	stileid.u32;
	s28 =	simm.s32 $0x2;
	s29 =	simm.s32 $0x1380  }
0x4: {  	s30 =	simm.s32 $0x2700;
	s31 =	simm.s32 $0x2780;
	[smem:$0x7FF] =	sst s3  }
0x5: {  	s5 =	sadd.s32 $0x2E00, s0;
	s4 =	sadd.s32 $0x2AE00, s0;
	s1 =	sand.u32 $0x1, s1  }
0x6: {  	s14 =	sadd.s32 $0x34E00, s0;
	s7 =	smul.u32 $0x50000, s9;
	s0 =	sadd.s32 $0x3EE00, s0  }
0x7: {  	s13 =	smul.u32 $0x14000, s9;
	s19 =	sshll.u32 s9, $0x1;
	_ =	strace $0x80000047  }
0x8: {  	s6 =	ssub.s32 $0x2, s1;
	s21 =	sor.u32 s1, s19;
	s1 =	smul.u32 $0x140000, s1  }
0x9: {  	s8 =	sshrl.u32 s6, $0x1;
	s7 =	sshrl.u32 s7, $0x2;
	s15 =	sadd.s32 $0x4000, s13  }
0xa: {  	s17 =	sadd.s32 $0x8000, s13;
	s18 =	sadd.s32 $0xC000, s13;
	s10 =	smul.u32 $0x2800, s21  }
0xb: {  	s19 =	sadd.s32 $0x10000, s13;
	s20 =	ssub.s32 s6, s8;
	s6 =	sadd.s32 s7, s2  }
0xc: {  	s7 =	sadd.s32 s15, s2;
	s8 =	sadd.s32 s17, s2;
	s9 =	sadd.s32 s18, s2  }
0xd: {  	s21 =	sadd.s32 s13, s1;
	s15 =	sadd.s32 s1, s15;
	s25 =	sadd.s32 s1, s17  }
0xe: {  	s26 =	sadd.s32 s1, s18;
	s1 =	sadd.s32 s1, s19;
	s16 =	sshrl.u32 s10, $0x3  }
0xf: {  	s10 =	sadd.s32 s19, s2;
	s23 =	sshrl.u32 s21, $0x3;
	s24 =	sshrl.u32 s15, $0x3  }
0x10: {  	s18 =	sshrl.u32 s26, $0x3;
	s1 =	sshrl.u32 s1, $0x3;
	s20 =	smax.u32 s20, $0x1  }
0x11: {  	s21 =	simm.s32 $0x2800;
	s26 =	simm.s32 $0x1;
	s11 =	sadd.s32 s4, s16  }
0x12: {  	s22 =	sadd.s32 s14, s16;
	s16 =	sadd.s32 $0x280, s16;
	s15 =	sadd.s32 s0, s23  }
0x13: {  	s18 =	sadd.s32 s0, s18;
	s19 =	sadd.s32 s0, s1;
	[dreg:$0x4] =	wrdreg s11  }
0x14: {  	s23 =	simm.s32 $0x1400;
	[dreg:$0x5] =	wrdreg s22;
	s4 =	sadd.s32 s4, s16  }
0x15: {  	s14 =	sadd.s32 s14, s16;
	s16 =	sadd.s32 s0, s24;
	s22 =	simm.s32 $0x3  }
0x16: {  	s24 =	simm.s32 $0x80;
	[dreg:$0x6] =	wrdreg s4;
	s4 =	sshrl.u32 s25, $0x3  }
0x17: {  	s25 =	simm.s32 $0x6800;
	s17 =	sadd.s32 s0, s4;
	s0 =	simm.s32 $0x0  }
.LBB2_1:
0x18: {  	s1 =	rddreg [dreg:$0x1]  }
0x19: {  	[tilespmem:s21], [sflag:$0x3] =	stream.linear.gather [hbm4b:s1+s3], $0x4000, $0x38;
	[tilespmem:$0x1E800] =	vst v63  }
0x1a: {  	_ =	swait.ge [sflag:s22], $0x4000  }
0x1b: {  	[sflag:s22] =	ssyncset.done $0x0  }
0x1c: {  	[sflag:s22] =	ssyncadd.s32 $0xFFFFC000  }
0x1d: {  	[spmem:s6] =	stream.linear.scatter [tilespmem:s21], [sflag:$0x3], $0x4000, $0x38;
	[tilespmem:$0x1E800] =	vst v63  }
0x1e: {  	_ =	swait.ge [sflag:s22], $0x4000  }
0x1f: {  	[sflag:s22] =	ssyncset.done $0x0  }
0x20: {  	[sflag:s22] =	ssyncadd.s32 $0xFFFFC000  }
0x21: {  	[spmem:s7] =	stream.linear.scatter [tilespmem:s21], [sflag:$0x3], $0x4000, $0x38;
	[tilespmem:$0x1E800] =	vst v63  }
0x22: {  	_ =	swait.ge [sflag:s22], $0x4000  }
0x23: {  	[sflag:s22] =	ssyncset.done $0x0  }
0x24: {  	[sflag:s22] =	ssyncadd.s32 $0xFFFFC000  }
0x25: {  	[spmem:s8] =	stream.linear.scatter [tilespmem:s21], [sflag:$0x3], $0x4000, $0x38;
	[tilespmem:$0x1E800] =	vst v63  }
0x26: {  	_ =	swait.ge [sflag:s22], $0x4000  }
0x27: {  	[sflag:s22] =	ssyncset.done $0x0  }
0x28: {  	[sflag:s22] =	ssyncadd.s32 $0xFFFFC000  }
0x29: {  	[spmem:s9] =	stream.linear.scatter [tilespmem:s21], [sflag:$0x3], $0x4000, $0x38;
	[tilespmem:$0x1E800] =	vst v63  }
0x2a: {  	_ =	swait.ge [sflag:s22], $0x4000  }
0x2b: {  	[sflag:s22] =	ssyncset.done $0x0  }
0x2c: {  	[sflag:s22] =	ssyncadd.s32 $0xFFFFC000  }
0x2d: {  	[spmem:s10] =	stream.linear.scatter [tilespmem:s21], [sflag:$0x3], $0x4000, $0x38;
	[tilespmem:$0x1E800] =	vst v63  }
0x2e: {  	_ =	swait.ge [sflag:s22], $0x4000  }
0x2f: {  	[sflag:s22] =	ssyncset.done $0x0  }
0x30: {  	[sflag:s22] =	ssyncadd.s32 $0xFFFFC000  }
0x31: {  	[bflag:$0x0] =	sbarrier.arrive $0xFFFF  }
0x32: {  	s12 =	rddreg [dreg:$0x4]  }
0x33: {  	[tilespmem:s3], [sflag:$0x3] =	stream.linear.gather [hbm4b:s12+s3], $0x1400, $0x38;
	[tilespmem:$0x1E800] =	vst v63  }
0x34: {  	_ =	swait.ge [sflag:s22], $0x1400  }
0x35: {  	[sflag:s22] =	ssyncset.done $0x0  }
0x36: {  	s13 =	rddreg [dreg:$0x5];
	[sflag:s22] =	ssyncadd.s32 $0xFFFFEC00  }
0x37: {  	[tilespmem:s23], [sflag:$0x3] =	stream.linear.gather [hbm4b:s13+s3], $0x1400, $0x38;
	[tilespmem:$0x1E800] =	vst v63  }
0x38: {  	_ =	swait.ge [sflag:s22], $0x1400  }
0x39: {  	[sflag:s22] =	ssyncset.done $0x0  }
0x3a: {  	[sflag:s22] =	ssyncadd.s32 $0xFFFFEC00  }
0x3b: {  	[tilespmem:s21], [sflag:$0x1] =	stream.indirect.gather [hbm4b:s5+s24], $0x80, s3, s24, $0xb8;
	[tilespmem:$0x1E800] =	vst v63  }
0x3c: {  	s4 =	simm.s32 $0x80  }
0x3d: {  	[tilespmem:s25], [sflag:$0x2] =	stream.indirect.gather [hbm4b:s5+s24], $0x80, s4, s24, $0xb8;
	[tilespmem:$0x1E800] =	vst v63  }
0x3e: {  	_ =	swait.ge [sflag:s26], $0x4000  }
0x3f: {  	[sflag:s26] =	ssyncset.done $0x0  }
0x40: {  	s11 =	simm.s32 $0x1400;
	[sflag:s26] =	ssyncadd.s32 $0xFFFFC000  }
0x41: {  	[spmem:s2] =	stream.indirect.scatter.add.f32 [tilespmem:s21], [sflag:$0x3], $0x80, s11, s24, $0xb8;
	[tilespmem:$0x1E800] =	vst v63  }
0x42: {  	_ =	swait.ge [sflag:s22], $0x4000  }
0x43: {  	[sflag:s22] =	ssyncset.done $0x0  }
0x44: {  	s12 =	simm.s32 $0x100;
	[sflag:s22] =	ssyncadd.s32 $0xFFFFC000  }
0x45: {  	[tilespmem:s21], [sflag:$0x1] =	stream.indirect.gather [hbm4b:s5+s24], $0x80, s12, s24, $0xb8;
	[tilespmem:$0x1E800] =	vst v63  }
0x46: {  	_ =	swait.ge [sflag:s28], $0x4000  }
0x47: {  	[sflag:s28] =	ssyncset.done $0x0  }
0x48: {  	s13 =	simm.s32 $0x1480;
	[sflag:s28] =	ssyncadd.s32 $0xFFFFC000  }
0x49: {  	[spmem:s2] =	stream.indirect.scatter.add.f32 [tilespmem:s25], [sflag:$0x3], $0x80, s13, s24, $0xb8;
	[tilespmem:$0x1E800] =	vst v63  }
0x4a: {  	_ =	swait.ge [sflag:s22], $0x4000  }
0x4b: {  	s1 =	simm.s32 $0x800;
	s4 =	simm.s32 $0x100;
	[sflag:s22] =	ssyncset.done $0x0  }
.LBB2_2:
0x4c: {  	s11 =	sadd.s32 $0x80, s4  }
0x4d: {  	[sflag:s22] =	ssyncadd.s32 $0xFFFFC000;
	s12 =	smov.u32 s1;
	s13 =	sadd.s32 $0x400, s1  }
0x4e: {  	[tilespmem:s25], [sflag:$0x2] =	stream.indirect.gather [hbm4b:s5+s24], $0x80, s11, s24, $0xb8;
	[tilespmem:$0x1E800] =	vst v63  }
0x4f: {  	p0 =	sne.s32 s1, $0x4800;
	_ =	swait.ge [sflag:s26], $0x4000  }
0x50: {  	[sflag:s26] =	ssyncset.done $0x0  }
0x51: {  	s1 =	sadd.s32 $0x1400, s4;
	[sflag:s26] =	ssyncadd.s32 $0xFFFFC000  }
0x52: {  	[spmem:s2] =	stream.indirect.scatter.add.f32 [tilespmem:s21], [sflag:$0x3], $0x80, s1, s24, $0xb8;
	[tilespmem:$0x1E800] =	vst v63  }
0x53: {  	_ =	swait.ge [sflag:s22], $0x4000  }
0x54: {  	[sflag:s22] =	ssyncset.done $0x0  }
0x55: {  	s1 =	sadd.s32 $0x100, s4;
	[sflag:s22] =	ssyncadd.s32 $0xFFFFC000  }
0x56: {  	[tilespmem:s21], [sflag:$0x1] =	stream.indirect.gather [hbm4b:s5+s24], $0x80, s1, s24, $0xb8;
	[tilespmem:$0x1E800] =	vst v63  }
0x57: {  	_ =	swait.ge [sflag:s28], $0x4000  }
.Ltmp0:
0x58: {  	[sflag:s28] =	ssyncset.done $0x0;
	(pc) =	sbr.rel @p0 .LBB2_2-.Ltmp0, $4  }
0x59: {  	s1 =	sadd.s32 $0x1480, s4;
	[sflag:s28] =	ssyncadd.s32 $0xFFFFC000  }
0x5a: {  	[spmem:s2] =	stream.indirect.scatter.add.f32 [tilespmem:s25], [sflag:$0x3], $0x80, s1, s24, $0xb8;
	[tilespmem:$0x1E800] =	vst v63  }
0x5b: {  	_ =	swait.ge [sflag:s22], $0x4000  }
0x5c: {  	s4 =	sshra.s32 s12, $0x2;
	s1 =	smov.u32 s13;
	[sflag:s22] =	ssyncset.done $0x0  }
0x5d: {  	s1 =	sadd.s32 $0x80, s4;
	[sflag:s22] =	ssyncadd.s32 $0xFFFFC000  }
0x5e: {  	[tilespmem:s25], [sflag:$0x2] =	stream.indirect.gather [hbm4b:s5+s24], $0x80, s1, s24, $0xb8;
	[tilespmem:$0x1E800] =	vst v63  }
0x5f: {  	_ =	swait.ge [sflag:s26], $0x4000  }
0x60: {  	[sflag:s26] =	ssyncset.done $0x0  }
0x61: {  	s12 =	sadd.s32 $0x1400, s4;
	[sflag:s26] =	ssyncadd.s32 $0xFFFFC000  }
0x62: {  	[spmem:s2] =	stream.indirect.scatter.add.f32 [tilespmem:s21], [sflag:$0x3], $0x80, s12, s24, $0xb8;
	[tilespmem:$0x1E800] =	vst v63  }
0x63: {  	_ =	swait.ge [sflag:s22], $0x4000  }
0x64: {  	[sflag:s22] =	ssyncset.done $0x0  }
0x65: {  	s13 =	sadd.s32 $0x100, s4;
	[sflag:s22] =	ssyncadd.s32 $0xFFFFC000  }
0x66: {  	[tilespmem:s21], [sflag:$0x1] =	stream.indirect.gather [hbm4b:s5+s24], $0x80, s13, s24, $0xb8;
	[tilespmem:$0x1E800] =	vst v63  }
0x67: {  	_ =	swait.ge [sflag:s28], $0x4000  }
0x68: {  	[sflag:s28] =	ssyncset.done $0x0  }
0x69: {  	s11 =	sadd.s32 $0x1480, s4;
	[sflag:s28] =	ssyncadd.s32 $0xFFFFC000  }
0x6a: {  	[spmem:s2] =	stream.indirect.scatter.add.f32 [tilespmem:s25], [sflag:$0x3], $0x80, s11, s24, $0xb8;
	[tilespmem:$0x1E800] =	vst v63  }
0x6b: {  	_ =	swait.ge [sflag:s22], $0x4000  }
0x6c: {  	[sflag:s22] =	ssyncset.done $0x0  }
0x6d: {  	[sflag:s22] =	ssyncadd.s32 $0xFFFFC000  }
0x6e: {  	[tilespmem:s25], [sflag:$0x2] =	stream.indirect.gather [hbm4b:s5+s24], $0x80, s29, s24, $0xb8;
	[tilespmem:$0x1E800] =	vst v63  }
0x6f: {  	_ =	swait.ge [sflag:s26], $0x4000  }
0x70: {  	[sflag:s26] =	ssyncset.done $0x0  }
0x71: {  	[sflag:s26] =	ssyncadd.s32 $0xFFFFC000  }
0x72: {  	[spmem:s2] =	stream.indirect.scatter.add.f32 [tilespmem:s21], [sflag:$0x3], $0x80, s30, s24, $0xb8;
	[tilespmem:$0x1E800] =	vst v63  }
0x73: {  	_ =	swait.ge [sflag:s22], $0x4000  }
0x74: {  	[sflag:s22] =	ssyncset.done $0x0  }
0x75: {  	[sflag:s22] =	ssyncadd.s32 $0xFFFFC000  }
0x76: {  	_ =	swait.ge [sflag:s28], $0x4000  }
0x77: {  	[sflag:s28] =	ssyncset.done $0x0  }
0x78: {  	[sflag:s28] =	ssyncadd.s32 $0xFFFFC000  }
0x79: {  	[spmem:s2] =	stream.indirect.scatter.add.f32 [tilespmem:s25], [sflag:$0x3], $0x80, s31, s24, $0xb8;
	[tilespmem:$0x1E800] =	vst v63  }
0x7a: {  	_ =	swait.ge [sflag:s22], $0x4000  }
0x7b: {  	[sflag:s22] =	ssyncset.done $0x0  }
0x7c: {  	s12 =	simm.s32 $0x0;
	s13 =	rddreg [dreg:$0x6];
	[sflag:s22] =	ssyncadd.s32 $0xFFFFC000  }
0x7d: {  	[tilespmem:s12], [sflag:$0x3] =	stream.linear.gather [hbm4b:s13+s12], $0x1400, $0x38;
	[tilespmem:$0x1E800] =	vst v63  }
0x7e: {  	_ =	swait.ge [sflag:s22], $0x1400  }
0x7f: {  	[sflag:s22] =	ssyncset.done $0x0  }
0x80: {  	[sflag:s22] =	ssyncadd.s32 $0xFFFFEC00  }
0x81: {  	[tilespmem:s23], [sflag:$0x3] =	stream.linear.gather [hbm4b:s14+s12], $0x1400, $0x38;
	[tilespmem:$0x1E800] =	vst v63  }
0x82: {  	_ =	swait.ge [sflag:s22], $0x1400  }
0x83: {  	[sflag:s22] =	ssyncset.done $0x0  }
0x84: {  	[sflag:s22] =	ssyncadd.s32 $0xFFFFEC00  }
0x85: {  	[tilespmem:s21], [sflag:$0x1] =	stream.indirect.gather [hbm4b:s5+s24], $0x80, s12, s24, $0xb8;
	[tilespmem:$0x1E800] =	vst v63  }
0x86: {  	s4 =	simm.s32 $0x80  }
0x87: {  	[tilespmem:s25], [sflag:$0x2] =	stream.indirect.gather [hbm4b:s5+s24], $0x80, s4, s24, $0xb8;
	[tilespmem:$0x1E800] =	vst v63  }
0x88: {  	_ =	swait.ge [sflag:s26], $0x4000  }
0x89: {  	[sflag:s26] =	ssyncset.done $0x0  }
0x8a: {  	s11 =	simm.s32 $0x1400;
	[sflag:s26] =	ssyncadd.s32 $0xFFFFC000  }
0x8b: {  	[spmem:s2] =	stream.indirect.scatter.add.f32 [tilespmem:s21], [sflag:$0x3], $0x80, s11, s24, $0xb8;
	[tilespmem:$0x1E800] =	vst v63  }
0x8c: {  	_ =	swait.ge [sflag:s22], $0x4000  }
0x8d: {  	[sflag:s22] =	ssyncset.done $0x0  }
0x8e: {  	s12 =	simm.s32 $0x100;
	[sflag:s22] =	ssyncadd.s32 $0xFFFFC000  }
0x8f: {  	[tilespmem:s21], [sflag:$0x1] =	stream.indirect.gather [hbm4b:s5+s24], $0x80, s12, s24, $0xb8;
	[tilespmem:$0x1E800] =	vst v63  }
0x90: {  	_ =	swait.ge [sflag:s28], $0x4000  }
0x91: {  	[sflag:s28] =	ssyncset.done $0x0  }
0x92: {  	s13 =	simm.s32 $0x1480;
	[sflag:s28] =	ssyncadd.s32 $0xFFFFC000  }
0x93: {  	[spmem:s2] =	stream.indirect.scatter.add.f32 [tilespmem:s25], [sflag:$0x3], $0x80, s13, s24, $0xb8;
	[tilespmem:$0x1E800] =	vst v63  }
0x94: {  	_ =	swait.ge [sflag:s22], $0x4000  }
0x95: {  	s1 =	simm.s32 $0x800;
	s4 =	simm.s32 $0x100;
	[sflag:s22] =	ssyncset.done $0x0  }
.LBB2_4:
0x96: {  	s11 =	sadd.s32 $0x80, s4  }
0x97: {  	[sflag:s22] =	ssyncadd.s32 $0xFFFFC000;
	s12 =	smov.u32 s1;
	s13 =	sadd.s32 $0x400, s1  }
0x98: {  	[tilespmem:s25], [sflag:$0x2] =	stream.indirect.gather [hbm4b:s5+s24], $0x80, s11, s24, $0xb8;
	[tilespmem:$0x1E800] =	vst v63  }
0x99: {  	p0 =	sne.s32 s1, $0x4800;
	_ =	swait.ge [sflag:s26], $0x4000  }
0x9a: {  	[sflag:s26] =	ssyncset.done $0x0  }
0x9b: {  	s1 =	sadd.s32 $0x1400, s4;
	[sflag:s26] =	ssyncadd.s32 $0xFFFFC000  }
0x9c: {  	[spmem:s2] =	stream.indirect.scatter.add.f32 [tilespmem:s21], [sflag:$0x3], $0x80, s1, s24, $0xb8;
	[tilespmem:$0x1E800] =	vst v63  }
0x9d: {  	_ =	swait.ge [sflag:s22], $0x4000  }
0x9e: {  	[sflag:s22] =	ssyncset.done $0x0  }
0x9f: {  	s1 =	sadd.s32 $0x100, s4;
	[sflag:s22] =	ssyncadd.s32 $0xFFFFC000  }
0xa0: {  	[tilespmem:s21], [sflag:$0x1] =	stream.indirect.gather [hbm4b:s5+s24], $0x80, s1, s24, $0xb8;
	[tilespmem:$0x1E800] =	vst v63  }
0xa1: {  	_ =	swait.ge [sflag:s28], $0x4000  }
.Ltmp1:
0xa2: {  	[sflag:s28] =	ssyncset.done $0x0;
	(pc) =	sbr.rel @p0 .LBB2_4-.Ltmp1, $4  }
0xa3: {  	s1 =	sadd.s32 $0x1480, s4;
	[sflag:s28] =	ssyncadd.s32 $0xFFFFC000  }
0xa4: {  	[spmem:s2] =	stream.indirect.scatter.add.f32 [tilespmem:s25], [sflag:$0x3], $0x80, s1, s24, $0xb8;
	[tilespmem:$0x1E800] =	vst v63  }
0xa5: {  	_ =	swait.ge [sflag:s22], $0x4000  }
0xa6: {  	s4 =	sshra.s32 s12, $0x2;
	s1 =	smov.u32 s13;
	[sflag:s22] =	ssyncset.done $0x0  }
0xa7: {  	s1 =	sadd.s32 $0x80, s4;
	[sflag:s22] =	ssyncadd.s32 $0xFFFFC000  }
0xa8: {  	[tilespmem:s25], [sflag:$0x2] =	stream.indirect.gather [hbm4b:s5+s24], $0x80, s1, s24, $0xb8;
	[tilespmem:$0x1E800] =	vst v63  }
0xa9: {  	_ =	swait.ge [sflag:s26], $0x4000  }
0xaa: {  	[sflag:s26] =	ssyncset.done $0x0  }
0xab: {  	s11 =	sadd.s32 $0x1400, s4;
	[sflag:s26] =	ssyncadd.s32 $0xFFFFC000  }
0xac: {  	[spmem:s2] =	stream.indirect.scatter.add.f32 [tilespmem:s21], [sflag:$0x3], $0x80, s11, s24, $0xb8;
	[tilespmem:$0x1E800] =	vst v63  }
0xad: {  	_ =	swait.ge [sflag:s22], $0x4000  }
0xae: {  	[sflag:s22] =	ssyncset.done $0x0  }
0xaf: {  	s12 =	sadd.s32 $0x100, s4;
	[sflag:s22] =	ssyncadd.s32 $0xFFFFC000  }
0xb0: {  	[tilespmem:s21], [sflag:$0x1] =	stream.indirect.gather [hbm4b:s5+s24], $0x80, s12, s24, $0xb8;
	[tilespmem:$0x1E800] =	vst v63  }
0xb1: {  	_ =	swait.ge [sflag:s28], $0x4000  }
0xb2: {  	[sflag:s28] =	ssyncset.done $0x0  }
0xb3: {  	s13 =	sadd.s32 $0x1480, s4;
	[sflag:s28] =	ssyncadd.s32 $0xFFFFC000  }
0xb4: {  	[spmem:s2] =	stream.indirect.scatter.add.f32 [tilespmem:s25], [sflag:$0x3], $0x80, s13, s24, $0xb8;
	[tilespmem:$0x1E800] =	vst v63  }
0xb5: {  	_ =	swait.ge [sflag:s22], $0x4000  }
0xb6: {  	[sflag:s22] =	ssyncset.done $0x0  }
0xb7: {  	[sflag:s22] =	ssyncadd.s32 $0xFFFFC000  }
0xb8: {  	[tilespmem:s25], [sflag:$0x2] =	stream.indirect.gather [hbm4b:s5+s24], $0x80, s29, s24, $0xb8;
	[tilespmem:$0x1E800] =	vst v63  }
0xb9: {  	_ =	swait.ge [sflag:s26], $0x4000  }
0xba: {  	[sflag:s26] =	ssyncset.done $0x0  }
0xbb: {  	[sflag:s26] =	ssyncadd.s32 $0xFFFFC000  }
0xbc: {  	[spmem:s2] =	stream.indirect.scatter.add.f32 [tilespmem:s21], [sflag:$0x3], $0x80, s30, s24, $0xb8;
	[tilespmem:$0x1E800] =	vst v63  }
0xbd: {  	_ =	swait.ge [sflag:s22], $0x4000  }
0xbe: {  	[sflag:s22] =	ssyncset.done $0x0  }
0xbf: {  	[sflag:s22] =	ssyncadd.s32 $0xFFFFC000  }
0xc0: {  	_ =	swait.ge [sflag:s28], $0x4000  }
0xc1: {  	[sflag:s28] =	ssyncset.done $0x0  }
0xc2: {  	[sflag:s28] =	ssyncadd.s32 $0xFFFFC000  }
0xc3: {  	[spmem:s2] =	stream.indirect.scatter.add.f32 [tilespmem:s25], [sflag:$0x3], $0x80, s31, s24, $0xb8;
	[tilespmem:$0x1E800] =	vst v63  }
0xc4: {  	_ =	swait.ge [sflag:s22], $0x4000  }
0xc5: {  	[sflag:s22] =	ssyncset.done $0x0  }
0xc6: {  	[sflag:s22] =	ssyncadd.s32 $0xFFFFC000  }
0xc7: {  	[bflag:$0x0] =	sbarrier.arrive $0xFFFF  }
0xc8: {  	[tilespmem:s21], [sflag:$0x3] =	stream.linear.gather [spmem:s6], $0x4000, $0x38;
	[tilespmem:$0x1E800] =	vst v63  }
0xc9: {  	_ =	swait.ge [sflag:s22], $0x4000  }
0xca: {  	[sflag:s22] =	ssyncset.done $0x0  }
0xcb: {  	[sflag:s22] =	ssyncadd.s32 $0xFFFFC000  }
0xcc: {  	[hbm4b:s15+s3] =	stream.linear.scatter [tilespmem:s21], [sflag:$0x3], $0x4000, $0x38;
	[tilespmem:$0x1E800] =	vst v63  }
0xcd: {  	_ =	swait.ge [sflag:s22], $0x4000  }
0xce: {  	[sflag:s22] =	ssyncset.done $0x0  }
0xcf: {  	[sflag:s22] =	ssyncadd.s32 $0xFFFFC000  }
0xd0: {  	[tilespmem:s21], [sflag:$0x3] =	stream.linear.gather [spmem:s7], $0x4000, $0x38;
	[tilespmem:$0x1E800] =	vst v63  }
0xd1: {  	_ =	swait.ge [sflag:s22], $0x4000  }
0xd2: {  	[sflag:s22] =	ssyncset.done $0x0  }
0xd3: {  	[sflag:s22] =	ssyncadd.s32 $0xFFFFC000  }
0xd4: {  	[hbm4b:s16+s3] =	stream.linear.scatter [tilespmem:s21], [sflag:$0x3], $0x4000, $0x38;
	[tilespmem:$0x1E800] =	vst v63  }
0xd5: {  	_ =	swait.ge [sflag:s22], $0x4000  }
0xd6: {  	[sflag:s22] =	ssyncset.done $0x0  }
0xd7: {  	[sflag:s22] =	ssyncadd.s32 $0xFFFFC000  }
0xd8: {  	[tilespmem:s21], [sflag:$0x3] =	stream.linear.gather [spmem:s8], $0x4000, $0x38;
	[tilespmem:$0x1E800] =	vst v63  }
0xd9: {  	_ =	swait.ge [sflag:s22], $0x4000  }
0xda: {  	[sflag:s22] =	ssyncset.done $0x0  }
0xdb: {  	[sflag:s22] =	ssyncadd.s32 $0xFFFFC000  }
0xdc: {  	[hbm4b:s17+s3] =	stream.linear.scatter [tilespmem:s21], [sflag:$0x3], $0x4000, $0x38;
	[tilespmem:$0x1E800] =	vst v63  }
0xdd: {  	_ =	swait.ge [sflag:s22], $0x4000  }
0xde: {  	[sflag:s22] =	ssyncset.done $0x0  }
0xdf: {  	[sflag:s22] =	ssyncadd.s32 $0xFFFFC000  }
0xe0: {  	[tilespmem:s21], [sflag:$0x3] =	stream.linear.gather [spmem:s9], $0x4000, $0x38;
	[tilespmem:$0x1E800] =	vst v63  }
0xe1: {  	_ =	swait.ge [sflag:s22], $0x4000  }
0xe2: {  	[sflag:s22] =	ssyncset.done $0x0  }
0xe3: {  	[sflag:s22] =	ssyncadd.s32 $0xFFFFC000  }
0xe4: {  	[hbm4b:s18+s3] =	stream.linear.scatter [tilespmem:s21], [sflag:$0x3], $0x4000, $0x38;
	[tilespmem:$0x1E800] =	vst v63  }
0xe5: {  	_ =	swait.ge [sflag:s22], $0x4000  }
0xe6: {  	[sflag:s22] =	ssyncset.done $0x0  }
0xe7: {  	[sflag:s22] =	ssyncadd.s32 $0xFFFFC000  }
0xe8: {  	[tilespmem:s21], [sflag:$0x3] =	stream.linear.gather [spmem:s10], $0x4000, $0x38;
	[tilespmem:$0x1E800] =	vst v63  }
0xe9: {  	s0 =	sadd.s32 $0x1, s0;
	_ =	swait.ge [sflag:s22], $0x4000  }
0xea: {  	p0 =	sne.s32 s0, s20;
	[sflag:s22] =	ssyncset.done $0x0  }
.Ltmp2:
0xeb: {  	[sflag:s22] =	ssyncadd.s32 $0xFFFFC000;
	(pc) =	sbr.rel @p0 .LBB2_1-.Ltmp2, $4  }
0xec: {  	[hbm4b:s19+s3] =	stream.linear.scatter [tilespmem:s21], [sflag:$0x3], $0x4000, $0x38;
	[tilespmem:$0x1E800] =	vst v63  }
0xed: {  	_ =	swait.ge [sflag:s22], $0x4000  }
0xee: {  	[sflag:s22] =	ssyncset.done $0x0  }
0xef: {  	[sflag:s22] =	ssyncadd.s32 $0xFFFFC000  }
0xf0: {  	_ =	sfence.sel $0x180000  }
0xf1: {  	[bflag:$0x0] =	sbarrier.arrive $0xFFFF  }
0xf2: {  	_ =	strace $0x90000047  }
0xf3: {  	s0 =	stileid.u32;
	[bflag:$0x2] =	sbarrier.arrive $0xFFFF  }
0xf4: {  	p0 =	sne.s32 s0, $0x0;
	s0 =	rddreg [dreg:$0x3]  }
0xf5: {  	s0 =	sadd.s32 @!p0 $0x100000, s0  }
0xf6: {  	[sflag:s0] =	ssyncadd.tile.s32 @!p0 $0x1;
	_ =	shalt  }
.Lfunc_end2:
_tile_overlayer_lowered:
.L_overlay_start_2:
0xf7: {  	(tag) =	ssettag $0x2  }
0xf8: {  	s0 =	rddreg [dreg:$0x0];
	s2 =	stileid.u32  }
0xf9: {  	s1 =	rddreg [dreg:$0x1];
	p0 =	sne.s32 s2, $0x0  }
0xfa: {  	s3 =	rddreg [dreg:$0x2];
	[bflag:$0x3] =	sbarrier.arrive $0xFFFF;
	s2 =	simm.s32 @!p0 $0x1C03  }
0xfb: {  	[timem:s3], [sflag:s2] =	dma.local @!p0 [hbm:s0], s1  }
0xfc: {  	s0 =	simm.s32 @!p0 $0x3  }
0xfd: {  	_ =	swait.ge @!p0 [sflag:s0], s1  }
0xfe: {  	s1 =	ssub.s32 @!p0 $0x0, s1;
	[sflag:s0] =	ssyncset.done @!p0 $0x0  }
0xff: {  	[sflag:s0] =	ssyncadd.s32 @!p0 s1  }
0x100: {  	[bflag:$0x3] =	sbarrier.arrive $0xFFFF  }
0x101: {  	_ =	shalt  }

// kernel: kernel.15.cloned.1.call-start
scs
__scs_entry_jumppad:
0x0: {  	(pc) =	sbr.rel $0x88, $3  }
0x1: {  	(tag) =	ssettag $0x0;
	lr =	simm.s32 $0x1  }
0x2: {  	[smem:$0x3F97] =	sst lr;
	_ =	strace $0xD0000000  }
0x3: {  	_ = 	snop  }
0x4: {  	_ = 	snop  }
0x5: {  	_ = 	snop  }
0x6: {  	_ = 	snop  }
0x7: {  	_ = 	snop  }
__scs_overlays_trampoline_lowered:
0x8: {  	[smem:$0x3FA6] =	sst s0  }
0x9: {  	[smem:$0x3FA7] =	sst s1  }
0xa: {  	[smem:$0x3FA8] =	sst s2  }
0xb: {  	[smem:$0x3FA9] =	sst s3  }
0xc: {  	[smem:$0x3FAA] =	sst s4  }
0xd: {  	[smem:$0x3FAB] =	sst s5  }
0xe: {  	[smem:$0x3FAC] =	sst s6  }
0xf: {  	[smem:$0x3FAD] =	sst s7  }
0x10: {  	[smem:$0x3FAE] =	sst s8  }
0x11: {  	[smem:$0x3FAF] =	sst s9;
	s0 =	simm.s32 @!p0 $0x0  }
0x12: {  	s1 =	sld [smem:$0x3F95];
	s0 =	simm.s32 @p0 $0x1  }
0x13: {  	[smem:$0x3FB0] =	sst s0;
	s0 =	simm.s32 @!p1 $0x0  }
0x14: {  	s2 =	sld [smem:$0x3F94];
	s0 =	simm.s32 @p1 $0x1  }
0x15: {  	[smem:$0x3FB1] =	sst s0;
	s0 =	simm.s32 @!p2 $0x0  }
0x16: {  	s3 =	sld [smem:$0x3FDB];
	s0 =	simm.s32 @p2 $0x1  }
0x17: {  	s4 =	simm.s32 $0x1BF5;
	[smem:$0x3FB3] =	sst s0  }
0x18: {  	s0 =	sld [smem:$0x3F96];
	_ =	swait.ge [sflag:s4], $0x0  }
0x19: {  	s7 =	sld [smem:$0x3F97]  }
0x1a: {  	s8 =	sadd.s32 $0xFFFFE003, lr  }
0x1b: {  	s9 =	sadd.s32 $0xFFFFFEF7, lr;
	s5 =	simm.s32 $0xFFFFFFFF;
	p2 =	slt.u32 s8, $0xFFFFF086  }
0x1c: {  	p1 =	slt.u32 s9, $0xF7A;
	s5 =	simm.s32 @!p2 $0x0  }
0x1d: {  	s5 =	simm.s32 @p1 $0x1;
	p0 =	seq.s32 s7, s2  }
0x1e: {  	s7 =	smul.u32 @!p0 $0xF7A, s2;
	p2 =	seq.s32 @!p0 s5, $0x0  }
0x1f: {  	s9 =	smul.u32 $0xF7A, s1;
	s8 =	simm.s32 @!p0 $0x1BF5;
	p2 =	por !p2, p0  }
0x20: {  	[sflag:s8] =	ssyncset.s32 @!p0 $0xFFFFF086;
	s6 =	sadd.s32 @!p0 s3, s7;
	s7 =	simm.s32 @!p0 $0x108  }
0x21: {  	s3 =	sadd.s32 s3, s9;
	s6 =	sadd.s32 @!p0 $0x88, s6;
	s7 =	simm.s32 @p2 $0x1082  }
0x22: {  	[simem:s7], [sflag:s8] =	dma.local @!p0 [hbm:s6], $0xF7A  }
0x23: {  	s9 =	sor.u32 $0xD0000000, s2;
	s6 =	simm.s32 $0x108;
	_ =	swait.ge @!p0 [sflag:s8], $0x0  }
0x24: {  	s3 =	sadd.s32 $0x88, s3;
	s6 =	simm.s32 @!p1 $0x1082;
	[sflag:s4] =	ssyncset.s32 $0xFFFFF086  }
0x25: {  	[simem:s6], [sflag:s4] =	dma.local [hbm:s3], $0xF7A  }
0x26: {  	[smem:$0x3F97] =	sst s1;
	(tag) =	ssettag s2;
	_ =	strace s9  }
0x27: {  	s1 =	sld [smem:$0x3FA7]  }
0x28: {  	s2 =	sld [smem:$0x3FA8]  }
0x29: {  	s4 =	sld [smem:$0x3FAA]  }
0x2a: {  	p0 =	seq.s32 s5, $0x0;
	s5 =	sld [smem:$0x3FAB]  }
0x2b: {  	s6 =	sld [smem:$0x3FAC]  }
0x2c: {  	s7 =	sld [smem:$0x3FAD]  }
0x2d: {  	s3 =	simm.s32 $0x108;
	s8 =	sld [smem:$0x3FAE]  }
0x2e: {  	s3 =	simm.s32 @!p0 $0x1082;
	s9 =	sld [smem:$0x3FAF]  }
0x2f: {  	lr =	sadd.s32 s0, s3;
	s0 =	sld [smem:$0x3FA6]  }
0x30: {  	s3 =	sld [smem:$0x3FA9]  }
0x31: {  	[smem:$0x3FB2] =	sst s10  }
0x32: {  	s10 =	sld [smem:$0x3FB0];
	_ =	sdelay $0x3  }
0x33: {  	p0 =	seq.s32 s10, $0x1;
	s10 =	sld [smem:$0x3FB2];
	_ =	sdelay $0x3  }
0x34: {  	[smem:$0x3FB2] =	sst s10  }
0x35: {  	s10 =	sld [smem:$0x3FB1];
	_ =	sdelay $0x3  }
0x36: {  	p1 =	seq.s32 s10, $0x1;
	s10 =	sld [smem:$0x3FB2];
	_ =	sdelay $0x3  }
0x37: {  	[smem:$0x3FB2] =	sst s10  }
0x38: {  	s10 =	sld [smem:$0x3FB3]  }
0x39: {  	_ = 	snop;
	(pc) =	sbr.ind lr, $3  }
0x3a: {  	_ = 	snop  }
0x3b: {  	_ = 	snop  }
0x3c: {  	p2 =	seq.s32 s10, $0x1;
	s10 =	sld [smem:$0x3FB2]  }
0x3d: {  	_ =	shalt  }
0x3e: {  	_ =	shalt  }
0x3f: {  	_ =	shalt  }
0x40: {  	_ =	shalt  }
0x41: {  	_ =	shalt  }
0x42: {  	_ =	shalt  }
0x43: {  	_ =	shalt  }
0x44: {  	_ =	shalt  }
0x45: {  	_ =	shalt  }
0x46: {  	_ =	shalt  }
0x47: {  	_ =	shalt  }
0x48: {  	_ =	shalt  }
0x49: {  	_ =	shalt  }
0x4a: {  	_ =	shalt  }
0x4b: {  	_ =	shalt  }
0x4c: {  	_ =	shalt  }
0x4d: {  	_ =	shalt  }
0x4e: {  	_ =	shalt  }
0x4f: {  	_ =	shalt  }
0x50: {  	_ =	shalt  }
0x51: {  	_ =	shalt  }
0x52: {  	_ =	shalt  }
0x53: {  	_ =	shalt  }
0x54: {  	_ =	shalt  }
0x55: {  	_ =	shalt  }
0x56: {  	_ =	shalt  }
0x57: {  	_ =	shalt  }
0x58: {  	_ =	shalt  }
0x59: {  	_ =	shalt  }
0x5a: {  	_ =	shalt  }
0x5b: {  	_ =	shalt  }
0x5c: {  	_ =	shalt  }
0x5d: {  	_ =	shalt  }
0x5e: {  	_ =	shalt  }
0x5f: {  	_ =	shalt  }
0x60: {  	_ =	shalt  }
0x61: {  	_ =	shalt  }
0x62: {  	_ =	shalt  }
0x63: {  	_ =	shalt  }
0x64: {  	_ =	shalt  }
0x65: {  	_ =	shalt  }
0x66: {  	_ =	shalt  }
0x67: {  	_ =	shalt  }
0x68: {  	_ =	shalt  }
0x69: {  	_ =	shalt  }
0x6a: {  	_ =	shalt  }
0x6b: {  	_ =	shalt  }
0x6c: {  	_ =	shalt  }
0x6d: {  	_ =	shalt  }
0x6e: {  	_ =	shalt  }
0x6f: {  	_ =	shalt  }
0x70: {  	_ =	shalt  }
0x71: {  	_ =	shalt  }
0x72: {  	_ =	shalt  }
0x73: {  	_ =	shalt  }
0x74: {  	_ =	shalt  }
0x75: {  	_ =	shalt  }
0x76: {  	_ =	shalt  }
0x77: {  	_ =	shalt  }
0x78: {  	_ =	shalt  }
0x79: {  	_ =	shalt  }
0x7a: {  	_ =	shalt  }
0x7b: {  	_ =	shalt  }
0x7c: {  	_ =	shalt  }
0x7d: {  	_ =	shalt  }
0x7e: {  	_ =	shalt  }
0x7f: {  	_ =	shalt  }
0x80: {  	_ =	shalt  }
0x81: {  	_ =	shalt  }
0x82: {  	_ =	shalt  }
0x83: {  	_ =	shalt  }
0x84: {  	_ =	shalt  }
0x85: {  	_ =	shalt  }
0x86: {  	_ =	shalt  }
0x87: {  	_ =	shalt  }
.Lfunc_end0:
.L_simem_size_0:
called_computation.1_lowered:
.L_overlay_start_0:
0x88: {  	s2 =	sld [smem:$0x3FD9]  }
0x89: {  	s3 =	sld [smem:$0x3FFE];
	_ =	sdelay $0x1  }
0x8a: {  	s1 =	srdreg.scid  }
0x8b: {  	s0 =	sand.u32 $0x1, s1  }
0x8c: {  	s17 =	sshll.u32 s0, $0xA;
	s2 =	sadd.s32 s3, s2  }
0x8d: {  	s2 =	sadd.s32 s2, s17  }
0x8e: {  	[smem:$0x3FBE] =	sst s2  }
0x8f: {  	_ = 	snop  }
0x90: {  	s2 =	sld [smem:$0x3FD0];
	(tm) =	ssettm $0x1  }
0x91: {  	s18 =	sld [smem:$0x3FFB];
	_ =	sdelay $0x3  }
0x92: {  	_ =	strace s18  }
0x93: {  	s3 =	sld [smem:$0x3FFC];
	_ =	sdelay $0x3  }
0x94: {  	_ =	strace s3  }
0x95: {  	s3 =	sld [smem:$0x3FFD];
	_ =	sdelay $0x3  }
0x96: {  	_ =	strace s3  }
0x97: {  	_ =	strace $0x8FFFFFFF  }
0x98: {  	s19 =	sld [smem:$0x3FDB];
	_ =	sdelay $0x1  }
0x99: {  	s4 =	simm.s32 $_scs_section_size  }
0x9a: {  	s5 =	simm.s32 $_size__tile_overlayer_lowered;
	s6 =	simm.s32 $_tile_overlayer_lowered  }
0x9b: {  	s22 =	simm.s32 $0x1BFF;
	s21 =	sshll.u32 s6, $0x1;
	s3 =	sadd.s32 s4, s19  }
0x9c: {  	s7 =	simm.s32 $0x0;
	s20 =	sshll.u32 s5, $0x1;
	s5 =	sadd.s32 s21, s3  }
0x9d: {  	[timem:s7], [sflag:s22] =	dma.local [hbm:s5], s20  }
0x9e: {  	_ =	swait.ge [sflag:s22], s20  }
0x9f: {  	s4 =	ssub.s32 $0x0, s20;
	[sflag:s22] =	ssyncset.done $0x0  }
0xa0: {  	[sflag:s22] =	ssyncadd.s32 s4;
	_ =	sdelay $0x1  }
0xa1: {  	s23 =	simm.s32 $0x1B8B  }
0xa2: {  	_ =	swait.ge [sflag:s23], $0x1  }
0xa3: {  	[sflag:s23] =	ssyncset.done $0x0  }
0xa4: {  	s25 =	simm.s32 $0x1B8E;
	s24 =	sld [smem:$0x3FFE];
	[sflag:s23] =	ssyncadd.s32 $0xFFFFFFFF  }
0xa5: {  	s26 =	simm.s32 $execute0_lowered;
	[smem:$0x3FD2] =	sst s25  }
0xa6: {  	s5 =	sshll.u32 s26, $0x1;
	_ =	strace $0x80000049;
	[dreg:$0x1] =	wrdreg $0xFFFFFFFF  }
0xa7: {  	s28 =	simm.s32 $_size_execute0_lowered;
	s3 =	sadd.s32 s3, s5;
	[dreg:$0x0] =	wrdreg $0x0  }
0xa8: {  	s5 =	sshll.u32 s28, $0x1;
	[dreg:$0x2] =	wrdreg s3  }
0xa9: {  	[dreg:$0x3] =	wrdreg s5  }
0xaa: {  	[dreg:$0x4] =	wrdreg $0xC0  }
0xab: {  	_ =	task [dreg:s7], $0x5FFFF  }
0xac: {  	[dreg:$0x1] =	wrdreg $0xFFFFFFFF  }
0xad: {  	[dreg:$0x0] =	wrdreg $0x60  }
0xae: {  	[dreg:$0x2] =	wrdreg s24  }
0xaf: {  	[dreg:$0x3] =	wrdreg s2  }
0xb0: {  	[dreg:$0x4] =	wrdreg $0xA8000  }
0xb1: {  	[dreg:$0x5] =	wrdreg $0x9  }
0xb2: {  	_ =	task.clear_ibuf [dreg:s7], $0x6FFFF;
	_ =	strace $0x90000049  }
0xb3: {  	s29 =	simm.s32 $0x9;
	_ =	strace $0x8000004B  }
0xb4: {  	_ =	swait.ge [sflag:s29], $0x1  }
0xb5: {  	[sflag:s29] =	ssyncadd.s32 $0xFFFFFFFF  }
0xb6: {  	_ =	strace $0x9000004B  }
0xb7: {  	_ =	sfence  }
0xb8: {  	s30 =	sld [smem:$0x0];
	_ =	sdelay $0x2  }
0xb9: {  	s31 =	sshll.u32 s1, $0xD;
	s1 =	sshrl.u32 s1, $0x2  }
0xba: {  	s3 =	sand.u32 $0x4000, s31;
	s1 =	sadd.s32 s1, s30  }
0xbb: {  	s0 =	sor.u32 s3, s0;
	s1 =	sshll.u32 s1, $0x11  }
0xbc: {  	s0 =	sor.u32 s1, s0  }
0xbd: {  	s0 =	sadd.s32 $0x8F2B, s0  }
0xbe: {  	[sflag:s0] =	ssyncadd.remote.s32 $0x1  }
0xbf: {  	_ =	sfence.sel $0xFFFF  }
0xc0: {  	[dreg:$0x0] =	wrdreg $0xFFFFFFFF;
	(pc) =	sbr.abs _section_cstart, $3  }
0xc1: {  	[dreg:$0x1] =	wrdreg $0xFFFFFFFF  }
0xc2: {  	_ =	task.clear_ibuf [dreg:s7], $0x2FFFF;
	_ =	strace $0x9FFFFFFF  }
0xc3: {  	(tm) =	ssettm $0x7FFFFFFF  }
tec
execute0_lowered:
.L_overlay_start_1:
0x0: {  	(tag) =	ssettag $0x1  }
0x1: {  	s0 =	rddreg [dreg:$0x0]  }
0x2: {  	s2 =	rddreg [dreg:$0x2];
	s3 =	simm.s32 $0x0;
	s1 =	srdreg.scid  }
0x3: {  	s9 =	stileid.u32;
	s28 =	simm.s32 $0x2;
	s29 =	simm.s32 $0x1380  }
0x4: {  	s30 =	simm.s32 $0x2700;
	s31 =	simm.s32 $0x2780;
	[smem:$0x7FF] =	sst s3  }
0x5: {  	s5 =	sadd.s32 $0x2E00, s0;
	s4 =	sadd.s32 $0x2AE00, s0;
	s1 =	sand.u32 $0x1, s1  }
0x6: {  	s14 =	sadd.s32 $0x34E00, s0;
	s7 =	smul.u32 $0x50000, s9;
	s0 =	sadd.s32 $0x3EE00, s0  }
0x7: {  	s13 =	smul.u32 $0x14000, s9;
	s19 =	sshll.u32 s9, $0x1;
	_ =	strace $0x8000004A  }
0x8: {  	s6 =	ssub.s32 $0x2, s1;
	s21 =	sor.u32 s1, s19;
	s1 =	smul.u32 $0x140000, s1  }
0x9: {  	s8 =	sshrl.u32 s6, $0x1;
	s7 =	sshrl.u32 s7, $0x2;
	s15 =	sadd.s32 $0x4000, s13  }
0xa: {  	s17 =	sadd.s32 $0x8000, s13;
	s18 =	sadd.s32 $0xC000, s13;
	s10 =	smul.u32 $0x2800, s21  }
0xb: {  	s19 =	sadd.s32 $0x10000, s13;
	s20 =	ssub.s32 s6, s8;
	s6 =	sadd.s32 s7, s2  }
0xc: {  	s7 =	sadd.s32 s15, s2;
	s8 =	sadd.s32 s17, s2;
	s9 =	sadd.s32 s18, s2  }
0xd: {  	s21 =	sadd.s32 s13, s1;
	s15 =	sadd.s32 s1, s15;
	s25 =	sadd.s32 s1, s17  }
0xe: {  	s26 =	sadd.s32 s1, s18;
	s1 =	sadd.s32 s1, s19;
	s16 =	sshrl.u32 s10, $0x3  }
0xf: {  	s10 =	sadd.s32 s19, s2;
	s23 =	sshrl.u32 s21, $0x3;
	s24 =	sshrl.u32 s15, $0x3  }
0x10: {  	s18 =	sshrl.u32 s26, $0x3;
	s1 =	sshrl.u32 s1, $0x3;
	s20 =	smax.u32 s20, $0x1  }
0x11: {  	s21 =	simm.s32 $0x2800;
	s26 =	simm.s32 $0x1;
	s11 =	sadd.s32 s4, s16  }
0x12: {  	s22 =	sadd.s32 s14, s16;
	s16 =	sadd.s32 $0x280, s16;
	s15 =	sadd.s32 s0, s23  }
0x13: {  	s18 =	sadd.s32 s0, s18;
	s19 =	sadd.s32 s0, s1;
	[dreg:$0x4] =	wrdreg s11  }
0x14: {  	s23 =	simm.s32 $0x1400;
	[dreg:$0x5] =	wrdreg s22;
	s4 =	sadd.s32 s4, s16  }
0x15: {  	s14 =	sadd.s32 s14, s16;
	s16 =	sadd.s32 s0, s24;
	s22 =	simm.s32 $0x3  }
0x16: {  	s24 =	simm.s32 $0x80;
	[dreg:$0x6] =	wrdreg s4;
	s4 =	sshrl.u32 s25, $0x3  }
0x17: {  	s25 =	simm.s32 $0x6800;
	s17 =	sadd.s32 s0, s4;
	s0 =	simm.s32 $0x0  }
.LBB2_1:
0x18: {  	s1 =	rddreg [dreg:$0x1]  }
0x19: {  	[tilespmem:s21], [sflag:$0x3] =	stream.linear.gather [hbm4b:s1+s3], $0x4000, $0x38;
	[tilespmem:$0x1E800] =	vst v63  }
0x1a: {  	_ =	swait.ge [sflag:s22], $0x4000  }
0x1b: {  	[sflag:s22] =	ssyncset.done $0x0  }
0x1c: {  	[sflag:s22] =	ssyncadd.s32 $0xFFFFC000  }
0x1d: {  	[spmem:s6] =	stream.linear.scatter [tilespmem:s21], [sflag:$0x3], $0x4000, $0x38;
	[tilespmem:$0x1E800] =	vst v63  }
0x1e: {  	_ =	swait.ge [sflag:s22], $0x4000  }
0x1f: {  	[sflag:s22] =	ssyncset.done $0x0  }
0x20: {  	[sflag:s22] =	ssyncadd.s32 $0xFFFFC000  }
0x21: {  	[spmem:s7] =	stream.linear.scatter [tilespmem:s21], [sflag:$0x3], $0x4000, $0x38;
	[tilespmem:$0x1E800] =	vst v63  }
0x22: {  	_ =	swait.ge [sflag:s22], $0x4000  }
0x23: {  	[sflag:s22] =	ssyncset.done $0x0  }
0x24: {  	[sflag:s22] =	ssyncadd.s32 $0xFFFFC000  }
0x25: {  	[spmem:s8] =	stream.linear.scatter [tilespmem:s21], [sflag:$0x3], $0x4000, $0x38;
	[tilespmem:$0x1E800] =	vst v63  }
0x26: {  	_ =	swait.ge [sflag:s22], $0x4000  }
0x27: {  	[sflag:s22] =	ssyncset.done $0x0  }
0x28: {  	[sflag:s22] =	ssyncadd.s32 $0xFFFFC000  }
0x29: {  	[spmem:s9] =	stream.linear.scatter [tilespmem:s21], [sflag:$0x3], $0x4000, $0x38;
	[tilespmem:$0x1E800] =	vst v63  }
0x2a: {  	_ =	swait.ge [sflag:s22], $0x4000  }
0x2b: {  	[sflag:s22] =	ssyncset.done $0x0  }
0x2c: {  	[sflag:s22] =	ssyncadd.s32 $0xFFFFC000  }
0x2d: {  	[spmem:s10] =	stream.linear.scatter [tilespmem:s21], [sflag:$0x3], $0x4000, $0x38;
	[tilespmem:$0x1E800] =	vst v63  }
0x2e: {  	_ =	swait.ge [sflag:s22], $0x4000  }
0x2f: {  	[sflag:s22] =	ssyncset.done $0x0  }
0x30: {  	[sflag:s22] =	ssyncadd.s32 $0xFFFFC000  }
0x31: {  	[bflag:$0x0] =	sbarrier.arrive $0xFFFF  }
0x32: {  	s12 =	rddreg [dreg:$0x4]  }
0x33: {  	[tilespmem:s3], [sflag:$0x3] =	stream.linear.gather [hbm4b:s12+s3], $0x1400, $0x38;
	[tilespmem:$0x1E800] =	vst v63  }
0x34: {  	_ =	swait.ge [sflag:s22], $0x1400  }
0x35: {  	[sflag:s22] =	ssyncset.done $0x0  }
0x36: {  	s13 =	rddreg [dreg:$0x5];
	[sflag:s22] =	ssyncadd.s32 $0xFFFFEC00  }
0x37: {  	[tilespmem:s23], [sflag:$0x3] =	stream.linear.gather [hbm4b:s13+s3], $0x1400, $0x38;
	[tilespmem:$0x1E800] =	vst v63  }
0x38: {  	_ =	swait.ge [sflag:s22], $0x1400  }
0x39: {  	[sflag:s22] =	ssyncset.done $0x0  }
0x3a: {  	[sflag:s22] =	ssyncadd.s32 $0xFFFFEC00  }
0x3b: {  	[tilespmem:s21], [sflag:$0x1] =	stream.indirect.gather [hbm4b:s5+s24], $0x80, s3, s24, $0xb8;
	[tilespmem:$0x1E800] =	vst v63  }
0x3c: {  	s4 =	simm.s32 $0x80  }
0x3d: {  	[tilespmem:s25], [sflag:$0x2] =	stream.indirect.gather [hbm4b:s5+s24], $0x80, s4, s24, $0xb8;
	[tilespmem:$0x1E800] =	vst v63  }
0x3e: {  	_ =	swait.ge [sflag:s26], $0x4000  }
0x3f: {  	[sflag:s26] =	ssyncset.done $0x0  }
0x40: {  	s11 =	simm.s32 $0x1400;
	[sflag:s26] =	ssyncadd.s32 $0xFFFFC000  }
0x41: {  	[spmem:s2] =	stream.indirect.scatter.add.f32 [tilespmem:s21], [sflag:$0x3], $0x80, s11, s24, $0xb8;
	[tilespmem:$0x1E800] =	vst v63  }
0x42: {  	_ =	swait.ge [sflag:s22], $0x4000  }
0x43: {  	[sflag:s22] =	ssyncset.done $0x0  }
0x44: {  	s12 =	simm.s32 $0x100;
	[sflag:s22] =	ssyncadd.s32 $0xFFFFC000  }
0x45: {  	[tilespmem:s21], [sflag:$0x1] =	stream.indirect.gather [hbm4b:s5+s24], $0x80, s12, s24, $0xb8;
	[tilespmem:$0x1E800] =	vst v63  }
0x46: {  	_ =	swait.ge [sflag:s28], $0x4000  }
0x47: {  	[sflag:s28] =	ssyncset.done $0x0  }
0x48: {  	s13 =	simm.s32 $0x1480;
	[sflag:s28] =	ssyncadd.s32 $0xFFFFC000  }
0x49: {  	[spmem:s2] =	stream.indirect.scatter.add.f32 [tilespmem:s25], [sflag:$0x3], $0x80, s13, s24, $0xb8;
	[tilespmem:$0x1E800] =	vst v63  }
0x4a: {  	_ =	swait.ge [sflag:s22], $0x4000  }
0x4b: {  	s1 =	simm.s32 $0x800;
	s4 =	simm.s32 $0x100;
	[sflag:s22] =	ssyncset.done $0x0  }
.LBB2_2:
0x4c: {  	s11 =	sadd.s32 $0x80, s4  }
0x4d: {  	[sflag:s22] =	ssyncadd.s32 $0xFFFFC000;
	s12 =	smov.u32 s1;
	s13 =	sadd.s32 $0x400, s1  }
0x4e: {  	[tilespmem:s25], [sflag:$0x2] =	stream.indirect.gather [hbm4b:s5+s24], $0x80, s11, s24, $0xb8;
	[tilespmem:$0x1E800] =	vst v63  }
0x4f: {  	p0 =	sne.s32 s1, $0x4800;
	_ =	swait.ge [sflag:s26], $0x4000  }
0x50: {  	[sflag:s26] =	ssyncset.done $0x0  }
0x51: {  	s1 =	sadd.s32 $0x1400, s4;
	[sflag:s26] =	ssyncadd.s32 $0xFFFFC000  }
0x52: {  	[spmem:s2] =	stream.indirect.scatter.add.f32 [tilespmem:s21], [sflag:$0x3], $0x80, s1, s24, $0xb8;
	[tilespmem:$0x1E800] =	vst v63  }
0x53: {  	_ =	swait.ge [sflag:s22], $0x4000  }
0x54: {  	[sflag:s22] =	ssyncset.done $0x0  }
0x55: {  	s1 =	sadd.s32 $0x100, s4;
	[sflag:s22] =	ssyncadd.s32 $0xFFFFC000  }
0x56: {  	[tilespmem:s21], [sflag:$0x1] =	stream.indirect.gather [hbm4b:s5+s24], $0x80, s1, s24, $0xb8;
	[tilespmem:$0x1E800] =	vst v63  }
0x57: {  	_ =	swait.ge [sflag:s28], $0x4000  }
.Ltmp0:
0x58: {  	[sflag:s28] =	ssyncset.done $0x0;
	(pc) =	sbr.rel @p0 .LBB2_2-.Ltmp0, $4  }
0x59: {  	s1 =	sadd.s32 $0x1480, s4;
	[sflag:s28] =	ssyncadd.s32 $0xFFFFC000  }
0x5a: {  	[spmem:s2] =	stream.indirect.scatter.add.f32 [tilespmem:s25], [sflag:$0x3], $0x80, s1, s24, $0xb8;
	[tilespmem:$0x1E800] =	vst v63  }
0x5b: {  	_ =	swait.ge [sflag:s22], $0x4000  }
0x5c: {  	s4 =	sshra.s32 s12, $0x2;
	s1 =	smov.u32 s13;
	[sflag:s22] =	ssyncset.done $0x0  }
0x5d: {  	s1 =	sadd.s32 $0x80, s4;
	[sflag:s22] =	ssyncadd.s32 $0xFFFFC000  }
0x5e: {  	[tilespmem:s25], [sflag:$0x2] =	stream.indirect.gather [hbm4b:s5+s24], $0x80, s1, s24, $0xb8;
	[tilespmem:$0x1E800] =	vst v63  }
0x5f: {  	_ =	swait.ge [sflag:s26], $0x4000  }
0x60: {  	[sflag:s26] =	ssyncset.done $0x0  }
0x61: {  	s12 =	sadd.s32 $0x1400, s4;
	[sflag:s26] =	ssyncadd.s32 $0xFFFFC000  }
0x62: {  	[spmem:s2] =	stream.indirect.scatter.add.f32 [tilespmem:s21], [sflag:$0x3], $0x80, s12, s24, $0xb8;
	[tilespmem:$0x1E800] =	vst v63  }
0x63: {  	_ =	swait.ge [sflag:s22], $0x4000  }
0x64: {  	[sflag:s22] =	ssyncset.done $0x0  }
0x65: {  	s13 =	sadd.s32 $0x100, s4;
	[sflag:s22] =	ssyncadd.s32 $0xFFFFC000  }
0x66: {  	[tilespmem:s21], [sflag:$0x1] =	stream.indirect.gather [hbm4b:s5+s24], $0x80, s13, s24, $0xb8;
	[tilespmem:$0x1E800] =	vst v63  }
0x67: {  	_ =	swait.ge [sflag:s28], $0x4000  }
0x68: {  	[sflag:s28] =	ssyncset.done $0x0  }
0x69: {  	s11 =	sadd.s32 $0x1480, s4;
	[sflag:s28] =	ssyncadd.s32 $0xFFFFC000  }
0x6a: {  	[spmem:s2] =	stream.indirect.scatter.add.f32 [tilespmem:s25], [sflag:$0x3], $0x80, s11, s24, $0xb8;
	[tilespmem:$0x1E800] =	vst v63  }
0x6b: {  	_ =	swait.ge [sflag:s22], $0x4000  }
0x6c: {  	[sflag:s22] =	ssyncset.done $0x0  }
0x6d: {  	[sflag:s22] =	ssyncadd.s32 $0xFFFFC000  }
0x6e: {  	[tilespmem:s25], [sflag:$0x2] =	stream.indirect.gather [hbm4b:s5+s24], $0x80, s29, s24, $0xb8;
	[tilespmem:$0x1E800] =	vst v63  }
0x6f: {  	_ =	swait.ge [sflag:s26], $0x4000  }
0x70: {  	[sflag:s26] =	ssyncset.done $0x0  }
0x71: {  	[sflag:s26] =	ssyncadd.s32 $0xFFFFC000  }
0x72: {  	[spmem:s2] =	stream.indirect.scatter.add.f32 [tilespmem:s21], [sflag:$0x3], $0x80, s30, s24, $0xb8;
	[tilespmem:$0x1E800] =	vst v63  }
0x73: {  	_ =	swait.ge [sflag:s22], $0x4000  }
0x74: {  	[sflag:s22] =	ssyncset.done $0x0  }
0x75: {  	[sflag:s22] =	ssyncadd.s32 $0xFFFFC000  }
0x76: {  	_ =	swait.ge [sflag:s28], $0x4000  }
0x77: {  	[sflag:s28] =	ssyncset.done $0x0  }
0x78: {  	[sflag:s28] =	ssyncadd.s32 $0xFFFFC000  }
0x79: {  	[spmem:s2] =	stream.indirect.scatter.add.f32 [tilespmem:s25], [sflag:$0x3], $0x80, s31, s24, $0xb8;
	[tilespmem:$0x1E800] =	vst v63  }
0x7a: {  	_ =	swait.ge [sflag:s22], $0x4000  }
0x7b: {  	[sflag:s22] =	ssyncset.done $0x0  }
0x7c: {  	s12 =	simm.s32 $0x0;
	s13 =	rddreg [dreg:$0x6];
	[sflag:s22] =	ssyncadd.s32 $0xFFFFC000  }
0x7d: {  	[tilespmem:s12], [sflag:$0x3] =	stream.linear.gather [hbm4b:s13+s12], $0x1400, $0x38;
	[tilespmem:$0x1E800] =	vst v63  }
0x7e: {  	_ =	swait.ge [sflag:s22], $0x1400  }
0x7f: {  	[sflag:s22] =	ssyncset.done $0x0  }
0x80: {  	[sflag:s22] =	ssyncadd.s32 $0xFFFFEC00  }
0x81: {  	[tilespmem:s23], [sflag:$0x3] =	stream.linear.gather [hbm4b:s14+s12], $0x1400, $0x38;
	[tilespmem:$0x1E800] =	vst v63  }
0x82: {  	_ =	swait.ge [sflag:s22], $0x1400  }
0x83: {  	[sflag:s22] =	ssyncset.done $0x0  }
0x84: {  	[sflag:s22] =	ssyncadd.s32 $0xFFFFEC00  }
0x85: {  	[tilespmem:s21], [sflag:$0x1] =	stream.indirect.gather [hbm4b:s5+s24], $0x80, s12, s24, $0xb8;
	[tilespmem:$0x1E800] =	vst v63  }
0x86: {  	s4 =	simm.s32 $0x80  }
0x87: {  	[tilespmem:s25], [sflag:$0x2] =	stream.indirect.gather [hbm4b:s5+s24], $0x80, s4, s24, $0xb8;
	[tilespmem:$0x1E800] =	vst v63  }
0x88: {  	_ =	swait.ge [sflag:s26], $0x4000  }
0x89: {  	[sflag:s26] =	ssyncset.done $0x0  }
0x8a: {  	s11 =	simm.s32 $0x1400;
	[sflag:s26] =	ssyncadd.s32 $0xFFFFC000  }
0x8b: {  	[spmem:s2] =	stream.indirect.scatter.add.f32 [tilespmem:s21], [sflag:$0x3], $0x80, s11, s24, $0xb8;
	[tilespmem:$0x1E800] =	vst v63  }
0x8c: {  	_ =	swait.ge [sflag:s22], $0x4000  }
0x8d: {  	[sflag:s22] =	ssyncset.done $0x0  }
0x8e: {  	s12 =	simm.s32 $0x100;
	[sflag:s22] =	ssyncadd.s32 $0xFFFFC000  }
0x8f: {  	[tilespmem:s21], [sflag:$0x1] =	stream.indirect.gather [hbm4b:s5+s24], $0x80, s12, s24, $0xb8;
	[tilespmem:$0x1E800] =	vst v63  }
0x90: {  	_ =	swait.ge [sflag:s28], $0x4000  }
0x91: {  	[sflag:s28] =	ssyncset.done $0x0  }
0x92: {  	s13 =	simm.s32 $0x1480;
	[sflag:s28] =	ssyncadd.s32 $0xFFFFC000  }
0x93: {  	[spmem:s2] =	stream.indirect.scatter.add.f32 [tilespmem:s25], [sflag:$0x3], $0x80, s13, s24, $0xb8;
	[tilespmem:$0x1E800] =	vst v63  }
0x94: {  	_ =	swait.ge [sflag:s22], $0x4000  }
0x95: {  	s1 =	simm.s32 $0x800;
	s4 =	simm.s32 $0x100;
	[sflag:s22] =	ssyncset.done $0x0  }
.LBB2_4:
0x96: {  	s11 =	sadd.s32 $0x80, s4  }
0x97: {  	[sflag:s22] =	ssyncadd.s32 $0xFFFFC000;
	s12 =	smov.u32 s1;
	s13 =	sadd.s32 $0x400, s1  }
0x98: {  	[tilespmem:s25], [sflag:$0x2] =	stream.indirect.gather [hbm4b:s5+s24], $0x80, s11, s24, $0xb8;
	[tilespmem:$0x1E800] =	vst v63  }
0x99: {  	p0 =	sne.s32 s1, $0x4800;
	_ =	swait.ge [sflag:s26], $0x4000  }
0x9a: {  	[sflag:s26] =	ssyncset.done $0x0  }
0x9b: {  	s1 =	sadd.s32 $0x1400, s4;
	[sflag:s26] =	ssyncadd.s32 $0xFFFFC000  }
0x9c: {  	[spmem:s2] =	stream.indirect.scatter.add.f32 [tilespmem:s21], [sflag:$0x3], $0x80, s1, s24, $0xb8;
	[tilespmem:$0x1E800] =	vst v63  }
0x9d: {  	_ =	swait.ge [sflag:s22], $0x4000  }
0x9e: {  	[sflag:s22] =	ssyncset.done $0x0  }
0x9f: {  	s1 =	sadd.s32 $0x100, s4;
	[sflag:s22] =	ssyncadd.s32 $0xFFFFC000  }
0xa0: {  	[tilespmem:s21], [sflag:$0x1] =	stream.indirect.gather [hbm4b:s5+s24], $0x80, s1, s24, $0xb8;
	[tilespmem:$0x1E800] =	vst v63  }
0xa1: {  	_ =	swait.ge [sflag:s28], $0x4000  }
.Ltmp1:
0xa2: {  	[sflag:s28] =	ssyncset.done $0x0;
	(pc) =	sbr.rel @p0 .LBB2_4-.Ltmp1, $4  }
0xa3: {  	s1 =	sadd.s32 $0x1480, s4;
	[sflag:s28] =	ssyncadd.s32 $0xFFFFC000  }
0xa4: {  	[spmem:s2] =	stream.indirect.scatter.add.f32 [tilespmem:s25], [sflag:$0x3], $0x80, s1, s24, $0xb8;
	[tilespmem:$0x1E800] =	vst v63  }
0xa5: {  	_ =	swait.ge [sflag:s22], $0x4000  }
0xa6: {  	s4 =	sshra.s32 s12, $0x2;
	s1 =	smov.u32 s13;
	[sflag:s22] =	ssyncset.done $0x0  }
0xa7: {  	s1 =	sadd.s32 $0x80, s4;
	[sflag:s22] =	ssyncadd.s32 $0xFFFFC000  }
0xa8: {  	[tilespmem:s25], [sflag:$0x2] =	stream.indirect.gather [hbm4b:s5+s24], $0x80, s1, s24, $0xb8;
	[tilespmem:$0x1E800] =	vst v63  }
0xa9: {  	_ =	swait.ge [sflag:s26], $0x4000  }
0xaa: {  	[sflag:s26] =	ssyncset.done $0x0  }
0xab: {  	s11 =	sadd.s32 $0x1400, s4;
	[sflag:s26] =	ssyncadd.s32 $0xFFFFC000  }
0xac: {  	[spmem:s2] =	stream.indirect.scatter.add.f32 [tilespmem:s21], [sflag:$0x3], $0x80, s11, s24, $0xb8;
	[tilespmem:$0x1E800] =	vst v63  }
0xad: {  	_ =	swait.ge [sflag:s22], $0x4000  }
0xae: {  	[sflag:s22] =	ssyncset.done $0x0  }
0xaf: {  	s12 =	sadd.s32 $0x100, s4;
	[sflag:s22] =	ssyncadd.s32 $0xFFFFC000  }
0xb0: {  	[tilespmem:s21], [sflag:$0x1] =	stream.indirect.gather [hbm4b:s5+s24], $0x80, s12, s24, $0xb8;
	[tilespmem:$0x1E800] =	vst v63  }
0xb1: {  	_ =	swait.ge [sflag:s28], $0x4000  }
0xb2: {  	[sflag:s28] =	ssyncset.done $0x0  }
0xb3: {  	s13 =	sadd.s32 $0x1480, s4;
	[sflag:s28] =	ssyncadd.s32 $0xFFFFC000  }
0xb4: {  	[spmem:s2] =	stream.indirect.scatter.add.f32 [tilespmem:s25], [sflag:$0x3], $0x80, s13, s24, $0xb8;
	[tilespmem:$0x1E800] =	vst v63  }
0xb5: {  	_ =	swait.ge [sflag:s22], $0x4000  }
0xb6: {  	[sflag:s22] =	ssyncset.done $0x0  }
0xb7: {  	[sflag:s22] =	ssyncadd.s32 $0xFFFFC000  }
0xb8: {  	[tilespmem:s25], [sflag:$0x2] =	stream.indirect.gather [hbm4b:s5+s24], $0x80, s29, s24, $0xb8;
	[tilespmem:$0x1E800] =	vst v63  }
0xb9: {  	_ =	swait.ge [sflag:s26], $0x4000  }
0xba: {  	[sflag:s26] =	ssyncset.done $0x0  }
0xbb: {  	[sflag:s26] =	ssyncadd.s32 $0xFFFFC000  }
0xbc: {  	[spmem:s2] =	stream.indirect.scatter.add.f32 [tilespmem:s21], [sflag:$0x3], $0x80, s30, s24, $0xb8;
	[tilespmem:$0x1E800] =	vst v63  }
0xbd: {  	_ =	swait.ge [sflag:s22], $0x4000  }
0xbe: {  	[sflag:s22] =	ssyncset.done $0x0  }
0xbf: {  	[sflag:s22] =	ssyncadd.s32 $0xFFFFC000  }
0xc0: {  	_ =	swait.ge [sflag:s28], $0x4000  }
0xc1: {  	[sflag:s28] =	ssyncset.done $0x0  }
0xc2: {  	[sflag:s28] =	ssyncadd.s32 $0xFFFFC000  }
0xc3: {  	[spmem:s2] =	stream.indirect.scatter.add.f32 [tilespmem:s25], [sflag:$0x3], $0x80, s31, s24, $0xb8;
	[tilespmem:$0x1E800] =	vst v63  }
0xc4: {  	_ =	swait.ge [sflag:s22], $0x4000  }
0xc5: {  	[sflag:s22] =	ssyncset.done $0x0  }
0xc6: {  	[sflag:s22] =	ssyncadd.s32 $0xFFFFC000  }
0xc7: {  	[bflag:$0x0] =	sbarrier.arrive $0xFFFF  }
0xc8: {  	[tilespmem:s21], [sflag:$0x3] =	stream.linear.gather [spmem:s6], $0x4000, $0x38;
	[tilespmem:$0x1E800] =	vst v63  }
0xc9: {  	_ =	swait.ge [sflag:s22], $0x4000  }
0xca: {  	[sflag:s22] =	ssyncset.done $0x0  }
0xcb: {  	[sflag:s22] =	ssyncadd.s32 $0xFFFFC000  }
0xcc: {  	[hbm4b:s15+s3] =	stream.linear.scatter [tilespmem:s21], [sflag:$0x3], $0x4000, $0x38;
	[tilespmem:$0x1E800] =	vst v63  }
0xcd: {  	_ =	swait.ge [sflag:s22], $0x4000  }
0xce: {  	[sflag:s22] =	ssyncset.done $0x0  }
0xcf: {  	[sflag:s22] =	ssyncadd.s32 $0xFFFFC000  }
0xd0: {  	[tilespmem:s21], [sflag:$0x3] =	stream.linear.gather [spmem:s7], $0x4000, $0x38;
	[tilespmem:$0x1E800] =	vst v63  }
0xd1: {  	_ =	swait.ge [sflag:s22], $0x4000  }
0xd2: {  	[sflag:s22] =	ssyncset.done $0x0  }
0xd3: {  	[sflag:s22] =	ssyncadd.s32 $0xFFFFC000  }
0xd4: {  	[hbm4b:s16+s3] =	stream.linear.scatter [tilespmem:s21], [sflag:$0x3], $0x4000, $0x38;
	[tilespmem:$0x1E800] =	vst v63  }
0xd5: {  	_ =	swait.ge [sflag:s22], $0x4000  }
0xd6: {  	[sflag:s22] =	ssyncset.done $0x0  }
0xd7: {  	[sflag:s22] =	ssyncadd.s32 $0xFFFFC000  }
0xd8: {  	[tilespmem:s21], [sflag:$0x3] =	stream.linear.gather [spmem:s8], $0x4000, $0x38;
	[tilespmem:$0x1E800] =	vst v63  }
0xd9: {  	_ =	swait.ge [sflag:s22], $0x4000  }
0xda: {  	[sflag:s22] =	ssyncset.done $0x0  }
0xdb: {  	[sflag:s22] =	ssyncadd.s32 $0xFFFFC000  }
0xdc: {  	[hbm4b:s17+s3] =	stream.linear.scatter [tilespmem:s21], [sflag:$0x3], $0x4000, $0x38;
	[tilespmem:$0x1E800] =	vst v63  }
0xdd: {  	_ =	swait.ge [sflag:s22], $0x4000  }
0xde: {  	[sflag:s22] =	ssyncset.done $0x0  }
0xdf: {  	[sflag:s22] =	ssyncadd.s32 $0xFFFFC000  }
0xe0: {  	[tilespmem:s21], [sflag:$0x3] =	stream.linear.gather [spmem:s9], $0x4000, $0x38;
	[tilespmem:$0x1E800] =	vst v63  }
0xe1: {  	_ =	swait.ge [sflag:s22], $0x4000  }
0xe2: {  	[sflag:s22] =	ssyncset.done $0x0  }
0xe3: {  	[sflag:s22] =	ssyncadd.s32 $0xFFFFC000  }
0xe4: {  	[hbm4b:s18+s3] =	stream.linear.scatter [tilespmem:s21], [sflag:$0x3], $0x4000, $0x38;
	[tilespmem:$0x1E800] =	vst v63  }
0xe5: {  	_ =	swait.ge [sflag:s22], $0x4000  }
0xe6: {  	[sflag:s22] =	ssyncset.done $0x0  }
0xe7: {  	[sflag:s22] =	ssyncadd.s32 $0xFFFFC000  }
0xe8: {  	[tilespmem:s21], [sflag:$0x3] =	stream.linear.gather [spmem:s10], $0x4000, $0x38;
	[tilespmem:$0x1E800] =	vst v63  }
0xe9: {  	s0 =	sadd.s32 $0x1, s0;
	_ =	swait.ge [sflag:s22], $0x4000  }
0xea: {  	p0 =	sne.s32 s0, s20;
	[sflag:s22] =	ssyncset.done $0x0  }
.Ltmp2:
0xeb: {  	[sflag:s22] =	ssyncadd.s32 $0xFFFFC000;
	(pc) =	sbr.rel @p0 .LBB2_1-.Ltmp2, $4  }
0xec: {  	[hbm4b:s19+s3] =	stream.linear.scatter [tilespmem:s21], [sflag:$0x3], $0x4000, $0x38;
	[tilespmem:$0x1E800] =	vst v63  }
0xed: {  	_ =	swait.ge [sflag:s22], $0x4000  }
0xee: {  	[sflag:s22] =	ssyncset.done $0x0  }
0xef: {  	[sflag:s22] =	ssyncadd.s32 $0xFFFFC000  }
0xf0: {  	_ =	sfence.sel $0x180000  }
0xf1: {  	[bflag:$0x0] =	sbarrier.arrive $0xFFFF  }
0xf2: {  	_ =	strace $0x9000004A  }
0xf3: {  	s0 =	stileid.u32;
	[bflag:$0x2] =	sbarrier.arrive $0xFFFF  }
0xf4: {  	p0 =	sne.s32 s0, $0x0;
	s0 =	rddreg [dreg:$0x3]  }
0xf5: {  	s0 =	sadd.s32 @!p0 $0x100000, s0  }
0xf6: {  	[sflag:s0] =	ssyncadd.tile.s32 @!p0 $0x1;
	_ =	shalt  }
.Lfunc_end2:
_tile_overlayer_lowered:
.L_overlay_start_2:
0xf7: {  	(tag) =	ssettag $0x2  }
0xf8: {  	s0 =	rddreg [dreg:$0x0];
	s2 =	stileid.u32  }
0xf9: {  	s1 =	rddreg [dreg:$0x1];
	p0 =	sne.s32 s2, $0x0  }
0xfa: {  	s3 =	rddreg [dreg:$0x2];
	[bflag:$0x3] =	sbarrier.arrive $0xFFFF;
	s2 =	simm.s32 @!p0 $0x1C03  }
0xfb: {  	[timem:s3], [sflag:s2] =	dma.local @!p0 [hbm:s0], s1  }
0xfc: {  	s0 =	simm.s32 @!p0 $0x3  }
0xfd: {  	_ =	swait.ge @!p0 [sflag:s0], s1  }
0xfe: {  	s1 =	ssub.s32 @!p0 $0x0, s1;
	[sflag:s0] =	ssyncset.done @!p0 $0x0  }
0xff: {  	[sflag:s0] =	ssyncadd.s32 @!p0 s1  }
0x100: {  	[bflag:$0x3] =	sbarrier.arrive $0xFFFF  }
0x101: {  	_ =	shalt  }

// kernel: kernel.18.cloned.1.call-start
scs
__scs_entry_jumppad:
0x0: {  	(pc) =	sbr.rel $0x88, $3  }
0x1: {  	(tag) =	ssettag $0x0;
	lr =	simm.s32 $0x1  }
0x2: {  	[smem:$0x3F97] =	sst lr;
	_ =	strace $0xD0000000  }
0x3: {  	_ = 	snop  }
0x4: {  	_ = 	snop  }
0x5: {  	_ = 	snop  }
0x6: {  	_ = 	snop  }
0x7: {  	_ = 	snop  }
__scs_overlays_trampoline_lowered:
0x8: {  	[smem:$0x3FA6] =	sst s0  }
0x9: {  	[smem:$0x3FA7] =	sst s1  }
0xa: {  	[smem:$0x3FA8] =	sst s2  }
0xb: {  	[smem:$0x3FA9] =	sst s3  }
0xc: {  	[smem:$0x3FAA] =	sst s4  }
0xd: {  	[smem:$0x3FAB] =	sst s5  }
0xe: {  	[smem:$0x3FAC] =	sst s6  }
0xf: {  	[smem:$0x3FAD] =	sst s7  }
0x10: {  	[smem:$0x3FAE] =	sst s8  }
0x11: {  	[smem:$0x3FAF] =	sst s9;
	s0 =	simm.s32 @!p0 $0x0  }
0x12: {  	s1 =	sld [smem:$0x3F95];
	s0 =	simm.s32 @p0 $0x1  }
0x13: {  	[smem:$0x3FB0] =	sst s0;
	s0 =	simm.s32 @!p1 $0x0  }
0x14: {  	s2 =	sld [smem:$0x3F94];
	s0 =	simm.s32 @p1 $0x1  }
0x15: {  	[smem:$0x3FB1] =	sst s0;
	s0 =	simm.s32 @!p2 $0x0  }
0x16: {  	s3 =	sld [smem:$0x3FDB];
	s0 =	simm.s32 @p2 $0x1  }
0x17: {  	s4 =	simm.s32 $0x1BF5;
	[smem:$0x3FB3] =	sst s0  }
0x18: {  	s0 =	sld [smem:$0x3F96];
	_ =	swait.ge [sflag:s4], $0x0  }
0x19: {  	s7 =	sld [smem:$0x3F97]  }
0x1a: {  	s8 =	sadd.s32 $0xFFFFE003, lr  }
0x1b: {  	s9 =	sadd.s32 $0xFFFFFEF7, lr;
	s5 =	simm.s32 $0xFFFFFFFF;
	p2 =	slt.u32 s8, $0xFFFFF086  }
0x1c: {  	p1 =	slt.u32 s9, $0xF7A;
	s5 =	simm.s32 @!p2 $0x0  }
0x1d: {  	s5 =	simm.s32 @p1 $0x1;
	p0 =	seq.s32 s7, s2  }
0x1e: {  	s7 =	smul.u32 @!p0 $0xF7A, s2;
	p2 =	seq.s32 @!p0 s5, $0x0  }
0x1f: {  	s9 =	smul.u32 $0xF7A, s1;
	s8 =	simm.s32 @!p0 $0x1BF5;
	p2 =	por !p2, p0  }
0x20: {  	[sflag:s8] =	ssyncset.s32 @!p0 $0xFFFFF086;
	s6 =	sadd.s32 @!p0 s3, s7;
	s7 =	simm.s32 @!p0 $0x108  }
0x21: {  	s3 =	sadd.s32 s3, s9;
	s6 =	sadd.s32 @!p0 $0x88, s6;
	s7 =	simm.s32 @p2 $0x1082  }
0x22: {  	[simem:s7], [sflag:s8] =	dma.local @!p0 [hbm:s6], $0xF7A  }
0x23: {  	s9 =	sor.u32 $0xD0000000, s2;
	s6 =	simm.s32 $0x108;
	_ =	swait.ge @!p0 [sflag:s8], $0x0  }
0x24: {  	s3 =	sadd.s32 $0x88, s3;
	s6 =	simm.s32 @!p1 $0x1082;
	[sflag:s4] =	ssyncset.s32 $0xFFFFF086  }
0x25: {  	[simem:s6], [sflag:s4] =	dma.local [hbm:s3], $0xF7A  }
0x26: {  	[smem:$0x3F97] =	sst s1;
	(tag) =	ssettag s2;
	_ =	strace s9  }
0x27: {  	s1 =	sld [smem:$0x3FA7]  }
0x28: {  	s2 =	sld [smem:$0x3FA8]  }
0x29: {  	s4 =	sld [smem:$0x3FAA]  }
0x2a: {  	p0 =	seq.s32 s5, $0x0;
	s5 =	sld [smem:$0x3FAB]  }
0x2b: {  	s6 =	sld [smem:$0x3FAC]  }
0x2c: {  	s7 =	sld [smem:$0x3FAD]  }
0x2d: {  	s3 =	simm.s32 $0x108;
	s8 =	sld [smem:$0x3FAE]  }
0x2e: {  	s3 =	simm.s32 @!p0 $0x1082;
	s9 =	sld [smem:$0x3FAF]  }
0x2f: {  	lr =	sadd.s32 s0, s3;
	s0 =	sld [smem:$0x3FA6]  }
0x30: {  	s3 =	sld [smem:$0x3FA9]  }
0x31: {  	[smem:$0x3FB2] =	sst s10  }
0x32: {  	s10 =	sld [smem:$0x3FB0];
	_ =	sdelay $0x3  }
0x33: {  	p0 =	seq.s32 s10, $0x1;
	s10 =	sld [smem:$0x3FB2];
	_ =	sdelay $0x3  }
0x34: {  	[smem:$0x3FB2] =	sst s10  }
0x35: {  	s10 =	sld [smem:$0x3FB1];
	_ =	sdelay $0x3  }
0x36: {  	p1 =	seq.s32 s10, $0x1;
	s10 =	sld [smem:$0x3FB2];
	_ =	sdelay $0x3  }
0x37: {  	[smem:$0x3FB2] =	sst s10  }
0x38: {  	s10 =	sld [smem:$0x3FB3]  }
0x39: {  	_ = 	snop;
	(pc) =	sbr.ind lr, $3  }
0x3a: {  	_ = 	snop  }
0x3b: {  	_ = 	snop  }
0x3c: {  	p2 =	seq.s32 s10, $0x1;
	s10 =	sld [smem:$0x3FB2]  }
0x3d: {  	_ =	shalt  }
0x3e: {  	_ =	shalt  }
0x3f: {  	_ =	shalt  }
0x40: {  	_ =	shalt  }
0x41: {  	_ =	shalt  }
0x42: {  	_ =	shalt  }
0x43: {  	_ =	shalt  }
0x44: {  	_ =	shalt  }
0x45: {  	_ =	shalt  }
0x46: {  	_ =	shalt  }
0x47: {  	_ =	shalt  }
0x48: {  	_ =	shalt  }
0x49: {  	_ =	shalt  }
0x4a: {  	_ =	shalt  }
0x4b: {  	_ =	shalt  }
0x4c: {  	_ =	shalt  }
0x4d: {  	_ =	shalt  }
0x4e: {  	_ =	shalt  }
0x4f: {  	_ =	shalt  }
0x50: {  	_ =	shalt  }
0x51: {  	_ =	shalt  }
0x52: {  	_ =	shalt  }
0x53: {  	_ =	shalt  }
0x54: {  	_ =	shalt  }
0x55: {  	_ =	shalt  }
0x56: {  	_ =	shalt  }
0x57: {  	_ =	shalt  }
0x58: {  	_ =	shalt  }
0x59: {  	_ =	shalt  }
0x5a: {  	_ =	shalt  }
0x5b: {  	_ =	shalt  }
0x5c: {  	_ =	shalt  }
0x5d: {  	_ =	shalt  }
0x5e: {  	_ =	shalt  }
0x5f: {  	_ =	shalt  }
0x60: {  	_ =	shalt  }
0x61: {  	_ =	shalt  }
0x62: {  	_ =	shalt  }
0x63: {  	_ =	shalt  }
0x64: {  	_ =	shalt  }
0x65: {  	_ =	shalt  }
0x66: {  	_ =	shalt  }
0x67: {  	_ =	shalt  }
0x68: {  	_ =	shalt  }
0x69: {  	_ =	shalt  }
0x6a: {  	_ =	shalt  }
0x6b: {  	_ =	shalt  }
0x6c: {  	_ =	shalt  }
0x6d: {  	_ =	shalt  }
0x6e: {  	_ =	shalt  }
0x6f: {  	_ =	shalt  }
0x70: {  	_ =	shalt  }
0x71: {  	_ =	shalt  }
0x72: {  	_ =	shalt  }
0x73: {  	_ =	shalt  }
0x74: {  	_ =	shalt  }
0x75: {  	_ =	shalt  }
0x76: {  	_ =	shalt  }
0x77: {  	_ =	shalt  }
0x78: {  	_ =	shalt  }
0x79: {  	_ =	shalt  }
0x7a: {  	_ =	shalt  }
0x7b: {  	_ =	shalt  }
0x7c: {  	_ =	shalt  }
0x7d: {  	_ =	shalt  }
0x7e: {  	_ =	shalt  }
0x7f: {  	_ =	shalt  }
0x80: {  	_ =	shalt  }
0x81: {  	_ =	shalt  }
0x82: {  	_ =	shalt  }
0x83: {  	_ =	shalt  }
0x84: {  	_ =	shalt  }
0x85: {  	_ =	shalt  }
0x86: {  	_ =	shalt  }
0x87: {  	_ =	shalt  }
.Lfunc_end0:
.L_simem_size_0:
called_computation.2_lowered:
.L_overlay_start_0:
0x88: {  	s2 =	sld [smem:$0x3FD9]  }
0x89: {  	s3 =	sld [smem:$0x3FFE];
	_ =	sdelay $0x1  }
0x8a: {  	s1 =	srdreg.scid  }
0x8b: {  	s0 =	sand.u32 $0x1, s1  }
0x8c: {  	s17 =	sshll.u32 s0, $0xA;
	s2 =	sadd.s32 s3, s2  }
0x8d: {  	s2 =	sadd.s32 s2, s17  }
0x8e: {  	[smem:$0x3FBE] =	sst s2  }
0x8f: {  	_ = 	snop  }
0x90: {  	s2 =	sld [smem:$0x3FD0];
	(tm) =	ssettm $0x1  }
0x91: {  	s18 =	sld [smem:$0x3FFB];
	_ =	sdelay $0x3  }
0x92: {  	_ =	strace s18  }
0x93: {  	s3 =	sld [smem:$0x3FFC];
	_ =	sdelay $0x3  }
0x94: {  	_ =	strace s3  }
0x95: {  	s3 =	sld [smem:$0x3FFD];
	_ =	sdelay $0x3  }
0x96: {  	_ =	strace s3  }
0x97: {  	_ =	strace $0x8FFFFFFF  }
0x98: {  	s19 =	sld [smem:$0x3FDB];
	_ =	sdelay $0x1  }
0x99: {  	s4 =	simm.s32 $_scs_section_size  }
0x9a: {  	s5 =	simm.s32 $_size__tile_overlayer_lowered;
	s6 =	simm.s32 $_tile_overlayer_lowered  }
0x9b: {  	s22 =	simm.s32 $0x1BFF;
	s21 =	sshll.u32 s6, $0x1;
	s3 =	sadd.s32 s4, s19  }
0x9c: {  	s7 =	simm.s32 $0x0;
	s20 =	sshll.u32 s5, $0x1;
	s5 =	sadd.s32 s21, s3  }
0x9d: {  	[timem:s7], [sflag:s22] =	dma.local [hbm:s5], s20  }
0x9e: {  	_ =	swait.ge [sflag:s22], s20  }
0x9f: {  	s4 =	ssub.s32 $0x0, s20;
	[sflag:s22] =	ssyncset.done $0x0  }
0xa0: {  	[sflag:s22] =	ssyncadd.s32 s4;
	_ =	sdelay $0x1  }
0xa1: {  	s23 =	simm.s32 $0x1B8B  }
0xa2: {  	_ =	swait.ge [sflag:s23], $0x1  }
0xa3: {  	[sflag:s23] =	ssyncset.done $0x0  }
0xa4: {  	s25 =	simm.s32 $0x1B8E;
	s24 =	sld [smem:$0x3FFE];
	[sflag:s23] =	ssyncadd.s32 $0xFFFFFFFF  }
0xa5: {  	s26 =	simm.s32 $execute0_lowered;
	[smem:$0x3FD2] =	sst s25  }
0xa6: {  	s5 =	sshll.u32 s26, $0x1;
	_ =	strace $0x8000004C;
	[dreg:$0x1] =	wrdreg $0xFFFFFFFF  }
0xa7: {  	s28 =	simm.s32 $_size_execute0_lowered;
	s3 =	sadd.s32 s3, s5;
	[dreg:$0x0] =	wrdreg $0x0  }
0xa8: {  	s5 =	sshll.u32 s28, $0x1;
	[dreg:$0x2] =	wrdreg s3  }
0xa9: {  	[dreg:$0x3] =	wrdreg s5  }
0xaa: {  	[dreg:$0x4] =	wrdreg $0xC0  }
0xab: {  	_ =	task [dreg:s7], $0x5FFFF  }
0xac: {  	[dreg:$0x1] =	wrdreg $0xFFFFFFFF  }
0xad: {  	[dreg:$0x0] =	wrdreg $0x60  }
0xae: {  	[dreg:$0x2] =	wrdreg s24  }
0xaf: {  	[dreg:$0x3] =	wrdreg s2  }
0xb0: {  	[dreg:$0x4] =	wrdreg $0xA8000  }
0xb1: {  	[dreg:$0x5] =	wrdreg $0x9  }
0xb2: {  	_ =	task.clear_ibuf [dreg:s7], $0x6FFFF;
	_ =	strace $0x9000004C  }
0xb3: {  	s29 =	simm.s32 $0x9;
	_ =	strace $0x8000004E  }
0xb4: {  	_ =	swait.ge [sflag:s29], $0x1  }
0xb5: {  	[sflag:s29] =	ssyncadd.s32 $0xFFFFFFFF  }
0xb6: {  	_ =	strace $0x9000004E  }
0xb7: {  	_ =	sfence  }
0xb8: {  	s30 =	sld [smem:$0x0];
	_ =	sdelay $0x2  }
0xb9: {  	s31 =	sshll.u32 s1, $0xD;
	s1 =	sshrl.u32 s1, $0x2  }
0xba: {  	s3 =	sand.u32 $0x4000, s31;
	s1 =	sadd.s32 s1, s30  }
0xbb: {  	s0 =	sor.u32 s3, s0;
	s1 =	sshll.u32 s1, $0x11  }
0xbc: {  	s0 =	sor.u32 s1, s0  }
0xbd: {  	s0 =	sadd.s32 $0x8F2B, s0  }
0xbe: {  	[sflag:s0] =	ssyncadd.remote.s32 $0x1  }
0xbf: {  	_ =	sfence.sel $0xFFFF  }
0xc0: {  	[dreg:$0x0] =	wrdreg $0xFFFFFFFF;
	(pc) =	sbr.abs _section_cstart, $3  }
0xc1: {  	[dreg:$0x1] =	wrdreg $0xFFFFFFFF  }
0xc2: {  	_ =	task.clear_ibuf [dreg:s7], $0x2FFFF;
	_ =	strace $0x9FFFFFFF  }
0xc3: {  	(tm) =	ssettm $0x7FFFFFFF  }
tec
execute0_lowered:
.L_overlay_start_1:
0x0: {  	(tag) =	ssettag $0x1  }
0x1: {  	s0 =	rddreg [dreg:$0x0]  }
0x2: {  	s2 =	rddreg [dreg:$0x2];
	s3 =	simm.s32 $0x0;
	s1 =	srdreg.scid  }
0x3: {  	s9 =	stileid.u32;
	s28 =	simm.s32 $0x2;
	s29 =	simm.s32 $0x1380  }
0x4: {  	s30 =	simm.s32 $0x2700;
	s31 =	simm.s32 $0x2780;
	[smem:$0x7FF] =	sst s3  }
0x5: {  	s5 =	sadd.s32 $0x2E00, s0;
	s4 =	sadd.s32 $0x2AE00, s0;
	s1 =	sand.u32 $0x1, s1  }
0x6: {  	s14 =	sadd.s32 $0x34E00, s0;
	s7 =	smul.u32 $0x50000, s9;
	s0 =	sadd.s32 $0x3EE00, s0  }
0x7: {  	s13 =	smul.u32 $0x14000, s9;
	s19 =	sshll.u32 s9, $0x1;
	_ =	strace $0x8000004D  }
0x8: {  	s6 =	ssub.s32 $0x2, s1;
	s21 =	sor.u32 s1, s19;
	s1 =	smul.u32 $0x140000, s1  }
0x9: {  	s8 =	sshrl.u32 s6, $0x1;
	s7 =	sshrl.u32 s7, $0x2;
	s15 =	sadd.s32 $0x4000, s13  }
0xa: {  	s17 =	sadd.s32 $0x8000, s13;
	s18 =	sadd.s32 $0xC000, s13;
	s10 =	smul.u32 $0x2800, s21  }
0xb: {  	s19 =	sadd.s32 $0x10000, s13;
	s20 =	ssub.s32 s6, s8;
	s6 =	sadd.s32 s7, s2  }
0xc: {  	s7 =	sadd.s32 s15, s2;
	s8 =	sadd.s32 s17, s2;
	s9 =	sadd.s32 s18, s2  }
0xd: {  	s21 =	sadd.s32 s13, s1;
	s15 =	sadd.s32 s1, s15;
	s25 =	sadd.s32 s1, s17  }
0xe: {  	s26 =	sadd.s32 s1, s18;
	s1 =	sadd.s32 s1, s19;
	s16 =	sshrl.u32 s10, $0x3  }
0xf: {  	s10 =	sadd.s32 s19, s2;
	s23 =	sshrl.u32 s21, $0x3;
	s24 =	sshrl.u32 s15, $0x3  }
0x10: {  	s18 =	sshrl.u32 s26, $0x3;
	s1 =	sshrl.u32 s1, $0x3;
	s20 =	smax.u32 s20, $0x1  }
0x11: {  	s21 =	simm.s32 $0x2800;
	s26 =	simm.s32 $0x1;
	s11 =	sadd.s32 s4, s16  }
0x12: {  	s22 =	sadd.s32 s14, s16;
	s16 =	sadd.s32 $0x280, s16;
	s15 =	sadd.s32 s0, s23  }
0x13: {  	s18 =	sadd.s32 s0, s18;
	s19 =	sadd.s32 s0, s1;
	[dreg:$0x4] =	wrdreg s11  }
0x14: {  	s23 =	simm.s32 $0x1400;
	[dreg:$0x5] =	wrdreg s22;
	s4 =	sadd.s32 s4, s16  }
0x15: {  	s14 =	sadd.s32 s14, s16;
	s16 =	sadd.s32 s0, s24;
	s22 =	simm.s32 $0x3  }
0x16: {  	s24 =	simm.s32 $0x80;
	[dreg:$0x6] =	wrdreg s4;
	s4 =	sshrl.u32 s25, $0x3  }
0x17: {  	s25 =	simm.s32 $0x6800;
	s17 =	sadd.s32 s0, s4;
	s0 =	simm.s32 $0x0  }
.LBB2_1:
0x18: {  	s1 =	rddreg [dreg:$0x1]  }
0x19: {  	[tilespmem:s21], [sflag:$0x3] =	stream.linear.gather [hbm4b:s1+s3], $0x4000, $0x38;
	[tilespmem:$0x1E800] =	vst v63  }
0x1a: {  	_ =	swait.ge [sflag:s22], $0x4000  }
0x1b: {  	[sflag:s22] =	ssyncset.done $0x0  }
0x1c: {  	[sflag:s22] =	ssyncadd.s32 $0xFFFFC000  }
0x1d: {  	[spmem:s6] =	stream.linear.scatter [tilespmem:s21], [sflag:$0x3], $0x4000, $0x38;
	[tilespmem:$0x1E800] =	vst v63  }
0x1e: {  	_ =	swait.ge [sflag:s22], $0x4000  }
0x1f: {  	[sflag:s22] =	ssyncset.done $0x0  }
0x20: {  	[sflag:s22] =	ssyncadd.s32 $0xFFFFC000  }
0x21: {  	[spmem:s7] =	stream.linear.scatter [tilespmem:s21], [sflag:$0x3], $0x4000, $0x38;
	[tilespmem:$0x1E800] =	vst v63  }
0x22: {  	_ =	swait.ge [sflag:s22], $0x4000  }
0x23: {  	[sflag:s22] =	ssyncset.done $0x0  }
0x24: {  	[sflag:s22] =	ssyncadd.s32 $0xFFFFC000  }
0x25: {  	[spmem:s8] =	stream.linear.scatter [tilespmem:s21], [sflag:$0x3], $0x4000, $0x38;
	[tilespmem:$0x1E800] =	vst v63  }
0x26: {  	_ =	swait.ge [sflag:s22], $0x4000  }
0x27: {  	[sflag:s22] =	ssyncset.done $0x0  }
0x28: {  	[sflag:s22] =	ssyncadd.s32 $0xFFFFC000  }
0x29: {  	[spmem:s9] =	stream.linear.scatter [tilespmem:s21], [sflag:$0x3], $0x4000, $0x38;
	[tilespmem:$0x1E800] =	vst v63  }
0x2a: {  	_ =	swait.ge [sflag:s22], $0x4000  }
0x2b: {  	[sflag:s22] =	ssyncset.done $0x0  }
0x2c: {  	[sflag:s22] =	ssyncadd.s32 $0xFFFFC000  }
0x2d: {  	[spmem:s10] =	stream.linear.scatter [tilespmem:s21], [sflag:$0x3], $0x4000, $0x38;
	[tilespmem:$0x1E800] =	vst v63  }
0x2e: {  	_ =	swait.ge [sflag:s22], $0x4000  }
0x2f: {  	[sflag:s22] =	ssyncset.done $0x0  }
0x30: {  	[sflag:s22] =	ssyncadd.s32 $0xFFFFC000  }
0x31: {  	[bflag:$0x0] =	sbarrier.arrive $0xFFFF  }
0x32: {  	s12 =	rddreg [dreg:$0x4]  }
0x33: {  	[tilespmem:s3], [sflag:$0x3] =	stream.linear.gather [hbm4b:s12+s3], $0x1400, $0x38;
	[tilespmem:$0x1E800] =	vst v63  }
0x34: {  	_ =	swait.ge [sflag:s22], $0x1400  }
0x35: {  	[sflag:s22] =	ssyncset.done $0x0  }
0x36: {  	s13 =	rddreg [dreg:$0x5];
	[sflag:s22] =	ssyncadd.s32 $0xFFFFEC00  }
0x37: {  	[tilespmem:s23], [sflag:$0x3] =	stream.linear.gather [hbm4b:s13+s3], $0x1400, $0x38;
	[tilespmem:$0x1E800] =	vst v63  }
0x38: {  	_ =	swait.ge [sflag:s22], $0x1400  }
0x39: {  	[sflag:s22] =	ssyncset.done $0x0  }
0x3a: {  	[sflag:s22] =	ssyncadd.s32 $0xFFFFEC00  }
0x3b: {  	[tilespmem:s21], [sflag:$0x1] =	stream.indirect.gather [hbm4b:s5+s24], $0x80, s3, s24, $0xb8;
	[tilespmem:$0x1E800] =	vst v63  }
0x3c: {  	s4 =	simm.s32 $0x80  }
0x3d: {  	[tilespmem:s25], [sflag:$0x2] =	stream.indirect.gather [hbm4b:s5+s24], $0x80, s4, s24, $0xb8;
	[tilespmem:$0x1E800] =	vst v63  }
0x3e: {  	_ =	swait.ge [sflag:s26], $0x4000  }
0x3f: {  	[sflag:s26] =	ssyncset.done $0x0  }
0x40: {  	s11 =	simm.s32 $0x1400;
	[sflag:s26] =	ssyncadd.s32 $0xFFFFC000  }
0x41: {  	[spmem:s2] =	stream.indirect.scatter.add.f32 [tilespmem:s21], [sflag:$0x3], $0x80, s11, s24, $0xb8;
	[tilespmem:$0x1E800] =	vst v63  }
0x42: {  	_ =	swait.ge [sflag:s22], $0x4000  }
0x43: {  	[sflag:s22] =	ssyncset.done $0x0  }
0x44: {  	s12 =	simm.s32 $0x100;
	[sflag:s22] =	ssyncadd.s32 $0xFFFFC000  }
0x45: {  	[tilespmem:s21], [sflag:$0x1] =	stream.indirect.gather [hbm4b:s5+s24], $0x80, s12, s24, $0xb8;
	[tilespmem:$0x1E800] =	vst v63  }
0x46: {  	_ =	swait.ge [sflag:s28], $0x4000  }
0x47: {  	[sflag:s28] =	ssyncset.done $0x0  }
0x48: {  	s13 =	simm.s32 $0x1480;
	[sflag:s28] =	ssyncadd.s32 $0xFFFFC000  }
0x49: {  	[spmem:s2] =	stream.indirect.scatter.add.f32 [tilespmem:s25], [sflag:$0x3], $0x80, s13, s24, $0xb8;
	[tilespmem:$0x1E800] =	vst v63  }
0x4a: {  	_ =	swait.ge [sflag:s22], $0x4000  }
0x4b: {  	s1 =	simm.s32 $0x800;
	s4 =	simm.s32 $0x100;
	[sflag:s22] =	ssyncset.done $0x0  }
.LBB2_2:
0x4c: {  	s11 =	sadd.s32 $0x80, s4  }
0x4d: {  	[sflag:s22] =	ssyncadd.s32 $0xFFFFC000;
	s12 =	smov.u32 s1;
	s13 =	sadd.s32 $0x400, s1  }
0x4e: {  	[tilespmem:s25], [sflag:$0x2] =	stream.indirect.gather [hbm4b:s5+s24], $0x80, s11, s24, $0xb8;
	[tilespmem:$0x1E800] =	vst v63  }
0x4f: {  	p0 =	sne.s32 s1, $0x4800;
	_ =	swait.ge [sflag:s26], $0x4000  }
0x50: {  	[sflag:s26] =	ssyncset.done $0x0  }
0x51: {  	s1 =	sadd.s32 $0x1400, s4;
	[sflag:s26] =	ssyncadd.s32 $0xFFFFC000  }
0x52: {  	[spmem:s2] =	stream.indirect.scatter.add.f32 [tilespmem:s21], [sflag:$0x3], $0x80, s1, s24, $0xb8;
	[tilespmem:$0x1E800] =	vst v63  }
0x53: {  	_ =	swait.ge [sflag:s22], $0x4000  }
0x54: {  	[sflag:s22] =	ssyncset.done $0x0  }
0x55: {  	s1 =	sadd.s32 $0x100, s4;
	[sflag:s22] =	ssyncadd.s32 $0xFFFFC000  }
0x56: {  	[tilespmem:s21], [sflag:$0x1] =	stream.indirect.gather [hbm4b:s5+s24], $0x80, s1, s24, $0xb8;
	[tilespmem:$0x1E800] =	vst v63  }
0x57: {  	_ =	swait.ge [sflag:s28], $0x4000  }
.Ltmp0:
0x58: {  	[sflag:s28] =	ssyncset.done $0x0;
	(pc) =	sbr.rel @p0 .LBB2_2-.Ltmp0, $4  }
0x59: {  	s1 =	sadd.s32 $0x1480, s4;
	[sflag:s28] =	ssyncadd.s32 $0xFFFFC000  }
0x5a: {  	[spmem:s2] =	stream.indirect.scatter.add.f32 [tilespmem:s25], [sflag:$0x3], $0x80, s1, s24, $0xb8;
	[tilespmem:$0x1E800] =	vst v63  }
0x5b: {  	_ =	swait.ge [sflag:s22], $0x4000  }
0x5c: {  	s4 =	sshra.s32 s12, $0x2;
	s1 =	smov.u32 s13;
	[sflag:s22] =	ssyncset.done $0x0  }
0x5d: {  	s1 =	sadd.s32 $0x80, s4;
	[sflag:s22] =	ssyncadd.s32 $0xFFFFC000  }
0x5e: {  	[tilespmem:s25], [sflag:$0x2] =	stream.indirect.gather [hbm4b:s5+s24], $0x80, s1, s24, $0xb8;
	[tilespmem:$0x1E800] =	vst v63  }
0x5f: {  	_ =	swait.ge [sflag:s26], $0x4000  }
0x60: {  	[sflag:s26] =	ssyncset.done $0x0  }
0x61: {  	s12 =	sadd.s32 $0x1400, s4;
	[sflag:s26] =	ssyncadd.s32 $0xFFFFC000  }
0x62: {  	[spmem:s2] =	stream.indirect.scatter.add.f32 [tilespmem:s21], [sflag:$0x3], $0x80, s12, s24, $0xb8;
	[tilespmem:$0x1E800] =	vst v63  }
0x63: {  	_ =	swait.ge [sflag:s22], $0x4000  }
0x64: {  	[sflag:s22] =	ssyncset.done $0x0  }
0x65: {  	s13 =	sadd.s32 $0x100, s4;
	[sflag:s22] =	ssyncadd.s32 $0xFFFFC000  }
0x66: {  	[tilespmem:s21], [sflag:$0x1] =	stream.indirect.gather [hbm4b:s5+s24], $0x80, s13, s24, $0xb8;
	[tilespmem:$0x1E800] =	vst v63  }
0x67: {  	_ =	swait.ge [sflag:s28], $0x4000  }
0x68: {  	[sflag:s28] =	ssyncset.done $0x0  }
0x69: {  	s11 =	sadd.s32 $0x1480, s4;
	[sflag:s28] =	ssyncadd.s32 $0xFFFFC000  }
0x6a: {  	[spmem:s2] =	stream.indirect.scatter.add.f32 [tilespmem:s25], [sflag:$0x3], $0x80, s11, s24, $0xb8;
	[tilespmem:$0x1E800] =	vst v63  }
0x6b: {  	_ =	swait.ge [sflag:s22], $0x4000  }
0x6c: {  	[sflag:s22] =	ssyncset.done $0x0  }
0x6d: {  	[sflag:s22] =	ssyncadd.s32 $0xFFFFC000  }
0x6e: {  	[tilespmem:s25], [sflag:$0x2] =	stream.indirect.gather [hbm4b:s5+s24], $0x80, s29, s24, $0xb8;
	[tilespmem:$0x1E800] =	vst v63  }
0x6f: {  	_ =	swait.ge [sflag:s26], $0x4000  }
0x70: {  	[sflag:s26] =	ssyncset.done $0x0  }
0x71: {  	[sflag:s26] =	ssyncadd.s32 $0xFFFFC000  }
0x72: {  	[spmem:s2] =	stream.indirect.scatter.add.f32 [tilespmem:s21], [sflag:$0x3], $0x80, s30, s24, $0xb8;
	[tilespmem:$0x1E800] =	vst v63  }
0x73: {  	_ =	swait.ge [sflag:s22], $0x4000  }
0x74: {  	[sflag:s22] =	ssyncset.done $0x0  }
0x75: {  	[sflag:s22] =	ssyncadd.s32 $0xFFFFC000  }
0x76: {  	_ =	swait.ge [sflag:s28], $0x4000  }
0x77: {  	[sflag:s28] =	ssyncset.done $0x0  }
0x78: {  	[sflag:s28] =	ssyncadd.s32 $0xFFFFC000  }
0x79: {  	[spmem:s2] =	stream.indirect.scatter.add.f32 [tilespmem:s25], [sflag:$0x3], $0x80, s31, s24, $0xb8;
	[tilespmem:$0x1E800] =	vst v63  }
0x7a: {  	_ =	swait.ge [sflag:s22], $0x4000  }
0x7b: {  	[sflag:s22] =	ssyncset.done $0x0  }
0x7c: {  	s12 =	simm.s32 $0x0;
	s13 =	rddreg [dreg:$0x6];
	[sflag:s22] =	ssyncadd.s32 $0xFFFFC000  }
0x7d: {  	[tilespmem:s12], [sflag:$0x3] =	stream.linear.gather [hbm4b:s13+s12], $0x1400, $0x38;
	[tilespmem:$0x1E800] =	vst v63  }
0x7e: {  	_ =	swait.ge [sflag:s22], $0x1400  }
0x7f: {  	[sflag:s22] =	ssyncset.done $0x0  }
0x80: {  	[sflag:s22] =	ssyncadd.s32 $0xFFFFEC00  }
0x81: {  	[tilespmem:s23], [sflag:$0x3] =	stream.linear.gather [hbm4b:s14+s12], $0x1400, $0x38;
	[tilespmem:$0x1E800] =	vst v63  }
0x82: {  	_ =	swait.ge [sflag:s22], $0x1400  }
0x83: {  	[sflag:s22] =	ssyncset.done $0x0  }
0x84: {  	[sflag:s22] =	ssyncadd.s32 $0xFFFFEC00  }
0x85: {  	[tilespmem:s21], [sflag:$0x1] =	stream.indirect.gather [hbm4b:s5+s24], $0x80, s12, s24, $0xb8;
	[tilespmem:$0x1E800] =	vst v63  }
0x86: {  	s4 =	simm.s32 $0x80  }
0x87: {  	[tilespmem:s25], [sflag:$0x2] =	stream.indirect.gather [hbm4b:s5+s24], $0x80, s4, s24, $0xb8;
	[tilespmem:$0x1E800] =	vst v63  }
0x88: {  	_ =	swait.ge [sflag:s26], $0x4000  }
0x89: {  	[sflag:s26] =	ssyncset.done $0x0  }
0x8a: {  	s11 =	simm.s32 $0x1400;
	[sflag:s26] =	ssyncadd.s32 $0xFFFFC000  }
0x8b: {  	[spmem:s2] =	stream.indirect.scatter.add.f32 [tilespmem:s21], [sflag:$0x3], $0x80, s11, s24, $0xb8;
	[tilespmem:$0x1E800] =	vst v63  }
0x8c: {  	_ =	swait.ge [sflag:s22], $0x4000  }
0x8d: {  	[sflag:s22] =	ssyncset.done $0x0  }
0x8e: {  	s12 =	simm.s32 $0x100;
	[sflag:s22] =	ssyncadd.s32 $0xFFFFC000  }
0x8f: {  	[tilespmem:s21], [sflag:$0x1] =	stream.indirect.gather [hbm4b:s5+s24], $0x80, s12, s24, $0xb8;
	[tilespmem:$0x1E800] =	vst v63  }
0x90: {  	_ =	swait.ge [sflag:s28], $0x4000  }
0x91: {  	[sflag:s28] =	ssyncset.done $0x0  }
0x92: {  	s13 =	simm.s32 $0x1480;
	[sflag:s28] =	ssyncadd.s32 $0xFFFFC000  }
0x93: {  	[spmem:s2] =	stream.indirect.scatter.add.f32 [tilespmem:s25], [sflag:$0x3], $0x80, s13, s24, $0xb8;
	[tilespmem:$0x1E800] =	vst v63  }
0x94: {  	_ =	swait.ge [sflag:s22], $0x4000  }
0x95: {  	s1 =	simm.s32 $0x800;
	s4 =	simm.s32 $0x100;
	[sflag:s22] =	ssyncset.done $0x0  }
.LBB2_4:
0x96: {  	s11 =	sadd.s32 $0x80, s4  }
0x97: {  	[sflag:s22] =	ssyncadd.s32 $0xFFFFC000;
	s12 =	smov.u32 s1;
	s13 =	sadd.s32 $0x400, s1  }
0x98: {  	[tilespmem:s25], [sflag:$0x2] =	stream.indirect.gather [hbm4b:s5+s24], $0x80, s11, s24, $0xb8;
	[tilespmem:$0x1E800] =	vst v63  }
0x99: {  	p0 =	sne.s32 s1, $0x4800;
	_ =	swait.ge [sflag:s26], $0x4000  }
0x9a: {  	[sflag:s26] =	ssyncset.done $0x0  }
0x9b: {  	s1 =	sadd.s32 $0x1400, s4;
	[sflag:s26] =	ssyncadd.s32 $0xFFFFC000  }
0x9c: {  	[spmem:s2] =	stream.indirect.scatter.add.f32 [tilespmem:s21], [sflag:$0x3], $0x80, s1, s24, $0xb8;
	[tilespmem:$0x1E800] =	vst v63  }
0x9d: {  	_ =	swait.ge [sflag:s22], $0x4000  }
0x9e: {  	[sflag:s22] =	ssyncset.done $0x0  }
0x9f: {  	s1 =	sadd.s32 $0x100, s4;
	[sflag:s22] =	ssyncadd.s32 $0xFFFFC000  }
0xa0: {  	[tilespmem:s21], [sflag:$0x1] =	stream.indirect.gather [hbm4b:s5+s24], $0x80, s1, s24, $0xb8;
	[tilespmem:$0x1E800] =	vst v63  }
0xa1: {  	_ =	swait.ge [sflag:s28], $0x4000  }
.Ltmp1:
0xa2: {  	[sflag:s28] =	ssyncset.done $0x0;
	(pc) =	sbr.rel @p0 .LBB2_4-.Ltmp1, $4  }
0xa3: {  	s1 =	sadd.s32 $0x1480, s4;
	[sflag:s28] =	ssyncadd.s32 $0xFFFFC000  }
0xa4: {  	[spmem:s2] =	stream.indirect.scatter.add.f32 [tilespmem:s25], [sflag:$0x3], $0x80, s1, s24, $0xb8;
	[tilespmem:$0x1E800] =	vst v63  }
0xa5: {  	_ =	swait.ge [sflag:s22], $0x4000  }
0xa6: {  	s4 =	sshra.s32 s12, $0x2;
	s1 =	smov.u32 s13;
	[sflag:s22] =	ssyncset.done $0x0  }
0xa7: {  	s1 =	sadd.s32 $0x80, s4;
	[sflag:s22] =	ssyncadd.s32 $0xFFFFC000  }
0xa8: {  	[tilespmem:s25], [sflag:$0x2] =	stream.indirect.gather [hbm4b:s5+s24], $0x80, s1, s24, $0xb8;
	[tilespmem:$0x1E800] =	vst v63  }
0xa9: {  	_ =	swait.ge [sflag:s26], $0x4000  }
0xaa: {  	[sflag:s26] =	ssyncset.done $0x0  }
0xab: {  	s11 =	sadd.s32 $0x1400, s4;
	[sflag:s26] =	ssyncadd.s32 $0xFFFFC000  }
0xac: {  	[spmem:s2] =	stream.indirect.scatter.add.f32 [tilespmem:s21], [sflag:$0x3], $0x80, s11, s24, $0xb8;
	[tilespmem:$0x1E800] =	vst v63  }
0xad: {  	_ =	swait.ge [sflag:s22], $0x4000  }
0xae: {  	[sflag:s22] =	ssyncset.done $0x0  }
0xaf: {  	s12 =	sadd.s32 $0x100, s4;
	[sflag:s22] =	ssyncadd.s32 $0xFFFFC000  }
0xb0: {  	[tilespmem:s21], [sflag:$0x1] =	stream.indirect.gather [hbm4b:s5+s24], $0x80, s12, s24, $0xb8;
	[tilespmem:$0x1E800] =	vst v63  }
0xb1: {  	_ =	swait.ge [sflag:s28], $0x4000  }
0xb2: {  	[sflag:s28] =	ssyncset.done $0x0  }
0xb3: {  	s13 =	sadd.s32 $0x1480, s4;
	[sflag:s28] =	ssyncadd.s32 $0xFFFFC000  }
0xb4: {  	[spmem:s2] =	stream.indirect.scatter.add.f32 [tilespmem:s25], [sflag:$0x3], $0x80, s13, s24, $0xb8;
	[tilespmem:$0x1E800] =	vst v63  }
0xb5: {  	_ =	swait.ge [sflag:s22], $0x4000  }
0xb6: {  	[sflag:s22] =	ssyncset.done $0x0  }
0xb7: {  	[sflag:s22] =	ssyncadd.s32 $0xFFFFC000  }
0xb8: {  	[tilespmem:s25], [sflag:$0x2] =	stream.indirect.gather [hbm4b:s5+s24], $0x80, s29, s24, $0xb8;
	[tilespmem:$0x1E800] =	vst v63  }
0xb9: {  	_ =	swait.ge [sflag:s26], $0x4000  }
0xba: {  	[sflag:s26] =	ssyncset.done $0x0  }
0xbb: {  	[sflag:s26] =	ssyncadd.s32 $0xFFFFC000  }
0xbc: {  	[spmem:s2] =	stream.indirect.scatter.add.f32 [tilespmem:s21], [sflag:$0x3], $0x80, s30, s24, $0xb8;
	[tilespmem:$0x1E800] =	vst v63  }
0xbd: {  	_ =	swait.ge [sflag:s22], $0x4000  }
0xbe: {  	[sflag:s22] =	ssyncset.done $0x0  }
0xbf: {  	[sflag:s22] =	ssyncadd.s32 $0xFFFFC000  }
0xc0: {  	_ =	swait.ge [sflag:s28], $0x4000  }
0xc1: {  	[sflag:s28] =	ssyncset.done $0x0  }
0xc2: {  	[sflag:s28] =	ssyncadd.s32 $0xFFFFC000  }
0xc3: {  	[spmem:s2] =	stream.indirect.scatter.add.f32 [tilespmem:s25], [sflag:$0x3], $0x80, s31, s24, $0xb8;
	[tilespmem:$0x1E800] =	vst v63  }
0xc4: {  	_ =	swait.ge [sflag:s22], $0x4000  }
0xc5: {  	[sflag:s22] =	ssyncset.done $0x0  }
0xc6: {  	[sflag:s22] =	ssyncadd.s32 $0xFFFFC000  }
0xc7: {  	[bflag:$0x0] =	sbarrier.arrive $0xFFFF  }
0xc8: {  	[tilespmem:s21], [sflag:$0x3] =	stream.linear.gather [spmem:s6], $0x4000, $0x38;
	[tilespmem:$0x1E800] =	vst v63  }
0xc9: {  	_ =	swait.ge [sflag:s22], $0x4000  }
0xca: {  	[sflag:s22] =	ssyncset.done $0x0  }
0xcb: {  	[sflag:s22] =	ssyncadd.s32 $0xFFFFC000  }
0xcc: {  	[hbm4b:s15+s3] =	stream.linear.scatter [tilespmem:s21], [sflag:$0x3], $0x4000, $0x38;
	[tilespmem:$0x1E800] =	vst v63  }
0xcd: {  	_ =	swait.ge [sflag:s22], $0x4000  }
0xce: {  	[sflag:s22] =	ssyncset.done $0x0  }
0xcf: {  	[sflag:s22] =	ssyncadd.s32 $0xFFFFC000  }
0xd0: {  	[tilespmem:s21], [sflag:$0x3] =	stream.linear.gather [spmem:s7], $0x4000, $0x38;
	[tilespmem:$0x1E800] =	vst v63  }
0xd1: {  	_ =	swait.ge [sflag:s22], $0x4000  }
0xd2: {  	[sflag:s22] =	ssyncset.done $0x0  }
0xd3: {  	[sflag:s22] =	ssyncadd.s32 $0xFFFFC000  }
0xd4: {  	[hbm4b:s16+s3] =	stream.linear.scatter [tilespmem:s21], [sflag:$0x3], $0x4000, $0x38;
	[tilespmem:$0x1E800] =	vst v63  }
0xd5: {  	_ =	swait.ge [sflag:s22], $0x4000  }
0xd6: {  	[sflag:s22] =	ssyncset.done $0x0  }
0xd7: {  	[sflag:s22] =	ssyncadd.s32 $0xFFFFC000  }
0xd8: {  	[tilespmem:s21], [sflag:$0x3] =	stream.linear.gather [spmem:s8], $0x4000, $0x38;
	[tilespmem:$0x1E800] =	vst v63  }
0xd9: {  	_ =	swait.ge [sflag:s22], $0x4000  }
0xda: {  	[sflag:s22] =	ssyncset.done $0x0  }
0xdb: {  	[sflag:s22] =	ssyncadd.s32 $0xFFFFC000  }
0xdc: {  	[hbm4b:s17+s3] =	stream.linear.scatter [tilespmem:s21], [sflag:$0x3], $0x4000, $0x38;
	[tilespmem:$0x1E800] =	vst v63  }
0xdd: {  	_ =	swait.ge [sflag:s22], $0x4000  }
0xde: {  	[sflag:s22] =	ssyncset.done $0x0  }
0xdf: {  	[sflag:s22] =	ssyncadd.s32 $0xFFFFC000  }
0xe0: {  	[tilespmem:s21], [sflag:$0x3] =	stream.linear.gather [spmem:s9], $0x4000, $0x38;
	[tilespmem:$0x1E800] =	vst v63  }
0xe1: {  	_ =	swait.ge [sflag:s22], $0x4000  }
0xe2: {  	[sflag:s22] =	ssyncset.done $0x0  }
0xe3: {  	[sflag:s22] =	ssyncadd.s32 $0xFFFFC000  }
0xe4: {  	[hbm4b:s18+s3] =	stream.linear.scatter [tilespmem:s21], [sflag:$0x3], $0x4000, $0x38;
	[tilespmem:$0x1E800] =	vst v63  }
0xe5: {  	_ =	swait.ge [sflag:s22], $0x4000  }
0xe6: {  	[sflag:s22] =	ssyncset.done $0x0  }
0xe7: {  	[sflag:s22] =	ssyncadd.s32 $0xFFFFC000  }
0xe8: {  	[tilespmem:s21], [sflag:$0x3] =	stream.linear.gather [spmem:s10], $0x4000, $0x38;
	[tilespmem:$0x1E800] =	vst v63  }
0xe9: {  	s0 =	sadd.s32 $0x1, s0;
	_ =	swait.ge [sflag:s22], $0x4000  }
0xea: {  	p0 =	sne.s32 s0, s20;
	[sflag:s22] =	ssyncset.done $0x0  }
.Ltmp2:
0xeb: {  	[sflag:s22] =	ssyncadd.s32 $0xFFFFC000;
	(pc) =	sbr.rel @p0 .LBB2_1-.Ltmp2, $4  }
0xec: {  	[hbm4b:s19+s3] =	stream.linear.scatter [tilespmem:s21], [sflag:$0x3], $0x4000, $0x38;
	[tilespmem:$0x1E800] =	vst v63  }
0xed: {  	_ =	swait.ge [sflag:s22], $0x4000  }
0xee: {  	[sflag:s22] =	ssyncset.done $0x0  }
0xef: {  	[sflag:s22] =	ssyncadd.s32 $0xFFFFC000  }
0xf0: {  	_ =	sfence.sel $0x180000  }
0xf1: {  	[bflag:$0x0] =	sbarrier.arrive $0xFFFF  }
0xf2: {  	_ =	strace $0x9000004D  }
0xf3: {  	s0 =	stileid.u32;
	[bflag:$0x2] =	sbarrier.arrive $0xFFFF  }
0xf4: {  	p0 =	sne.s32 s0, $0x0;
	s0 =	rddreg [dreg:$0x3]  }
0xf5: {  	s0 =	sadd.s32 @!p0 $0x100000, s0  }
0xf6: {  	[sflag:s0] =	ssyncadd.tile.s32 @!p0 $0x1;
	_ =	shalt  }
.Lfunc_end2:
_tile_overlayer_lowered:
.L_overlay_start_2:
0xf7: {  	(tag) =	ssettag $0x2  }
0xf8: {  	s0 =	rddreg [dreg:$0x0];
	s2 =	stileid.u32  }
0xf9: {  	s1 =	rddreg [dreg:$0x1];
	p0 =	sne.s32 s2, $0x0  }
0xfa: {  	s3 =	rddreg [dreg:$0x2];
	[bflag:$0x3] =	sbarrier.arrive $0xFFFF;
	s2 =	simm.s32 @!p0 $0x1C03  }
0xfb: {  	[timem:s3], [sflag:s2] =	dma.local @!p0 [hbm:s0], s1  }
0xfc: {  	s0 =	simm.s32 @!p0 $0x3  }
0xfd: {  	_ =	swait.ge @!p0 [sflag:s0], s1  }
0xfe: {  	s1 =	ssub.s32 @!p0 $0x0, s1;
	[sflag:s0] =	ssyncset.done @!p0 $0x0  }
0xff: {  	[sflag:s0] =	ssyncadd.s32 @!p0 s1  }
0x100: {  	[bflag:$0x3] =	sbarrier.arrive $0xFFFF  }
0x101: {  	_ =	shalt  }

// kernel: kernel.21.cloned.1.call-start
scs
__scs_entry_jumppad:
0x0: {  	(pc) =	sbr.rel $0x88, $3  }
0x1: {  	(tag) =	ssettag $0x0;
	lr =	simm.s32 $0x1  }
0x2: {  	[smem:$0x3F97] =	sst lr;
	_ =	strace $0xD0000000  }
0x3: {  	_ = 	snop  }
0x4: {  	_ = 	snop  }
0x5: {  	_ = 	snop  }
0x6: {  	_ = 	snop  }
0x7: {  	_ = 	snop  }
__scs_overlays_trampoline_lowered:
0x8: {  	[smem:$0x3FA6] =	sst s0  }
0x9: {  	[smem:$0x3FA7] =	sst s1  }
0xa: {  	[smem:$0x3FA8] =	sst s2  }
0xb: {  	[smem:$0x3FA9] =	sst s3  }
0xc: {  	[smem:$0x3FAA] =	sst s4  }
0xd: {  	[smem:$0x3FAB] =	sst s5  }
0xe: {  	[smem:$0x3FAC] =	sst s6  }
0xf: {  	[smem:$0x3FAD] =	sst s7  }
0x10: {  	[smem:$0x3FAE] =	sst s8  }
0x11: {  	[smem:$0x3FAF] =	sst s9;
	s0 =	simm.s32 @!p0 $0x0  }
0x12: {  	s1 =	sld [smem:$0x3F95];
	s0 =	simm.s32 @p0 $0x1  }
0x13: {  	[smem:$0x3FB0] =	sst s0;
	s0 =	simm.s32 @!p1 $0x0  }
0x14: {  	s2 =	sld [smem:$0x3F94];
	s0 =	simm.s32 @p1 $0x1  }
0x15: {  	[smem:$0x3FB1] =	sst s0;
	s0 =	simm.s32 @!p2 $0x0  }
0x16: {  	s3 =	sld [smem:$0x3FDB];
	s0 =	simm.s32 @p2 $0x1  }
0x17: {  	s4 =	simm.s32 $0x1BF5;
	[smem:$0x3FB3] =	sst s0  }
0x18: {  	s0 =	sld [smem:$0x3F96];
	_ =	swait.ge [sflag:s4], $0x0  }
0x19: {  	s7 =	sld [smem:$0x3F97]  }
0x1a: {  	s8 =	sadd.s32 $0xFFFFE003, lr  }
0x1b: {  	s9 =	sadd.s32 $0xFFFFFEF7, lr;
	s5 =	simm.s32 $0xFFFFFFFF;
	p2 =	slt.u32 s8, $0xFFFFF086  }
0x1c: {  	p1 =	slt.u32 s9, $0xF7A;
	s5 =	simm.s32 @!p2 $0x0  }
0x1d: {  	s5 =	simm.s32 @p1 $0x1;
	p0 =	seq.s32 s7, s2  }
0x1e: {  	s7 =	smul.u32 @!p0 $0xF7A, s2;
	p2 =	seq.s32 @!p0 s5, $0x0  }
0x1f: {  	s9 =	smul.u32 $0xF7A, s1;
	s8 =	simm.s32 @!p0 $0x1BF5;
	p2 =	por !p2, p0  }
0x20: {  	[sflag:s8] =	ssyncset.s32 @!p0 $0xFFFFF086;
	s6 =	sadd.s32 @!p0 s3, s7;
	s7 =	simm.s32 @!p0 $0x108  }
0x21: {  	s3 =	sadd.s32 s3, s9;
	s6 =	sadd.s32 @!p0 $0x88, s6;
	s7 =	simm.s32 @p2 $0x1082  }
0x22: {  	[simem:s7], [sflag:s8] =	dma.local @!p0 [hbm:s6], $0xF7A  }
0x23: {  	s9 =	sor.u32 $0xD0000000, s2;
	s6 =	simm.s32 $0x108;
	_ =	swait.ge @!p0 [sflag:s8], $0x0  }
0x24: {  	s3 =	sadd.s32 $0x88, s3;
	s6 =	simm.s32 @!p1 $0x1082;
	[sflag:s4] =	ssyncset.s32 $0xFFFFF086  }
0x25: {  	[simem:s6], [sflag:s4] =	dma.local [hbm:s3], $0xF7A  }
0x26: {  	[smem:$0x3F97] =	sst s1;
	(tag) =	ssettag s2;
	_ =	strace s9  }
0x27: {  	s1 =	sld [smem:$0x3FA7]  }
0x28: {  	s2 =	sld [smem:$0x3FA8]  }
0x29: {  	s4 =	sld [smem:$0x3FAA]  }
0x2a: {  	p0 =	seq.s32 s5, $0x0;
	s5 =	sld [smem:$0x3FAB]  }
0x2b: {  	s6 =	sld [smem:$0x3FAC]  }
0x2c: {  	s7 =	sld [smem:$0x3FAD]  }
0x2d: {  	s3 =	simm.s32 $0x108;
	s8 =	sld [smem:$0x3FAE]  }
0x2e: {  	s3 =	simm.s32 @!p0 $0x1082;
	s9 =	sld [smem:$0x3FAF]  }
0x2f: {  	lr =	sadd.s32 s0, s3;
	s0 =	sld [smem:$0x3FA6]  }
0x30: {  	s3 =	sld [smem:$0x3FA9]  }
0x31: {  	[smem:$0x3FB2] =	sst s10  }
0x32: {  	s10 =	sld [smem:$0x3FB0];
	_ =	sdelay $0x3  }
0x33: {  	p0 =	seq.s32 s10, $0x1;
	s10 =	sld [smem:$0x3FB2];
	_ =	sdelay $0x3  }
0x34: {  	[smem:$0x3FB2] =	sst s10  }
0x35: {  	s10 =	sld [smem:$0x3FB1];
	_ =	sdelay $0x3  }
0x36: {  	p1 =	seq.s32 s10, $0x1;
	s10 =	sld [smem:$0x3FB2];
	_ =	sdelay $0x3  }
0x37: {  	[smem:$0x3FB2] =	sst s10  }
0x38: {  	s10 =	sld [smem:$0x3FB3]  }
0x39: {  	_ = 	snop;
	(pc) =	sbr.ind lr, $3  }
0x3a: {  	_ = 	snop  }
0x3b: {  	_ = 	snop  }
0x3c: {  	p2 =	seq.s32 s10, $0x1;
	s10 =	sld [smem:$0x3FB2]  }
0x3d: {  	_ =	shalt  }
0x3e: {  	_ =	shalt  }
0x3f: {  	_ =	shalt  }
0x40: {  	_ =	shalt  }
0x41: {  	_ =	shalt  }
0x42: {  	_ =	shalt  }
0x43: {  	_ =	shalt  }
0x44: {  	_ =	shalt  }
0x45: {  	_ =	shalt  }
0x46: {  	_ =	shalt  }
0x47: {  	_ =	shalt  }
0x48: {  	_ =	shalt  }
0x49: {  	_ =	shalt  }
0x4a: {  	_ =	shalt  }
0x4b: {  	_ =	shalt  }
0x4c: {  	_ =	shalt  }
0x4d: {  	_ =	shalt  }
0x4e: {  	_ =	shalt  }
0x4f: {  	_ =	shalt  }
0x50: {  	_ =	shalt  }
0x51: {  	_ =	shalt  }
0x52: {  	_ =	shalt  }
0x53: {  	_ =	shalt  }
0x54: {  	_ =	shalt  }
0x55: {  	_ =	shalt  }
0x56: {  	_ =	shalt  }
0x57: {  	_ =	shalt  }
0x58: {  	_ =	shalt  }
0x59: {  	_ =	shalt  }
0x5a: {  	_ =	shalt  }
0x5b: {  	_ =	shalt  }
0x5c: {  	_ =	shalt  }
0x5d: {  	_ =	shalt  }
0x5e: {  	_ =	shalt  }
0x5f: {  	_ =	shalt  }
0x60: {  	_ =	shalt  }
0x61: {  	_ =	shalt  }
0x62: {  	_ =	shalt  }
0x63: {  	_ =	shalt  }
0x64: {  	_ =	shalt  }
0x65: {  	_ =	shalt  }
0x66: {  	_ =	shalt  }
0x67: {  	_ =	shalt  }
0x68: {  	_ =	shalt  }
0x69: {  	_ =	shalt  }
0x6a: {  	_ =	shalt  }
0x6b: {  	_ =	shalt  }
0x6c: {  	_ =	shalt  }
0x6d: {  	_ =	shalt  }
0x6e: {  	_ =	shalt  }
0x6f: {  	_ =	shalt  }
0x70: {  	_ =	shalt  }
0x71: {  	_ =	shalt  }
0x72: {  	_ =	shalt  }
0x73: {  	_ =	shalt  }
0x74: {  	_ =	shalt  }
0x75: {  	_ =	shalt  }
0x76: {  	_ =	shalt  }
0x77: {  	_ =	shalt  }
0x78: {  	_ =	shalt  }
0x79: {  	_ =	shalt  }
0x7a: {  	_ =	shalt  }
0x7b: {  	_ =	shalt  }
0x7c: {  	_ =	shalt  }
0x7d: {  	_ =	shalt  }
0x7e: {  	_ =	shalt  }
0x7f: {  	_ =	shalt  }
0x80: {  	_ =	shalt  }
0x81: {  	_ =	shalt  }
0x82: {  	_ =	shalt  }
0x83: {  	_ =	shalt  }
0x84: {  	_ =	shalt  }
0x85: {  	_ =	shalt  }
0x86: {  	_ =	shalt  }
0x87: {  	_ =	shalt  }
.Lfunc_end0:
.L_simem_size_0:
called_computation.3_lowered:
.L_overlay_start_0:
0x88: {  	s2 =	sld [smem:$0x3FD9]  }
0x89: {  	s3 =	sld [smem:$0x3FFE];
	_ =	sdelay $0x1  }
0x8a: {  	s1 =	srdreg.scid  }
0x8b: {  	s0 =	sand.u32 $0x1, s1  }
0x8c: {  	s17 =	sshll.u32 s0, $0xA;
	s2 =	sadd.s32 s3, s2  }
0x8d: {  	s2 =	sadd.s32 s2, s17  }
0x8e: {  	[smem:$0x3FBE] =	sst s2  }
0x8f: {  	_ = 	snop  }
0x90: {  	s2 =	sld [smem:$0x3FD0];
	(tm) =	ssettm $0x1  }
0x91: {  	s18 =	sld [smem:$0x3FFB];
	_ =	sdelay $0x3  }
0x92: {  	_ =	strace s18  }
0x93: {  	s3 =	sld [smem:$0x3FFC];
	_ =	sdelay $0x3  }
0x94: {  	_ =	strace s3  }
0x95: {  	s3 =	sld [smem:$0x3FFD];
	_ =	sdelay $0x3  }
0x96: {  	_ =	strace s3  }
0x97: {  	_ =	strace $0x8FFFFFFF  }
0x98: {  	s19 =	sld [smem:$0x3FDB];
	_ =	sdelay $0x1  }
0x99: {  	s4 =	simm.s32 $_scs_section_size  }
0x9a: {  	s5 =	simm.s32 $_size__tile_overlayer_lowered;
	s6 =	simm.s32 $_tile_overlayer_lowered  }
0x9b: {  	s22 =	simm.s32 $0x1BFF;
	s21 =	sshll.u32 s6, $0x1;
	s3 =	sadd.s32 s4, s19  }
0x9c: {  	s7 =	simm.s32 $0x0;
	s20 =	sshll.u32 s5, $0x1;
	s5 =	sadd.s32 s21, s3  }
0x9d: {  	[timem:s7], [sflag:s22] =	dma.local [hbm:s5], s20  }
0x9e: {  	_ =	swait.ge [sflag:s22], s20  }
0x9f: {  	s4 =	ssub.s32 $0x0, s20;
	[sflag:s22] =	ssyncset.done $0x0  }
0xa0: {  	[sflag:s22] =	ssyncadd.s32 s4;
	_ =	sdelay $0x1  }
0xa1: {  	s23 =	simm.s32 $0x1B8B  }
0xa2: {  	_ =	swait.ge [sflag:s23], $0x1  }
0xa3: {  	[sflag:s23] =	ssyncset.done $0x0  }
0xa4: {  	s25 =	simm.s32 $0x1B8E;
	s24 =	sld [smem:$0x3FFE];
	[sflag:s23] =	ssyncadd.s32 $0xFFFFFFFF  }
0xa5: {  	s26 =	simm.s32 $execute0_lowered;
	[smem:$0x3FD2] =	sst s25  }
0xa6: {  	s5 =	sshll.u32 s26, $0x1;
	_ =	strace $0x8000004F;
	[dreg:$0x1] =	wrdreg $0xFFFFFFFF  }
0xa7: {  	s28 =	simm.s32 $_size_execute0_lowered;
	s3 =	sadd.s32 s3, s5;
	[dreg:$0x0] =	wrdreg $0x0  }
0xa8: {  	s5 =	sshll.u32 s28, $0x1;
	[dreg:$0x2] =	wrdreg s3  }
0xa9: {  	[dreg:$0x3] =	wrdreg s5  }
0xaa: {  	[dreg:$0x4] =	wrdreg $0xC0  }
0xab: {  	_ =	task [dreg:s7], $0x5FFFF  }
0xac: {  	[dreg:$0x1] =	wrdreg $0xFFFFFFFF  }
0xad: {  	[dreg:$0x0] =	wrdreg $0x60  }
0xae: {  	[dreg:$0x2] =	wrdreg s24  }
0xaf: {  	[dreg:$0x3] =	wrdreg s2  }
0xb0: {  	[dreg:$0x4] =	wrdreg $0xA8000  }
0xb1: {  	[dreg:$0x5] =	wrdreg $0x9  }
0xb2: {  	_ =	task.clear_ibuf [dreg:s7], $0x6FFFF;
	_ =	strace $0x9000004F  }
0xb3: {  	s29 =	simm.s32 $0x9;
	_ =	strace $0x80000051  }
0xb4: {  	_ =	swait.ge [sflag:s29], $0x1  }
0xb5: {  	[sflag:s29] =	ssyncadd.s32 $0xFFFFFFFF  }
0xb6: {  	_ =	strace $0x90000051  }
0xb7: {  	_ =	sfence  }
0xb8: {  	s30 =	sld [smem:$0x0];
	_ =	sdelay $0x2  }
0xb9: {  	s31 =	sshll.u32 s1, $0xD;
	s1 =	sshrl.u32 s1, $0x2  }
0xba: {  	s3 =	sand.u32 $0x4000, s31;
	s1 =	sadd.s32 s1, s30  }
0xbb: {  	s0 =	sor.u32 s3, s0;
	s1 =	sshll.u32 s1, $0x11  }
0xbc: {  	s0 =	sor.u32 s1, s0  }
0xbd: {  	s0 =	sadd.s32 $0x8F2B, s0  }
0xbe: {  	[sflag:s0] =	ssyncadd.remote.s32 $0x1  }
0xbf: {  	_ =	sfence.sel $0xFFFF  }
0xc0: {  	[dreg:$0x0] =	wrdreg $0xFFFFFFFF;
	(pc) =	sbr.abs _section_cstart, $3  }
0xc1: {  	[dreg:$0x1] =	wrdreg $0xFFFFFFFF  }
0xc2: {  	_ =	task.clear_ibuf [dreg:s7], $0x2FFFF;
	_ =	strace $0x9FFFFFFF  }
0xc3: {  	(tm) =	ssettm $0x7FFFFFFF  }
tec
execute0_lowered:
.L_overlay_start_1:
0x0: {  	(tag) =	ssettag $0x1  }
0x1: {  	s0 =	rddreg [dreg:$0x0]  }
0x2: {  	s2 =	rddreg [dreg:$0x2];
	s3 =	simm.s32 $0x0;
	s1 =	srdreg.scid  }
0x3: {  	s9 =	stileid.u32;
	s28 =	simm.s32 $0x2;
	s29 =	simm.s32 $0x1380  }
0x4: {  	s30 =	simm.s32 $0x2700;
	s31 =	simm.s32 $0x2780;
	[smem:$0x7FF] =	sst s3  }
0x5: {  	s5 =	sadd.s32 $0x2E00, s0;
	s4 =	sadd.s32 $0x2AE00, s0;
	s1 =	sand.u32 $0x1, s1  }
0x6: {  	s14 =	sadd.s32 $0x34E00, s0;
	s7 =	smul.u32 $0x50000, s9;
	s0 =	sadd.s32 $0x3EE00, s0  }
0x7: {  	s13 =	smul.u32 $0x14000, s9;
	s19 =	sshll.u32 s9, $0x1;
	_ =	strace $0x80000050  }
0x8: {  	s6 =	ssub.s32 $0x2, s1;
	s21 =	sor.u32 s1, s19;
	s1 =	smul.u32 $0x140000, s1  }
0x9: {  	s8 =	sshrl.u32 s6, $0x1;
	s7 =	sshrl.u32 s7, $0x2;
	s15 =	sadd.s32 $0x4000, s13  }
0xa: {  	s17 =	sadd.s32 $0x8000, s13;
	s18 =	sadd.s32 $0xC000, s13;
	s10 =	smul.u32 $0x2800, s21  }
0xb: {  	s19 =	sadd.s32 $0x10000, s13;
	s20 =	ssub.s32 s6, s8;
	s6 =	sadd.s32 s7, s2  }
0xc: {  	s7 =	sadd.s32 s15, s2;
	s8 =	sadd.s32 s17, s2;
	s9 =	sadd.s32 s18, s2  }
0xd: {  	s21 =	sadd.s32 s13, s1;
	s15 =	sadd.s32 s1, s15;
	s25 =	sadd.s32 s1, s17  }
0xe: {  	s26 =	sadd.s32 s1, s18;
	s1 =	sadd.s32 s1, s19;
	s16 =	sshrl.u32 s10, $0x3  }
0xf: {  	s10 =	sadd.s32 s19, s2;
	s23 =	sshrl.u32 s21, $0x3;
	s24 =	sshrl.u32 s15, $0x3  }
0x10: {  	s18 =	sshrl.u32 s26, $0x3;
	s1 =	sshrl.u32 s1, $0x3;
	s20 =	smax.u32 s20, $0x1  }
0x11: {  	s21 =	simm.s32 $0x2800;
	s26 =	simm.s32 $0x1;
	s11 =	sadd.s32 s4, s16  }
0x12: {  	s22 =	sadd.s32 s14, s16;
	s16 =	sadd.s32 $0x280, s16;
	s15 =	sadd.s32 s0, s23  }
0x13: {  	s18 =	sadd.s32 s0, s18;
	s19 =	sadd.s32 s0, s1;
	[dreg:$0x4] =	wrdreg s11  }
0x14: {  	s23 =	simm.s32 $0x1400;
	[dreg:$0x5] =	wrdreg s22;
	s4 =	sadd.s32 s4, s16  }
0x15: {  	s14 =	sadd.s32 s14, s16;
	s16 =	sadd.s32 s0, s24;
	s22 =	simm.s32 $0x3  }
0x16: {  	s24 =	simm.s32 $0x80;
	[dreg:$0x6] =	wrdreg s4;
	s4 =	sshrl.u32 s25, $0x3  }
0x17: {  	s25 =	simm.s32 $0x6800;
	s17 =	sadd.s32 s0, s4;
	s0 =	simm.s32 $0x0  }
.LBB2_1:
0x18: {  	s1 =	rddreg [dreg:$0x1]  }
0x19: {  	[tilespmem:s21], [sflag:$0x3] =	stream.linear.gather [hbm4b:s1+s3], $0x4000, $0x38;
	[tilespmem:$0x1E800] =	vst v63  }
0x1a: {  	_ =	swait.ge [sflag:s22], $0x4000  }
0x1b: {  	[sflag:s22] =	ssyncset.done $0x0  }
0x1c: {  	[sflag:s22] =	ssyncadd.s32 $0xFFFFC000  }
0x1d: {  	[spmem:s6] =	stream.linear.scatter [tilespmem:s21], [sflag:$0x3], $0x4000, $0x38;
	[tilespmem:$0x1E800] =	vst v63  }
0x1e: {  	_ =	swait.ge [sflag:s22], $0x4000  }
0x1f: {  	[sflag:s22] =	ssyncset.done $0x0  }
0x20: {  	[sflag:s22] =	ssyncadd.s32 $0xFFFFC000  }
0x21: {  	[spmem:s7] =	stream.linear.scatter [tilespmem:s21], [sflag:$0x3], $0x4000, $0x38;
	[tilespmem:$0x1E800] =	vst v63  }
0x22: {  	_ =	swait.ge [sflag:s22], $0x4000  }
0x23: {  	[sflag:s22] =	ssyncset.done $0x0  }
0x24: {  	[sflag:s22] =	ssyncadd.s32 $0xFFFFC000  }
0x25: {  	[spmem:s8] =	stream.linear.scatter [tilespmem:s21], [sflag:$0x3], $0x4000, $0x38;
	[tilespmem:$0x1E800] =	vst v63  }
0x26: {  	_ =	swait.ge [sflag:s22], $0x4000  }
0x27: {  	[sflag:s22] =	ssyncset.done $0x0  }
0x28: {  	[sflag:s22] =	ssyncadd.s32 $0xFFFFC000  }
0x29: {  	[spmem:s9] =	stream.linear.scatter [tilespmem:s21], [sflag:$0x3], $0x4000, $0x38;
	[tilespmem:$0x1E800] =	vst v63  }
0x2a: {  	_ =	swait.ge [sflag:s22], $0x4000  }
0x2b: {  	[sflag:s22] =	ssyncset.done $0x0  }
0x2c: {  	[sflag:s22] =	ssyncadd.s32 $0xFFFFC000  }
0x2d: {  	[spmem:s10] =	stream.linear.scatter [tilespmem:s21], [sflag:$0x3], $0x4000, $0x38;
	[tilespmem:$0x1E800] =	vst v63  }
0x2e: {  	_ =	swait.ge [sflag:s22], $0x4000  }
0x2f: {  	[sflag:s22] =	ssyncset.done $0x0  }
0x30: {  	[sflag:s22] =	ssyncadd.s32 $0xFFFFC000  }
0x31: {  	[bflag:$0x0] =	sbarrier.arrive $0xFFFF  }
0x32: {  	s12 =	rddreg [dreg:$0x4]  }
0x33: {  	[tilespmem:s3], [sflag:$0x3] =	stream.linear.gather [hbm4b:s12+s3], $0x1400, $0x38;
	[tilespmem:$0x1E800] =	vst v63  }
0x34: {  	_ =	swait.ge [sflag:s22], $0x1400  }
0x35: {  	[sflag:s22] =	ssyncset.done $0x0  }
0x36: {  	s13 =	rddreg [dreg:$0x5];
	[sflag:s22] =	ssyncadd.s32 $0xFFFFEC00  }
0x37: {  	[tilespmem:s23], [sflag:$0x3] =	stream.linear.gather [hbm4b:s13+s3], $0x1400, $0x38;
	[tilespmem:$0x1E800] =	vst v63  }
0x38: {  	_ =	swait.ge [sflag:s22], $0x1400  }
0x39: {  	[sflag:s22] =	ssyncset.done $0x0  }
0x3a: {  	[sflag:s22] =	ssyncadd.s32 $0xFFFFEC00  }
0x3b: {  	[tilespmem:s21], [sflag:$0x1] =	stream.indirect.gather [hbm4b:s5+s24], $0x80, s3, s24, $0xb8;
	[tilespmem:$0x1E800] =	vst v63  }
0x3c: {  	s4 =	simm.s32 $0x80  }
0x3d: {  	[tilespmem:s25], [sflag:$0x2] =	stream.indirect.gather [hbm4b:s5+s24], $0x80, s4, s24, $0xb8;
	[tilespmem:$0x1E800] =	vst v63  }
0x3e: {  	_ =	swait.ge [sflag:s26], $0x4000  }
0x3f: {  	[sflag:s26] =	ssyncset.done $0x0  }
0x40: {  	s11 =	simm.s32 $0x1400;
	[sflag:s26] =	ssyncadd.s32 $0xFFFFC000  }
0x41: {  	[spmem:s2] =	stream.indirect.scatter.add.f32 [tilespmem:s21], [sflag:$0x3], $0x80, s11, s24, $0xb8;
	[tilespmem:$0x1E800] =	vst v63  }
0x42: {  	_ =	swait.ge [sflag:s22], $0x4000  }
0x43: {  	[sflag:s22] =	ssyncset.done $0x0  }
0x44: {  	s12 =	simm.s32 $0x100;
	[sflag:s22] =	ssyncadd.s32 $0xFFFFC000  }
0x45: {  	[tilespmem:s21], [sflag:$0x1] =	stream.indirect.gather [hbm4b:s5+s24], $0x80, s12, s24, $0xb8;
	[tilespmem:$0x1E800] =	vst v63  }
0x46: {  	_ =	swait.ge [sflag:s28], $0x4000  }
0x47: {  	[sflag:s28] =	ssyncset.done $0x0  }
0x48: {  	s13 =	simm.s32 $0x1480;
	[sflag:s28] =	ssyncadd.s32 $0xFFFFC000  }
0x49: {  	[spmem:s2] =	stream.indirect.scatter.add.f32 [tilespmem:s25], [sflag:$0x3], $0x80, s13, s24, $0xb8;
	[tilespmem:$0x1E800] =	vst v63  }
0x4a: {  	_ =	swait.ge [sflag:s22], $0x4000  }
0x4b: {  	s1 =	simm.s32 $0x800;
	s4 =	simm.s32 $0x100;
	[sflag:s22] =	ssyncset.done $0x0  }
.LBB2_2:
0x4c: {  	s11 =	sadd.s32 $0x80, s4  }
0x4d: {  	[sflag:s22] =	ssyncadd.s32 $0xFFFFC000;
	s12 =	smov.u32 s1;
	s13 =	sadd.s32 $0x400, s1  }
0x4e: {  	[tilespmem:s25], [sflag:$0x2] =	stream.indirect.gather [hbm4b:s5+s24], $0x80, s11, s24, $0xb8;
	[tilespmem:$0x1E800] =	vst v63  }
0x4f: {  	p0 =	sne.s32 s1, $0x4800;
	_ =	swait.ge [sflag:s26], $0x4000  }
0x50: {  	[sflag:s26] =	ssyncset.done $0x0  }
0x51: {  	s1 =	sadd.s32 $0x1400, s4;
	[sflag:s26] =	ssyncadd.s32 $0xFFFFC000  }
0x52: {  	[spmem:s2] =	stream.indirect.scatter.add.f32 [tilespmem:s21], [sflag:$0x3], $0x80, s1, s24, $0xb8;
	[tilespmem:$0x1E800] =	vst v63  }
0x53: {  	_ =	swait.ge [sflag:s22], $0x4000  }
0x54: {  	[sflag:s22] =	ssyncset.done $0x0  }
0x55: {  	s1 =	sadd.s32 $0x100, s4;
	[sflag:s22] =	ssyncadd.s32 $0xFFFFC000  }
0x56: {  	[tilespmem:s21], [sflag:$0x1] =	stream.indirect.gather [hbm4b:s5+s24], $0x80, s1, s24, $0xb8;
	[tilespmem:$0x1E800] =	vst v63  }
0x57: {  	_ =	swait.ge [sflag:s28], $0x4000  }
.Ltmp0:
0x58: {  	[sflag:s28] =	ssyncset.done $0x0;
	(pc) =	sbr.rel @p0 .LBB2_2-.Ltmp0, $4  }
0x59: {  	s1 =	sadd.s32 $0x1480, s4;
	[sflag:s28] =	ssyncadd.s32 $0xFFFFC000  }
0x5a: {  	[spmem:s2] =	stream.indirect.scatter.add.f32 [tilespmem:s25], [sflag:$0x3], $0x80, s1, s24, $0xb8;
	[tilespmem:$0x1E800] =	vst v63  }
0x5b: {  	_ =	swait.ge [sflag:s22], $0x4000  }
0x5c: {  	s4 =	sshra.s32 s12, $0x2;
	s1 =	smov.u32 s13;
	[sflag:s22] =	ssyncset.done $0x0  }
0x5d: {  	s1 =	sadd.s32 $0x80, s4;
	[sflag:s22] =	ssyncadd.s32 $0xFFFFC000  }
0x5e: {  	[tilespmem:s25], [sflag:$0x2] =	stream.indirect.gather [hbm4b:s5+s24], $0x80, s1, s24, $0xb8;
	[tilespmem:$0x1E800] =	vst v63  }
0x5f: {  	_ =	swait.ge [sflag:s26], $0x4000  }
0x60: {  	[sflag:s26] =	ssyncset.done $0x0  }
0x61: {  	s12 =	sadd.s32 $0x1400, s4;
	[sflag:s26] =	ssyncadd.s32 $0xFFFFC000  }
0x62: {  	[spmem:s2] =	stream.indirect.scatter.add.f32 [tilespmem:s21], [sflag:$0x3], $0x80, s12, s24, $0xb8;
	[tilespmem:$0x1E800] =	vst v63  }
0x63: {  	_ =	swait.ge [sflag:s22], $0x4000  }
0x64: {  	[sflag:s22] =	ssyncset.done $0x0  }
0x65: {  	s13 =	sadd.s32 $0x100, s4;
	[sflag:s22] =	ssyncadd.s32 $0xFFFFC000  }
0x66: {  	[tilespmem:s21], [sflag:$0x1] =	stream.indirect.gather [hbm4b:s5+s24], $0x80, s13, s24, $0xb8;
	[tilespmem:$0x1E800] =	vst v63  }
0x67: {  	_ =	swait.ge [sflag:s28], $0x4000  }
0x68: {  	[sflag:s28] =	ssyncset.done $0x0  }
0x69: {  	s11 =	sadd.s32 $0x1480, s4;
	[sflag:s28] =	ssyncadd.s32 $0xFFFFC000  }
0x6a: {  	[spmem:s2] =	stream.indirect.scatter.add.f32 [tilespmem:s25], [sflag:$0x3], $0x80, s11, s24, $0xb8;
	[tilespmem:$0x1E800] =	vst v63  }
0x6b: {  	_ =	swait.ge [sflag:s22], $0x4000  }
0x6c: {  	[sflag:s22] =	ssyncset.done $0x0  }
0x6d: {  	[sflag:s22] =	ssyncadd.s32 $0xFFFFC000  }
0x6e: {  	[tilespmem:s25], [sflag:$0x2] =	stream.indirect.gather [hbm4b:s5+s24], $0x80, s29, s24, $0xb8;
	[tilespmem:$0x1E800] =	vst v63  }
0x6f: {  	_ =	swait.ge [sflag:s26], $0x4000  }
0x70: {  	[sflag:s26] =	ssyncset.done $0x0  }
0x71: {  	[sflag:s26] =	ssyncadd.s32 $0xFFFFC000  }
0x72: {  	[spmem:s2] =	stream.indirect.scatter.add.f32 [tilespmem:s21], [sflag:$0x3], $0x80, s30, s24, $0xb8;
	[tilespmem:$0x1E800] =	vst v63  }
0x73: {  	_ =	swait.ge [sflag:s22], $0x4000  }
0x74: {  	[sflag:s22] =	ssyncset.done $0x0  }
0x75: {  	[sflag:s22] =	ssyncadd.s32 $0xFFFFC000  }
0x76: {  	_ =	swait.ge [sflag:s28], $0x4000  }
0x77: {  	[sflag:s28] =	ssyncset.done $0x0  }
0x78: {  	[sflag:s28] =	ssyncadd.s32 $0xFFFFC000  }
0x79: {  	[spmem:s2] =	stream.indirect.scatter.add.f32 [tilespmem:s25], [sflag:$0x3], $0x80, s31, s24, $0xb8;
	[tilespmem:$0x1E800] =	vst v63  }
0x7a: {  	_ =	swait.ge [sflag:s22], $0x4000  }
0x7b: {  	[sflag:s22] =	ssyncset.done $0x0  }
0x7c: {  	s12 =	simm.s32 $0x0;
	s13 =	rddreg [dreg:$0x6];
	[sflag:s22] =	ssyncadd.s32 $0xFFFFC000  }
0x7d: {  	[tilespmem:s12], [sflag:$0x3] =	stream.linear.gather [hbm4b:s13+s12], $0x1400, $0x38;
	[tilespmem:$0x1E800] =	vst v63  }
0x7e: {  	_ =	swait.ge [sflag:s22], $0x1400  }
0x7f: {  	[sflag:s22] =	ssyncset.done $0x0  }
0x80: {  	[sflag:s22] =	ssyncadd.s32 $0xFFFFEC00  }
0x81: {  	[tilespmem:s23], [sflag:$0x3] =	stream.linear.gather [hbm4b:s14+s12], $0x1400, $0x38;
	[tilespmem:$0x1E800] =	vst v63  }
0x82: {  	_ =	swait.ge [sflag:s22], $0x1400  }
0x83: {  	[sflag:s22] =	ssyncset.done $0x0  }
0x84: {  	[sflag:s22] =	ssyncadd.s32 $0xFFFFEC00  }
0x85: {  	[tilespmem:s21], [sflag:$0x1] =	stream.indirect.gather [hbm4b:s5+s24], $0x80, s12, s24, $0xb8;
	[tilespmem:$0x1E800] =	vst v63  }
0x86: {  	s4 =	simm.s32 $0x80  }
0x87: {  	[tilespmem:s25], [sflag:$0x2] =	stream.indirect.gather [hbm4b:s5+s24], $0x80, s4, s24, $0xb8;
	[tilespmem:$0x1E800] =	vst v63  }
0x88: {  	_ =	swait.ge [sflag:s26], $0x4000  }
0x89: {  	[sflag:s26] =	ssyncset.done $0x0  }
0x8a: {  	s11 =	simm.s32 $0x1400;
	[sflag:s26] =	ssyncadd.s32 $0xFFFFC000  }
0x8b: {  	[spmem:s2] =	stream.indirect.scatter.add.f32 [tilespmem:s21], [sflag:$0x3], $0x80, s11, s24, $0xb8;
	[tilespmem:$0x1E800] =	vst v63  }
0x8c: {  	_ =	swait.ge [sflag:s22], $0x4000  }
0x8d: {  	[sflag:s22] =	ssyncset.done $0x0  }
0x8e: {  	s12 =	simm.s32 $0x100;
	[sflag:s22] =	ssyncadd.s32 $0xFFFFC000  }
0x8f: {  	[tilespmem:s21], [sflag:$0x1] =	stream.indirect.gather [hbm4b:s5+s24], $0x80, s12, s24, $0xb8;
	[tilespmem:$0x1E800] =	vst v63  }
0x90: {  	_ =	swait.ge [sflag:s28], $0x4000  }
0x91: {  	[sflag:s28] =	ssyncset.done $0x0  }
0x92: {  	s13 =	simm.s32 $0x1480;
	[sflag:s28] =	ssyncadd.s32 $0xFFFFC000  }
0x93: {  	[spmem:s2] =	stream.indirect.scatter.add.f32 [tilespmem:s25], [sflag:$0x3], $0x80, s13, s24, $0xb8;
	[tilespmem:$0x1E800] =	vst v63  }
0x94: {  	_ =	swait.ge [sflag:s22], $0x4000  }
0x95: {  	s1 =	simm.s32 $0x800;
	s4 =	simm.s32 $0x100;
	[sflag:s22] =	ssyncset.done $0x0  }
.LBB2_4:
0x96: {  	s11 =	sadd.s32 $0x80, s4  }
0x97: {  	[sflag:s22] =	ssyncadd.s32 $0xFFFFC000;
	s12 =	smov.u32 s1;
	s13 =	sadd.s32 $0x400, s1  }
0x98: {  	[tilespmem:s25], [sflag:$0x2] =	stream.indirect.gather [hbm4b:s5+s24], $0x80, s11, s24, $0xb8;
	[tilespmem:$0x1E800] =	vst v63  }
0x99: {  	p0 =	sne.s32 s1, $0x4800;
	_ =	swait.ge [sflag:s26], $0x4000  }
0x9a: {  	[sflag:s26] =	ssyncset.done $0x0  }
0x9b: {  	s1 =	sadd.s32 $0x1400, s4;
	[sflag:s26] =	ssyncadd.s32 $0xFFFFC000  }
0x9c: {  	[spmem:s2] =	stream.indirect.scatter.add.f32 [tilespmem:s21], [sflag:$0x3], $0x80, s1, s24, $0xb8;
	[tilespmem:$0x1E800] =	vst v63  }
0x9d: {  	_ =	swait.ge [sflag:s22], $0x4000  }
0x9e: {  	[sflag:s22] =	ssyncset.done $0x0  }
0x9f: {  	s1 =	sadd.s32 $0x100, s4;
	[sflag:s22] =	ssyncadd.s32 $0xFFFFC000  }
0xa0: {  	[tilespmem:s21], [sflag:$0x1] =	stream.indirect.gather [hbm4b:s5+s24], $0x80, s1, s24, $0xb8;
	[tilespmem:$0x1E800] =	vst v63  }
0xa1: {  	_ =	swait.ge [sflag:s28], $0x4000  }
.Ltmp1:
0xa2: {  	[sflag:s28] =	ssyncset.done $0x0;
	(pc) =	sbr.rel @p0 .LBB2_4-.Ltmp1, $4  }
0xa3: {  	s1 =	sadd.s32 $0x1480, s4;
	[sflag:s28] =	ssyncadd.s32 $0xFFFFC000  }
0xa4: {  	[spmem:s2] =	stream.indirect.scatter.add.f32 [tilespmem:s25], [sflag:$0x3], $0x80, s1, s24, $0xb8;
	[tilespmem:$0x1E800] =	vst v63  }
0xa5: {  	_ =	swait.ge [sflag:s22], $0x4000  }
0xa6: {  	s4 =	sshra.s32 s12, $0x2;
	s1 =	smov.u32 s13;
	[sflag:s22] =	ssyncset.done $0x0  }
0xa7: {  	s1 =	sadd.s32 $0x80, s4;
	[sflag:s22] =	ssyncadd.s32 $0xFFFFC000  }
0xa8: {  	[tilespmem:s25], [sflag:$0x2] =	stream.indirect.gather [hbm4b:s5+s24], $0x80, s1, s24, $0xb8;
	[tilespmem:$0x1E800] =	vst v63  }
0xa9: {  	_ =	swait.ge [sflag:s26], $0x4000  }
0xaa: {  	[sflag:s26] =	ssyncset.done $0x0  }
0xab: {  	s11 =	sadd.s32 $0x1400, s4;
	[sflag:s26] =	ssyncadd.s32 $0xFFFFC000  }
0xac: {  	[spmem:s2] =	stream.indirect.scatter.add.f32 [tilespmem:s21], [sflag:$0x3], $0x80, s11, s24, $0xb8;
	[tilespmem:$0x1E800] =	vst v63  }
0xad: {  	_ =	swait.ge [sflag:s22], $0x4000  }
0xae: {  	[sflag:s22] =	ssyncset.done $0x0  }
0xaf: {  	s12 =	sadd.s32 $0x100, s4;
	[sflag:s22] =	ssyncadd.s32 $0xFFFFC000  }
0xb0: {  	[tilespmem:s21], [sflag:$0x1] =	stream.indirect.gather [hbm4b:s5+s24], $0x80, s12, s24, $0xb8;
	[tilespmem:$0x1E800] =	vst v63  }
0xb1: {  	_ =	swait.ge [sflag:s28], $0x4000  }
0xb2: {  	[sflag:s28] =	ssyncset.done $0x0  }
0xb3: {  	s13 =	sadd.s32 $0x1480, s4;
	[sflag:s28] =	ssyncadd.s32 $0xFFFFC000  }
0xb4: {  	[spmem:s2] =	stream.indirect.scatter.add.f32 [tilespmem:s25], [sflag:$0x3], $0x80, s13, s24, $0xb8;
	[tilespmem:$0x1E800] =	vst v63  }
0xb5: {  	_ =	swait.ge [sflag:s22], $0x4000  }
0xb6: {  	[sflag:s22] =	ssyncset.done $0x0  }
0xb7: {  	[sflag:s22] =	ssyncadd.s32 $0xFFFFC000  }
0xb8: {  	[tilespmem:s25], [sflag:$0x2] =	stream.indirect.gather [hbm4b:s5+s24], $0x80, s29, s24, $0xb8;
	[tilespmem:$0x1E800] =	vst v63  }
0xb9: {  	_ =	swait.ge [sflag:s26], $0x4000  }
0xba: {  	[sflag:s26] =	ssyncset.done $0x0  }
0xbb: {  	[sflag:s26] =	ssyncadd.s32 $0xFFFFC000  }
0xbc: {  	[spmem:s2] =	stream.indirect.scatter.add.f32 [tilespmem:s21], [sflag:$0x3], $0x80, s30, s24, $0xb8;
	[tilespmem:$0x1E800] =	vst v63  }
0xbd: {  	_ =	swait.ge [sflag:s22], $0x4000  }
0xbe: {  	[sflag:s22] =	ssyncset.done $0x0  }
0xbf: {  	[sflag:s22] =	ssyncadd.s32 $0xFFFFC000  }
0xc0: {  	_ =	swait.ge [sflag:s28], $0x4000  }
0xc1: {  	[sflag:s28] =	ssyncset.done $0x0  }
0xc2: {  	[sflag:s28] =	ssyncadd.s32 $0xFFFFC000  }
0xc3: {  	[spmem:s2] =	stream.indirect.scatter.add.f32 [tilespmem:s25], [sflag:$0x3], $0x80, s31, s24, $0xb8;
	[tilespmem:$0x1E800] =	vst v63  }
0xc4: {  	_ =	swait.ge [sflag:s22], $0x4000  }
0xc5: {  	[sflag:s22] =	ssyncset.done $0x0  }
0xc6: {  	[sflag:s22] =	ssyncadd.s32 $0xFFFFC000  }
0xc7: {  	[bflag:$0x0] =	sbarrier.arrive $0xFFFF  }
0xc8: {  	[tilespmem:s21], [sflag:$0x3] =	stream.linear.gather [spmem:s6], $0x4000, $0x38;
	[tilespmem:$0x1E800] =	vst v63  }
0xc9: {  	_ =	swait.ge [sflag:s22], $0x4000  }
0xca: {  	[sflag:s22] =	ssyncset.done $0x0  }
0xcb: {  	[sflag:s22] =	ssyncadd.s32 $0xFFFFC000  }
0xcc: {  	[hbm4b:s15+s3] =	stream.linear.scatter [tilespmem:s21], [sflag:$0x3], $0x4000, $0x38;
	[tilespmem:$0x1E800] =	vst v63  }
0xcd: {  	_ =	swait.ge [sflag:s22], $0x4000  }
0xce: {  	[sflag:s22] =	ssyncset.done $0x0  }
0xcf: {  	[sflag:s22] =	ssyncadd.s32 $0xFFFFC000  }
0xd0: {  	[tilespmem:s21], [sflag:$0x3] =	stream.linear.gather [spmem:s7], $0x4000, $0x38;
	[tilespmem:$0x1E800] =	vst v63  }
0xd1: {  	_ =	swait.ge [sflag:s22], $0x4000  }
0xd2: {  	[sflag:s22] =	ssyncset.done $0x0  }
0xd3: {  	[sflag:s22] =	ssyncadd.s32 $0xFFFFC000  }
0xd4: {  	[hbm4b:s16+s3] =	stream.linear.scatter [tilespmem:s21], [sflag:$0x3], $0x4000, $0x38;
	[tilespmem:$0x1E800] =	vst v63  }
0xd5: {  	_ =	swait.ge [sflag:s22], $0x4000  }
0xd6: {  	[sflag:s22] =	ssyncset.done $0x0  }
0xd7: {  	[sflag:s22] =	ssyncadd.s32 $0xFFFFC000  }
0xd8: {  	[tilespmem:s21], [sflag:$0x3] =	stream.linear.gather [spmem:s8], $0x4000, $0x38;
	[tilespmem:$0x1E800] =	vst v63  }
0xd9: {  	_ =	swait.ge [sflag:s22], $0x4000  }
0xda: {  	[sflag:s22] =	ssyncset.done $0x0  }
0xdb: {  	[sflag:s22] =	ssyncadd.s32 $0xFFFFC000  }
0xdc: {  	[hbm4b:s17+s3] =	stream.linear.scatter [tilespmem:s21], [sflag:$0x3], $0x4000, $0x38;
	[tilespmem:$0x1E800] =	vst v63  }
0xdd: {  	_ =	swait.ge [sflag:s22], $0x4000  }
0xde: {  	[sflag:s22] =	ssyncset.done $0x0  }
0xdf: {  	[sflag:s22] =	ssyncadd.s32 $0xFFFFC000  }
0xe0: {  	[tilespmem:s21], [sflag:$0x3] =	stream.linear.gather [spmem:s9], $0x4000, $0x38;
	[tilespmem:$0x1E800] =	vst v63  }
0xe1: {  	_ =	swait.ge [sflag:s22], $0x4000  }
0xe2: {  	[sflag:s22] =	ssyncset.done $0x0  }
0xe3: {  	[sflag:s22] =	ssyncadd.s32 $0xFFFFC000  }
0xe4: {  	[hbm4b:s18+s3] =	stream.linear.scatter [tilespmem:s21], [sflag:$0x3], $0x4000, $0x38;
	[tilespmem:$0x1E800] =	vst v63  }
0xe5: {  	_ =	swait.ge [sflag:s22], $0x4000  }
0xe6: {  	[sflag:s22] =	ssyncset.done $0x0  }
0xe7: {  	[sflag:s22] =	ssyncadd.s32 $0xFFFFC000  }
0xe8: {  	[tilespmem:s21], [sflag:$0x3] =	stream.linear.gather [spmem:s10], $0x4000, $0x38;
	[tilespmem:$0x1E800] =	vst v63  }
0xe9: {  	s0 =	sadd.s32 $0x1, s0;
	_ =	swait.ge [sflag:s22], $0x4000  }
0xea: {  	p0 =	sne.s32 s0, s20;
	[sflag:s22] =	ssyncset.done $0x0  }
.Ltmp2:
0xeb: {  	[sflag:s22] =	ssyncadd.s32 $0xFFFFC000;
	(pc) =	sbr.rel @p0 .LBB2_1-.Ltmp2, $4  }
0xec: {  	[hbm4b:s19+s3] =	stream.linear.scatter [tilespmem:s21], [sflag:$0x3], $0x4000, $0x38;
	[tilespmem:$0x1E800] =	vst v63  }
0xed: {  	_ =	swait.ge [sflag:s22], $0x4000  }
0xee: {  	[sflag:s22] =	ssyncset.done $0x0  }
0xef: {  	[sflag:s22] =	ssyncadd.s32 $0xFFFFC000  }
0xf0: {  	_ =	sfence.sel $0x180000  }
0xf1: {  	[bflag:$0x0] =	sbarrier.arrive $0xFFFF  }
0xf2: {  	_ =	strace $0x90000050  }
0xf3: {  	s0 =	stileid.u32;
	[bflag:$0x2] =	sbarrier.arrive $0xFFFF  }
0xf4: {  	p0 =	sne.s32 s0, $0x0;
	s0 =	rddreg [dreg:$0x3]  }
0xf5: {  	s0 =	sadd.s32 @!p0 $0x100000, s0  }
0xf6: {  	[sflag:s0] =	ssyncadd.tile.s32 @!p0 $0x1;
	_ =	shalt  }
.Lfunc_end2:
_tile_overlayer_lowered:
.L_overlay_start_2:
0xf7: {  	(tag) =	ssettag $0x2  }
0xf8: {  	s0 =	rddreg [dreg:$0x0];
	s2 =	stileid.u32  }
0xf9: {  	s1 =	rddreg [dreg:$0x1];
	p0 =	sne.s32 s2, $0x0  }
0xfa: {  	s3 =	rddreg [dreg:$0x2];
	[bflag:$0x3] =	sbarrier.arrive $0xFFFF;
	s2 =	simm.s32 @!p0 $0x1C03  }
0xfb: {  	[timem:s3], [sflag:s2] =	dma.local @!p0 [hbm:s0], s1  }
0xfc: {  	s0 =	simm.s32 @!p0 $0x3  }
0xfd: {  	_ =	swait.ge @!p0 [sflag:s0], s1  }
0xfe: {  	s1 =	ssub.s32 @!p0 $0x0, s1;
	[sflag:s0] =	ssyncset.done @!p0 $0x0  }
0xff: {  	[sflag:s0] =	ssyncadd.s32 @!p0 s1  }
0x100: {  	[bflag:$0x3] =	sbarrier.arrive $0xFFFF  }
0x101: {  	_ =	shalt  }

// kernel: kernel.24.cloned.1.call-start
scs
__scs_entry_jumppad:
0x0: {  	(pc) =	sbr.rel $0x88, $3  }
0x1: {  	(tag) =	ssettag $0x0;
	lr =	simm.s32 $0x1  }
0x2: {  	[smem:$0x3F97] =	sst lr;
	_ =	strace $0xD0000000  }
0x3: {  	_ = 	snop  }
0x4: {  	_ = 	snop  }
0x5: {  	_ = 	snop  }
0x6: {  	_ = 	snop  }
0x7: {  	_ = 	snop  }
__scs_overlays_trampoline_lowered:
0x8: {  	[smem:$0x3FA6] =	sst s0  }
0x9: {  	[smem:$0x3FA7] =	sst s1  }
0xa: {  	[smem:$0x3FA8] =	sst s2  }
0xb: {  	[smem:$0x3FA9] =	sst s3  }
0xc: {  	[smem:$0x3FAA] =	sst s4  }
0xd: {  	[smem:$0x3FAB] =	sst s5  }
0xe: {  	[smem:$0x3FAC] =	sst s6  }
0xf: {  	[smem:$0x3FAD] =	sst s7  }
0x10: {  	[smem:$0x3FAE] =	sst s8  }
0x11: {  	[smem:$0x3FAF] =	sst s9;
	s0 =	simm.s32 @!p0 $0x0  }
0x12: {  	s1 =	sld [smem:$0x3F95];
	s0 =	simm.s32 @p0 $0x1  }
0x13: {  	[smem:$0x3FB0] =	sst s0;
	s0 =	simm.s32 @!p1 $0x0  }
0x14: {  	s2 =	sld [smem:$0x3F94];
	s0 =	simm.s32 @p1 $0x1  }
0x15: {  	[smem:$0x3FB1] =	sst s0;
	s0 =	simm.s32 @!p2 $0x0  }
0x16: {  	s3 =	sld [smem:$0x3FDB];
	s0 =	simm.s32 @p2 $0x1  }
0x17: {  	s4 =	simm.s32 $0x1BF5;
	[smem:$0x3FB3] =	sst s0  }
0x18: {  	s0 =	sld [smem:$0x3F96];
	_ =	swait.ge [sflag:s4], $0x0  }
0x19: {  	s7 =	sld [smem:$0x3F97]  }
0x1a: {  	s8 =	sadd.s32 $0xFFFFE003, lr  }
0x1b: {  	s9 =	sadd.s32 $0xFFFFFEF7, lr;
	s5 =	simm.s32 $0xFFFFFFFF;
	p2 =	slt.u32 s8, $0xFFFFF086  }
0x1c: {  	p1 =	slt.u32 s9, $0xF7A;
	s5 =	simm.s32 @!p2 $0x0  }
0x1d: {  	s5 =	simm.s32 @p1 $0x1;
	p0 =	seq.s32 s7, s2  }
0x1e: {  	s7 =	smul.u32 @!p0 $0xF7A, s2;
	p2 =	seq.s32 @!p0 s5, $0x0  }
0x1f: {  	s9 =	smul.u32 $0xF7A, s1;
	s8 =	simm.s32 @!p0 $0x1BF5;
	p2 =	por !p2, p0  }
0x20: {  	[sflag:s8] =	ssyncset.s32 @!p0 $0xFFFFF086;
	s6 =	sadd.s32 @!p0 s3, s7;
	s7 =	simm.s32 @!p0 $0x108  }
0x21: {  	s3 =	sadd.s32 s3, s9;
	s6 =	sadd.s32 @!p0 $0x88, s6;
	s7 =	simm.s32 @p2 $0x1082  }
0x22: {  	[simem:s7], [sflag:s8] =	dma.local @!p0 [hbm:s6], $0xF7A  }
0x23: {  	s9 =	sor.u32 $0xD0000000, s2;
	s6 =	simm.s32 $0x108;
	_ =	swait.ge @!p0 [sflag:s8], $0x0  }
0x24: {  	s3 =	sadd.s32 $0x88, s3;
	s6 =	simm.s32 @!p1 $0x1082;
	[sflag:s4] =	ssyncset.s32 $0xFFFFF086  }
0x25: {  	[simem:s6], [sflag:s4] =	dma.local [hbm:s3], $0xF7A  }
0x26: {  	[smem:$0x3F97] =	sst s1;
	(tag) =	ssettag s2;
	_ =	strace s9  }
0x27: {  	s1 =	sld [smem:$0x3FA7]  }
0x28: {  	s2 =	sld [smem:$0x3FA8]  }
0x29: {  	s4 =	sld [smem:$0x3FAA]  }
0x2a: {  	p0 =	seq.s32 s5, $0x0;
	s5 =	sld [smem:$0x3FAB]  }
0x2b: {  	s6 =	sld [smem:$0x3FAC]  }
0x2c: {  	s7 =	sld [smem:$0x3FAD]  }
0x2d: {  	s3 =	simm.s32 $0x108;
	s8 =	sld [smem:$0x3FAE]  }
0x2e: {  	s3 =	simm.s32 @!p0 $0x1082;
	s9 =	sld [smem:$0x3FAF]  }
0x2f: {  	lr =	sadd.s32 s0, s3;
	s0 =	sld [smem:$0x3FA6]  }
0x30: {  	s3 =	sld [smem:$0x3FA9]  }
0x31: {  	[smem:$0x3FB2] =	sst s10  }
0x32: {  	s10 =	sld [smem:$0x3FB0];
	_ =	sdelay $0x3  }
0x33: {  	p0 =	seq.s32 s10, $0x1;
	s10 =	sld [smem:$0x3FB2];
	_ =	sdelay $0x3  }
0x34: {  	[smem:$0x3FB2] =	sst s10  }
0x35: {  	s10 =	sld [smem:$0x3FB1];
	_ =	sdelay $0x3  }
0x36: {  	p1 =	seq.s32 s10, $0x1;
	s10 =	sld [smem:$0x3FB2];
	_ =	sdelay $0x3  }
0x37: {  	[smem:$0x3FB2] =	sst s10  }
0x38: {  	s10 =	sld [smem:$0x3FB3]  }
0x39: {  	_ = 	snop;
	(pc) =	sbr.ind lr, $3  }
0x3a: {  	_ = 	snop  }
0x3b: {  	_ = 	snop  }
0x3c: {  	p2 =	seq.s32 s10, $0x1;
	s10 =	sld [smem:$0x3FB2]  }
0x3d: {  	_ =	shalt  }
0x3e: {  	_ =	shalt  }
0x3f: {  	_ =	shalt  }
0x40: {  	_ =	shalt  }
0x41: {  	_ =	shalt  }
0x42: {  	_ =	shalt  }
0x43: {  	_ =	shalt  }
0x44: {  	_ =	shalt  }
0x45: {  	_ =	shalt  }
0x46: {  	_ =	shalt  }
0x47: {  	_ =	shalt  }
0x48: {  	_ =	shalt  }
0x49: {  	_ =	shalt  }
0x4a: {  	_ =	shalt  }
0x4b: {  	_ =	shalt  }
0x4c: {  	_ =	shalt  }
0x4d: {  	_ =	shalt  }
0x4e: {  	_ =	shalt  }
0x4f: {  	_ =	shalt  }
0x50: {  	_ =	shalt  }
0x51: {  	_ =	shalt  }
0x52: {  	_ =	shalt  }
0x53: {  	_ =	shalt  }
0x54: {  	_ =	shalt  }
0x55: {  	_ =	shalt  }
0x56: {  	_ =	shalt  }
0x57: {  	_ =	shalt  }
0x58: {  	_ =	shalt  }
0x59: {  	_ =	shalt  }
0x5a: {  	_ =	shalt  }
0x5b: {  	_ =	shalt  }
0x5c: {  	_ =	shalt  }
0x5d: {  	_ =	shalt  }
0x5e: {  	_ =	shalt  }
0x5f: {  	_ =	shalt  }
0x60: {  	_ =	shalt  }
0x61: {  	_ =	shalt  }
0x62: {  	_ =	shalt  }
0x63: {  	_ =	shalt  }
0x64: {  	_ =	shalt  }
0x65: {  	_ =	shalt  }
0x66: {  	_ =	shalt  }
0x67: {  	_ =	shalt  }
0x68: {  	_ =	shalt  }
0x69: {  	_ =	shalt  }
0x6a: {  	_ =	shalt  }
0x6b: {  	_ =	shalt  }
0x6c: {  	_ =	shalt  }
0x6d: {  	_ =	shalt  }
0x6e: {  	_ =	shalt  }
0x6f: {  	_ =	shalt  }
0x70: {  	_ =	shalt  }
0x71: {  	_ =	shalt  }
0x72: {  	_ =	shalt  }
0x73: {  	_ =	shalt  }
0x74: {  	_ =	shalt  }
0x75: {  	_ =	shalt  }
0x76: {  	_ =	shalt  }
0x77: {  	_ =	shalt  }
0x78: {  	_ =	shalt  }
0x79: {  	_ =	shalt  }
0x7a: {  	_ =	shalt  }
0x7b: {  	_ =	shalt  }
0x7c: {  	_ =	shalt  }
0x7d: {  	_ =	shalt  }
0x7e: {  	_ =	shalt  }
0x7f: {  	_ =	shalt  }
0x80: {  	_ =	shalt  }
0x81: {  	_ =	shalt  }
0x82: {  	_ =	shalt  }
0x83: {  	_ =	shalt  }
0x84: {  	_ =	shalt  }
0x85: {  	_ =	shalt  }
0x86: {  	_ =	shalt  }
0x87: {  	_ =	shalt  }
.Lfunc_end0:
.L_simem_size_0:
called_computation.4_lowered:
.L_overlay_start_0:
0x88: {  	s2 =	sld [smem:$0x3FD9]  }
0x89: {  	s3 =	sld [smem:$0x3FFE];
	_ =	sdelay $0x1  }
0x8a: {  	s1 =	srdreg.scid  }
0x8b: {  	s0 =	sand.u32 $0x1, s1  }
0x8c: {  	s17 =	sshll.u32 s0, $0xA;
	s2 =	sadd.s32 s3, s2  }
0x8d: {  	s2 =	sadd.s32 s2, s17  }
0x8e: {  	[smem:$0x3FBE] =	sst s2  }
0x8f: {  	_ = 	snop  }
0x90: {  	s2 =	sld [smem:$0x3FC7]  }
0x91: {  	s18 =	sld [smem:$0x3FD0];
	(tm) =	ssettm $0x1  }
0x92: {  	s4 =	sld [smem:$0x3FFB];
	_ =	sdelay $0x3  }
0x93: {  	_ =	strace s4  }
0x94: {  	s4 =	sld [smem:$0x3FFC];
	_ =	sdelay $0x3  }
0x95: {  	_ =	strace s4  }
0x96: {  	s4 =	sld [smem:$0x3FFD];
	_ =	sdelay $0x3  }
0x97: {  	_ =	strace s4  }
0x98: {  	_ =	strace $0x8FFFFFFF  }
0x99: {  	s19 =	sld [smem:$0x3FDB];
	_ =	sdelay $0x1  }
0x9a: {  	s5 =	simm.s32 $_scs_section_size  }
0x9b: {  	s6 =	simm.s32 $_size__tile_overlayer_lowered;
	s7 =	simm.s32 $_tile_overlayer_lowered  }
0x9c: {  	s22 =	simm.s32 $0x1BFF;
	s21 =	sshll.u32 s7, $0x1;
	s4 =	sadd.s32 s5, s19  }
0x9d: {  	s8 =	simm.s32 $0x0;
	s20 =	sshll.u32 s6, $0x1;
	s6 =	sadd.s32 s21, s4  }
0x9e: {  	[timem:s8], [sflag:s22] =	dma.local [hbm:s6], s20  }
0x9f: {  	_ =	swait.ge [sflag:s22], s20  }
0xa0: {  	s5 =	ssub.s32 $0x0, s20;
	[sflag:s22] =	ssyncset.done $0x0  }
0xa1: {  	[sflag:s22] =	ssyncadd.s32 s5;
	_ =	sdelay $0x1  }
0xa2: {  	s23 =	simm.s32 $0x1B8B  }
0xa3: {  	_ =	swait.ge [sflag:s23], $0x1  }
0xa4: {  	[sflag:s23] =	ssyncset.done $0x0  }
0xa5: {  	s25 =	simm.s32 $0x1B8E;
	s24 =	sld [smem:$0x3FFE];
	[sflag:s23] =	ssyncadd.s32 $0xFFFFFFFF  }
0xa6: {  	s26 =	simm.s32 $execute0_lowered;
	[smem:$0x3FD2] =	sst s25  }
0xa7: {  	s6 =	sshll.u32 s26, $0x1;
	_ =	strace $0x80000052;
	[dreg:$0x1] =	wrdreg $0xFFFFFFFF  }
0xa8: {  	s28 =	simm.s32 $_size_execute0_lowered;
	s4 =	sadd.s32 s4, s6;
	[dreg:$0x0] =	wrdreg $0x0  }
0xa9: {  	s6 =	sshll.u32 s28, $0x1;
	[dreg:$0x2] =	wrdreg s4  }
0xaa: {  	[dreg:$0x3] =	wrdreg s6  }
0xab: {  	[dreg:$0x4] =	wrdreg $0xC0  }
0xac: {  	_ =	task [dreg:s8], $0x5FFFF  }
0xad: {  	[dreg:$0x1] =	wrdreg $0xFFFFFFFF  }
0xae: {  	[dreg:$0x0] =	wrdreg $0x60  }
0xaf: {  	[dreg:$0x2] =	wrdreg s24  }
0xb0: {  	[dreg:$0x3] =	wrdreg s2  }
0xb1: {  	[dreg:$0x4] =	wrdreg s18  }
0xb2: {  	[dreg:$0x5] =	wrdreg $0x9  }
0xb3: {  	_ =	task.clear_ibuf [dreg:s8], $0x6FFFF;
	_ =	strace $0x90000052  }
0xb4: {  	s29 =	simm.s32 $0x9;
	_ =	strace $0x80000054  }
0xb5: {  	_ =	swait.ge [sflag:s29], $0x1  }
0xb6: {  	[sflag:s29] =	ssyncadd.s32 $0xFFFFFFFF  }
0xb7: {  	_ =	strace $0x90000054  }
0xb8: {  	_ =	sfence  }
0xb9: {  	s30 =	sld [smem:$0x0];
	_ =	sdelay $0x2  }
0xba: {  	s31 =	sshll.u32 s1, $0xD;
	s1 =	sshrl.u32 s1, $0x2  }
0xbb: {  	s3 =	sand.u32 $0x4000, s31;
	s1 =	sadd.s32 s1, s30  }
0xbc: {  	s0 =	sor.u32 s3, s0;
	s1 =	sshll.u32 s1, $0x11  }
0xbd: {  	s0 =	sor.u32 s1, s0  }
0xbe: {  	s0 =	sadd.s32 $0x8F2B, s0  }
0xbf: {  	[sflag:s0] =	ssyncadd.remote.s32 $0x1  }
0xc0: {  	_ =	sfence.sel $0xFFFF  }
0xc1: {  	[dreg:$0x0] =	wrdreg $0xFFFFFFFF;
	(pc) =	sbr.abs _section_cstart, $3  }
0xc2: {  	[dreg:$0x1] =	wrdreg $0xFFFFFFFF  }
0xc3: {  	_ =	task.clear_ibuf [dreg:s8], $0x2FFFF;
	_ =	strace $0x9FFFFFFF  }
0xc4: {  	(tm) =	ssettm $0x7FFFFFFF  }
0xc5: {  	_ =	shalt  }
tec
execute0_lowered:
.L_overlay_start_1:
0x0: {  	(tag) =	ssettag $0x1  }
0x1: {  	s5 =	rddreg [dreg:$0x0]  }
0x2: {  	s1 =	srdreg.scid;
	s3 =	rddreg [dreg:$0x1]  }
0x3: {  	s0 =	stileid.u32;
	s9 =	rddreg [dreg:$0x2];
	s6 =	sand.u32 $0x1, s1  }
0x4: {  	s2 =	simm.s32 $0x0;
	s4 =	sshll.u32 s0, $0x5;
	s7 =	sshll.u32 s6, $0x4  }
0x5: {  	s8 =	simm.s32 $0x1;
	[smem:$0x7FF] =	sst s2;
	s10 =	sor.u32 s7, s4  }
0x6: {  	s1 =	rddreg [dreg:$0x3];
	_ =	strace $0x80000053;
	s4 =	sshrl.u32 s10, $0x3  }
0x7: {  	s11 =	ssub.s32 $0x2, s6;
	s4 =	sadd.s32 s3, s4;
	s3 =	simm.s32 $0x2  }
0x8: {  	[tilespmem:s2], [sflag:$0x2] =	stream.linear.gather [hbm4b:s4+s2], $0x10, $0x38;
	[tilespmem:$0x880] =	vst v63  }
0x9: {  	s5 =	sadd.s32 $0x2E00, s5;
	s12 =	sshrl.u32 s11, $0x1;
	_ =	swait.ge [sflag:s3], $0x10  }
0xa: {  	s6 =	simm.s32 $0x10;
	s11 =	ssub.s32 s11, s12;
	[sflag:s3] =	ssyncset.done $0x0  }
0xb: {  	s7 =	simm.s32 $0x80;
	s31 =	smax.u32 s11, $0x1;
	[sflag:s3] =	ssyncadd.s32 $0xFFFFFFF0  }
0xc: {  	[tilespmem:s7], [sflag:$0x1] =	stream.indirect.gather [hbm4b:s5+s6], $0x80, s2, s6, $0xb8;
	[tilespmem:$0x880] =	vst v63  }
0xd: {  	p0 =	sne.s32 s31, $0x1;
	_ =	swait.ge [sflag:s8], $0x800  }
.Ltmp0:
0xe: {  	s10 =	sshll.u32 s10, $0x4;
	[sflag:s8] =	ssyncset.done $0x0;
	(pc) =	sbr.rel @!p0 .LBB2_2-.Ltmp0, $4  }
0xf: {  	s9 =	sadd.s32 s9, s10;
	[sflag:s8] =	ssyncadd.s32 $0xFFFFF800  }
0x10: {  	[hbm4b:s9+s2] =	stream.linear.scatter [tilespmem:s7], [sflag:$0x2], $0x800, $0x38;
	[tilespmem:$0x880] =	vst v63  }
0x11: {  	_ =	swait.ge [sflag:s3], $0x800  }
0x12: {  	s10 =	sadd.s32 $0xFFFFFFFF, s31;
	[sflag:s3] =	ssyncset.done $0x0  }
.LBB2_1:
0x13: {  	p0 =	sne.s32 s10, $0x1;
	s10 =	sadd.s32 $0xFFFFFFFF, s10;
	[sflag:s3] =	ssyncadd.s32 $0xFFFFF800  }
0x14: {  	[tilespmem:s2], [sflag:$0x2] =	stream.linear.gather [hbm4b:s4+s2], $0x10, $0x38;
	[tilespmem:$0x880] =	vst v63  }
0x15: {  	_ =	swait.ge [sflag:s3], $0x10  }
0x16: {  	[sflag:s3] =	ssyncset.done $0x0  }
0x17: {  	[sflag:s3] =	ssyncadd.s32 $0xFFFFFFF0  }
0x18: {  	[tilespmem:s7], [sflag:$0x1] =	stream.indirect.gather [hbm4b:s5+s6], $0x80, s2, s6, $0xb8;
	[tilespmem:$0x880] =	vst v63  }
0x19: {  	_ =	swait.ge [sflag:s8], $0x800  }
.Ltmp1:
0x1a: {  	[sflag:s8] =	ssyncset.done $0x0;
	(pc) =	sbr.rel @p0 .LBB2_1-.Ltmp1, $4  }
0x1b: {  	[sflag:s8] =	ssyncadd.s32 $0xFFFFF800  }
0x1c: {  	[hbm4b:s9+s2] =	stream.linear.scatter [tilespmem:s7], [sflag:$0x2], $0x800, $0x38;
	[tilespmem:$0x880] =	vst v63  }
0x1d: {  	_ =	swait.ge [sflag:s3], $0x800  }
0x1e: {  	[sflag:s3] =	ssyncset.done $0x0  }
.LBB2_2:
0x1f: {  	[sflag:s3] =	ssyncadd.s32 $0xFFFFF800  }
0x20: {  	_ =	sfence.sel $0x180000  }
0x21: {  	[bflag:$0x0] =	sbarrier.arrive $0xFFFF  }
0x22: {  	p0 =	sne.s32 s0, $0x0;
	_ =	strace $0x90000053  }
0x23: {  	s0 =	sadd.s32 @!p0 $0x100000, s1;
	[bflag:$0x2] =	sbarrier.arrive $0xFFFF  }
0x24: {  	[sflag:s0] =	ssyncadd.tile.s32 @!p0 $0x1;
	_ =	shalt  }
.Lfunc_end2:
_tile_overlayer_lowered:
.L_overlay_start_2:
0x25: {  	(tag) =	ssettag $0x2  }
0x26: {  	s0 =	rddreg [dreg:$0x0];
	s2 =	stileid.u32  }
0x27: {  	s1 =	rddreg [dreg:$0x1];
	p0 =	sne.s32 s2, $0x0  }
0x28: {  	s3 =	rddreg [dreg:$0x2];
	[bflag:$0x3] =	sbarrier.arrive $0xFFFF;
	s2 =	simm.s32 @!p0 $0x1C02  }
0x29: {  	[timem:s3], [sflag:s2] =	dma.local @!p0 [hbm:s0], s1  }
0x2a: {  	s0 =	simm.s32 @!p0 $0x2  }
0x2b: {  	_ =	swait.ge @!p0 [sflag:s0], s1  }
0x2c: {  	s1 =	ssub.s32 @!p0 $0x0, s1;
	[sflag:s0] =	ssyncset.done @!p0 $0x0  }
0x2d: {  	[sflag:s0] =	ssyncadd.s32 @!p0 s1  }
0x2e: {  	[bflag:$0x3] =	sbarrier.arrive $0xFFFF  }
0x2f: {  	_ =	shalt  }

</sc_bundles>
